<compile_context>
chip_gen: v7x
topology: tpu7x:2x2x1
jax: 0.10.2.dev20260603
libtpu: 0.0.44.dev20260713+nightly
codegen_flags: <defaults>
</compile_context>

<pallas_src>
import jax
import jax.numpy as jnp
from jax import lax
from jax.experimental import pallas as pl
from jax.experimental.pallas import tpu as pltpu
from jax.experimental.pallas import tpu_sc as plsc

N = 50000
DIM = 3
E = 1600000
NC = 2
NS = 16
L = 16
NW = NC * NS
EW = E // NW
C = 2000
NCHUNK = EW // C
N2 = 51200
SLICE = N2 // NS
NA = 50048
SLA = NA // NS

SIGMA = 3.0 / 359.0 / 3.141592653589793
P_REF = 100.0
ETA_IJ = 2.0 * 0.01 * 0.01 / (0.01 + 0.01 + 1e-08)


def _rsqrt(d2):
    i = plsc.bitcast(d2, jnp.int32)
    y = plsc.bitcast(jnp.int32(0x5F3759DF) - (i >> 1), jnp.float32)
    for _ in range(3):
        y = y * (1.5 - 0.5 * d2 * y * y)
    return y


def _slot(ref, s):
    return ref.at[pl.ds(s * C, C)]


def _fetch(table, ei, ej, base, idx_i, idx_j, rows_i, rows_j, s, semi, semj):
    pltpu.sync_copy(ei.at[pl.ds(base, C)], _slot(idx_i, s))
    pltpu.sync_copy(ej.at[pl.ds(base, C)], _slot(idx_j, s))
    pltpu.async_copy(table.at[_slot(idx_i, s)], _slot(rows_i, s), semi)
    pltpu.async_copy(table.at[_slot(idx_j, s)], _slot(rows_j, s), semj)


def _drain(table, idx_i, idx_j, rows_i, rows_j, s, semi, semj):
    pltpu.make_async_copy(table.at[_slot(idx_i, s)], _slot(rows_i, s),
                          semi).wait()
    pltpu.make_async_copy(table.at[_slot(idx_j, s)], _slot(rows_j, s),
                          semj).wait()


def _pass1_body(rt, ei, ej, z1, rho_out, dxc, dyc, dzc, gc,
                idx_i, idx_j, sidx, rows_i, rows_j, wb, dxb, dyb, dzb, gb,
                rho_sh, sA1, sA2, sB1, sB2, sS0, sS1):
    cid = lax.axis_index("c")
    sid = lax.axis_index("s")
    wid = sid * NC + cid
    e0 = wid * EW
    pltpu.sync_copy(z1, rho_sh.at[pl.ds(sid * SLICE, SLICE)])
    plsc.subcore_barrier()
    iota = lax.iota(jnp.int32, L)
    c0 = jnp.full((L,), 0, jnp.int32)
    c1 = jnp.full((L,), 1, jnp.int32)
    c2 = jnp.full((L,), 2, jnp.int32)

    def compute(k, s, first):
        rows_i_s = _slot(rows_i, s)
        rows_j_s = _slot(rows_j, s)
        ssem = sS0 if s == 0 else sS1
        sidx_s = _slot(sidx, s)
        wb_s = _slot(wb, s)

        def _drain_scat():
            pltpu.make_async_copy(wb_s, rho_sh.at[sidx_s], ssem).wait()

        if first:
            pass
        elif isinstance(k, int):
            _drain_scat()
        else:
            pl.when(k >= 2)(_drain_scat)
        pltpu.sync_copy(ei.at[pl.ds(pl.multiple_of(e0 + k * C, 8), C)],
                        sidx_s)

        def grp(l, _):
            row = l * L + iota
            rix = plsc.load_gather(rows_i_s, [row, c0])
            riy = plsc.load_gather(rows_i_s, [row, c1])
            riz = plsc.load_gather(rows_i_s, [row, c2])
            rjx = plsc.load_gather(rows_j_s, [row, c0])
            rjy = plsc.load_gather(rows_j_s, [row, c1])
            rjz = plsc.load_gather(rows_j_s, [row, c2])
            dx = rix - rjx
            dy = riy - rjy
            dz = riz - rjz
            d2 = dx * dx + dy * dy + dz * dz + 1e-16
            y = _rsqrt(d2)
            d = d2 * y
            q1 = jnp.maximum(0.0, 1.0 - d)
            q2 = jnp.maximum(0.0, 2.0 - d)
            q3 = jnp.maximum(0.0, 3.0 - d)
            q12 = q1 * q1
            q14 = q12 * q12
            q22 = q2 * q2
            q24 = q22 * q22
            q32 = q3 * q3
            q34 = q32 * q32
            w = SIGMA * (q34 * q3 - 6.0 * (q24 * q2) + 15.0 * (q14 * q1))
            gw = (-5.0 * SIGMA) * (q34 - 6.0 * q24 + 15.0 * q14)
            g = gw / (d + 1e-08)
            sl = pl.ds(l * L, L)
            wb_s[sl] = w
            dxb[sl] = dx
            dyb[sl] = dy
            dzb[sl] = dz
            gb[sl] = g
            return _

        lax.fori_loop(0, C // L, grp, None)
        base = pl.multiple_of(e0 + k * C, 8)
        pltpu.async_copy(wb_s, rho_sh.at[sidx_s], ssem, add=True)
        pltpu.sync_copy(dxb, dxc.at[pl.ds(base, C)])
        pltpu.sync_copy(dyb, dyc.at[pl.ds(base, C)])
        pltpu.sync_copy(dzb, dzc.at[pl.ds(base, C)])
        pltpu.sync_copy(gb, gc.at[pl.ds(base, C)])

    _fetch(rt, ei, ej, e0, idx_i, idx_j, rows_i, rows_j, 0, sA1, sA2)

    def two_chunks(m, _):
        k0 = 2 * m
        _fetch(rt, ei, ej, e0 + (k0 + 1) * C, idx_i, idx_j, rows_i, rows_j,
               1, sB1, sB2)
        _drain(rt, idx_i, idx_j, rows_i, rows_j, 0, sA1, sA2)
        compute(k0, 0, False)

        @pl.when(k0 + 2 < NCHUNK)
        def _prefetch():
            _fetch(rt, ei, ej, e0 + (k0 + 2) * C, idx_i, idx_j, rows_i,
                   rows_j, 0, sA1, sA2)

        _drain(rt, idx_i, idx_j, rows_i, rows_j, 1, sB1, sB2)
        compute(k0 + 1, 1, False)
        return _

    lax.fori_loop(0, NCHUNK // 2, two_chunks, None)
    _drain(rt, idx_i, idx_j, rows_i, rows_j, 0, sA1, sA2)
    compute(NCHUNK - 1, 0, False)
    pltpu.make_async_copy(_slot(wb, 0), rho_sh.at[_slot(sidx, 0)], sS0).wait()
    pltpu.make_async_copy(_slot(wb, 1), rho_sh.at[_slot(sidx, 1)], sS1).wait()

    plsc.subcore_barrier()
    sl = pl.ds(sid * SLICE, SLICE)
    pltpu.sync_copy(rho_sh.at[sl], rho_out.at[cid, sl])


def _pass2_body(vp, ei, ej, rho_part, dxc, dyc, dzc, gc, z1,
                dudt_out, vr_t, rho_o, p_o,
                idx_i, idx_j, sidx, rows_i, rows_j, dxb, dyb, dzb, gb,
                axb, ayb, azb, vbuf, vrbuf, shx, shy, shz,
                sA1, sA2, sB1, sB2, sS0, sS1):
    cid = lax.axis_index("c")
    sid = lax.axis_index("s")
    wid = sid * NC + cid
    e0 = wid * EW
    zs = pl.ds(sid * SLA, SLA)
    pltpu.sync_copy(z1.at[pl.ds(0, SLA)], shx.at[zs])
    pltpu.sync_copy(z1.at[pl.ds(0, SLA)], shy.at[zs])
    pltpu.sync_copy(z1.at[pl.ds(0, SLA)], shz.at[zs])
    iota = lax.iota(jnp.int32, L)
    c0 = jnp.full((L,), 0, jnp.int32)
    c1 = jnp.full((L,), 1, jnp.int32)
    c2 = jnp.full((L,), 2, jnp.int32)
    c3 = jnp.full((L,), 3, jnp.int32)

    HS = SLICE // 2
    for t in range(2):
        a = pl.multiple_of(sid * SLICE + t * HS, 8)
        pltpu.sync_copy(vp.at[pl.ds(a, HS)], vbuf)
        pltpu.sync_copy(rho_part.at[0, pl.ds(a, HS)], dxb.at[pl.ds(0, HS)])
        pltpu.sync_copy(rho_part.at[1, pl.ds(a, HS)], dyb.at[pl.ds(0, HS)])

        def vrow(l, _):
            row = l * L + iota
            sl = pl.ds(l * L, L)
            rho16 = dxb[sl] + dyb[sl]
            gb[sl] = rho16
            dzb[sl] = P_REF * (rho16 - 1.0)
            vx = plsc.load_gather(vbuf, [row, c0])
            vy = plsc.load_gather(vbuf, [row, c1])
            vz = plsc.load_gather(vbuf, [row, c2])
            plsc.store_scatter(vrbuf, [row, c0], vx)
            plsc.store_scatter(vrbuf, [row, c1], vy)
            plsc.store_scatter(vrbuf, [row, c2], vz)
            plsc.store_scatter(vrbuf, [row, c3], rho16)
            return _

        lax.fori_loop(0, HS // L, vrow, None)
        pltpu.sync_copy(vrbuf, vr_t.at[cid, pl.ds(a, HS)])

        @pl.when(cid == 0)
        def _emit():
            pltpu.sync_copy(gb.at[pl.ds(0, HS)], rho_o.at[pl.ds(a, HS)])
            pltpu.sync_copy(dzb.at[pl.ds(0, HS)], p_o.at[pl.ds(a, HS)])

    plsc.subcore_barrier()
    vr = vr_t.at[cid]

    def compute(k, s):
        rows_i_s = _slot(rows_i, s)
        rows_j_s = _slot(rows_j, s)
        ssem = sS0 if s == 0 else sS1
        sidx_s = _slot(sidx, s)
        axb_s = _slot(axb, s)
        ayb_s = _slot(ayb, s)
        azb_s = _slot(azb, s)

        def _drain_scat():
            pltpu.make_async_copy(axb_s, shx.at[sidx_s], ssem).wait()
            pltpu.make_async_copy(ayb_s, shy.at[sidx_s], ssem).wait()
            pltpu.make_async_copy(azb_s, shz.at[sidx_s], ssem).wait()

        if isinstance(k, int):
            _drain_scat()
        else:
            pl.when(k >= 2)(_drain_scat)
        base = pl.multiple_of(e0 + k * C, 8)
        pltpu.sync_copy(ei.at[pl.ds(base, C)], sidx_s)
        pltpu.sync_copy(dxc.at[pl.ds(base, C)], dxb)
        pltpu.sync_copy(dyc.at[pl.ds(base, C)], dyb)
        pltpu.sync_copy(dzc.at[pl.ds(base, C)], dzb)
        pltpu.sync_copy(gc.at[pl.ds(base, C)], gb)

        def grp(l, _):
            row = l * L + iota
            vix = plsc.load_gather(rows_i_s, [row, c0])
            viy = plsc.load_gather(rows_i_s, [row, c1])
            viz = plsc.load_gather(rows_i_s, [row, c2])
            ri = plsc.load_gather(rows_i_s, [row, c3])
            vjx = plsc.load_gather(rows_j_s, [row, c0])
            vjy = plsc.load_gather(rows_j_s, [row, c1])
            vjz = plsc.load_gather(rows_j_s, [row, c2])
            rj = plsc.load_gather(rows_j_s, [row, c3])
            sl = pl.ds(l * L, L)
            dx = dxb[sl]
            dy = dyb[sl]
            dz = dzb[sl]
            g = gb[sl]
            inv_i = 1.0 / ri
            inv_j = 1.0 / rj
            cc = (inv_i * inv_i + inv_j * inv_j) * g
            num = P_REF * (2.0 * ri * rj - ri - rj)
            p_ij = num / (ri + rj)
            axb_s[sl] = cc * (-p_ij * dx + ETA_IJ * (vix - vjx))
            ayb_s[sl] = cc * (-p_ij * dy + ETA_IJ * (viy - vjy))
            azb_s[sl] = cc * (-p_ij * dz + ETA_IJ * (viz - vjz))
            return _

        lax.fori_loop(0, C // L, grp, None)
        pltpu.async_copy(axb_s, shx.at[sidx_s], ssem, add=True)
        pltpu.async_copy(ayb_s, shy.at[sidx_s], ssem, add=True)
        pltpu.async_copy(azb_s, shz.at[sidx_s], ssem, add=True)

    _fetch(vr, ei, ej, e0, idx_i, idx_j, rows_i, rows_j, 0, sA1, sA2)

    def two_chunks(m, _):
        k0 = 2 * m
        _fetch(vr, ei, ej, e0 + (k0 + 1) * C, idx_i, idx_j, rows_i, rows_j,
               1, sB1, sB2)
        _drain(vr, idx_i, idx_j, rows_i, rows_j, 0, sA1, sA2)
        compute(k0, 0)

        @pl.when(k0 + 2 < NCHUNK)
        def _prefetch():
            _fetch(vr, ei, ej, e0 + (k0 + 2) * C, idx_i, idx_j, rows_i,
                   rows_j, 0, sA1, sA2)

        _drain(vr, idx_i, idx_j, rows_i, rows_j, 1, sB1, sB2)
        compute(k0 + 1, 1)
        return _

    lax.fori_loop(0, NCHUNK // 2, two_chunks, None)
    _drain(vr, idx_i, idx_j, rows_i, rows_j, 0, sA1, sA2)
    compute(NCHUNK - 1, 0)
    for s, ssem in ((0, sS0), (1, sS1)):
        pltpu.make_async_copy(_slot(axb, s), shx.at[_slot(sidx, s)], ssem).wait()
        pltpu.make_async_copy(_slot(ayb, s), shy.at[_slot(sidx, s)], ssem).wait()
        pltpu.make_async_copy(_slot(azb, s), shz.at[_slot(sidx, s)], ssem).wait()

    plsc.subcore_barrier()
    sl = pl.ds(sid * SLA, SLA)
    pltpu.sync_copy(shx.at[sl], dudt_out.at[cid, 0, sl])
    pltpu.sync_copy(shy.at[sl], dudt_out.at[cid, 1, sl])
    pltpu.sync_copy(shz.at[sl], dudt_out.at[cid, 2, sl])


def _sum_dudt_body(part_ref, out_ref):
    out_ref[...] = part_ref[0] + part_ref[1]


@jax.jit
def kernel(abs_pos, vel_hist, edge_index, tag):
    del tag
    f32 = jnp.float32
    r = abs_pos[..., -1].astype(f32)
    rt = jnp.pad(r, ((0, 0), (0, 5)))
    ei = edge_index[0].astype(jnp.int32)
    ej = edge_index[1].astype(jnp.int32)
    z1 = jnp.zeros((SLICE,), f32)

    mesh = plsc.VectorSubcoreMesh(
        core_axis_name="c", subcore_axis_name="s",
        num_cores=NC, num_subcores=NS)
    cparams = pltpu.CompilerParams(
        use_tc_tiling_on_sc=False, needs_layout_passes=False)

    pass1 = pl.kernel(
        _pass1_body,
        out_type=[
            jax.ShapeDtypeStruct((NC, N2), f32),
            jax.ShapeDtypeStruct((E,), f32),
            jax.ShapeDtypeStruct((E,), f32),
            jax.ShapeDtypeStruct((E,), f32),
            jax.ShapeDtypeStruct((E,), f32),
        ],
        mesh=mesh,
        scratch_types=[
            pltpu.VMEM((2 * C,), jnp.int32),
            pltpu.VMEM((2 * C,), jnp.int32),
            pltpu.VMEM((2 * C,), jnp.int32),
            pltpu.VMEM((2 * C, 8), f32),
            pltpu.VMEM((2 * C, 8), f32),
            pltpu.VMEM((2 * C,), f32),
            pltpu.VMEM((C,), f32),
            pltpu.VMEM((C,), f32),
            pltpu.VMEM((C,), f32),
            pltpu.VMEM((C,), f32),
            pltpu.VMEM_SHARED((N2,), f32),
            pltpu.SemaphoreType.DMA,
            pltpu.SemaphoreType.DMA,
            pltpu.SemaphoreType.DMA,
            pltpu.SemaphoreType.DMA,
            pltpu.SemaphoreType.DMA,
            pltpu.SemaphoreType.DMA,
        ],
        compiler_params=cparams,
    )
    rho_part, dxc, dyc, dzc, gc = pass1(rt, ei, ej, z1)

    vp = jnp.pad(vel_hist.astype(f32), ((0, N2 - N), (0, 0)))

    pass2 = pl.kernel(
        _pass2_body,
        out_type=[
            jax.ShapeDtypeStruct((NC, 3, NA), f32),
            jax.ShapeDtypeStruct((NC, N2, 8), f32),
            jax.ShapeDtypeStruct((N2,), f32),
            jax.ShapeDtypeStruct((N2,), f32),
        ],
        mesh=mesh,
        scratch_types=[
            pltpu.VMEM((2 * C,), jnp.int32),
            pltpu.VMEM((2 * C,), jnp.int32),
            pltpu.VMEM((2 * C,), jnp.int32),
            pltpu.VMEM((2 * C, 8), f32),
            pltpu.VMEM((2 * C, 8), f32),
            pltpu.VMEM((C,), f32),
            pltpu.VMEM((C,), f32),
            pltpu.VMEM((C,), f32),
            pltpu.VMEM((C,), f32),
            pltpu.VMEM((2 * C,), f32),
            pltpu.VMEM((2 * C,), f32),
            pltpu.VMEM((2 * C,), f32),
            pltpu.VMEM((SLICE // 2, 3), f32),
            pltpu.VMEM((SLICE // 2, 8), f32),
            pltpu.VMEM_SHARED((NA,), f32),
            pltpu.VMEM_SHARED((NA,), f32),
            pltpu.VMEM_SHARED((NA,), f32),
            pltpu.SemaphoreType.DMA,
            pltpu.SemaphoreType.DMA,
            pltpu.SemaphoreType.DMA,
            pltpu.SemaphoreType.DMA,
            pltpu.SemaphoreType.DMA,
            pltpu.SemaphoreType.DMA,
        ],
        compiler_params=cparams,
    )
    dudt_part, _vr_t, rho_o, p_o = pass2(
        vp, ei, ej, rho_part, dxc, dyc, dzc, gc, z1)
    rho = rho_o[:N]
    p = p_o[:N]

    dudt3 = pl.pallas_call(
        _sum_dudt_body,
        out_shape=jax.ShapeDtypeStruct((3 * NA // 128, 128), f32),
    )(dudt_part.reshape(NC, 3 * NA // 128, 128))
    dudt = dudt3.reshape(3, NA)[:, :N].T

    dvdt = jnp.zeros((N, DIM), f32)
    return dudt, dvdt, rho, p

# --- scband reference (transcript-rebuilt; emitter-appended) ---
"""Pipeline reference for scband-solver-in-the-loop-62895501083203 (READ-ONLY COPY).

The authoritative reference and input builder live on the scoring server;
editing this copy changes nothing except your own understanding.
"""

import jax, jax.numpy as jnp
import numpy as np

N = 50000
DIM = 3
E = 1600000
KERNEL_RADIUS = 1.0
BASE_VISCOSITY = 0.01
P_BG_FACTOR = 0.0
RHO_REF = 1.0
U_REF = 1.0
C_REF = 10.0 * U_REF
GAMMA_EOS = 1.0
P_REF = RHO_REF * C_REF ** 2 / GAMMA_EOS
P_BACKGROUND = P_BG_FACTOR * P_REF

_H_INV = 1.0 / KERNEL_RADIUS
_SIGMA = 3.0 / 359.0 / np.pi * _H_INV ** 3  # quintic kernel, dim=3


def kernel_w(d):
    q = d * _H_INV
    q1 = jnp.maximum(0.0, 1.0 - q)
    q2 = jnp.maximum(0.0, 2.0 - q)
    q3 = jnp.maximum(0.0, 3.0 - q)
    return _SIGMA * (q3 ** 5 - 6.0 * q2 ** 5 + 15.0 * q1 ** 5)


def kernel_grad_w(d):
    q = d * _H_INV
    q1 = jnp.maximum(0.0, 1.0 - q)
    q2 = jnp.maximum(0.0, 2.0 - q)
    q3 = jnp.maximum(0.0, 3.0 - q)
    return -5.0 * _SIGMA * _H_INV * (q3 ** 4 - 6.0 * q2 ** 4 + 15.0 * q1 ** 4)


def tait_p_fn(rho):
    return P_REF * ((rho / RHO_REF) ** GAMMA_EOS - 1.0) + P_BACKGROUND


def acceleration_fn(r_ij, d_ij, rho_i, rho_j, u_i, u_j, v_i, v_j, m_i, m_j, eta_i, eta_j, p_i, p_j, p_bg_i):
    def stress(rho, u, v):
        return jnp.outer(rho * u, v - u)
    eta_ij = 2.0 * eta_i * eta_j / (eta_i + eta_j + 1e-08)
    p_ij = (rho_j * p_i + rho_i * p_j) / (rho_i + rho_j)
    _weighted_volume = ((m_i / rho_i) ** 2 + (m_j / rho_j) ** 2) / m_i
    _kernel_grad = kernel_grad_w(d_ij)
    _c = _weighted_volume * _kernel_grad / (d_ij + 1e-08)
    _A = (stress(rho_i, u_i, v_i) + stress(rho_j, u_j, v_j)) / 2.0
    _u_ij = u_i - u_j
    a_eq_8 = _c * (-p_ij * r_ij + jnp.dot(_A, r_ij) + eta_ij * _u_ij)
    a_eq_13 = _c * 1.0 * p_bg_i * r_ij
    return (a_eq_8, a_eq_13)


def setup_inputs(seed: int = 0) -> dict:
    key = jax.random.key(seed)
    k1, k2, k3, k4 = jax.random.split(key, 4)
    abs_pos = jax.random.uniform(k1, (N, DIM, 2), dtype=jnp.float32)
    vel_hist = jax.random.normal(k2, (N, DIM), dtype=jnp.float32)
    edge_index = jax.random.randint(k3, (2, E), 0, N, dtype=jnp.int64) if jax.config.jax_enable_x64 else jax.random.randint(k3, (2, E), 0, N, dtype=jnp.int32)
    tag = jax.random.randint(k4, (N,), 0, 3, dtype=jnp.int32)
    return {"abs_pos": abs_pos, "vel_hist": vel_hist, "edge_index": edge_index, "tag": tag}


def reference(abs_pos, vel_hist, edge_index, tag):
    # Faithful jax translation of SolverInTheLoop._transform (the SPH neighbor-list
    # message-passing core executed at the start of __call__ for SITL/SOLVER modes).
    num_particles = abs_pos.shape[0]
    v = vel_hist
    r = abs_pos[..., -1]
    i_s = edge_index[0]
    j_s = edge_index[1]
    eta = jnp.ones(num_particles) * BASE_VISCOSITY
    mass = jnp.ones(num_particles)
    r_i_s = r[i_s]
    r_j_s = r[j_s]
    dr_i_j = r_i_s - r_j_s  # displacement_fn = euclidean subtract
    dist = jnp.sqrt(jnp.sum(dr_i_j * dr_i_j, axis=-1) + 1e-16)
    w_dist = jax.vmap(kernel_w)(dist)
    rho = mass * jax.ops.segment_sum(w_dist, i_s, num_particles)
    p = tait_p_fn(rho)
    out = jax.vmap(acceleration_fn)(dr_i_j, dist, rho[i_s], rho[j_s], v[i_s], v[j_s], v[i_s], v[j_s], mass[i_s], mass[j_s], eta[i_s], eta[j_s], p[i_s], p[j_s], jnp.zeros_like(p[i_s]))
    dudt = jax.ops.segment_sum(out[0], i_s, num_particles)
    dvdt = jax.ops.segment_sum(out[1], i_s, num_particles)
    return (dudt, dvdt, rho, p)

if __name__ == "__main__":
    import jax
    _d = setup_inputs()
    print(jax.jit(kernel)(*tuple(_d.values())))

</pallas_src>

<mosaic_0001>
#map = affine_map<(d0, d1) -> (0, 0)>
#map1 = affine_map<(d0, d1) -> (0)>
#map2 = affine_map<(d0, d1) -> (0, 0, 0)>
module attributes {stable_mosaic.version = 14 : i64} {
  func.func @_pass2_body(%arg0: i32, %arg1: i32, %arg2: memref<51200x3xf32, #tpu.memory_space<hbm>>, %arg3: memref<1600000xi32, #tpu.memory_space<hbm>>, %arg4: memref<1600000xi32, #tpu.memory_space<hbm>>, %arg5: memref<2x51200xf32, #tpu.memory_space<hbm>>, %arg6: memref<1600000xf32, #tpu.memory_space<hbm>>, %arg7: memref<1600000xf32, #tpu.memory_space<hbm>>, %arg8: memref<1600000xf32, #tpu.memory_space<hbm>>, %arg9: memref<1600000xf32, #tpu.memory_space<hbm>>, %arg10: memref<3200xf32, #tpu.memory_space<hbm>>, %arg11: memref<2x3x50048xf32, #tpu.memory_space<hbm>>, %arg12: memref<2x51200x8xf32, #tpu.memory_space<hbm>>, %arg13: memref<51200xf32, #tpu.memory_space<hbm>>, %arg14: memref<51200xf32, #tpu.memory_space<hbm>>, %arg15: memref<4000xi32, #tpu.memory_space<vmem>>, %arg16: memref<4000xi32, #tpu.memory_space<vmem>>, %arg17: memref<4000xi32, #tpu.memory_space<vmem>>, %arg18: memref<4000x8xf32, #tpu.memory_space<vmem>>, %arg19: memref<4000x8xf32, #tpu.memory_space<vmem>>, %arg20: memref<2000xf32, #tpu.memory_space<vmem>>, %arg21: memref<2000xf32, #tpu.memory_space<vmem>>, %arg22: memref<2000xf32, #tpu.memory_space<vmem>>, %arg23: memref<2000xf32, #tpu.memory_space<vmem>>, %arg24: memref<4000xf32, #tpu.memory_space<vmem>>, %arg25: memref<4000xf32, #tpu.memory_space<vmem>>, %arg26: memref<4000xf32, #tpu.memory_space<vmem>>, %arg27: memref<1600x3xf32, #tpu.memory_space<vmem>>, %arg28: memref<1600x8xf32, #tpu.memory_space<vmem>>, %arg29: memref<50048xf32, #tpu.memory_space<vmem_shared>>, %arg30: memref<50048xf32, #tpu.memory_space<vmem_shared>>, %arg31: memref<50048xf32, #tpu.memory_space<vmem_shared>>, %arg32: memref<!tpu.dma_semaphore, #tpu.memory_space<semaphore_mem>>, %arg33: memref<!tpu.dma_semaphore, #tpu.memory_space<semaphore_mem>>, %arg34: memref<!tpu.dma_semaphore, #tpu.memory_space<semaphore_mem>>, %arg35: memref<!tpu.dma_semaphore, #tpu.memory_space<semaphore_mem>>, %arg36: memref<!tpu.dma_semaphore, #tpu.memory_space<semaphore_mem>>, %arg37: memref<!tpu.dma_semaphore, #tpu.memory_space<semaphore_mem>>) attributes {dimension_semantics = [#tpu.dimension_semantics<core_parallel>, #tpu.dimension_semantics<subcore_parallel>], iteration_bounds = array<i64: 2, 16>, scalar_prefetch = 0 : i64, scratch_operands = 23 : i64, tpu.core_type = #tpu.core_type<sc_vector_subcore>, window_params = [{transform_indices = #map}, {transform_indices = #map1}, {transform_indices = #map1}, {transform_indices = #map}, {transform_indices = #map1}, {transform_indices = #map1}, {transform_indices = #map1}, {transform_indices = #map1}, {transform_indices = #map1}, {transform_indices = #map2}, {transform_indices = #map2}, {transform_indices = #map1}, {transform_indices = #map1}]} {
    %mul3A = arith.constant 2 : i32
    %mul3A_0 = arith.muli %arg1, %mul3A : i32
    %add3A = arith.addi %mul3A_0, %arg0 : i32
    %mul3A_1 = arith.constant 50000 : i32
    %mul3A_2 = arith.muli %add3A, %mul3A_1 : i32
    %mul3A_3 = arith.constant 3128 : i32
    %mul3A_4 = arith.muli %arg1, %mul3A_3 : i32
    "tpu.region"() ({
      %run_scoped3A_177 = tpu.sem_alloc : memref<!tpu.dma_semaphore, #tpu.memory_space<semaphore_mem>>
      %dma_start3A_178 = tpu.memref_slice %arg29[%mul3A_4] : memref<50048xf32, #tpu.memory_space<vmem_shared>> -> memref<3128xf32, #tpu.memory_space<vmem_shared>>
      %dma_start3A_179 = arith.constant 0 : i32
      %dma_start3A_180 = tpu.memref_slice %arg10[%dma_start3A_179] : memref<3200xf32, #tpu.memory_space<hbm>> -> memref<3128xf32, #tpu.memory_space<hbm>>
      tpu.enqueue_dma source(%dma_start3A_180 : memref<3128xf32, #tpu.memory_space<hbm>>) target(%dma_start3A_178 : memref<3128xf32, #tpu.memory_space<vmem_shared>>) target_semaphore(%run_scoped3A_177 : memref<!tpu.dma_semaphore, #tpu.memory_space<semaphore_mem>>)
      %dma_wait3A_181 = tpu.memref_slice %arg29[%mul3A_4] : memref<50048xf32, #tpu.memory_space<vmem_shared>> -> memref<3128xf32, #tpu.memory_space<vmem_shared>>
      %dma_wait3A_182 = arith.constant 0 : i32
      %dma_wait3A_183 = tpu.memref_slice %arg10[%dma_wait3A_182] : memref<3200xf32, #tpu.memory_space<hbm>> -> memref<3128xf32, #tpu.memory_space<hbm>>
      tpu.wait_dma2 semaphore(%run_scoped3A_177 : memref<!tpu.dma_semaphore, #tpu.memory_space<semaphore_mem>>) src(%dma_wait3A_183 : memref<3128xf32, #tpu.memory_space<hbm>>) dst(%dma_wait3A_181 : memref<3128xf32, #tpu.memory_space<vmem_shared>>)
      tpu.yield
    }) : () -> ()
    "tpu.region"() ({
      %run_scoped3A_177 = tpu.sem_alloc : memref<!tpu.dma_semaphore, #tpu.memory_space<semaphore_mem>>
      %dma_start3A_178 = tpu.memref_slice %arg30[%mul3A_4] : memref<50048xf32, #tpu.memory_space<vmem_shared>> -> memref<3128xf32, #tpu.memory_space<vmem_shared>>
      %dma_start3A_179 = arith.constant 0 : i32
      %dma_start3A_180 = tpu.memref_slice %arg10[%dma_start3A_179] : memref<3200xf32, #tpu.memory_space<hbm>> -> memref<3128xf32, #tpu.memory_space<hbm>>
      tpu.enqueue_dma source(%dma_start3A_180 : memref<3128xf32, #tpu.memory_space<hbm>>) target(%dma_start3A_178 : memref<3128xf32, #tpu.memory_space<vmem_shared>>) target_semaphore(%run_scoped3A_177 : memref<!tpu.dma_semaphore, #tpu.memory_space<semaphore_mem>>)
      %dma_wait3A_181 = tpu.memref_slice %arg30[%mul3A_4] : memref<50048xf32, #tpu.memory_space<vmem_shared>> -> memref<3128xf32, #tpu.memory_space<vmem_shared>>
      %dma_wait3A_182 = arith.constant 0 : i32
      %dma_wait3A_183 = tpu.memref_slice %arg10[%dma_wait3A_182] : memref<3200xf32, #tpu.memory_space<hbm>> -> memref<3128xf32, #tpu.memory_space<hbm>>
      tpu.wait_dma2 semaphore(%run_scoped3A_177 : memref<!tpu.dma_semaphore, #tpu.memory_space<semaphore_mem>>) src(%dma_wait3A_183 : memref<3128xf32, #tpu.memory_space<hbm>>) dst(%dma_wait3A_181 : memref<3128xf32, #tpu.memory_space<vmem_shared>>)
      tpu.yield
    }) : () -> ()
    "tpu.region"() ({
      %run_scoped3A_177 = tpu.sem_alloc : memref<!tpu.dma_semaphore, #tpu.memory_space<semaphore_mem>>
      %dma_start3A_178 = tpu.memref_slice %arg31[%mul3A_4] : memref<50048xf32, #tpu.memory_space<vmem_shared>> -> memref<3128xf32, #tpu.memory_space<vmem_shared>>
      %dma_start3A_179 = arith.constant 0 : i32
      %dma_start3A_180 = tpu.memref_slice %arg10[%dma_start3A_179] : memref<3200xf32, #tpu.memory_space<hbm>> -> memref<3128xf32, #tpu.memory_space<hbm>>
      tpu.enqueue_dma source(%dma_start3A_180 : memref<3128xf32, #tpu.memory_space<hbm>>) target(%dma_start3A_178 : memref<3128xf32, #tpu.memory_space<vmem_shared>>) target_semaphore(%run_scoped3A_177 : memref<!tpu.dma_semaphore, #tpu.memory_space<semaphore_mem>>)
      %dma_wait3A_181 = tpu.memref_slice %arg31[%mul3A_4] : memref<50048xf32, #tpu.memory_space<vmem_shared>> -> memref<3128xf32, #tpu.memory_space<vmem_shared>>
      %dma_wait3A_182 = arith.constant 0 : i32
      %dma_wait3A_183 = tpu.memref_slice %arg10[%dma_wait3A_182] : memref<3200xf32, #tpu.memory_space<hbm>> -> memref<3128xf32, #tpu.memory_space<hbm>>
      tpu.wait_dma2 semaphore(%run_scoped3A_177 : memref<!tpu.dma_semaphore, #tpu.memory_space<semaphore_mem>>) src(%dma_wait3A_183 : memref<3128xf32, #tpu.memory_space<hbm>>) dst(%dma_wait3A_181 : memref<3128xf32, #tpu.memory_space<vmem_shared>>)
      tpu.yield
    }) : () -> ()
    %iota3A = tpu.iota {dimensions = array<i32: 0>} : vector<16xi32>
    %broadcast_in_dim3A = arith.constant 0 : i32
    %broadcast_in_dim3A_5 = vector.broadcast %broadcast_in_dim3A : i32 to vector<16xi32>
    %broadcast_in_dim3A_6 = arith.constant 1 : i32
    %broadcast_in_dim3A_7 = vector.broadcast %broadcast_in_dim3A_6 : i32 to vector<16xi32>
    %broadcast_in_dim3A_8 = arith.constant 2 : i32
    %broadcast_in_dim3A_9 = vector.broadcast %broadcast_in_dim3A_8 : i32 to vector<16xi32>
    %broadcast_in_dim3A_10 = arith.constant 3 : i32
    %broadcast_in_dim3A_11 = vector.broadcast %broadcast_in_dim3A_10 : i32 to vector<16xi32>
    %mul3A_12 = arith.constant 3200 : i32
    %mul3A_13 = arith.muli %arg1, %mul3A_12 : i32
    %add3A_14 = arith.constant 0 : i32
    %add3A_15 = arith.addi %mul3A_13, %add3A_14 : i32
    %multiple_of3A = tpu.assume_multiple %add3A_15, 8 : i32
    "tpu.region"() ({
      %run_scoped3A_177 = tpu.sem_alloc : memref<!tpu.dma_semaphore, #tpu.memory_space<semaphore_mem>>
      %dma_start3A_178 = arith.constant 0 : i32
      %dma_start3A_179 = tpu.memref_slice %arg2[%multiple_of3A, %dma_start3A_178] : memref<51200x3xf32, #tpu.memory_space<hbm>> -> memref<1600x3xf32, #tpu.memory_space<hbm>>
      %dma_start3A_180 = arith.constant 0 : i32
      %dma_start3A_181 = tpu.memref_slice %arg2[%multiple_of3A, %dma_start3A_180] : memref<51200x3xf32, #tpu.memory_space<hbm>> -> memref<1600x3xf32, #tpu.memory_space<hbm>>
      tpu.enqueue_dma source(%dma_start3A_181 : memref<1600x3xf32, #tpu.memory_space<hbm>>) target(%arg27 : memref<1600x3xf32, #tpu.memory_space<vmem>>) target_semaphore(%run_scoped3A_177 : memref<!tpu.dma_semaphore, #tpu.memory_space<semaphore_mem>>)
      %dma_wait3A_182 = arith.constant 0 : i32
      %dma_wait3A_183 = tpu.memref_slice %arg2[%multiple_of3A, %dma_wait3A_182] : memref<51200x3xf32, #tpu.memory_space<hbm>> -> memref<1600x3xf32, #tpu.memory_space<hbm>>
      %dma_wait3A_184 = arith.constant 0 : i32
      %dma_wait3A_185 = tpu.memref_slice %arg2[%multiple_of3A, %dma_wait3A_184] : memref<51200x3xf32, #tpu.memory_space<hbm>> -> memref<1600x3xf32, #tpu.memory_space<hbm>>
      tpu.wait_dma2 semaphore(%run_scoped3A_177 : memref<!tpu.dma_semaphore, #tpu.memory_space<semaphore_mem>>) src(%dma_wait3A_185 : memref<1600x3xf32, #tpu.memory_space<hbm>>) dst(%arg27 : memref<1600x3xf32, #tpu.memory_space<vmem>>)
      tpu.yield
    }) : () -> ()
    %run_scoped3A = arith.constant 0 : i32
    "tpu.region"() ({
      %run_scoped3A_177 = tpu.sem_alloc : memref<!tpu.dma_semaphore, #tpu.memory_space<semaphore_mem>>
      %dma_start3A_178 = arith.constant 0 : i32
      %dma_start3A_179 = tpu.memref_slice %arg20[%dma_start3A_178] : memref<2000xf32, #tpu.memory_space<vmem>> -> memref<1600xf32, #tpu.memory_space<vmem>>
      %dma_start3A_180 = tpu.memref_slice %arg5[%run_scoped3A, %multiple_of3A] : memref<2x51200xf32, #tpu.memory_space<hbm>> -> memref<1x1600xf32, #tpu.memory_space<hbm>>
      %dma_start3A_181 = tpu.memref_squeeze %dma_start3A_180 : memref<1x1600xf32, #tpu.memory_space<hbm>> -> memref<1600xf32, #tpu.memory_space<hbm>>
      %dma_start3A_182 = arith.constant 0 : i32
      %dma_start3A_183 = tpu.memref_slice %arg20[%dma_start3A_182] : memref<2000xf32, #tpu.memory_space<vmem>> -> memref<1600xf32, #tpu.memory_space<vmem>>
      %dma_start3A_184 = tpu.memref_slice %arg5[%run_scoped3A, %multiple_of3A] : memref<2x51200xf32, #tpu.memory_space<hbm>> -> memref<1x1600xf32, #tpu.memory_space<hbm>>
      %dma_start3A_185 = tpu.memref_squeeze %dma_start3A_184 : memref<1x1600xf32, #tpu.memory_space<hbm>> -> memref<1600xf32, #tpu.memory_space<hbm>>
      tpu.enqueue_dma source(%dma_start3A_185 : memref<1600xf32, #tpu.memory_space<hbm>>) target(%dma_start3A_183 : memref<1600xf32, #tpu.memory_space<vmem>>) target_semaphore(%run_scoped3A_177 : memref<!tpu.dma_semaphore, #tpu.memory_space<semaphore_mem>>)
      %dma_wait3A_186 = arith.constant 0 : i32
      %dma_wait3A_187 = tpu.memref_slice %arg20[%dma_wait3A_186] : memref<2000xf32, #tpu.memory_space<vmem>> -> memref<1600xf32, #tpu.memory_space<vmem>>
      %dma_wait3A_188 = tpu.memref_slice %arg5[%run_scoped3A, %multiple_of3A] : memref<2x51200xf32, #tpu.memory_space<hbm>> -> memref<1x1600xf32, #tpu.memory_space<hbm>>
      %dma_wait3A_189 = tpu.memref_squeeze %dma_wait3A_188 : memref<1x1600xf32, #tpu.memory_space<hbm>> -> memref<1600xf32, #tpu.memory_space<hbm>>
      %dma_wait3A_190 = arith.constant 0 : i32
      %dma_wait3A_191 = tpu.memref_slice %arg20[%dma_wait3A_190] : memref<2000xf32, #tpu.memory_space<vmem>> -> memref<1600xf32, #tpu.memory_space<vmem>>
      %dma_wait3A_192 = tpu.memref_slice %arg5[%run_scoped3A, %multiple_of3A] : memref<2x51200xf32, #tpu.memory_space<hbm>> -> memref<1x1600xf32, #tpu.memory_space<hbm>>
      %dma_wait3A_193 = tpu.memref_squeeze %dma_wait3A_192 : memref<1x1600xf32, #tpu.memory_space<hbm>> -> memref<1600xf32, #tpu.memory_space<hbm>>
      tpu.wait_dma2 semaphore(%run_scoped3A_177 : memref<!tpu.dma_semaphore, #tpu.memory_space<semaphore_mem>>) src(%dma_wait3A_193 : memref<1600xf32, #tpu.memory_space<hbm>>) dst(%dma_wait3A_191 : memref<1600xf32, #tpu.memory_space<vmem>>)
      tpu.yield
    }) : () -> ()
    %run_scoped3A_16 = arith.constant 1 : i32
    "tpu.region"() ({
      %run_scoped3A_177 = tpu.sem_alloc : memref<!tpu.dma_semaphore, #tpu.memory_space<semaphore_mem>>
      %dma_start3A_178 = arith.constant 0 : i32
      %dma_start3A_179 = tpu.memref_slice %arg21[%dma_start3A_178] : memref<2000xf32, #tpu.memory_space<vmem>> -> memref<1600xf32, #tpu.memory_space<vmem>>
      %dma_start3A_180 = tpu.memref_slice %arg5[%run_scoped3A_16, %multiple_of3A] : memref<2x51200xf32, #tpu.memory_space<hbm>> -> memref<1x1600xf32, #tpu.memory_space<hbm>>
      %dma_start3A_181 = tpu.memref_squeeze %dma_start3A_180 : memref<1x1600xf32, #tpu.memory_space<hbm>> -> memref<1600xf32, #tpu.memory_space<hbm>>
      %dma_start3A_182 = arith.constant 0 : i32
      %dma_start3A_183 = tpu.memref_slice %arg21[%dma_start3A_182] : memref<2000xf32, #tpu.memory_space<vmem>> -> memref<1600xf32, #tpu.memory_space<vmem>>
      %dma_start3A_184 = tpu.memref_slice %arg5[%run_scoped3A_16, %multiple_of3A] : memref<2x51200xf32, #tpu.memory_space<hbm>> -> memref<1x1600xf32, #tpu.memory_space<hbm>>
      %dma_start3A_185 = tpu.memref_squeeze %dma_start3A_184 : memref<1x1600xf32, #tpu.memory_space<hbm>> -> memref<1600xf32, #tpu.memory_space<hbm>>
      tpu.enqueue_dma source(%dma_start3A_185 : memref<1600xf32, #tpu.memory_space<hbm>>) target(%dma_start3A_183 : memref<1600xf32, #tpu.memory_space<vmem>>) target_semaphore(%run_scoped3A_177 : memref<!tpu.dma_semaphore, #tpu.memory_space<semaphore_mem>>)
      %dma_wait3A_186 = arith.constant 0 : i32
      %dma_wait3A_187 = tpu.memref_slice %arg21[%dma_wait3A_186] : memref<2000xf32, #tpu.memory_space<vmem>> -> memref<1600xf32, #tpu.memory_space<vmem>>
      %dma_wait3A_188 = tpu.memref_slice %arg5[%run_scoped3A_16, %multiple_of3A] : memref<2x51200xf32, #tpu.memory_space<hbm>> -> memref<1x1600xf32, #tpu.memory_space<hbm>>
      %dma_wait3A_189 = tpu.memref_squeeze %dma_wait3A_188 : memref<1x1600xf32, #tpu.memory_space<hbm>> -> memref<1600xf32, #tpu.memory_space<hbm>>
      %dma_wait3A_190 = arith.constant 0 : i32
      %dma_wait3A_191 = tpu.memref_slice %arg21[%dma_wait3A_190] : memref<2000xf32, #tpu.memory_space<vmem>> -> memref<1600xf32, #tpu.memory_space<vmem>>
      %dma_wait3A_192 = tpu.memref_slice %arg5[%run_scoped3A_16, %multiple_of3A] : memref<2x51200xf32, #tpu.memory_space<hbm>> -> memref<1x1600xf32, #tpu.memory_space<hbm>>
      %dma_wait3A_193 = tpu.memref_squeeze %dma_wait3A_192 : memref<1x1600xf32, #tpu.memory_space<hbm>> -> memref<1600xf32, #tpu.memory_space<hbm>>
      tpu.wait_dma2 semaphore(%run_scoped3A_177 : memref<!tpu.dma_semaphore, #tpu.memory_space<semaphore_mem>>) src(%dma_wait3A_193 : memref<1600xf32, #tpu.memory_space<hbm>>) dst(%dma_wait3A_191 : memref<1600xf32, #tpu.memory_space<vmem>>)
      tpu.yield
    }) : () -> ()
    %scan3A = arith.constant 0 : i32
    %scan3A_17 = arith.constant 100 : i32
    %scan3A_18 = arith.addi %scan3A, %scan3A_17 : i32
    %scan3A_19 = arith.constant 1 : i32
    scf.for %scan3A_177 = %scan3A to %scan3A_18 step %scan3A_19  : i32 {
      %mul3A_178 = arith.constant 16 : i32
      %mul3A_179 = arith.muli %scan3A_177, %mul3A_178 : i32
      %add3A_180 = vector.broadcast %mul3A_179 : i32 to vector<16xi32>
      %add3A_181 = arith.addi %add3A_180, %iota3A : vector<16xi32>
      %mul3A_182 = arith.constant 16 : i32
      %mul3A_183 = arith.muli %scan3A_177, %mul3A_182 : i32
      %get3A = arith.index_cast %mul3A_183 : i32 to index
      %get3A_184 = tpu.vector_load %arg20[%get3A] {strides = array<i32>} : memref<2000xf32, #tpu.memory_space<vmem>>, vector<16xf32>,
      %get3A_185 = arith.index_cast %mul3A_183 : i32 to index
      %get3A_186 = tpu.vector_load %arg21[%get3A_185] {strides = array<i32>} : memref<2000xf32, #tpu.memory_space<vmem>>, vector<16xf32>,
      %add3A_187 = arith.addf %get3A_184, %get3A_186 : vector<16xf32>
      %swap3A = arith.index_cast %mul3A_183 : i32 to index
      %swap3A_188 = tpu.vector_load %arg23[%swap3A] {strides = array<i32>} : memref<2000xf32, #tpu.memory_space<vmem>>, vector<16xf32>,
      tpu.vector_store %arg23[%swap3A], %add3A_187 {strides = array<i32>} : memref<2000xf32, #tpu.memory_space<vmem>>, vector<16xf32>,
      %sub3A = arith.constant 1.000000e+00 : f32
      %sub3A_189 = vector.broadcast %sub3A : f32 to vector<16xf32>
      %sub3A_190 = arith.subf %add3A_187, %sub3A_189 : vector<16xf32>
      %mul3A_191 = arith.constant 1.000000e+02 : f32
      %mul3A_192 = vector.broadcast %mul3A_191 : f32 to vector<16xf32>
      %mul3A_193 = arith.mulf %mul3A_192, %sub3A_190 : vector<16xf32>
      %swap3A_194 = arith.index_cast %mul3A_183 : i32 to index
      %swap3A_195 = tpu.vector_load %arg22[%swap3A_194] {strides = array<i32>} : memref<2000xf32, #tpu.memory_space<vmem>>, vector<16xf32>,
      tpu.vector_store %arg22[%swap3A_194], %mul3A_193 {strides = array<i32>} : memref<2000xf32, #tpu.memory_space<vmem>>, vector<16xf32>,
      %gather3A = tpu.vector_load_idx %arg27[%add3A_181, %broadcast_in_dim3A_5] : memref<1600x3xf32, #tpu.memory_space<vmem>>[vector<16xi32>, vector<16xi32>], vector<16xf32>,
      %gather3A_196 = tpu.vector_load_idx %arg27[%add3A_181, %broadcast_in_dim3A_7] : memref<1600x3xf32, #tpu.memory_space<vmem>>[vector<16xi32>, vector<16xi32>], vector<16xf32>,
      %gather3A_197 = tpu.vector_load_idx %arg27[%add3A_181, %broadcast_in_dim3A_9] : memref<1600x3xf32, #tpu.memory_space<vmem>>[vector<16xi32>, vector<16xi32>], vector<16xf32>,
      tpu.vector_store_idx %arg28[%add3A_181, %broadcast_in_dim3A_5], %gather3A : memref<1600x8xf32, #tpu.memory_space<vmem>>[vector<16xi32>, vector<16xi32>], vector<16xf32>,
      tpu.vector_store_idx %arg28[%add3A_181, %broadcast_in_dim3A_7], %gather3A_196 : memref<1600x8xf32, #tpu.memory_space<vmem>>[vector<16xi32>, vector<16xi32>], vector<16xf32>,
      tpu.vector_store_idx %arg28[%add3A_181, %broadcast_in_dim3A_9], %gather3A_197 : memref<1600x8xf32, #tpu.memory_space<vmem>>[vector<16xi32>, vector<16xi32>], vector<16xf32>,
      tpu.vector_store_idx %arg28[%add3A_181, %broadcast_in_dim3A_11], %add3A_187 : memref<1600x8xf32, #tpu.memory_space<vmem>>[vector<16xi32>, vector<16xi32>], vector<16xf32>,
    }
    %scan3A_20 = arith.constant 100 : i32
    "tpu.region"() ({
      %run_scoped3A_177 = tpu.sem_alloc : memref<!tpu.dma_semaphore, #tpu.memory_space<semaphore_mem>>
      %dma_start3A_178 = arith.constant 0 : i32
      %dma_start3A_179 = tpu.memref_slice %arg12[%arg0, %multiple_of3A, %dma_start3A_178] : memref<2x51200x8xf32, #tpu.memory_space<hbm>> -> memref<1x1600x8xf32, #tpu.memory_space<hbm>>
      %dma_start3A_180 = tpu.memref_squeeze %dma_start3A_179 : memref<1x1600x8xf32, #tpu.memory_space<hbm>> -> memref<1600x8xf32, #tpu.memory_space<hbm>>
      %dma_start3A_181 = arith.constant 0 : i32
      %dma_start3A_182 = tpu.memref_slice %arg12[%arg0, %multiple_of3A, %dma_start3A_181] : memref<2x51200x8xf32, #tpu.memory_space<hbm>> -> memref<1x1600x8xf32, #tpu.memory_space<hbm>>
      %dma_start3A_183 = tpu.memref_squeeze %dma_start3A_182 : memref<1x1600x8xf32, #tpu.memory_space<hbm>> -> memref<1600x8xf32, #tpu.memory_space<hbm>>
      tpu.enqueue_dma source(%arg28 : memref<1600x8xf32, #tpu.memory_space<vmem>>) target(%dma_start3A_183 : memref<1600x8xf32, #tpu.memory_space<hbm>>) target_semaphore(%run_scoped3A_177 : memref<!tpu.dma_semaphore, #tpu.memory_space<semaphore_mem>>)
      %dma_wait3A_184 = arith.constant 0 : i32
      %dma_wait3A_185 = tpu.memref_slice %arg12[%arg0, %multiple_of3A, %dma_wait3A_184] : memref<2x51200x8xf32, #tpu.memory_space<hbm>> -> memref<1x1600x8xf32, #tpu.memory_space<hbm>>
      %dma_wait3A_186 = tpu.memref_squeeze %dma_wait3A_185 : memref<1x1600x8xf32, #tpu.memory_space<hbm>> -> memref<1600x8xf32, #tpu.memory_space<hbm>>
      %dma_wait3A_187 = arith.constant 0 : i32
      %dma_wait3A_188 = tpu.memref_slice %arg12[%arg0, %multiple_of3A, %dma_wait3A_187] : memref<2x51200x8xf32, #tpu.memory_space<hbm>> -> memref<1x1600x8xf32, #tpu.memory_space<hbm>>
      %dma_wait3A_189 = tpu.memref_squeeze %dma_wait3A_188 : memref<1x1600x8xf32, #tpu.memory_space<hbm>> -> memref<1600x8xf32, #tpu.memory_space<hbm>>
      tpu.wait_dma2 semaphore(%run_scoped3A_177 : memref<!tpu.dma_semaphore, #tpu.memory_space<semaphore_mem>>) src(%arg28 : memref<1600x8xf32, #tpu.memory_space<vmem>>) dst(%dma_wait3A_189 : memref<1600x8xf32, #tpu.memory_space<hbm>>)
      tpu.yield
    }) : () -> ()
    %eq3A = arith.constant 0 : i32
    %eq3A_21 = arith.cmpi eq, %arg0, %eq3A : i32
    %convert_element_type3A = arith.extui %eq3A_21 : i1 to i32
    %cond3A = arith.constant 0 : i32
    %cond3A_22 = arith.cmpi ne, %convert_element_type3A, %cond3A : i32
    scf.if %cond3A_22 {
      "tpu.region"() ({
        %run_scoped3A_177 = tpu.sem_alloc : memref<!tpu.dma_semaphore, #tpu.memory_space<semaphore_mem>>
        %dma_start3A_178 = arith.constant 0 : i32
        %dma_start3A_179 = tpu.memref_slice %arg23[%dma_start3A_178] : memref<2000xf32, #tpu.memory_space<vmem>> -> memref<1600xf32, #tpu.memory_space<vmem>>
        %dma_start3A_180 = tpu.memref_slice %arg13[%multiple_of3A] : memref<51200xf32, #tpu.memory_space<hbm>> -> memref<1600xf32, #tpu.memory_space<hbm>>
        %dma_start3A_181 = tpu.memref_slice %arg13[%multiple_of3A] : memref<51200xf32, #tpu.memory_space<hbm>> -> memref<1600xf32, #tpu.memory_space<hbm>>
        %dma_start3A_182 = arith.constant 0 : i32
        %dma_start3A_183 = tpu.memref_slice %arg23[%dma_start3A_182] : memref<2000xf32, #tpu.memory_space<vmem>> -> memref<1600xf32, #tpu.memory_space<vmem>>
        tpu.enqueue_dma source(%dma_start3A_183 : memref<1600xf32, #tpu.memory_space<vmem>>) target(%dma_start3A_181 : memref<1600xf32, #tpu.memory_space<hbm>>) target_semaphore(%run_scoped3A_177 : memref<!tpu.dma_semaphore, #tpu.memory_space<semaphore_mem>>)
        %dma_wait3A_184 = arith.constant 0 : i32
        %dma_wait3A_185 = tpu.memref_slice %arg23[%dma_wait3A_184] : memref<2000xf32, #tpu.memory_space<vmem>> -> memref<1600xf32, #tpu.memory_space<vmem>>
        %dma_wait3A_186 = tpu.memref_slice %arg13[%multiple_of3A] : memref<51200xf32, #tpu.memory_space<hbm>> -> memref<1600xf32, #tpu.memory_space<hbm>>
        %dma_wait3A_187 = tpu.memref_slice %arg13[%multiple_of3A] : memref<51200xf32, #tpu.memory_space<hbm>> -> memref<1600xf32, #tpu.memory_space<hbm>>
        %dma_wait3A_188 = arith.constant 0 : i32
        %dma_wait3A_189 = tpu.memref_slice %arg23[%dma_wait3A_188] : memref<2000xf32, #tpu.memory_space<vmem>> -> memref<1600xf32, #tpu.memory_space<vmem>>
        tpu.wait_dma2 semaphore(%run_scoped3A_177 : memref<!tpu.dma_semaphore, #tpu.memory_space<semaphore_mem>>) src(%dma_wait3A_189 : memref<1600xf32, #tpu.memory_space<vmem>>) dst(%dma_wait3A_187 : memref<1600xf32, #tpu.memory_space<hbm>>)
        tpu.yield
      }) : () -> ()
      "tpu.region"() ({
        %run_scoped3A_177 = tpu.sem_alloc : memref<!tpu.dma_semaphore, #tpu.memory_space<semaphore_mem>>
        %dma_start3A_178 = arith.constant 0 : i32
        %dma_start3A_179 = tpu.memref_slice %arg22[%dma_start3A_178] : memref<2000xf32, #tpu.memory_space<vmem>> -> memref<1600xf32, #tpu.memory_space<vmem>>
        %dma_start3A_180 = tpu.memref_slice %arg14[%multiple_of3A] : memref<51200xf32, #tpu.memory_space<hbm>> -> memref<1600xf32, #tpu.memory_space<hbm>>
        %dma_start3A_181 = tpu.memref_slice %arg14[%multiple_of3A] : memref<51200xf32, #tpu.memory_space<hbm>> -> memref<1600xf32, #tpu.memory_space<hbm>>
        %dma_start3A_182 = arith.constant 0 : i32
        %dma_start3A_183 = tpu.memref_slice %arg22[%dma_start3A_182] : memref<2000xf32, #tpu.memory_space<vmem>> -> memref<1600xf32, #tpu.memory_space<vmem>>
        tpu.enqueue_dma source(%dma_start3A_183 : memref<1600xf32, #tpu.memory_space<vmem>>) target(%dma_start3A_181 : memref<1600xf32, #tpu.memory_space<hbm>>) target_semaphore(%run_scoped3A_177 : memref<!tpu.dma_semaphore, #tpu.memory_space<semaphore_mem>>)
        %dma_wait3A_184 = arith.constant 0 : i32
        %dma_wait3A_185 = tpu.memref_slice %arg22[%dma_wait3A_184] : memref<2000xf32, #tpu.memory_space<vmem>> -> memref<1600xf32, #tpu.memory_space<vmem>>
        %dma_wait3A_186 = tpu.memref_slice %arg14[%multiple_of3A] : memref<51200xf32, #tpu.memory_space<hbm>> -> memref<1600xf32, #tpu.memory_space<hbm>>
        %dma_wait3A_187 = tpu.memref_slice %arg14[%multiple_of3A] : memref<51200xf32, #tpu.memory_space<hbm>> -> memref<1600xf32, #tpu.memory_space<hbm>>
        %dma_wait3A_188 = arith.constant 0 : i32
        %dma_wait3A_189 = tpu.memref_slice %arg22[%dma_wait3A_188] : memref<2000xf32, #tpu.memory_space<vmem>> -> memref<1600xf32, #tpu.memory_space<vmem>>
        tpu.wait_dma2 semaphore(%run_scoped3A_177 : memref<!tpu.dma_semaphore, #tpu.memory_space<semaphore_mem>>) src(%dma_wait3A_189 : memref<1600xf32, #tpu.memory_space<vmem>>) dst(%dma_wait3A_187 : memref<1600xf32, #tpu.memory_space<hbm>>)
        tpu.yield
      }) : () -> ()
    } else {
    }
    %mul3A_23 = arith.constant 3200 : i32
    %mul3A_24 = arith.muli %arg1, %mul3A_23 : i32
    %add3A_25 = arith.constant 1600 : i32
    %add3A_26 = arith.addi %mul3A_24, %add3A_25 : i32
    %multiple_of3A_27 = tpu.assume_multiple %add3A_26, 8 : i32
    "tpu.region"() ({
      %run_scoped3A_177 = tpu.sem_alloc : memref<!tpu.dma_semaphore, #tpu.memory_space<semaphore_mem>>
      %dma_start3A_178 = arith.constant 0 : i32
      %dma_start3A_179 = tpu.memref_slice %arg2[%multiple_of3A_27, %dma_start3A_178] : memref<51200x3xf32, #tpu.memory_space<hbm>> -> memref<1600x3xf32, #tpu.memory_space<hbm>>
      %dma_start3A_180 = arith.constant 0 : i32
      %dma_start3A_181 = tpu.memref_slice %arg2[%multiple_of3A_27, %dma_start3A_180] : memref<51200x3xf32, #tpu.memory_space<hbm>> -> memref<1600x3xf32, #tpu.memory_space<hbm>>
      tpu.enqueue_dma source(%dma_start3A_181 : memref<1600x3xf32, #tpu.memory_space<hbm>>) target(%arg27 : memref<1600x3xf32, #tpu.memory_space<vmem>>) target_semaphore(%run_scoped3A_177 : memref<!tpu.dma_semaphore, #tpu.memory_space<semaphore_mem>>)
      %dma_wait3A_182 = arith.constant 0 : i32
      %dma_wait3A_183 = tpu.memref_slice %arg2[%multiple_of3A_27, %dma_wait3A_182] : memref<51200x3xf32, #tpu.memory_space<hbm>> -> memref<1600x3xf32, #tpu.memory_space<hbm>>
      %dma_wait3A_184 = arith.constant 0 : i32
      %dma_wait3A_185 = tpu.memref_slice %arg2[%multiple_of3A_27, %dma_wait3A_184] : memref<51200x3xf32, #tpu.memory_space<hbm>> -> memref<1600x3xf32, #tpu.memory_space<hbm>>
      tpu.wait_dma2 semaphore(%run_scoped3A_177 : memref<!tpu.dma_semaphore, #tpu.memory_space<semaphore_mem>>) src(%dma_wait3A_185 : memref<1600x3xf32, #tpu.memory_space<hbm>>) dst(%arg27 : memref<1600x3xf32, #tpu.memory_space<vmem>>)
      tpu.yield
    }) : () -> ()
    %run_scoped3A_28 = arith.constant 0 : i32
    "tpu.region"() ({
      %run_scoped3A_177 = tpu.sem_alloc : memref<!tpu.dma_semaphore, #tpu.memory_space<semaphore_mem>>
      %dma_start3A_178 = arith.constant 0 : i32
      %dma_start3A_179 = tpu.memref_slice %arg20[%dma_start3A_178] : memref<2000xf32, #tpu.memory_space<vmem>> -> memref<1600xf32, #tpu.memory_space<vmem>>
      %dma_start3A_180 = tpu.memref_slice %arg5[%run_scoped3A_28, %multiple_of3A_27] : memref<2x51200xf32, #tpu.memory_space<hbm>> -> memref<1x1600xf32, #tpu.memory_space<hbm>>
      %dma_start3A_181 = tpu.memref_squeeze %dma_start3A_180 : memref<1x1600xf32, #tpu.memory_space<hbm>> -> memref<1600xf32, #tpu.memory_space<hbm>>
      %dma_start3A_182 = arith.constant 0 : i32
      %dma_start3A_183 = tpu.memref_slice %arg20[%dma_start3A_182] : memref<2000xf32, #tpu.memory_space<vmem>> -> memref<1600xf32, #tpu.memory_space<vmem>>
      %dma_start3A_184 = tpu.memref_slice %arg5[%run_scoped3A_28, %multiple_of3A_27] : memref<2x51200xf32, #tpu.memory_space<hbm>> -> memref<1x1600xf32, #tpu.memory_space<hbm>>
      %dma_start3A_185 = tpu.memref_squeeze %dma_start3A_184 : memref<1x1600xf32, #tpu.memory_space<hbm>> -> memref<1600xf32, #tpu.memory_space<hbm>>
      tpu.enqueue_dma source(%dma_start3A_185 : memref<1600xf32, #tpu.memory_space<hbm>>) target(%dma_start3A_183 : memref<1600xf32, #tpu.memory_space<vmem>>) target_semaphore(%run_scoped3A_177 : memref<!tpu.dma_semaphore, #tpu.memory_space<semaphore_mem>>)
      %dma_wait3A_186 = arith.constant 0 : i32
      %dma_wait3A_187 = tpu.memref_slice %arg20[%dma_wait3A_186] : memref<2000xf32, #tpu.memory_space<vmem>> -> memref<1600xf32, #tpu.memory_space<vmem>>
      %dma_wait3A_188 = tpu.memref_slice %arg5[%run_scoped3A_28, %multiple_of3A_27] : memref<2x51200xf32, #tpu.memory_space<hbm>> -> memref<1x1600xf32, #tpu.memory_space<hbm>>
      %dma_wait3A_189 = tpu.memref_squeeze %dma_wait3A_188 : memref<1x1600xf32, #tpu.memory_space<hbm>> -> memref<1600xf32, #tpu.memory_space<hbm>>
      %dma_wait3A_190 = arith.constant 0 : i32
      %dma_wait3A_191 = tpu.memref_slice %arg20[%dma_wait3A_190] : memref<2000xf32, #tpu.memory_space<vmem>> -> memref<1600xf32, #tpu.memory_space<vmem>>
      %dma_wait3A_192 = tpu.memref_slice %arg5[%run_scoped3A_28, %multiple_of3A_27] : memref<2x51200xf32, #tpu.memory_space<hbm>> -> memref<1x1600xf32, #tpu.memory_space<hbm>>
      %dma_wait3A_193 = tpu.memref_squeeze %dma_wait3A_192 : memref<1x1600xf32, #tpu.memory_space<hbm>> -> memref<1600xf32, #tpu.memory_space<hbm>>
      tpu.wait_dma2 semaphore(%run_scoped3A_177 : memref<!tpu.dma_semaphore, #tpu.memory_space<semaphore_mem>>) src(%dma_wait3A_193 : memref<1600xf32, #tpu.memory_space<hbm>>) dst(%dma_wait3A_191 : memref<1600xf32, #tpu.memory_space<vmem>>)
      tpu.yield
    }) : () -> ()
    %run_scoped3A_29 = arith.constant 1 : i32
    "tpu.region"() ({
      %run_scoped3A_177 = tpu.sem_alloc : memref<!tpu.dma_semaphore, #tpu.memory_space<semaphore_mem>>
      %dma_start3A_178 = arith.constant 0 : i32
      %dma_start3A_179 = tpu.memref_slice %arg21[%dma_start3A_178] : memref<2000xf32, #tpu.memory_space<vmem>> -> memref<1600xf32, #tpu.memory_space<vmem>>
      %dma_start3A_180 = tpu.memref_slice %arg5[%run_scoped3A_29, %multiple_of3A_27] : memref<2x51200xf32, #tpu.memory_space<hbm>> -> memref<1x1600xf32, #tpu.memory_space<hbm>>
      %dma_start3A_181 = tpu.memref_squeeze %dma_start3A_180 : memref<1x1600xf32, #tpu.memory_space<hbm>> -> memref<1600xf32, #tpu.memory_space<hbm>>
      %dma_start3A_182 = arith.constant 0 : i32
      %dma_start3A_183 = tpu.memref_slice %arg21[%dma_start3A_182] : memref<2000xf32, #tpu.memory_space<vmem>> -> memref<1600xf32, #tpu.memory_space<vmem>>
      %dma_start3A_184 = tpu.memref_slice %arg5[%run_scoped3A_29, %multiple_of3A_27] : memref<2x51200xf32, #tpu.memory_space<hbm>> -> memref<1x1600xf32, #tpu.memory_space<hbm>>
      %dma_start3A_185 = tpu.memref_squeeze %dma_start3A_184 : memref<1x1600xf32, #tpu.memory_space<hbm>> -> memref<1600xf32, #tpu.memory_space<hbm>>
      tpu.enqueue_dma source(%dma_start3A_185 : memref<1600xf32, #tpu.memory_space<hbm>>) target(%dma_start3A_183 : memref<1600xf32, #tpu.memory_space<vmem>>) target_semaphore(%run_scoped3A_177 : memref<!tpu.dma_semaphore, #tpu.memory_space<semaphore_mem>>)
      %dma_wait3A_186 = arith.constant 0 : i32
      %dma_wait3A_187 = tpu.memref_slice %arg21[%dma_wait3A_186] : memref<2000xf32, #tpu.memory_space<vmem>> -> memref<1600xf32, #tpu.memory_space<vmem>>
      %dma_wait3A_188 = tpu.memref_slice %arg5[%run_scoped3A_29, %multiple_of3A_27] : memref<2x51200xf32, #tpu.memory_space<hbm>> -> memref<1x1600xf32, #tpu.memory_space<hbm>>
      %dma_wait3A_189 = tpu.memref_squeeze %dma_wait3A_188 : memref<1x1600xf32, #tpu.memory_space<hbm>> -> memref<1600xf32, #tpu.memory_space<hbm>>
      %dma_wait3A_190 = arith.constant 0 : i32
      %dma_wait3A_191 = tpu.memref_slice %arg21[%dma_wait3A_190] : memref<2000xf32, #tpu.memory_space<vmem>> -> memref<1600xf32, #tpu.memory_space<vmem>>
      %dma_wait3A_192 = tpu.memref_slice %arg5[%run_scoped3A_29, %multiple_of3A_27] : memref<2x51200xf32, #tpu.memory_space<hbm>> -> memref<1x1600xf32, #tpu.memory_space<hbm>>
      %dma_wait3A_193 = tpu.memref_squeeze %dma_wait3A_192 : memref<1x1600xf32, #tpu.memory_space<hbm>> -> memref<1600xf32, #tpu.memory_space<hbm>>
      tpu.wait_dma2 semaphore(%run_scoped3A_177 : memref<!tpu.dma_semaphore, #tpu.memory_space<semaphore_mem>>) src(%dma_wait3A_193 : memref<1600xf32, #tpu.memory_space<hbm>>) dst(%dma_wait3A_191 : memref<1600xf32, #tpu.memory_space<vmem>>)
      tpu.yield
    }) : () -> ()
    %scan3A_30 = arith.constant 0 : i32
    %scan3A_31 = arith.constant 100 : i32
    %scan3A_32 = arith.addi %scan3A_30, %scan3A_31 : i32
    %scan3A_33 = arith.constant 1 : i32
    scf.for %scan3A_177 = %scan3A_30 to %scan3A_32 step %scan3A_33  : i32 {
      %mul3A_178 = arith.constant 16 : i32
      %mul3A_179 = arith.muli %scan3A_177, %mul3A_178 : i32
      %add3A_180 = vector.broadcast %mul3A_179 : i32 to vector<16xi32>
      %add3A_181 = arith.addi %add3A_180, %iota3A : vector<16xi32>
      %mul3A_182 = arith.constant 16 : i32
      %mul3A_183 = arith.muli %scan3A_177, %mul3A_182 : i32
      %get3A = arith.index_cast %mul3A_183 : i32 to index
      %get3A_184 = tpu.vector_load %arg20[%get3A] {strides = array<i32>} : memref<2000xf32, #tpu.memory_space<vmem>>, vector<16xf32>,
      %get3A_185 = arith.index_cast %mul3A_183 : i32 to index
      %get3A_186 = tpu.vector_load %arg21[%get3A_185] {strides = array<i32>} : memref<2000xf32, #tpu.memory_space<vmem>>, vector<16xf32>,
      %add3A_187 = arith.addf %get3A_184, %get3A_186 : vector<16xf32>
      %swap3A = arith.index_cast %mul3A_183 : i32 to index
      %swap3A_188 = tpu.vector_load %arg23[%swap3A] {strides = array<i32>} : memref<2000xf32, #tpu.memory_space<vmem>>, vector<16xf32>,
      tpu.vector_store %arg23[%swap3A], %add3A_187 {strides = array<i32>} : memref<2000xf32, #tpu.memory_space<vmem>>, vector<16xf32>,
      %sub3A = arith.constant 1.000000e+00 : f32
      %sub3A_189 = vector.broadcast %sub3A : f32 to vector<16xf32>
      %sub3A_190 = arith.subf %add3A_187, %sub3A_189 : vector<16xf32>
      %mul3A_191 = arith.constant 1.000000e+02 : f32
      %mul3A_192 = vector.broadcast %mul3A_191 : f32 to vector<16xf32>
      %mul3A_193 = arith.mulf %mul3A_192, %sub3A_190 : vector<16xf32>
      %swap3A_194 = arith.index_cast %mul3A_183 : i32 to index
      %swap3A_195 = tpu.vector_load %arg22[%swap3A_194] {strides = array<i32>} : memref<2000xf32, #tpu.memory_space<vmem>>, vector<16xf32>,
      tpu.vector_store %arg22[%swap3A_194], %mul3A_193 {strides = array<i32>} : memref<2000xf32, #tpu.memory_space<vmem>>, vector<16xf32>,
      %gather3A = tpu.vector_load_idx %arg27[%add3A_181, %broadcast_in_dim3A_5] : memref<1600x3xf32, #tpu.memory_space<vmem>>[vector<16xi32>, vector<16xi32>], vector<16xf32>,
      %gather3A_196 = tpu.vector_load_idx %arg27[%add3A_181, %broadcast_in_dim3A_7] : memref<1600x3xf32, #tpu.memory_space<vmem>>[vector<16xi32>, vector<16xi32>], vector<16xf32>,
      %gather3A_197 = tpu.vector_load_idx %arg27[%add3A_181, %broadcast_in_dim3A_9] : memref<1600x3xf32, #tpu.memory_space<vmem>>[vector<16xi32>, vector<16xi32>], vector<16xf32>,
      tpu.vector_store_idx %arg28[%add3A_181, %broadcast_in_dim3A_5], %gather3A : memref<1600x8xf32, #tpu.memory_space<vmem>>[vector<16xi32>, vector<16xi32>], vector<16xf32>,
      tpu.vector_store_idx %arg28[%add3A_181, %broadcast_in_dim3A_7], %gather3A_196 : memref<1600x8xf32, #tpu.memory_space<vmem>>[vector<16xi32>, vector<16xi32>], vector<16xf32>,
      tpu.vector_store_idx %arg28[%add3A_181, %broadcast_in_dim3A_9], %gather3A_197 : memref<1600x8xf32, #tpu.memory_space<vmem>>[vector<16xi32>, vector<16xi32>], vector<16xf32>,
      tpu.vector_store_idx %arg28[%add3A_181, %broadcast_in_dim3A_11], %add3A_187 : memref<1600x8xf32, #tpu.memory_space<vmem>>[vector<16xi32>, vector<16xi32>], vector<16xf32>,
    }
    %scan3A_34 = arith.constant 100 : i32
    "tpu.region"() ({
      %run_scoped3A_177 = tpu.sem_alloc : memref<!tpu.dma_semaphore, #tpu.memory_space<semaphore_mem>>
      %dma_start3A_178 = arith.constant 0 : i32
      %dma_start3A_179 = tpu.memref_slice %arg12[%arg0, %multiple_of3A_27, %dma_start3A_178] : memref<2x51200x8xf32, #tpu.memory_space<hbm>> -> memref<1x1600x8xf32, #tpu.memory_space<hbm>>
      %dma_start3A_180 = tpu.memref_squeeze %dma_start3A_179 : memref<1x1600x8xf32, #tpu.memory_space<hbm>> -> memref<1600x8xf32, #tpu.memory_space<hbm>>
      %dma_start3A_181 = arith.constant 0 : i32
      %dma_start3A_182 = tpu.memref_slice %arg12[%arg0, %multiple_of3A_27, %dma_start3A_181] : memref<2x51200x8xf32, #tpu.memory_space<hbm>> -> memref<1x1600x8xf32, #tpu.memory_space<hbm>>
      %dma_start3A_183 = tpu.memref_squeeze %dma_start3A_182 : memref<1x1600x8xf32, #tpu.memory_space<hbm>> -> memref<1600x8xf32, #tpu.memory_space<hbm>>
      tpu.enqueue_dma source(%arg28 : memref<1600x8xf32, #tpu.memory_space<vmem>>) target(%dma_start3A_183 : memref<1600x8xf32, #tpu.memory_space<hbm>>) target_semaphore(%run_scoped3A_177 : memref<!tpu.dma_semaphore, #tpu.memory_space<semaphore_mem>>)
      %dma_wait3A_184 = arith.constant 0 : i32
      %dma_wait3A_185 = tpu.memref_slice %arg12[%arg0, %multiple_of3A_27, %dma_wait3A_184] : memref<2x51200x8xf32, #tpu.memory_space<hbm>> -> memref<1x1600x8xf32, #tpu.memory_space<hbm>>
      %dma_wait3A_186 = tpu.memref_squeeze %dma_wait3A_185 : memref<1x1600x8xf32, #tpu.memory_space<hbm>> -> memref<1600x8xf32, #tpu.memory_space<hbm>>
      %dma_wait3A_187 = arith.constant 0 : i32
      %dma_wait3A_188 = tpu.memref_slice %arg12[%arg0, %multiple_of3A_27, %dma_wait3A_187] : memref<2x51200x8xf32, #tpu.memory_space<hbm>> -> memref<1x1600x8xf32, #tpu.memory_space<hbm>>
      %dma_wait3A_189 = tpu.memref_squeeze %dma_wait3A_188 : memref<1x1600x8xf32, #tpu.memory_space<hbm>> -> memref<1600x8xf32, #tpu.memory_space<hbm>>
      tpu.wait_dma2 semaphore(%run_scoped3A_177 : memref<!tpu.dma_semaphore, #tpu.memory_space<semaphore_mem>>) src(%arg28 : memref<1600x8xf32, #tpu.memory_space<vmem>>) dst(%dma_wait3A_189 : memref<1600x8xf32, #tpu.memory_space<hbm>>)
      tpu.yield
    }) : () -> ()
    %eq3A_35 = arith.constant 0 : i32
    %eq3A_36 = arith.cmpi eq, %arg0, %eq3A_35 : i32
    %convert_element_type3A_37 = arith.extui %eq3A_36 : i1 to i32
    %cond3A_38 = arith.constant 0 : i32
    %cond3A_39 = arith.cmpi ne, %convert_element_type3A_37, %cond3A_38 : i32
    scf.if %cond3A_39 {
      "tpu.region"() ({
        %run_scoped3A_177 = tpu.sem_alloc : memref<!tpu.dma_semaphore, #tpu.memory_space<semaphore_mem>>
        %dma_start3A_178 = arith.constant 0 : i32
        %dma_start3A_179 = tpu.memref_slice %arg23[%dma_start3A_178] : memref<2000xf32, #tpu.memory_space<vmem>> -> memref<1600xf32, #tpu.memory_space<vmem>>
        %dma_start3A_180 = tpu.memref_slice %arg13[%multiple_of3A_27] : memref<51200xf32, #tpu.memory_space<hbm>> -> memref<1600xf32, #tpu.memory_space<hbm>>
        %dma_start3A_181 = tpu.memref_slice %arg13[%multiple_of3A_27] : memref<51200xf32, #tpu.memory_space<hbm>> -> memref<1600xf32, #tpu.memory_space<hbm>>
        %dma_start3A_182 = arith.constant 0 : i32
        %dma_start3A_183 = tpu.memref_slice %arg23[%dma_start3A_182] : memref<2000xf32, #tpu.memory_space<vmem>> -> memref<1600xf32, #tpu.memory_space<vmem>>
        tpu.enqueue_dma source(%dma_start3A_183 : memref<1600xf32, #tpu.memory_space<vmem>>) target(%dma_start3A_181 : memref<1600xf32, #tpu.memory_space<hbm>>) target_semaphore(%run_scoped3A_177 : memref<!tpu.dma_semaphore, #tpu.memory_space<semaphore_mem>>)
        %dma_wait3A_184 = arith.constant 0 : i32
        %dma_wait3A_185 = tpu.memref_slice %arg23[%dma_wait3A_184] : memref<2000xf32, #tpu.memory_space<vmem>> -> memref<1600xf32, #tpu.memory_space<vmem>>
        %dma_wait3A_186 = tpu.memref_slice %arg13[%multiple_of3A_27] : memref<51200xf32, #tpu.memory_space<hbm>> -> memref<1600xf32, #tpu.memory_space<hbm>>
        %dma_wait3A_187 = tpu.memref_slice %arg13[%multiple_of3A_27] : memref<51200xf32, #tpu.memory_space<hbm>> -> memref<1600xf32, #tpu.memory_space<hbm>>
        %dma_wait3A_188 = arith.constant 0 : i32
        %dma_wait3A_189 = tpu.memref_slice %arg23[%dma_wait3A_188] : memref<2000xf32, #tpu.memory_space<vmem>> -> memref<1600xf32, #tpu.memory_space<vmem>>
        tpu.wait_dma2 semaphore(%run_scoped3A_177 : memref<!tpu.dma_semaphore, #tpu.memory_space<semaphore_mem>>) src(%dma_wait3A_189 : memref<1600xf32, #tpu.memory_space<vmem>>) dst(%dma_wait3A_187 : memref<1600xf32, #tpu.memory_space<hbm>>)
        tpu.yield
      }) : () -> ()
      "tpu.region"() ({
        %run_scoped3A_177 = tpu.sem_alloc : memref<!tpu.dma_semaphore, #tpu.memory_space<semaphore_mem>>
        %dma_start3A_178 = arith.constant 0 : i32
        %dma_start3A_179 = tpu.memref_slice %arg22[%dma_start3A_178] : memref<2000xf32, #tpu.memory_space<vmem>> -> memref<1600xf32, #tpu.memory_space<vmem>>
        %dma_start3A_180 = tpu.memref_slice %arg14[%multiple_of3A_27] : memref<51200xf32, #tpu.memory_space<hbm>> -> memref<1600xf32, #tpu.memory_space<hbm>>
        %dma_start3A_181 = tpu.memref_slice %arg14[%multiple_of3A_27] : memref<51200xf32, #tpu.memory_space<hbm>> -> memref<1600xf32, #tpu.memory_space<hbm>>
        %dma_start3A_182 = arith.constant 0 : i32
        %dma_start3A_183 = tpu.memref_slice %arg22[%dma_start3A_182] : memref<2000xf32, #tpu.memory_space<vmem>> -> memref<1600xf32, #tpu.memory_space<vmem>>
        tpu.enqueue_dma source(%dma_start3A_183 : memref<1600xf32, #tpu.memory_space<vmem>>) target(%dma_start3A_181 : memref<1600xf32, #tpu.memory_space<hbm>>) target_semaphore(%run_scoped3A_177 : memref<!tpu.dma_semaphore, #tpu.memory_space<semaphore_mem>>)
        %dma_wait3A_184 = arith.constant 0 : i32
        %dma_wait3A_185 = tpu.memref_slice %arg22[%dma_wait3A_184] : memref<2000xf32, #tpu.memory_space<vmem>> -> memref<1600xf32, #tpu.memory_space<vmem>>
        %dma_wait3A_186 = tpu.memref_slice %arg14[%multiple_of3A_27] : memref<51200xf32, #tpu.memory_space<hbm>> -> memref<1600xf32, #tpu.memory_space<hbm>>
        %dma_wait3A_187 = tpu.memref_slice %arg14[%multiple_of3A_27] : memref<51200xf32, #tpu.memory_space<hbm>> -> memref<1600xf32, #tpu.memory_space<hbm>>
        %dma_wait3A_188 = arith.constant 0 : i32
        %dma_wait3A_189 = tpu.memref_slice %arg22[%dma_wait3A_188] : memref<2000xf32, #tpu.memory_space<vmem>> -> memref<1600xf32, #tpu.memory_space<vmem>>
        tpu.wait_dma2 semaphore(%run_scoped3A_177 : memref<!tpu.dma_semaphore, #tpu.memory_space<semaphore_mem>>) src(%dma_wait3A_189 : memref<1600xf32, #tpu.memory_space<vmem>>) dst(%dma_wait3A_187 : memref<1600xf32, #tpu.memory_space<hbm>>)
        tpu.yield
      }) : () -> ()
    } else {
    }
    %barrier3A = arith.constant 0 : index
    tpu.barrier barrier_id(%barrier3A)
    "tpu.region"() ({
      %run_scoped3A_177 = tpu.sem_alloc : memref<!tpu.dma_semaphore, #tpu.memory_space<semaphore_mem>>
      %dma_start3A_178 = arith.constant 0 : i32
      %dma_start3A_179 = tpu.memref_slice %arg15[%dma_start3A_178] : memref<4000xi32, #tpu.memory_space<vmem>> -> memref<2000xi32, #tpu.memory_space<vmem>>
      %dma_start3A_180 = tpu.memref_slice %arg3[%mul3A_2] : memref<1600000xi32, #tpu.memory_space<hbm>> -> memref<2000xi32, #tpu.memory_space<hbm>>
      %dma_start3A_181 = arith.constant 0 : i32
      %dma_start3A_182 = tpu.memref_slice %arg15[%dma_start3A_181] : memref<4000xi32, #tpu.memory_space<vmem>> -> memref<2000xi32, #tpu.memory_space<vmem>>
      %dma_start3A_183 = tpu.memref_slice %arg3[%mul3A_2] : memref<1600000xi32, #tpu.memory_space<hbm>> -> memref<2000xi32, #tpu.memory_space<hbm>>
      tpu.enqueue_dma source(%dma_start3A_183 : memref<2000xi32, #tpu.memory_space<hbm>>) target(%dma_start3A_182 : memref<2000xi32, #tpu.memory_space<vmem>>) target_semaphore(%run_scoped3A_177 : memref<!tpu.dma_semaphore, #tpu.memory_space<semaphore_mem>>)
      %dma_wait3A_184 = arith.constant 0 : i32
      %dma_wait3A_185 = tpu.memref_slice %arg15[%dma_wait3A_184] : memref<4000xi32, #tpu.memory_space<vmem>> -> memref<2000xi32, #tpu.memory_space<vmem>>
      %dma_wait3A_186 = tpu.memref_slice %arg3[%mul3A_2] : memref<1600000xi32, #tpu.memory_space<hbm>> -> memref<2000xi32, #tpu.memory_space<hbm>>
      %dma_wait3A_187 = arith.constant 0 : i32
      %dma_wait3A_188 = tpu.memref_slice %arg15[%dma_wait3A_187] : memref<4000xi32, #tpu.memory_space<vmem>> -> memref<2000xi32, #tpu.memory_space<vmem>>
      %dma_wait3A_189 = tpu.memref_slice %arg3[%mul3A_2] : memref<1600000xi32, #tpu.memory_space<hbm>> -> memref<2000xi32, #tpu.memory_space<hbm>>
      tpu.wait_dma2 semaphore(%run_scoped3A_177 : memref<!tpu.dma_semaphore, #tpu.memory_space<semaphore_mem>>) src(%dma_wait3A_189 : memref<2000xi32, #tpu.memory_space<hbm>>) dst(%dma_wait3A_188 : memref<2000xi32, #tpu.memory_space<vmem>>)
      tpu.yield
    }) : () -> ()
    "tpu.region"() ({
      %run_scoped3A_177 = tpu.sem_alloc : memref<!tpu.dma_semaphore, #tpu.memory_space<semaphore_mem>>
      %dma_start3A_178 = arith.constant 0 : i32
      %dma_start3A_179 = tpu.memref_slice %arg16[%dma_start3A_178] : memref<4000xi32, #tpu.memory_space<vmem>> -> memref<2000xi32, #tpu.memory_space<vmem>>
      %dma_start3A_180 = tpu.memref_slice %arg4[%mul3A_2] : memref<1600000xi32, #tpu.memory_space<hbm>> -> memref<2000xi32, #tpu.memory_space<hbm>>
      %dma_start3A_181 = arith.constant 0 : i32
      %dma_start3A_182 = tpu.memref_slice %arg16[%dma_start3A_181] : memref<4000xi32, #tpu.memory_space<vmem>> -> memref<2000xi32, #tpu.memory_space<vmem>>
      %dma_start3A_183 = tpu.memref_slice %arg4[%mul3A_2] : memref<1600000xi32, #tpu.memory_space<hbm>> -> memref<2000xi32, #tpu.memory_space<hbm>>
      tpu.enqueue_dma source(%dma_start3A_183 : memref<2000xi32, #tpu.memory_space<hbm>>) target(%dma_start3A_182 : memref<2000xi32, #tpu.memory_space<vmem>>) target_semaphore(%run_scoped3A_177 : memref<!tpu.dma_semaphore, #tpu.memory_space<semaphore_mem>>)
      %dma_wait3A_184 = arith.constant 0 : i32
      %dma_wait3A_185 = tpu.memref_slice %arg16[%dma_wait3A_184] : memref<4000xi32, #tpu.memory_space<vmem>> -> memref<2000xi32, #tpu.memory_space<vmem>>
      %dma_wait3A_186 = tpu.memref_slice %arg4[%mul3A_2] : memref<1600000xi32, #tpu.memory_space<hbm>> -> memref<2000xi32, #tpu.memory_space<hbm>>
      %dma_wait3A_187 = arith.constant 0 : i32
      %dma_wait3A_188 = tpu.memref_slice %arg16[%dma_wait3A_187] : memref<4000xi32, #tpu.memory_space<vmem>> -> memref<2000xi32, #tpu.memory_space<vmem>>
      %dma_wait3A_189 = tpu.memref_slice %arg4[%mul3A_2] : memref<1600000xi32, #tpu.memory_space<hbm>> -> memref<2000xi32, #tpu.memory_space<hbm>>
      tpu.wait_dma2 semaphore(%run_scoped3A_177 : memref<!tpu.dma_semaphore, #tpu.memory_space<semaphore_mem>>) src(%dma_wait3A_189 : memref<2000xi32, #tpu.memory_space<hbm>>) dst(%dma_wait3A_188 : memref<2000xi32, #tpu.memory_space<vmem>>)
      tpu.yield
    }) : () -> ()
    %dma_start3A = arith.constant 0 : i32
    %dma_start3A_40 = arith.constant 0 : i32
    %dma_start3A_41 = tpu.memref_slice %arg18[%dma_start3A, %dma_start3A_40] : memref<4000x8xf32, #tpu.memory_space<vmem>> -> memref<2000x8xf32, #tpu.memory_space<vmem>>
    %dma_start3A_42 = arith.constant 0 : i32
    %dma_start3A_43 = tpu.memref_slice %arg15[%dma_start3A_42] : memref<4000xi32, #tpu.memory_space<vmem>> -> memref<2000xi32, #tpu.memory_space<vmem>>
    %dma_start3A_44 = arith.constant 0 : i32
    %dma_start3A_45 = arith.constant 0 : i32
    %dma_start3A_46 = tpu.memref_slice %arg12[%arg0, %dma_start3A_44, %dma_start3A_45] : memref<2x51200x8xf32, #tpu.memory_space<hbm>> -> memref<1x51200x8xf32, #tpu.memory_space<hbm>>
    %dma_start3A_47 = tpu.memref_squeeze %dma_start3A_46 : memref<1x51200x8xf32, #tpu.memory_space<hbm>> -> memref<51200x8xf32, #tpu.memory_space<hbm>>
    %dma_start3A_48 = arith.constant 0 : i32
    %dma_start3A_49 = arith.constant 0 : i32
    %dma_start3A_50 = tpu.memref_slice %dma_start3A_47[%dma_start3A_48, %dma_start3A_49] : memref<51200x8xf32, #tpu.memory_space<hbm>> -> memref<51200x8xf32, #tpu.memory_space<hbm>>
    tpu.enqueue_indirect_dma source(%dma_start3A_50 : memref<51200x8xf32, #tpu.memory_space<hbm>>) target(%dma_start3A_41 : memref<2000x8xf32, #tpu.memory_space<vmem>>) offsets(%dma_start3A_43 : memref<2000xi32, #tpu.memory_space<vmem>>) semaphore(%arg32 : memref<!tpu.dma_semaphore, #tpu.memory_space<semaphore_mem>>)
    %dma_start3A_51 = arith.constant 0 : i32
    %dma_start3A_52 = arith.constant 0 : i32
    %dma_start3A_53 = tpu.memref_slice %arg19[%dma_start3A_51, %dma_start3A_52] : memref<4000x8xf32, #tpu.memory_space<vmem>> -> memref<2000x8xf32, #tpu.memory_space<vmem>>
    %dma_start3A_54 = arith.constant 0 : i32
    %dma_start3A_55 = tpu.memref_slice %arg16[%dma_start3A_54] : memref<4000xi32, #tpu.memory_space<vmem>> -> memref<2000xi32, #tpu.memory_space<vmem>>
    %dma_start3A_56 = arith.constant 0 : i32
    %dma_start3A_57 = arith.constant 0 : i32
    %dma_start3A_58 = tpu.memref_slice %arg12[%arg0, %dma_start3A_56, %dma_start3A_57] : memref<2x51200x8xf32, #tpu.memory_space<hbm>> -> memref<1x51200x8xf32, #tpu.memory_space<hbm>>
    %dma_start3A_59 = tpu.memref_squeeze %dma_start3A_58 : memref<1x51200x8xf32, #tpu.memory_space<hbm>> -> memref<51200x8xf32, #tpu.memory_space<hbm>>
    %dma_start3A_60 = arith.constant 0 : i32
    %dma_start3A_61 = arith.constant 0 : i32
    %dma_start3A_62 = tpu.memref_slice %dma_start3A_59[%dma_start3A_60, %dma_start3A_61] : memref<51200x8xf32, #tpu.memory_space<hbm>> -> memref<51200x8xf32, #tpu.memory_space<hbm>>
    tpu.enqueue_indirect_dma source(%dma_start3A_62 : memref<51200x8xf32, #tpu.memory_space<hbm>>) target(%dma_start3A_53 : memref<2000x8xf32, #tpu.memory_space<vmem>>) offsets(%dma_start3A_55 : memref<2000xi32, #tpu.memory_space<vmem>>) semaphore(%arg33 : memref<!tpu.dma_semaphore, #tpu.memory_space<semaphore_mem>>)
    %scan3A_63 = arith.constant 0 : i32
    %scan3A_64 = arith.constant 12 : i32
    %scan3A_65 = arith.addi %scan3A_63, %scan3A_64 : i32
    %scan3A_66 = arith.constant 1 : i32
    scf.for %scan3A_177 = %scan3A_63 to %scan3A_65 step %scan3A_66  : i32 {
      %mul3A_178 = arith.constant 2 : i32
      %mul3A_179 = arith.muli %mul3A_178, %scan3A_177 : i32
      %add3A_180 = arith.constant 1 : i32
      %add3A_181 = arith.addi %mul3A_179, %add3A_180 : i32
      %mul3A_182 = arith.constant 2000 : i32
      %mul3A_183 = arith.muli %add3A_181, %mul3A_182 : i32
      %add3A_184 = arith.addi %mul3A_2, %mul3A_183 : i32
      "tpu.region"() ({
        %run_scoped3A_328 = tpu.sem_alloc : memref<!tpu.dma_semaphore, #tpu.memory_space<semaphore_mem>>
        %dma_start3A_329 = arith.constant 2000 : i32
        %dma_start3A_330 = tpu.memref_slice %arg15[%dma_start3A_329] : memref<4000xi32, #tpu.memory_space<vmem>> -> memref<2000xi32, #tpu.memory_space<vmem>>
        %dma_start3A_331 = tpu.memref_slice %arg3[%add3A_184] : memref<1600000xi32, #tpu.memory_space<hbm>> -> memref<2000xi32, #tpu.memory_space<hbm>>
        %dma_start3A_332 = arith.constant 2000 : i32
        %dma_start3A_333 = tpu.memref_slice %arg15[%dma_start3A_332] : memref<4000xi32, #tpu.memory_space<vmem>> -> memref<2000xi32, #tpu.memory_space<vmem>>
        %dma_start3A_334 = tpu.memref_slice %arg3[%add3A_184] : memref<1600000xi32, #tpu.memory_space<hbm>> -> memref<2000xi32, #tpu.memory_space<hbm>>
        tpu.enqueue_dma source(%dma_start3A_334 : memref<2000xi32, #tpu.memory_space<hbm>>) target(%dma_start3A_333 : memref<2000xi32, #tpu.memory_space<vmem>>) target_semaphore(%run_scoped3A_328 : memref<!tpu.dma_semaphore, #tpu.memory_space<semaphore_mem>>)
        %dma_wait3A_335 = arith.constant 2000 : i32
        %dma_wait3A_336 = tpu.memref_slice %arg15[%dma_wait3A_335] : memref<4000xi32, #tpu.memory_space<vmem>> -> memref<2000xi32, #tpu.memory_space<vmem>>
        %dma_wait3A_337 = tpu.memref_slice %arg3[%add3A_184] : memref<1600000xi32, #tpu.memory_space<hbm>> -> memref<2000xi32, #tpu.memory_space<hbm>>
        %dma_wait3A_338 = arith.constant 2000 : i32
        %dma_wait3A_339 = tpu.memref_slice %arg15[%dma_wait3A_338] : memref<4000xi32, #tpu.memory_space<vmem>> -> memref<2000xi32, #tpu.memory_space<vmem>>
        %dma_wait3A_340 = tpu.memref_slice %arg3[%add3A_184] : memref<1600000xi32, #tpu.memory_space<hbm>> -> memref<2000xi32, #tpu.memory_space<hbm>>
        tpu.wait_dma2 semaphore(%run_scoped3A_328 : memref<!tpu.dma_semaphore, #tpu.memory_space<semaphore_mem>>) src(%dma_wait3A_340 : memref<2000xi32, #tpu.memory_space<hbm>>) dst(%dma_wait3A_339 : memref<2000xi32, #tpu.memory_space<vmem>>)
        tpu.yield
      }) : () -> ()
      "tpu.region"() ({
        %run_scoped3A_328 = tpu.sem_alloc : memref<!tpu.dma_semaphore, #tpu.memory_space<semaphore_mem>>
        %dma_start3A_329 = arith.constant 2000 : i32
        %dma_start3A_330 = tpu.memref_slice %arg16[%dma_start3A_329] : memref<4000xi32, #tpu.memory_space<vmem>> -> memref<2000xi32, #tpu.memory_space<vmem>>
        %dma_start3A_331 = tpu.memref_slice %arg4[%add3A_184] : memref<1600000xi32, #tpu.memory_space<hbm>> -> memref<2000xi32, #tpu.memory_space<hbm>>
        %dma_start3A_332 = arith.constant 2000 : i32
        %dma_start3A_333 = tpu.memref_slice %arg16[%dma_start3A_332] : memref<4000xi32, #tpu.memory_space<vmem>> -> memref<2000xi32, #tpu.memory_space<vmem>>
        %dma_start3A_334 = tpu.memref_slice %arg4[%add3A_184] : memref<1600000xi32, #tpu.memory_space<hbm>> -> memref<2000xi32, #tpu.memory_space<hbm>>
        tpu.enqueue_dma source(%dma_start3A_334 : memref<2000xi32, #tpu.memory_space<hbm>>) target(%dma_start3A_333 : memref<2000xi32, #tpu.memory_space<vmem>>) target_semaphore(%run_scoped3A_328 : memref<!tpu.dma_semaphore, #tpu.memory_space<semaphore_mem>>)
        %dma_wait3A_335 = arith.constant 2000 : i32
        %dma_wait3A_336 = tpu.memref_slice %arg16[%dma_wait3A_335] : memref<4000xi32, #tpu.memory_space<vmem>> -> memref<2000xi32, #tpu.memory_space<vmem>>
        %dma_wait3A_337 = tpu.memref_slice %arg4[%add3A_184] : memref<1600000xi32, #tpu.memory_space<hbm>> -> memref<2000xi32, #tpu.memory_space<hbm>>
        %dma_wait3A_338 = arith.constant 2000 : i32
        %dma_wait3A_339 = tpu.memref_slice %arg16[%dma_wait3A_338] : memref<4000xi32, #tpu.memory_space<vmem>> -> memref<2000xi32, #tpu.memory_space<vmem>>
        %dma_wait3A_340 = tpu.memref_slice %arg4[%add3A_184] : memref<1600000xi32, #tpu.memory_space<hbm>> -> memref<2000xi32, #tpu.memory_space<hbm>>
        tpu.wait_dma2 semaphore(%run_scoped3A_328 : memref<!tpu.dma_semaphore, #tpu.memory_space<semaphore_mem>>) src(%dma_wait3A_340 : memref<2000xi32, #tpu.memory_space<hbm>>) dst(%dma_wait3A_339 : memref<2000xi32, #tpu.memory_space<vmem>>)
        tpu.yield
      }) : () -> ()
      %dma_start3A_185 = arith.constant 2000 : i32
      %dma_start3A_186 = arith.constant 0 : i32
      %dma_start3A_187 = tpu.memref_slice %arg18[%dma_start3A_185, %dma_start3A_186] : memref<4000x8xf32, #tpu.memory_space<vmem>> -> memref<2000x8xf32, #tpu.memory_space<vmem>>
      %dma_start3A_188 = arith.constant 2000 : i32
      %dma_start3A_189 = tpu.memref_slice %arg15[%dma_start3A_188] : memref<4000xi32, #tpu.memory_space<vmem>> -> memref<2000xi32, #tpu.memory_space<vmem>>
      %dma_start3A_190 = arith.constant 0 : i32
      %dma_start3A_191 = arith.constant 0 : i32
      %dma_start3A_192 = tpu.memref_slice %arg12[%arg0, %dma_start3A_190, %dma_start3A_191] : memref<2x51200x8xf32, #tpu.memory_space<hbm>> -> memref<1x51200x8xf32, #tpu.memory_space<hbm>>
      %dma_start3A_193 = tpu.memref_squeeze %dma_start3A_192 : memref<1x51200x8xf32, #tpu.memory_space<hbm>> -> memref<51200x8xf32, #tpu.memory_space<hbm>>
      %dma_start3A_194 = arith.constant 0 : i32
      %dma_start3A_195 = arith.constant 0 : i32
      %dma_start3A_196 = tpu.memref_slice %dma_start3A_193[%dma_start3A_194, %dma_start3A_195] : memref<51200x8xf32, #tpu.memory_space<hbm>> -> memref<51200x8xf32, #tpu.memory_space<hbm>>
      tpu.enqueue_indirect_dma source(%dma_start3A_196 : memref<51200x8xf32, #tpu.memory_space<hbm>>) target(%dma_start3A_187 : memref<2000x8xf32, #tpu.memory_space<vmem>>) offsets(%dma_start3A_189 : memref<2000xi32, #tpu.memory_space<vmem>>) semaphore(%arg34 : memref<!tpu.dma_semaphore, #tpu.memory_space<semaphore_mem>>)
      %dma_start3A_197 = arith.constant 2000 : i32
      %dma_start3A_198 = arith.constant 0 : i32
      %dma_start3A_199 = tpu.memref_slice %arg19[%dma_start3A_197, %dma_start3A_198] : memref<4000x8xf32, #tpu.memory_space<vmem>> -> memref<2000x8xf32, #tpu.memory_space<vmem>>
      %dma_start3A_200 = arith.constant 2000 : i32
      %dma_start3A_201 = tpu.memref_slice %arg16[%dma_start3A_200] : memref<4000xi32, #tpu.memory_space<vmem>> -> memref<2000xi32, #tpu.memory_space<vmem>>
      %dma_start3A_202 = arith.constant 0 : i32
      %dma_start3A_203 = arith.constant 0 : i32
      %dma_start3A_204 = tpu.memref_slice %arg12[%arg0, %dma_start3A_202, %dma_start3A_203] : memref<2x51200x8xf32, #tpu.memory_space<hbm>> -> memref<1x51200x8xf32, #tpu.memory_space<hbm>>
      %dma_start3A_205 = tpu.memref_squeeze %dma_start3A_204 : memref<1x51200x8xf32, #tpu.memory_space<hbm>> -> memref<51200x8xf32, #tpu.memory_space<hbm>>
      %dma_start3A_206 = arith.constant 0 : i32
      %dma_start3A_207 = arith.constant 0 : i32
      %dma_start3A_208 = tpu.memref_slice %dma_start3A_205[%dma_start3A_206, %dma_start3A_207] : memref<51200x8xf32, #tpu.memory_space<hbm>> -> memref<51200x8xf32, #tpu.memory_space<hbm>>
      tpu.enqueue_indirect_dma source(%dma_start3A_208 : memref<51200x8xf32, #tpu.memory_space<hbm>>) target(%dma_start3A_199 : memref<2000x8xf32, #tpu.memory_space<vmem>>) offsets(%dma_start3A_201 : memref<2000xi32, #tpu.memory_space<vmem>>) semaphore(%arg35 : memref<!tpu.dma_semaphore, #tpu.memory_space<semaphore_mem>>)
      %dma_wait3A_209 = arith.constant 0 : i32
      %dma_wait3A_210 = arith.constant 0 : i32
      %dma_wait3A_211 = tpu.memref_slice %arg18[%dma_wait3A_209, %dma_wait3A_210] : memref<4000x8xf32, #tpu.memory_space<vmem>> -> memref<2000x8xf32, #tpu.memory_space<vmem>>
      %dma_wait3A_212 = arith.constant 0 : i32
      %dma_wait3A_213 = tpu.memref_slice %arg15[%dma_wait3A_212] : memref<4000xi32, #tpu.memory_space<vmem>> -> memref<2000xi32, #tpu.memory_space<vmem>>
      %dma_wait3A_214 = arith.constant 0 : i32
      %dma_wait3A_215 = arith.constant 0 : i32
      %dma_wait3A_216 = tpu.memref_slice %arg12[%arg0, %dma_wait3A_214, %dma_wait3A_215] : memref<2x51200x8xf32, #tpu.memory_space<hbm>> -> memref<1x51200x8xf32, #tpu.memory_space<hbm>>
      %dma_wait3A_217 = tpu.memref_squeeze %dma_wait3A_216 : memref<1x51200x8xf32, #tpu.memory_space<hbm>> -> memref<51200x8xf32, #tpu.memory_space<hbm>>
      %dma_wait3A_218 = arith.constant 0 : i32
      %dma_wait3A_219 = arith.constant 0 : i32
      %dma_wait3A_220 = tpu.memref_slice %dma_wait3A_217[%dma_wait3A_218, %dma_wait3A_219] : memref<51200x8xf32, #tpu.memory_space<hbm>> -> memref<51200x8xf32, #tpu.memory_space<hbm>>
      tpu.wait_indirect_dma semaphore(%arg32 : memref<!tpu.dma_semaphore, #tpu.memory_space<semaphore_mem>>) src(%dma_wait3A_220 : memref<51200x8xf32, #tpu.memory_space<hbm>>) dst(%dma_wait3A_211 : memref<2000x8xf32, #tpu.memory_space<vmem>>)
      %dma_wait3A_221 = arith.constant 0 : i32
      %dma_wait3A_222 = arith.constant 0 : i32
      %dma_wait3A_223 = tpu.memref_slice %arg19[%dma_wait3A_221, %dma_wait3A_222] : memref<4000x8xf32, #tpu.memory_space<vmem>> -> memref<2000x8xf32, #tpu.memory_space<vmem>>
      %dma_wait3A_224 = arith.constant 0 : i32
      %dma_wait3A_225 = tpu.memref_slice %arg16[%dma_wait3A_224] : memref<4000xi32, #tpu.memory_space<vmem>> -> memref<2000xi32, #tpu.memory_space<vmem>>
      %dma_wait3A_226 = arith.constant 0 : i32
      %dma_wait3A_227 = arith.constant 0 : i32
      %dma_wait3A_228 = tpu.memref_slice %arg12[%arg0, %dma_wait3A_226, %dma_wait3A_227] : memref<2x51200x8xf32, #tpu.memory_space<hbm>> -> memref<1x51200x8xf32, #tpu.memory_space<hbm>>
      %dma_wait3A_229 = tpu.memref_squeeze %dma_wait3A_228 : memref<1x51200x8xf32, #tpu.memory_space<hbm>> -> memref<51200x8xf32, #tpu.memory_space<hbm>>
      %dma_wait3A_230 = arith.constant 0 : i32
      %dma_wait3A_231 = arith.constant 0 : i32
      %dma_wait3A_232 = tpu.memref_slice %dma_wait3A_229[%dma_wait3A_230, %dma_wait3A_231] : memref<51200x8xf32, #tpu.memory_space<hbm>> -> memref<51200x8xf32, #tpu.memory_space<hbm>>
      tpu.wait_indirect_dma semaphore(%arg33 : memref<!tpu.dma_semaphore, #tpu.memory_space<semaphore_mem>>) src(%dma_wait3A_232 : memref<51200x8xf32, #tpu.memory_space<hbm>>) dst(%dma_wait3A_223 : memref<2000x8xf32, #tpu.memory_space<vmem>>)
      %ge3A = arith.constant 2 : i32
      %ge3A_233 = arith.cmpi sge, %mul3A_179, %ge3A : i32
      %convert_element_type3A_234 = arith.extui %ge3A_233 : i1 to i32
      %cond3A_235 = arith.constant 0 : i32
      %cond3A_236 = arith.cmpi ne, %convert_element_type3A_234, %cond3A_235 : i32
      scf.if %cond3A_236 {
        %dma_wait3A_328 = arith.constant 0 : i32
        %dma_wait3A_329 = tpu.memref_slice %arg24[%dma_wait3A_328] : memref<4000xf32, #tpu.memory_space<vmem>> -> memref<2000xf32, #tpu.memory_space<vmem>>
        %dma_wait3A_330 = arith.constant 0 : i32
        %dma_wait3A_331 = tpu.memref_slice %arg17[%dma_wait3A_330] : memref<4000xi32, #tpu.memory_space<vmem>> -> memref<2000xi32, #tpu.memory_space<vmem>>
        %dma_wait3A_332 = arith.constant 0 : i32
        %dma_wait3A_333 = tpu.memref_slice %arg29[%dma_wait3A_332] : memref<50048xf32, #tpu.memory_space<vmem_shared>> -> memref<50048xf32, #tpu.memory_space<vmem_shared>>
        tpu.wait_indirect_dma semaphore(%arg36 : memref<!tpu.dma_semaphore, #tpu.memory_space<semaphore_mem>>) src(%dma_wait3A_329 : memref<2000xf32, #tpu.memory_space<vmem>>) dst(%dma_wait3A_333 : memref<50048xf32, #tpu.memory_space<vmem_shared>>)
        %dma_wait3A_334 = arith.constant 0 : i32
        %dma_wait3A_335 = tpu.memref_slice %arg25[%dma_wait3A_334] : memref<4000xf32, #tpu.memory_space<vmem>> -> memref<2000xf32, #tpu.memory_space<vmem>>
        %dma_wait3A_336 = arith.constant 0 : i32
        %dma_wait3A_337 = tpu.memref_slice %arg17[%dma_wait3A_336] : memref<4000xi32, #tpu.memory_space<vmem>> -> memref<2000xi32, #tpu.memory_space<vmem>>
        %dma_wait3A_338 = arith.constant 0 : i32
        %dma_wait3A_339 = tpu.memref_slice %arg30[%dma_wait3A_338] : memref<50048xf32, #tpu.memory_space<vmem_shared>> -> memref<50048xf32, #tpu.memory_space<vmem_shared>>
        tpu.wait_indirect_dma semaphore(%arg36 : memref<!tpu.dma_semaphore, #tpu.memory_space<semaphore_mem>>) src(%dma_wait3A_335 : memref<2000xf32, #tpu.memory_space<vmem>>) dst(%dma_wait3A_339 : memref<50048xf32, #tpu.memory_space<vmem_shared>>)
        %dma_wait3A_340 = arith.constant 0 : i32
        %dma_wait3A_341 = tpu.memref_slice %arg26[%dma_wait3A_340] : memref<4000xf32, #tpu.memory_space<vmem>> -> memref<2000xf32, #tpu.memory_space<vmem>>
        %dma_wait3A_342 = arith.constant 0 : i32
        %dma_wait3A_343 = tpu.memref_slice %arg17[%dma_wait3A_342] : memref<4000xi32, #tpu.memory_space<vmem>> -> memref<2000xi32, #tpu.memory_space<vmem>>
        %dma_wait3A_344 = arith.constant 0 : i32
        %dma_wait3A_345 = tpu.memref_slice %arg31[%dma_wait3A_344] : memref<50048xf32, #tpu.memory_space<vmem_shared>> -> memref<50048xf32, #tpu.memory_space<vmem_shared>>
        tpu.wait_indirect_dma semaphore(%arg36 : memref<!tpu.dma_semaphore, #tpu.memory_space<semaphore_mem>>) src(%dma_wait3A_341 : memref<2000xf32, #tpu.memory_space<vmem>>) dst(%dma_wait3A_345 : memref<50048xf32, #tpu.memory_space<vmem_shared>>)
      } else {
      }
      %mul3A_237 = arith.constant 2000 : i32
      %mul3A_238 = arith.muli %mul3A_179, %mul3A_237 : i32
      %add3A_239 = arith.addi %mul3A_2, %mul3A_238 : i32
      %multiple_of3A_240 = tpu.assume_multiple %add3A_239, 8 : i32
      "tpu.region"() ({
        %run_scoped3A_328 = tpu.sem_alloc : memref<!tpu.dma_semaphore, #tpu.memory_space<semaphore_mem>>
        %dma_start3A_329 = arith.constant 0 : i32
        %dma_start3A_330 = tpu.memref_slice %arg17[%dma_start3A_329] : memref<4000xi32, #tpu.memory_space<vmem>> -> memref<2000xi32, #tpu.memory_space<vmem>>
        %dma_start3A_331 = tpu.memref_slice %arg3[%multiple_of3A_240] : memref<1600000xi32, #tpu.memory_space<hbm>> -> memref<2000xi32, #tpu.memory_space<hbm>>
        %dma_start3A_332 = arith.constant 0 : i32
        %dma_start3A_333 = tpu.memref_slice %arg17[%dma_start3A_332] : memref<4000xi32, #tpu.memory_space<vmem>> -> memref<2000xi32, #tpu.memory_space<vmem>>
        %dma_start3A_334 = tpu.memref_slice %arg3[%multiple_of3A_240] : memref<1600000xi32, #tpu.memory_space<hbm>> -> memref<2000xi32, #tpu.memory_space<hbm>>
        tpu.enqueue_dma source(%dma_start3A_334 : memref<2000xi32, #tpu.memory_space<hbm>>) target(%dma_start3A_333 : memref<2000xi32, #tpu.memory_space<vmem>>) target_semaphore(%run_scoped3A_328 : memref<!tpu.dma_semaphore, #tpu.memory_space<semaphore_mem>>)
        %dma_wait3A_335 = arith.constant 0 : i32
        %dma_wait3A_336 = tpu.memref_slice %arg17[%dma_wait3A_335] : memref<4000xi32, #tpu.memory_space<vmem>> -> memref<2000xi32, #tpu.memory_space<vmem>>
        %dma_wait3A_337 = tpu.memref_slice %arg3[%multiple_of3A_240] : memref<1600000xi32, #tpu.memory_space<hbm>> -> memref<2000xi32, #tpu.memory_space<hbm>>
        %dma_wait3A_338 = arith.constant 0 : i32
        %dma_wait3A_339 = tpu.memref_slice %arg17[%dma_wait3A_338] : memref<4000xi32, #tpu.memory_space<vmem>> -> memref<2000xi32, #tpu.memory_space<vmem>>
        %dma_wait3A_340 = tpu.memref_slice %arg3[%multiple_of3A_240] : memref<1600000xi32, #tpu.memory_space<hbm>> -> memref<2000xi32, #tpu.memory_space<hbm>>
        tpu.wait_dma2 semaphore(%run_scoped3A_328 : memref<!tpu.dma_semaphore, #tpu.memory_space<semaphore_mem>>) src(%dma_wait3A_340 : memref<2000xi32, #tpu.memory_space<hbm>>) dst(%dma_wait3A_339 : memref<2000xi32, #tpu.memory_space<vmem>>)
        tpu.yield
      }) : () -> ()
      "tpu.region"() ({
        %run_scoped3A_328 = tpu.sem_alloc : memref<!tpu.dma_semaphore, #tpu.memory_space<semaphore_mem>>
        %dma_start3A_329 = tpu.memref_slice %arg6[%multiple_of3A_240] : memref<1600000xf32, #tpu.memory_space<hbm>> -> memref<2000xf32, #tpu.memory_space<hbm>>
        %dma_start3A_330 = tpu.memref_slice %arg6[%multiple_of3A_240] : memref<1600000xf32, #tpu.memory_space<hbm>> -> memref<2000xf32, #tpu.memory_space<hbm>>
        tpu.enqueue_dma source(%dma_start3A_330 : memref<2000xf32, #tpu.memory_space<hbm>>) target(%arg20 : memref<2000xf32, #tpu.memory_space<vmem>>) target_semaphore(%run_scoped3A_328 : memref<!tpu.dma_semaphore, #tpu.memory_space<semaphore_mem>>)
        %dma_wait3A_331 = tpu.memref_slice %arg6[%multiple_of3A_240] : memref<1600000xf32, #tpu.memory_space<hbm>> -> memref<2000xf32, #tpu.memory_space<hbm>>
        %dma_wait3A_332 = tpu.memref_slice %arg6[%multiple_of3A_240] : memref<1600000xf32, #tpu.memory_space<hbm>> -> memref<2000xf32, #tpu.memory_space<hbm>>
        tpu.wait_dma2 semaphore(%run_scoped3A_328 : memref<!tpu.dma_semaphore, #tpu.memory_space<semaphore_mem>>) src(%dma_wait3A_332 : memref<2000xf32, #tpu.memory_space<hbm>>) dst(%arg20 : memref<2000xf32, #tpu.memory_space<vmem>>)
        tpu.yield
      }) : () -> ()
      "tpu.region"() ({
        %run_scoped3A_328 = tpu.sem_alloc : memref<!tpu.dma_semaphore, #tpu.memory_space<semaphore_mem>>
        %dma_start3A_329 = tpu.memref_slice %arg7[%multiple_of3A_240] : memref<1600000xf32, #tpu.memory_space<hbm>> -> memref<2000xf32, #tpu.memory_space<hbm>>
        %dma_start3A_330 = tpu.memref_slice %arg7[%multiple_of3A_240] : memref<1600000xf32, #tpu.memory_space<hbm>> -> memref<2000xf32, #tpu.memory_space<hbm>>
        tpu.enqueue_dma source(%dma_start3A_330 : memref<2000xf32, #tpu.memory_space<hbm>>) target(%arg21 : memref<2000xf32, #tpu.memory_space<vmem>>) target_semaphore(%run_scoped3A_328 : memref<!tpu.dma_semaphore, #tpu.memory_space<semaphore_mem>>)
        %dma_wait3A_331 = tpu.memref_slice %arg7[%multiple_of3A_240] : memref<1600000xf32, #tpu.memory_space<hbm>> -> memref<2000xf32, #tpu.memory_space<hbm>>
        %dma_wait3A_332 = tpu.memref_slice %arg7[%multiple_of3A_240] : memref<1600000xf32, #tpu.memory_space<hbm>> -> memref<2000xf32, #tpu.memory_space<hbm>>
        tpu.wait_dma2 semaphore(%run_scoped3A_328 : memref<!tpu.dma_semaphore, #tpu.memory_space<semaphore_mem>>) src(%dma_wait3A_332 : memref<2000xf32, #tpu.memory_space<hbm>>) dst(%arg21 : memref<2000xf32, #tpu.memory_space<vmem>>)
        tpu.yield
      }) : () -> ()
      "tpu.region"() ({
        %run_scoped3A_328 = tpu.sem_alloc : memref<!tpu.dma_semaphore, #tpu.memory_space<semaphore_mem>>
        %dma_start3A_329 = tpu.memref_slice %arg8[%multiple_of3A_240] : memref<1600000xf32, #tpu.memory_space<hbm>> -> memref<2000xf32, #tpu.memory_space<hbm>>
        %dma_start3A_330 = tpu.memref_slice %arg8[%multiple_of3A_240] : memref<1600000xf32, #tpu.memory_space<hbm>> -> memref<2000xf32, #tpu.memory_space<hbm>>
        tpu.enqueue_dma source(%dma_start3A_330 : memref<2000xf32, #tpu.memory_space<hbm>>) target(%arg22 : memref<2000xf32, #tpu.memory_space<vmem>>) target_semaphore(%run_scoped3A_328 : memref<!tpu.dma_semaphore, #tpu.memory_space<semaphore_mem>>)
        %dma_wait3A_331 = tpu.memref_slice %arg8[%multiple_of3A_240] : memref<1600000xf32, #tpu.memory_space<hbm>> -> memref<2000xf32, #tpu.memory_space<hbm>>
        %dma_wait3A_332 = tpu.memref_slice %arg8[%multiple_of3A_240] : memref<1600000xf32, #tpu.memory_space<hbm>> -> memref<2000xf32, #tpu.memory_space<hbm>>
        tpu.wait_dma2 semaphore(%run_scoped3A_328 : memref<!tpu.dma_semaphore, #tpu.memory_space<semaphore_mem>>) src(%dma_wait3A_332 : memref<2000xf32, #tpu.memory_space<hbm>>) dst(%arg22 : memref<2000xf32, #tpu.memory_space<vmem>>)
        tpu.yield
      }) : () -> ()
      "tpu.region"() ({
        %run_scoped3A_328 = tpu.sem_alloc : memref<!tpu.dma_semaphore, #tpu.memory_space<semaphore_mem>>
        %dma_start3A_329 = tpu.memref_slice %arg9[%multiple_of3A_240] : memref<1600000xf32, #tpu.memory_space<hbm>> -> memref<2000xf32, #tpu.memory_space<hbm>>
        %dma_start3A_330 = tpu.memref_slice %arg9[%multiple_of3A_240] : memref<1600000xf32, #tpu.memory_space<hbm>> -> memref<2000xf32, #tpu.memory_space<hbm>>
        tpu.enqueue_dma source(%dma_start3A_330 : memref<2000xf32, #tpu.memory_space<hbm>>) target(%arg23 : memref<2000xf32, #tpu.memory_space<vmem>>) target_semaphore(%run_scoped3A_328 : memref<!tpu.dma_semaphore, #tpu.memory_space<semaphore_mem>>)
        %dma_wait3A_331 = tpu.memref_slice %arg9[%multiple_of3A_240] : memref<1600000xf32, #tpu.memory_space<hbm>> -> memref<2000xf32, #tpu.memory_space<hbm>>
        %dma_wait3A_332 = tpu.memref_slice %arg9[%multiple_of3A_240] : memref<1600000xf32, #tpu.memory_space<hbm>> -> memref<2000xf32, #tpu.memory_space<hbm>>
        tpu.wait_dma2 semaphore(%run_scoped3A_328 : memref<!tpu.dma_semaphore, #tpu.memory_space<semaphore_mem>>) src(%dma_wait3A_332 : memref<2000xf32, #tpu.memory_space<hbm>>) dst(%arg23 : memref<2000xf32, #tpu.memory_space<vmem>>)
        tpu.yield
      }) : () -> ()
      %scan3A_241 = arith.constant 0 : i32
      %scan3A_242 = arith.constant 125 : i32
      %scan3A_243 = arith.addi %scan3A_241, %scan3A_242 : i32
      %scan3A_244 = arith.constant 1 : i32
      scf.for %scan3A_328 = %scan3A_241 to %scan3A_243 step %scan3A_244  : i32 {
        %mul3A_329 = arith.constant 16 : i32
        %mul3A_330 = arith.muli %scan3A_328, %mul3A_329 : i32
        %add3A_331 = vector.broadcast %mul3A_330 : i32 to vector<16xi32>
        %add3A_332 = arith.addi %add3A_331, %iota3A : vector<16xi32>
        %gather3A = arith.constant 0 : i32
        %gather3A_333 = arith.constant 0 : i32
        %gather3A_334 = tpu.memref_slice %arg18[%gather3A, %gather3A_333] : memref<4000x8xf32, #tpu.memory_space<vmem>> -> memref<2000x8xf32, #tpu.memory_space<vmem>>
        %gather3A_335 = tpu.vector_load_idx %gather3A_334[%add3A_332, %broadcast_in_dim3A_5] : memref<2000x8xf32, #tpu.memory_space<vmem>>[vector<16xi32>, vector<16xi32>], vector<16xf32>,
        %gather3A_336 = arith.constant 0 : i32
        %gather3A_337 = arith.constant 0 : i32
        %gather3A_338 = tpu.memref_slice %arg18[%gather3A_336, %gather3A_337] : memref<4000x8xf32, #tpu.memory_space<vmem>> -> memref<2000x8xf32, #tpu.memory_space<vmem>>
        %gather3A_339 = tpu.vector_load_idx %gather3A_338[%add3A_332, %broadcast_in_dim3A_7] : memref<2000x8xf32, #tpu.memory_space<vmem>>[vector<16xi32>, vector<16xi32>], vector<16xf32>,
        %gather3A_340 = arith.constant 0 : i32
        %gather3A_341 = arith.constant 0 : i32
        %gather3A_342 = tpu.memref_slice %arg18[%gather3A_340, %gather3A_341] : memref<4000x8xf32, #tpu.memory_space<vmem>> -> memref<2000x8xf32, #tpu.memory_space<vmem>>
        %gather3A_343 = tpu.vector_load_idx %gather3A_342[%add3A_332, %broadcast_in_dim3A_9] : memref<2000x8xf32, #tpu.memory_space<vmem>>[vector<16xi32>, vector<16xi32>], vector<16xf32>,
        %gather3A_344 = arith.constant 0 : i32
        %gather3A_345 = arith.constant 0 : i32
        %gather3A_346 = tpu.memref_slice %arg18[%gather3A_344, %gather3A_345] : memref<4000x8xf32, #tpu.memory_space<vmem>> -> memref<2000x8xf32, #tpu.memory_space<vmem>>
        %gather3A_347 = tpu.vector_load_idx %gather3A_346[%add3A_332, %broadcast_in_dim3A_11] : memref<2000x8xf32, #tpu.memory_space<vmem>>[vector<16xi32>, vector<16xi32>], vector<16xf32>,
        %gather3A_348 = arith.constant 0 : i32
        %gather3A_349 = arith.constant 0 : i32
        %gather3A_350 = tpu.memref_slice %arg19[%gather3A_348, %gather3A_349] : memref<4000x8xf32, #tpu.memory_space<vmem>> -> memref<2000x8xf32, #tpu.memory_space<vmem>>
        %gather3A_351 = tpu.vector_load_idx %gather3A_350[%add3A_332, %broadcast_in_dim3A_5] : memref<2000x8xf32, #tpu.memory_space<vmem>>[vector<16xi32>, vector<16xi32>], vector<16xf32>,
        %gather3A_352 = arith.constant 0 : i32
        %gather3A_353 = arith.constant 0 : i32
        %gather3A_354 = tpu.memref_slice %arg19[%gather3A_352, %gather3A_353] : memref<4000x8xf32, #tpu.memory_space<vmem>> -> memref<2000x8xf32, #tpu.memory_space<vmem>>
        %gather3A_355 = tpu.vector_load_idx %gather3A_354[%add3A_332, %broadcast_in_dim3A_7] : memref<2000x8xf32, #tpu.memory_space<vmem>>[vector<16xi32>, vector<16xi32>], vector<16xf32>,
        %gather3A_356 = arith.constant 0 : i32
        %gather3A_357 = arith.constant 0 : i32
        %gather3A_358 = tpu.memref_slice %arg19[%gather3A_356, %gather3A_357] : memref<4000x8xf32, #tpu.memory_space<vmem>> -> memref<2000x8xf32, #tpu.memory_space<vmem>>
        %gather3A_359 = tpu.vector_load_idx %gather3A_358[%add3A_332, %broadcast_in_dim3A_9] : memref<2000x8xf32, #tpu.memory_space<vmem>>[vector<16xi32>, vector<16xi32>], vector<16xf32>,
        %gather3A_360 = arith.constant 0 : i32
        %gather3A_361 = arith.constant 0 : i32
        %gather3A_362 = tpu.memref_slice %arg19[%gather3A_360, %gather3A_361] : memref<4000x8xf32, #tpu.memory_space<vmem>> -> memref<2000x8xf32, #tpu.memory_space<vmem>>
        %gather3A_363 = tpu.vector_load_idx %gather3A_362[%add3A_332, %broadcast_in_dim3A_11] : memref<2000x8xf32, #tpu.memory_space<vmem>>[vector<16xi32>, vector<16xi32>], vector<16xf32>,
        %mul3A_364 = arith.constant 16 : i32
        %mul3A_365 = arith.muli %scan3A_328, %mul3A_364 : i32
        %get3A = arith.index_cast %mul3A_365 : i32 to index
        %get3A_366 = tpu.vector_load %arg20[%get3A] {strides = array<i32>} : memref<2000xf32, #tpu.memory_space<vmem>>, vector<16xf32>,
        %get3A_367 = arith.index_cast %mul3A_365 : i32 to index
        %get3A_368 = tpu.vector_load %arg21[%get3A_367] {strides = array<i32>} : memref<2000xf32, #tpu.memory_space<vmem>>, vector<16xf32>,
        %get3A_369 = arith.index_cast %mul3A_365 : i32 to index
        %get3A_370 = tpu.vector_load %arg22[%get3A_369] {strides = array<i32>} : memref<2000xf32, #tpu.memory_space<vmem>>, vector<16xf32>,
        %get3A_371 = arith.index_cast %mul3A_365 : i32 to index
        %get3A_372 = tpu.vector_load %arg23[%get3A_371] {strides = array<i32>} : memref<2000xf32, #tpu.memory_space<vmem>>, vector<16xf32>,
        %div3A = arith.constant 1.000000e+00 : f32
        %div3A_373 = vector.broadcast %div3A : f32 to vector<16xf32>
        %div3A_374 = arith.divf %div3A_373, %gather3A_347 : vector<16xf32>
        %div3A_375 = arith.constant 1.000000e+00 : f32
        %div3A_376 = vector.broadcast %div3A_375 : f32 to vector<16xf32>
        %div3A_377 = arith.divf %div3A_376, %gather3A_363 : vector<16xf32>
        %mul3A_378 = arith.mulf %div3A_374, %div3A_374 : vector<16xf32>
        %mul3A_379 = arith.mulf %div3A_377, %div3A_377 : vector<16xf32>
        %add3A_380 = arith.addf %mul3A_378, %mul3A_379 : vector<16xf32>
        %mul3A_381 = arith.mulf %add3A_380, %get3A_372 : vector<16xf32>
        %mul3A_382 = arith.constant 2.000000e+00 : f32
        %mul3A_383 = vector.broadcast %mul3A_382 : f32 to vector<16xf32>
        %mul3A_384 = arith.mulf %mul3A_383, %gather3A_347 : vector<16xf32>
        %mul3A_385 = arith.mulf %mul3A_384, %gather3A_363 : vector<16xf32>
        %sub3A = arith.subf %mul3A_385, %gather3A_347 : vector<16xf32>
        %sub3A_386 = arith.subf %sub3A, %gather3A_363 : vector<16xf32>
        %mul3A_387 = arith.constant 1.000000e+02 : f32
        %mul3A_388 = vector.broadcast %mul3A_387 : f32 to vector<16xf32>
        %mul3A_389 = arith.mulf %mul3A_388, %sub3A_386 : vector<16xf32>
        %add3A_390 = arith.addf %gather3A_347, %gather3A_363 : vector<16xf32>
        %div3A_391 = arith.divf %mul3A_389, %add3A_390 : vector<16xf32>
        %neg3A = arith.constant 0.000000e+00 : f32
        %neg3A_392 = vector.broadcast %neg3A : f32 to vector<16xf32>
        %neg3A_393 = arith.subf %neg3A_392, %div3A_391 : vector<16xf32>
        %mul3A_394 = arith.mulf %neg3A_393, %get3A_366 : vector<16xf32>
        %sub3A_395 = arith.subf %gather3A_335, %gather3A_351 : vector<16xf32>
        %mul3A_396 = arith.constant 0.00999999511 : f32
        %mul3A_397 = vector.broadcast %mul3A_396 : f32 to vector<16xf32>
        %mul3A_398 = arith.mulf %mul3A_397, %sub3A_395 : vector<16xf32>
        %add3A_399 = arith.addf %mul3A_394, %mul3A_398 : vector<16xf32>
        %mul3A_400 = arith.mulf %mul3A_381, %add3A_399 : vector<16xf32>
        %swap3A = arith.constant 0 : i32
        %swap3A_401 = tpu.memref_slice %arg24[%swap3A] : memref<4000xf32, #tpu.memory_space<vmem>> -> memref<2000xf32, #tpu.memory_space<vmem>>
        %swap3A_402 = arith.index_cast %mul3A_365 : i32 to index
        %swap3A_403 = tpu.vector_load %swap3A_401[%swap3A_402] {strides = array<i32>} : memref<2000xf32, #tpu.memory_space<vmem>>, vector<16xf32>,
        tpu.vector_store %swap3A_401[%swap3A_402], %mul3A_400 {strides = array<i32>} : memref<2000xf32, #tpu.memory_space<vmem>>, vector<16xf32>,
        %neg3A_404 = arith.constant 0.000000e+00 : f32
        %neg3A_405 = vector.broadcast %neg3A_404 : f32 to vector<16xf32>
        %neg3A_406 = arith.subf %neg3A_405, %div3A_391 : vector<16xf32>
        %mul3A_407 = arith.mulf %neg3A_406, %get3A_368 : vector<16xf32>
        %sub3A_408 = arith.subf %gather3A_339, %gather3A_355 : vector<16xf32>
        %mul3A_409 = arith.constant 0.00999999511 : f32
        %mul3A_410 = vector.broadcast %mul3A_409 : f32 to vector<16xf32>
        %mul3A_411 = arith.mulf %mul3A_410, %sub3A_408 : vector<16xf32>
        %add3A_412 = arith.addf %mul3A_407, %mul3A_411 : vector<16xf32>
        %mul3A_413 = arith.mulf %mul3A_381, %add3A_412 : vector<16xf32>
        %swap3A_414 = arith.constant 0 : i32
        %swap3A_415 = tpu.memref_slice %arg25[%swap3A_414] : memref<4000xf32, #tpu.memory_space<vmem>> -> memref<2000xf32, #tpu.memory_space<vmem>>
        %swap3A_416 = arith.index_cast %mul3A_365 : i32 to index
        %swap3A_417 = tpu.vector_load %swap3A_415[%swap3A_416] {strides = array<i32>} : memref<2000xf32, #tpu.memory_space<vmem>>, vector<16xf32>,
        tpu.vector_store %swap3A_415[%swap3A_416], %mul3A_413 {strides = array<i32>} : memref<2000xf32, #tpu.memory_space<vmem>>, vector<16xf32>,
        %neg3A_418 = arith.constant 0.000000e+00 : f32
        %neg3A_419 = vector.broadcast %neg3A_418 : f32 to vector<16xf32>
        %neg3A_420 = arith.subf %neg3A_419, %div3A_391 : vector<16xf32>
        %mul3A_421 = arith.mulf %neg3A_420, %get3A_370 : vector<16xf32>
        %sub3A_422 = arith.subf %gather3A_343, %gather3A_359 : vector<16xf32>
        %mul3A_423 = arith.constant 0.00999999511 : f32
        %mul3A_424 = vector.broadcast %mul3A_423 : f32 to vector<16xf32>
        %mul3A_425 = arith.mulf %mul3A_424, %sub3A_422 : vector<16xf32>
        %add3A_426 = arith.addf %mul3A_421, %mul3A_425 : vector<16xf32>
        %mul3A_427 = arith.mulf %mul3A_381, %add3A_426 : vector<16xf32>
        %swap3A_428 = arith.constant 0 : i32
        %swap3A_429 = tpu.memref_slice %arg26[%swap3A_428] : memref<4000xf32, #tpu.memory_space<vmem>> -> memref<2000xf32, #tpu.memory_space<vmem>>
        %swap3A_430 = arith.index_cast %mul3A_365 : i32 to index
        %swap3A_431 = tpu.vector_load %swap3A_429[%swap3A_430] {strides = array<i32>} : memref<2000xf32, #tpu.memory_space<vmem>>, vector<16xf32>,
        tpu.vector_store %swap3A_429[%swap3A_430], %mul3A_427 {strides = array<i32>} : memref<2000xf32, #tpu.memory_space<vmem>>, vector<16xf32>,
      }
      %scan3A_245 = arith.constant 125 : i32
      %dma_start3A_246 = arith.constant 0 : i32
      %dma_start3A_247 = tpu.memref_slice %arg24[%dma_start3A_246] : memref<4000xf32, #tpu.memory_space<vmem>> -> memref<2000xf32, #tpu.memory_space<vmem>>
      %dma_start3A_248 = arith.constant 0 : i32
      %dma_start3A_249 = tpu.memref_slice %arg17[%dma_start3A_248] : memref<4000xi32, #tpu.memory_space<vmem>> -> memref<2000xi32, #tpu.memory_space<vmem>>
      %dma_start3A_250 = arith.constant 0 : i32
      %dma_start3A_251 = tpu.memref_slice %arg29[%dma_start3A_250] : memref<50048xf32, #tpu.memory_space<vmem_shared>> -> memref<50048xf32, #tpu.memory_space<vmem_shared>>
      tpu.enqueue_indirect_dma source(%dma_start3A_247 : memref<2000xf32, #tpu.memory_space<vmem>>) target(%dma_start3A_251 : memref<50048xf32, #tpu.memory_space<vmem_shared>>) offsets(%dma_start3A_249 : memref<2000xi32, #tpu.memory_space<vmem>>) semaphore(%arg36 : memref<!tpu.dma_semaphore, #tpu.memory_space<semaphore_mem>>) {add = true}
      %dma_start3A_252 = arith.constant 0 : i32
      %dma_start3A_253 = tpu.memref_slice %arg25[%dma_start3A_252] : memref<4000xf32, #tpu.memory_space<vmem>> -> memref<2000xf32, #tpu.memory_space<vmem>>
      %dma_start3A_254 = arith.constant 0 : i32
      %dma_start3A_255 = tpu.memref_slice %arg17[%dma_start3A_254] : memref<4000xi32, #tpu.memory_space<vmem>> -> memref<2000xi32, #tpu.memory_space<vmem>>
      %dma_start3A_256 = arith.constant 0 : i32
      %dma_start3A_257 = tpu.memref_slice %arg30[%dma_start3A_256] : memref<50048xf32, #tpu.memory_space<vmem_shared>> -> memref<50048xf32, #tpu.memory_space<vmem_shared>>
      tpu.enqueue_indirect_dma source(%dma_start3A_253 : memref<2000xf32, #tpu.memory_space<vmem>>) target(%dma_start3A_257 : memref<50048xf32, #tpu.memory_space<vmem_shared>>) offsets(%dma_start3A_255 : memref<2000xi32, #tpu.memory_space<vmem>>) semaphore(%arg36 : memref<!tpu.dma_semaphore, #tpu.memory_space<semaphore_mem>>) {add = true}
      %dma_start3A_258 = arith.constant 0 : i32
      %dma_start3A_259 = tpu.memref_slice %arg26[%dma_start3A_258] : memref<4000xf32, #tpu.memory_space<vmem>> -> memref<2000xf32, #tpu.memory_space<vmem>>
      %dma_start3A_260 = arith.constant 0 : i32
      %dma_start3A_261 = tpu.memref_slice %arg17[%dma_start3A_260] : memref<4000xi32, #tpu.memory_space<vmem>> -> memref<2000xi32, #tpu.memory_space<vmem>>
      %dma_start3A_262 = arith.constant 0 : i32
      %dma_start3A_263 = tpu.memref_slice %arg31[%dma_start3A_262] : memref<50048xf32, #tpu.memory_space<vmem_shared>> -> memref<50048xf32, #tpu.memory_space<vmem_shared>>
      tpu.enqueue_indirect_dma source(%dma_start3A_259 : memref<2000xf32, #tpu.memory_space<vmem>>) target(%dma_start3A_263 : memref<50048xf32, #tpu.memory_space<vmem_shared>>) offsets(%dma_start3A_261 : memref<2000xi32, #tpu.memory_space<vmem>>) semaphore(%arg36 : memref<!tpu.dma_semaphore, #tpu.memory_space<semaphore_mem>>) {add = true}
      %add3A_264 = arith.constant 2 : i32
      %add3A_265 = arith.addi %mul3A_179, %add3A_264 : i32
      %lt3A = arith.constant 25 : i32
      %lt3A_266 = arith.cmpi slt, %add3A_265, %lt3A : i32
      %convert_element_type3A_267 = arith.extui %lt3A_266 : i1 to i32
      %cond3A_268 = arith.constant 0 : i32
      %cond3A_269 = arith.cmpi ne, %convert_element_type3A_267, %cond3A_268 : i32
      scf.if %cond3A_269 {
        %add3A_328 = arith.constant 2 : i32
        %add3A_329 = arith.addi %mul3A_179, %add3A_328 : i32
        %mul3A_330 = arith.constant 2000 : i32
        %mul3A_331 = arith.muli %add3A_329, %mul3A_330 : i32
        %add3A_332 = arith.addi %mul3A_2, %mul3A_331 : i32
        "tpu.region"() ({
          %run_scoped3A_357 = tpu.sem_alloc : memref<!tpu.dma_semaphore, #tpu.memory_space<semaphore_mem>>
          %dma_start3A_358 = arith.constant 0 : i32
          %dma_start3A_359 = tpu.memref_slice %arg15[%dma_start3A_358] : memref<4000xi32, #tpu.memory_space<vmem>> -> memref<2000xi32, #tpu.memory_space<vmem>>
          %dma_start3A_360 = tpu.memref_slice %arg3[%add3A_332] : memref<1600000xi32, #tpu.memory_space<hbm>> -> memref<2000xi32, #tpu.memory_space<hbm>>
          %dma_start3A_361 = arith.constant 0 : i32
          %dma_start3A_362 = tpu.memref_slice %arg15[%dma_start3A_361] : memref<4000xi32, #tpu.memory_space<vmem>> -> memref<2000xi32, #tpu.memory_space<vmem>>
          %dma_start3A_363 = tpu.memref_slice %arg3[%add3A_332] : memref<1600000xi32, #tpu.memory_space<hbm>> -> memref<2000xi32, #tpu.memory_space<hbm>>
          tpu.enqueue_dma source(%dma_start3A_363 : memref<2000xi32, #tpu.memory_space<hbm>>) target(%dma_start3A_362 : memref<2000xi32, #tpu.memory_space<vmem>>) target_semaphore(%run_scoped3A_357 : memref<!tpu.dma_semaphore, #tpu.memory_space<semaphore_mem>>)
          %dma_wait3A_364 = arith.constant 0 : i32
          %dma_wait3A_365 = tpu.memref_slice %arg15[%dma_wait3A_364] : memref<4000xi32, #tpu.memory_space<vmem>> -> memref<2000xi32, #tpu.memory_space<vmem>>
          %dma_wait3A_366 = tpu.memref_slice %arg3[%add3A_332] : memref<1600000xi32, #tpu.memory_space<hbm>> -> memref<2000xi32, #tpu.memory_space<hbm>>
          %dma_wait3A_367 = arith.constant 0 : i32
          %dma_wait3A_368 = tpu.memref_slice %arg15[%dma_wait3A_367] : memref<4000xi32, #tpu.memory_space<vmem>> -> memref<2000xi32, #tpu.memory_space<vmem>>
          %dma_wait3A_369 = tpu.memref_slice %arg3[%add3A_332] : memref<1600000xi32, #tpu.memory_space<hbm>> -> memref<2000xi32, #tpu.memory_space<hbm>>
          tpu.wait_dma2 semaphore(%run_scoped3A_357 : memref<!tpu.dma_semaphore, #tpu.memory_space<semaphore_mem>>) src(%dma_wait3A_369 : memref<2000xi32, #tpu.memory_space<hbm>>) dst(%dma_wait3A_368 : memref<2000xi32, #tpu.memory_space<vmem>>)
          tpu.yield
        }) : () -> ()
        "tpu.region"() ({
          %run_scoped3A_357 = tpu.sem_alloc : memref<!tpu.dma_semaphore, #tpu.memory_space<semaphore_mem>>
          %dma_start3A_358 = arith.constant 0 : i32
          %dma_start3A_359 = tpu.memref_slice %arg16[%dma_start3A_358] : memref<4000xi32, #tpu.memory_space<vmem>> -> memref<2000xi32, #tpu.memory_space<vmem>>
          %dma_start3A_360 = tpu.memref_slice %arg4[%add3A_332] : memref<1600000xi32, #tpu.memory_space<hbm>> -> memref<2000xi32, #tpu.memory_space<hbm>>
          %dma_start3A_361 = arith.constant 0 : i32
          %dma_start3A_362 = tpu.memref_slice %arg16[%dma_start3A_361] : memref<4000xi32, #tpu.memory_space<vmem>> -> memref<2000xi32, #tpu.memory_space<vmem>>
          %dma_start3A_363 = tpu.memref_slice %arg4[%add3A_332] : memref<1600000xi32, #tpu.memory_space<hbm>> -> memref<2000xi32, #tpu.memory_space<hbm>>
          tpu.enqueue_dma source(%dma_start3A_363 : memref<2000xi32, #tpu.memory_space<hbm>>) target(%dma_start3A_362 : memref<2000xi32, #tpu.memory_space<vmem>>) target_semaphore(%run_scoped3A_357 : memref<!tpu.dma_semaphore, #tpu.memory_space<semaphore_mem>>)
          %dma_wait3A_364 = arith.constant 0 : i32
          %dma_wait3A_365 = tpu.memref_slice %arg16[%dma_wait3A_364] : memref<4000xi32, #tpu.memory_space<vmem>> -> memref<2000xi32, #tpu.memory_space<vmem>>
          %dma_wait3A_366 = tpu.memref_slice %arg4[%add3A_332] : memref<1600000xi32, #tpu.memory_space<hbm>> -> memref<2000xi32, #tpu.memory_space<hbm>>
          %dma_wait3A_367 = arith.constant 0 : i32
          %dma_wait3A_368 = tpu.memref_slice %arg16[%dma_wait3A_367] : memref<4000xi32, #tpu.memory_space<vmem>> -> memref<2000xi32, #tpu.memory_space<vmem>>
          %dma_wait3A_369 = tpu.memref_slice %arg4[%add3A_332] : memref<1600000xi32, #tpu.memory_space<hbm>> -> memref<2000xi32, #tpu.memory_space<hbm>>
          tpu.wait_dma2 semaphore(%run_scoped3A_357 : memref<!tpu.dma_semaphore, #tpu.memory_space<semaphore_mem>>) src(%dma_wait3A_369 : memref<2000xi32, #tpu.memory_space<hbm>>) dst(%dma_wait3A_368 : memref<2000xi32, #tpu.memory_space<vmem>>)
          tpu.yield
        }) : () -> ()
        %dma_start3A_333 = arith.constant 0 : i32
        %dma_start3A_334 = arith.constant 0 : i32
        %dma_start3A_335 = tpu.memref_slice %arg18[%dma_start3A_333, %dma_start3A_334] : memref<4000x8xf32, #tpu.memory_space<vmem>> -> memref<2000x8xf32, #tpu.memory_space<vmem>>
        %dma_start3A_336 = arith.constant 0 : i32
        %dma_start3A_337 = tpu.memref_slice %arg15[%dma_start3A_336] : memref<4000xi32, #tpu.memory_space<vmem>> -> memref<2000xi32, #tpu.memory_space<vmem>>
        %dma_start3A_338 = arith.constant 0 : i32
        %dma_start3A_339 = arith.constant 0 : i32
        %dma_start3A_340 = tpu.memref_slice %arg12[%arg0, %dma_start3A_338, %dma_start3A_339] : memref<2x51200x8xf32, #tpu.memory_space<hbm>> -> memref<1x51200x8xf32, #tpu.memory_space<hbm>>
        %dma_start3A_341 = tpu.memref_squeeze %dma_start3A_340 : memref<1x51200x8xf32, #tpu.memory_space<hbm>> -> memref<51200x8xf32, #tpu.memory_space<hbm>>
        %dma_start3A_342 = arith.constant 0 : i32
        %dma_start3A_343 = arith.constant 0 : i32
        %dma_start3A_344 = tpu.memref_slice %dma_start3A_341[%dma_start3A_342, %dma_start3A_343] : memref<51200x8xf32, #tpu.memory_space<hbm>> -> memref<51200x8xf32, #tpu.memory_space<hbm>>
        tpu.enqueue_indirect_dma source(%dma_start3A_344 : memref<51200x8xf32, #tpu.memory_space<hbm>>) target(%dma_start3A_335 : memref<2000x8xf32, #tpu.memory_space<vmem>>) offsets(%dma_start3A_337 : memref<2000xi32, #tpu.memory_space<vmem>>) semaphore(%arg32 : memref<!tpu.dma_semaphore, #tpu.memory_space<semaphore_mem>>)
        %dma_start3A_345 = arith.constant 0 : i32
        %dma_start3A_346 = arith.constant 0 : i32
        %dma_start3A_347 = tpu.memref_slice %arg19[%dma_start3A_345, %dma_start3A_346] : memref<4000x8xf32, #tpu.memory_space<vmem>> -> memref<2000x8xf32, #tpu.memory_space<vmem>>
        %dma_start3A_348 = arith.constant 0 : i32
        %dma_start3A_349 = tpu.memref_slice %arg16[%dma_start3A_348] : memref<4000xi32, #tpu.memory_space<vmem>> -> memref<2000xi32, #tpu.memory_space<vmem>>
        %dma_start3A_350 = arith.constant 0 : i32
        %dma_start3A_351 = arith.constant 0 : i32
        %dma_start3A_352 = tpu.memref_slice %arg12[%arg0, %dma_start3A_350, %dma_start3A_351] : memref<2x51200x8xf32, #tpu.memory_space<hbm>> -> memref<1x51200x8xf32, #tpu.memory_space<hbm>>
        %dma_start3A_353 = tpu.memref_squeeze %dma_start3A_352 : memref<1x51200x8xf32, #tpu.memory_space<hbm>> -> memref<51200x8xf32, #tpu.memory_space<hbm>>
        %dma_start3A_354 = arith.constant 0 : i32
        %dma_start3A_355 = arith.constant 0 : i32
        %dma_start3A_356 = tpu.memref_slice %dma_start3A_353[%dma_start3A_354, %dma_start3A_355] : memref<51200x8xf32, #tpu.memory_space<hbm>> -> memref<51200x8xf32, #tpu.memory_space<hbm>>
        tpu.enqueue_indirect_dma source(%dma_start3A_356 : memref<51200x8xf32, #tpu.memory_space<hbm>>) target(%dma_start3A_347 : memref<2000x8xf32, #tpu.memory_space<vmem>>) offsets(%dma_start3A_349 : memref<2000xi32, #tpu.memory_space<vmem>>) semaphore(%arg33 : memref<!tpu.dma_semaphore, #tpu.memory_space<semaphore_mem>>)
      } else {
      }
      %dma_wait3A_270 = arith.constant 2000 : i32
      %dma_wait3A_271 = arith.constant 0 : i32
      %dma_wait3A_272 = tpu.memref_slice %arg18[%dma_wait3A_270, %dma_wait3A_271] : memref<4000x8xf32, #tpu.memory_space<vmem>> -> memref<2000x8xf32, #tpu.memory_space<vmem>>
      %dma_wait3A_273 = arith.constant 2000 : i32
      %dma_wait3A_274 = tpu.memref_slice %arg15[%dma_wait3A_273] : memref<4000xi32, #tpu.memory_space<vmem>> -> memref<2000xi32, #tpu.memory_space<vmem>>
      %dma_wait3A_275 = arith.constant 0 : i32
      %dma_wait3A_276 = arith.constant 0 : i32
      %dma_wait3A_277 = tpu.memref_slice %arg12[%arg0, %dma_wait3A_275, %dma_wait3A_276] : memref<2x51200x8xf32, #tpu.memory_space<hbm>> -> memref<1x51200x8xf32, #tpu.memory_space<hbm>>
      %dma_wait3A_278 = tpu.memref_squeeze %dma_wait3A_277 : memref<1x51200x8xf32, #tpu.memory_space<hbm>> -> memref<51200x8xf32, #tpu.memory_space<hbm>>
      %dma_wait3A_279 = arith.constant 0 : i32
      %dma_wait3A_280 = arith.constant 0 : i32
      %dma_wait3A_281 = tpu.memref_slice %dma_wait3A_278[%dma_wait3A_279, %dma_wait3A_280] : memref<51200x8xf32, #tpu.memory_space<hbm>> -> memref<51200x8xf32, #tpu.memory_space<hbm>>
      tpu.wait_indirect_dma semaphore(%arg34 : memref<!tpu.dma_semaphore, #tpu.memory_space<semaphore_mem>>) src(%dma_wait3A_281 : memref<51200x8xf32, #tpu.memory_space<hbm>>) dst(%dma_wait3A_272 : memref<2000x8xf32, #tpu.memory_space<vmem>>)
      %dma_wait3A_282 = arith.constant 2000 : i32
      %dma_wait3A_283 = arith.constant 0 : i32
      %dma_wait3A_284 = tpu.memref_slice %arg19[%dma_wait3A_282, %dma_wait3A_283] : memref<4000x8xf32, #tpu.memory_space<vmem>> -> memref<2000x8xf32, #tpu.memory_space<vmem>>
      %dma_wait3A_285 = arith.constant 2000 : i32
      %dma_wait3A_286 = tpu.memref_slice %arg16[%dma_wait3A_285] : memref<4000xi32, #tpu.memory_space<vmem>> -> memref<2000xi32, #tpu.memory_space<vmem>>
      %dma_wait3A_287 = arith.constant 0 : i32
      %dma_wait3A_288 = arith.constant 0 : i32
      %dma_wait3A_289 = tpu.memref_slice %arg12[%arg0, %dma_wait3A_287, %dma_wait3A_288] : memref<2x51200x8xf32, #tpu.memory_space<hbm>> -> memref<1x51200x8xf32, #tpu.memory_space<hbm>>
      %dma_wait3A_290 = tpu.memref_squeeze %dma_wait3A_289 : memref<1x51200x8xf32, #tpu.memory_space<hbm>> -> memref<51200x8xf32, #tpu.memory_space<hbm>>
      %dma_wait3A_291 = arith.constant 0 : i32
      %dma_wait3A_292 = arith.constant 0 : i32
      %dma_wait3A_293 = tpu.memref_slice %dma_wait3A_290[%dma_wait3A_291, %dma_wait3A_292] : memref<51200x8xf32, #tpu.memory_space<hbm>> -> memref<51200x8xf32, #tpu.memory_space<hbm>>
      tpu.wait_indirect_dma semaphore(%arg35 : memref<!tpu.dma_semaphore, #tpu.memory_space<semaphore_mem>>) src(%dma_wait3A_293 : memref<51200x8xf32, #tpu.memory_space<hbm>>) dst(%dma_wait3A_284 : memref<2000x8xf32, #tpu.memory_space<vmem>>)
      %add3A_294 = arith.constant 1 : i32
      %add3A_295 = arith.addi %mul3A_179, %add3A_294 : i32
      %ge3A_296 = arith.constant 2 : i32
      %ge3A_297 = arith.cmpi sge, %add3A_295, %ge3A_296 : i32
      %convert_element_type3A_298 = arith.extui %ge3A_297 : i1 to i32
      %cond3A_299 = arith.constant 0 : i32
      %cond3A_300 = arith.cmpi ne, %convert_element_type3A_298, %cond3A_299 : i32
      scf.if %cond3A_300 {
        %dma_wait3A_328 = arith.constant 2000 : i32
        %dma_wait3A_329 = tpu.memref_slice %arg24[%dma_wait3A_328] : memref<4000xf32, #tpu.memory_space<vmem>> -> memref<2000xf32, #tpu.memory_space<vmem>>
        %dma_wait3A_330 = arith.constant 2000 : i32
        %dma_wait3A_331 = tpu.memref_slice %arg17[%dma_wait3A_330] : memref<4000xi32, #tpu.memory_space<vmem>> -> memref<2000xi32, #tpu.memory_space<vmem>>
        %dma_wait3A_332 = arith.constant 0 : i32
        %dma_wait3A_333 = tpu.memref_slice %arg29[%dma_wait3A_332] : memref<50048xf32, #tpu.memory_space<vmem_shared>> -> memref<50048xf32, #tpu.memory_space<vmem_shared>>
        tpu.wait_indirect_dma semaphore(%arg37 : memref<!tpu.dma_semaphore, #tpu.memory_space<semaphore_mem>>) src(%dma_wait3A_329 : memref<2000xf32, #tpu.memory_space<vmem>>) dst(%dma_wait3A_333 : memref<50048xf32, #tpu.memory_space<vmem_shared>>)
        %dma_wait3A_334 = arith.constant 2000 : i32
        %dma_wait3A_335 = tpu.memref_slice %arg25[%dma_wait3A_334] : memref<4000xf32, #tpu.memory_space<vmem>> -> memref<2000xf32, #tpu.memory_space<vmem>>
        %dma_wait3A_336 = arith.constant 2000 : i32
        %dma_wait3A_337 = tpu.memref_slice %arg17[%dma_wait3A_336] : memref<4000xi32, #tpu.memory_space<vmem>> -> memref<2000xi32, #tpu.memory_space<vmem>>
        %dma_wait3A_338 = arith.constant 0 : i32
        %dma_wait3A_339 = tpu.memref_slice %arg30[%dma_wait3A_338] : memref<50048xf32, #tpu.memory_space<vmem_shared>> -> memref<50048xf32, #tpu.memory_space<vmem_shared>>
        tpu.wait_indirect_dma semaphore(%arg37 : memref<!tpu.dma_semaphore, #tpu.memory_space<semaphore_mem>>) src(%dma_wait3A_335 : memref<2000xf32, #tpu.memory_space<vmem>>) dst(%dma_wait3A_339 : memref<50048xf32, #tpu.memory_space<vmem_shared>>)
        %dma_wait3A_340 = arith.constant 2000 : i32
        %dma_wait3A_341 = tpu.memref_slice %arg26[%dma_wait3A_340] : memref<4000xf32, #tpu.memory_space<vmem>> -> memref<2000xf32, #tpu.memory_space<vmem>>
        %dma_wait3A_342 = arith.constant 2000 : i32
        %dma_wait3A_343 = tpu.memref_slice %arg17[%dma_wait3A_342] : memref<4000xi32, #tpu.memory_space<vmem>> -> memref<2000xi32, #tpu.memory_space<vmem>>
        %dma_wait3A_344 = arith.constant 0 : i32
        %dma_wait3A_345 = tpu.memref_slice %arg31[%dma_wait3A_344] : memref<50048xf32, #tpu.memory_space<vmem_shared>> -> memref<50048xf32, #tpu.memory_space<vmem_shared>>
        tpu.wait_indirect_dma semaphore(%arg37 : memref<!tpu.dma_semaphore, #tpu.memory_space<semaphore_mem>>) src(%dma_wait3A_341 : memref<2000xf32, #tpu.memory_space<vmem>>) dst(%dma_wait3A_345 : memref<50048xf32, #tpu.memory_space<vmem_shared>>)
      } else {
      }
      %mul3A_301 = arith.constant 2000 : i32
      %mul3A_302 = arith.muli %add3A_295, %mul3A_301 : i32
      %add3A_303 = arith.addi %mul3A_2, %mul3A_302 : i32
      %multiple_of3A_304 = tpu.assume_multiple %add3A_303, 8 : i32
      "tpu.region"() ({
        %run_scoped3A_328 = tpu.sem_alloc : memref<!tpu.dma_semaphore, #tpu.memory_space<semaphore_mem>>
        %dma_start3A_329 = arith.constant 2000 : i32
        %dma_start3A_330 = tpu.memref_slice %arg17[%dma_start3A_329] : memref<4000xi32, #tpu.memory_space<vmem>> -> memref<2000xi32, #tpu.memory_space<vmem>>
        %dma_start3A_331 = tpu.memref_slice %arg3[%multiple_of3A_304] : memref<1600000xi32, #tpu.memory_space<hbm>> -> memref<2000xi32, #tpu.memory_space<hbm>>
        %dma_start3A_332 = arith.constant 2000 : i32
        %dma_start3A_333 = tpu.memref_slice %arg17[%dma_start3A_332] : memref<4000xi32, #tpu.memory_space<vmem>> -> memref<2000xi32, #tpu.memory_space<vmem>>
        %dma_start3A_334 = tpu.memref_slice %arg3[%multiple_of3A_304] : memref<1600000xi32, #tpu.memory_space<hbm>> -> memref<2000xi32, #tpu.memory_space<hbm>>
        tpu.enqueue_dma source(%dma_start3A_334 : memref<2000xi32, #tpu.memory_space<hbm>>) target(%dma_start3A_333 : memref<2000xi32, #tpu.memory_space<vmem>>) target_semaphore(%run_scoped3A_328 : memref<!tpu.dma_semaphore, #tpu.memory_space<semaphore_mem>>)
        %dma_wait3A_335 = arith.constant 2000 : i32
        %dma_wait3A_336 = tpu.memref_slice %arg17[%dma_wait3A_335] : memref<4000xi32, #tpu.memory_space<vmem>> -> memref<2000xi32, #tpu.memory_space<vmem>>
        %dma_wait3A_337 = tpu.memref_slice %arg3[%multiple_of3A_304] : memref<1600000xi32, #tpu.memory_space<hbm>> -> memref<2000xi32, #tpu.memory_space<hbm>>
        %dma_wait3A_338 = arith.constant 2000 : i32
        %dma_wait3A_339 = tpu.memref_slice %arg17[%dma_wait3A_338] : memref<4000xi32, #tpu.memory_space<vmem>> -> memref<2000xi32, #tpu.memory_space<vmem>>
        %dma_wait3A_340 = tpu.memref_slice %arg3[%multiple_of3A_304] : memref<1600000xi32, #tpu.memory_space<hbm>> -> memref<2000xi32, #tpu.memory_space<hbm>>
        tpu.wait_dma2 semaphore(%run_scoped3A_328 : memref<!tpu.dma_semaphore, #tpu.memory_space<semaphore_mem>>) src(%dma_wait3A_340 : memref<2000xi32, #tpu.memory_space<hbm>>) dst(%dma_wait3A_339 : memref<2000xi32, #tpu.memory_space<vmem>>)
        tpu.yield
      }) : () -> ()
      "tpu.region"() ({
        %run_scoped3A_328 = tpu.sem_alloc : memref<!tpu.dma_semaphore, #tpu.memory_space<semaphore_mem>>
        %dma_start3A_329 = tpu.memref_slice %arg6[%multiple_of3A_304] : memref<1600000xf32, #tpu.memory_space<hbm>> -> memref<2000xf32, #tpu.memory_space<hbm>>
        %dma_start3A_330 = tpu.memref_slice %arg6[%multiple_of3A_304] : memref<1600000xf32, #tpu.memory_space<hbm>> -> memref<2000xf32, #tpu.memory_space<hbm>>
        tpu.enqueue_dma source(%dma_start3A_330 : memref<2000xf32, #tpu.memory_space<hbm>>) target(%arg20 : memref<2000xf32, #tpu.memory_space<vmem>>) target_semaphore(%run_scoped3A_328 : memref<!tpu.dma_semaphore, #tpu.memory_space<semaphore_mem>>)
        %dma_wait3A_331 = tpu.memref_slice %arg6[%multiple_of3A_304] : memref<1600000xf32, #tpu.memory_space<hbm>> -> memref<2000xf32, #tpu.memory_space<hbm>>
        %dma_wait3A_332 = tpu.memref_slice %arg6[%multiple_of3A_304] : memref<1600000xf32, #tpu.memory_space<hbm>> -> memref<2000xf32, #tpu.memory_space<hbm>>
        tpu.wait_dma2 semaphore(%run_scoped3A_328 : memref<!tpu.dma_semaphore, #tpu.memory_space<semaphore_mem>>) src(%dma_wait3A_332 : memref<2000xf32, #tpu.memory_space<hbm>>) dst(%arg20 : memref<2000xf32, #tpu.memory_space<vmem>>)
        tpu.yield
      }) : () -> ()
      "tpu.region"() ({
        %run_scoped3A_328 = tpu.sem_alloc : memref<!tpu.dma_semaphore, #tpu.memory_space<semaphore_mem>>
        %dma_start3A_329 = tpu.memref_slice %arg7[%multiple_of3A_304] : memref<1600000xf32, #tpu.memory_space<hbm>> -> memref<2000xf32, #tpu.memory_space<hbm>>
        %dma_start3A_330 = tpu.memref_slice %arg7[%multiple_of3A_304] : memref<1600000xf32, #tpu.memory_space<hbm>> -> memref<2000xf32, #tpu.memory_space<hbm>>
        tpu.enqueue_dma source(%dma_start3A_330 : memref<2000xf32, #tpu.memory_space<hbm>>) target(%arg21 : memref<2000xf32, #tpu.memory_space<vmem>>) target_semaphore(%run_scoped3A_328 : memref<!tpu.dma_semaphore, #tpu.memory_space<semaphore_mem>>)
        %dma_wait3A_331 = tpu.memref_slice %arg7[%multiple_of3A_304] : memref<1600000xf32, #tpu.memory_space<hbm>> -> memref<2000xf32, #tpu.memory_space<hbm>>
        %dma_wait3A_332 = tpu.memref_slice %arg7[%multiple_of3A_304] : memref<1600000xf32, #tpu.memory_space<hbm>> -> memref<2000xf32, #tpu.memory_space<hbm>>
        tpu.wait_dma2 semaphore(%run_scoped3A_328 : memref<!tpu.dma_semaphore, #tpu.memory_space<semaphore_mem>>) src(%dma_wait3A_332 : memref<2000xf32, #tpu.memory_space<hbm>>) dst(%arg21 : memref<2000xf32, #tpu.memory_space<vmem>>)
        tpu.yield
      }) : () -> ()
      "tpu.region"() ({
        %run_scoped3A_328 = tpu.sem_alloc : memref<!tpu.dma_semaphore, #tpu.memory_space<semaphore_mem>>
        %dma_start3A_329 = tpu.memref_slice %arg8[%multiple_of3A_304] : memref<1600000xf32, #tpu.memory_space<hbm>> -> memref<2000xf32, #tpu.memory_space<hbm>>
        %dma_start3A_330 = tpu.memref_slice %arg8[%multiple_of3A_304] : memref<1600000xf32, #tpu.memory_space<hbm>> -> memref<2000xf32, #tpu.memory_space<hbm>>
        tpu.enqueue_dma source(%dma_start3A_330 : memref<2000xf32, #tpu.memory_space<hbm>>) target(%arg22 : memref<2000xf32, #tpu.memory_space<vmem>>) target_semaphore(%run_scoped3A_328 : memref<!tpu.dma_semaphore, #tpu.memory_space<semaphore_mem>>)
        %dma_wait3A_331 = tpu.memref_slice %arg8[%multiple_of3A_304] : memref<1600000xf32, #tpu.memory_space<hbm>> -> memref<2000xf32, #tpu.memory_space<hbm>>
        %dma_wait3A_332 = tpu.memref_slice %arg8[%multiple_of3A_304] : memref<1600000xf32, #tpu.memory_space<hbm>> -> memref<2000xf32, #tpu.memory_space<hbm>>
        tpu.wait_dma2 semaphore(%run_scoped3A_328 : memref<!tpu.dma_semaphore, #tpu.memory_space<semaphore_mem>>) src(%dma_wait3A_332 : memref<2000xf32, #tpu.memory_space<hbm>>) dst(%arg22 : memref<2000xf32, #tpu.memory_space<vmem>>)
        tpu.yield
      }) : () -> ()
      "tpu.region"() ({
        %run_scoped3A_328 = tpu.sem_alloc : memref<!tpu.dma_semaphore, #tpu.memory_space<semaphore_mem>>
        %dma_start3A_329 = tpu.memref_slice %arg9[%multiple_of3A_304] : memref<1600000xf32, #tpu.memory_space<hbm>> -> memref<2000xf32, #tpu.memory_space<hbm>>
        %dma_start3A_330 = tpu.memref_slice %arg9[%multiple_of3A_304] : memref<1600000xf32, #tpu.memory_space<hbm>> -> memref<2000xf32, #tpu.memory_space<hbm>>
        tpu.enqueue_dma source(%dma_start3A_330 : memref<2000xf32, #tpu.memory_space<hbm>>) target(%arg23 : memref<2000xf32, #tpu.memory_space<vmem>>) target_semaphore(%run_scoped3A_328 : memref<!tpu.dma_semaphore, #tpu.memory_space<semaphore_mem>>)
        %dma_wait3A_331 = tpu.memref_slice %arg9[%multiple_of3A_304] : memref<1600000xf32, #tpu.memory_space<hbm>> -> memref<2000xf32, #tpu.memory_space<hbm>>
        %dma_wait3A_332 = tpu.memref_slice %arg9[%multiple_of3A_304] : memref<1600000xf32, #tpu.memory_space<hbm>> -> memref<2000xf32, #tpu.memory_space<hbm>>
        tpu.wait_dma2 semaphore(%run_scoped3A_328 : memref<!tpu.dma_semaphore, #tpu.memory_space<semaphore_mem>>) src(%dma_wait3A_332 : memref<2000xf32, #tpu.memory_space<hbm>>) dst(%arg23 : memref<2000xf32, #tpu.memory_space<vmem>>)
        tpu.yield
      }) : () -> ()
      %scan3A_305 = arith.constant 0 : i32
      %scan3A_306 = arith.constant 125 : i32
      %scan3A_307 = arith.addi %scan3A_305, %scan3A_306 : i32
      %scan3A_308 = arith.constant 1 : i32
      scf.for %scan3A_328 = %scan3A_305 to %scan3A_307 step %scan3A_308  : i32 {
        %mul3A_329 = arith.constant 16 : i32
        %mul3A_330 = arith.muli %scan3A_328, %mul3A_329 : i32
        %add3A_331 = vector.broadcast %mul3A_330 : i32 to vector<16xi32>
        %add3A_332 = arith.addi %add3A_331, %iota3A : vector<16xi32>
        %gather3A = arith.constant 2000 : i32
        %gather3A_333 = arith.constant 0 : i32
        %gather3A_334 = tpu.memref_slice %arg18[%gather3A, %gather3A_333] : memref<4000x8xf32, #tpu.memory_space<vmem>> -> memref<2000x8xf32, #tpu.memory_space<vmem>>
        %gather3A_335 = tpu.vector_load_idx %gather3A_334[%add3A_332, %broadcast_in_dim3A_5] : memref<2000x8xf32, #tpu.memory_space<vmem>>[vector<16xi32>, vector<16xi32>], vector<16xf32>,
        %gather3A_336 = arith.constant 2000 : i32
        %gather3A_337 = arith.constant 0 : i32
        %gather3A_338 = tpu.memref_slice %arg18[%gather3A_336, %gather3A_337] : memref<4000x8xf32, #tpu.memory_space<vmem>> -> memref<2000x8xf32, #tpu.memory_space<vmem>>
        %gather3A_339 = tpu.vector_load_idx %gather3A_338[%add3A_332, %broadcast_in_dim3A_7] : memref<2000x8xf32, #tpu.memory_space<vmem>>[vector<16xi32>, vector<16xi32>], vector<16xf32>,
        %gather3A_340 = arith.constant 2000 : i32
        %gather3A_341 = arith.constant 0 : i32
        %gather3A_342 = tpu.memref_slice %arg18[%gather3A_340, %gather3A_341] : memref<4000x8xf32, #tpu.memory_space<vmem>> -> memref<2000x8xf32, #tpu.memory_space<vmem>>
        %gather3A_343 = tpu.vector_load_idx %gather3A_342[%add3A_332, %broadcast_in_dim3A_9] : memref<2000x8xf32, #tpu.memory_space<vmem>>[vector<16xi32>, vector<16xi32>], vector<16xf32>,
        %gather3A_344 = arith.constant 2000 : i32
        %gather3A_345 = arith.constant 0 : i32
        %gather3A_346 = tpu.memref_slice %arg18[%gather3A_344, %gather3A_345] : memref<4000x8xf32, #tpu.memory_space<vmem>> -> memref<2000x8xf32, #tpu.memory_space<vmem>>
        %gather3A_347 = tpu.vector_load_idx %gather3A_346[%add3A_332, %broadcast_in_dim3A_11] : memref<2000x8xf32, #tpu.memory_space<vmem>>[vector<16xi32>, vector<16xi32>], vector<16xf32>,
        %gather3A_348 = arith.constant 2000 : i32
        %gather3A_349 = arith.constant 0 : i32
        %gather3A_350 = tpu.memref_slice %arg19[%gather3A_348, %gather3A_349] : memref<4000x8xf32, #tpu.memory_space<vmem>> -> memref<2000x8xf32, #tpu.memory_space<vmem>>
        %gather3A_351 = tpu.vector_load_idx %gather3A_350[%add3A_332, %broadcast_in_dim3A_5] : memref<2000x8xf32, #tpu.memory_space<vmem>>[vector<16xi32>, vector<16xi32>], vector<16xf32>,
        %gather3A_352 = arith.constant 2000 : i32
        %gather3A_353 = arith.constant 0 : i32
        %gather3A_354 = tpu.memref_slice %arg19[%gather3A_352, %gather3A_353] : memref<4000x8xf32, #tpu.memory_space<vmem>> -> memref<2000x8xf32, #tpu.memory_space<vmem>>
        %gather3A_355 = tpu.vector_load_idx %gather3A_354[%add3A_332, %broadcast_in_dim3A_7] : memref<2000x8xf32, #tpu.memory_space<vmem>>[vector<16xi32>, vector<16xi32>], vector<16xf32>,
        %gather3A_356 = arith.constant 2000 : i32
        %gather3A_357 = arith.constant 0 : i32
        %gather3A_358 = tpu.memref_slice %arg19[%gather3A_356, %gather3A_357] : memref<4000x8xf32, #tpu.memory_space<vmem>> -> memref<2000x8xf32, #tpu.memory_space<vmem>>
        %gather3A_359 = tpu.vector_load_idx %gather3A_358[%add3A_332, %broadcast_in_dim3A_9] : memref<2000x8xf32, #tpu.memory_space<vmem>>[vector<16xi32>, vector<16xi32>], vector<16xf32>,
        %gather3A_360 = arith.constant 2000 : i32
        %gather3A_361 = arith.constant 0 : i32
        %gather3A_362 = tpu.memref_slice %arg19[%gather3A_360, %gather3A_361] : memref<4000x8xf32, #tpu.memory_space<vmem>> -> memref<2000x8xf32, #tpu.memory_space<vmem>>
        %gather3A_363 = tpu.vector_load_idx %gather3A_362[%add3A_332, %broadcast_in_dim3A_11] : memref<2000x8xf32, #tpu.memory_space<vmem>>[vector<16xi32>, vector<16xi32>], vector<16xf32>,
        %mul3A_364 = arith.constant 16 : i32
        %mul3A_365 = arith.muli %scan3A_328, %mul3A_364 : i32
        %get3A = arith.index_cast %mul3A_365 : i32 to index
        %get3A_366 = tpu.vector_load %arg20[%get3A] {strides = array<i32>} : memref<2000xf32, #tpu.memory_space<vmem>>, vector<16xf32>,
        %get3A_367 = arith.index_cast %mul3A_365 : i32 to index
        %get3A_368 = tpu.vector_load %arg21[%get3A_367] {strides = array<i32>} : memref<2000xf32, #tpu.memory_space<vmem>>, vector<16xf32>,
        %get3A_369 = arith.index_cast %mul3A_365 : i32 to index
        %get3A_370 = tpu.vector_load %arg22[%get3A_369] {strides = array<i32>} : memref<2000xf32, #tpu.memory_space<vmem>>, vector<16xf32>,
        %get3A_371 = arith.index_cast %mul3A_365 : i32 to index
        %get3A_372 = tpu.vector_load %arg23[%get3A_371] {strides = array<i32>} : memref<2000xf32, #tpu.memory_space<vmem>>, vector<16xf32>,
        %div3A = arith.constant 1.000000e+00 : f32
        %div3A_373 = vector.broadcast %div3A : f32 to vector<16xf32>
        %div3A_374 = arith.divf %div3A_373, %gather3A_347 : vector<16xf32>
        %div3A_375 = arith.constant 1.000000e+00 : f32
        %div3A_376 = vector.broadcast %div3A_375 : f32 to vector<16xf32>
        %div3A_377 = arith.divf %div3A_376, %gather3A_363 : vector<16xf32>
        %mul3A_378 = arith.mulf %div3A_374, %div3A_374 : vector<16xf32>
        %mul3A_379 = arith.mulf %div3A_377, %div3A_377 : vector<16xf32>
        %add3A_380 = arith.addf %mul3A_378, %mul3A_379 : vector<16xf32>
        %mul3A_381 = arith.mulf %add3A_380, %get3A_372 : vector<16xf32>
        %mul3A_382 = arith.constant 2.000000e+00 : f32
        %mul3A_383 = vector.broadcast %mul3A_382 : f32 to vector<16xf32>
        %mul3A_384 = arith.mulf %mul3A_383, %gather3A_347 : vector<16xf32>
        %mul3A_385 = arith.mulf %mul3A_384, %gather3A_363 : vector<16xf32>
        %sub3A = arith.subf %mul3A_385, %gather3A_347 : vector<16xf32>
        %sub3A_386 = arith.subf %sub3A, %gather3A_363 : vector<16xf32>
        %mul3A_387 = arith.constant 1.000000e+02 : f32
        %mul3A_388 = vector.broadcast %mul3A_387 : f32 to vector<16xf32>
        %mul3A_389 = arith.mulf %mul3A_388, %sub3A_386 : vector<16xf32>
        %add3A_390 = arith.addf %gather3A_347, %gather3A_363 : vector<16xf32>
        %div3A_391 = arith.divf %mul3A_389, %add3A_390 : vector<16xf32>
        %neg3A = arith.constant 0.000000e+00 : f32
        %neg3A_392 = vector.broadcast %neg3A : f32 to vector<16xf32>
        %neg3A_393 = arith.subf %neg3A_392, %div3A_391 : vector<16xf32>
        %mul3A_394 = arith.mulf %neg3A_393, %get3A_366 : vector<16xf32>
        %sub3A_395 = arith.subf %gather3A_335, %gather3A_351 : vector<16xf32>
        %mul3A_396 = arith.constant 0.00999999511 : f32
        %mul3A_397 = vector.broadcast %mul3A_396 : f32 to vector<16xf32>
        %mul3A_398 = arith.mulf %mul3A_397, %sub3A_395 : vector<16xf32>
        %add3A_399 = arith.addf %mul3A_394, %mul3A_398 : vector<16xf32>
        %mul3A_400 = arith.mulf %mul3A_381, %add3A_399 : vector<16xf32>
        %swap3A = arith.constant 2000 : i32
        %swap3A_401 = tpu.memref_slice %arg24[%swap3A] : memref<4000xf32, #tpu.memory_space<vmem>> -> memref<2000xf32, #tpu.memory_space<vmem>>
        %swap3A_402 = arith.index_cast %mul3A_365 : i32 to index
        %swap3A_403 = tpu.vector_load %swap3A_401[%swap3A_402] {strides = array<i32>} : memref<2000xf32, #tpu.memory_space<vmem>>, vector<16xf32>,
        tpu.vector_store %swap3A_401[%swap3A_402], %mul3A_400 {strides = array<i32>} : memref<2000xf32, #tpu.memory_space<vmem>>, vector<16xf32>,
        %neg3A_404 = arith.constant 0.000000e+00 : f32
        %neg3A_405 = vector.broadcast %neg3A_404 : f32 to vector<16xf32>
        %neg3A_406 = arith.subf %neg3A_405, %div3A_391 : vector<16xf32>
        %mul3A_407 = arith.mulf %neg3A_406, %get3A_368 : vector<16xf32>
        %sub3A_408 = arith.subf %gather3A_339, %gather3A_355 : vector<16xf32>
        %mul3A_409 = arith.constant 0.00999999511 : f32
        %mul3A_410 = vector.broadcast %mul3A_409 : f32 to vector<16xf32>
        %mul3A_411 = arith.mulf %mul3A_410, %sub3A_408 : vector<16xf32>
        %add3A_412 = arith.addf %mul3A_407, %mul3A_411 : vector<16xf32>
        %mul3A_413 = arith.mulf %mul3A_381, %add3A_412 : vector<16xf32>
        %swap3A_414 = arith.constant 2000 : i32
        %swap3A_415 = tpu.memref_slice %arg25[%swap3A_414] : memref<4000xf32, #tpu.memory_space<vmem>> -> memref<2000xf32, #tpu.memory_space<vmem>>
        %swap3A_416 = arith.index_cast %mul3A_365 : i32 to index
        %swap3A_417 = tpu.vector_load %swap3A_415[%swap3A_416] {strides = array<i32>} : memref<2000xf32, #tpu.memory_space<vmem>>, vector<16xf32>,
        tpu.vector_store %swap3A_415[%swap3A_416], %mul3A_413 {strides = array<i32>} : memref<2000xf32, #tpu.memory_space<vmem>>, vector<16xf32>,
        %neg3A_418 = arith.constant 0.000000e+00 : f32
        %neg3A_419 = vector.broadcast %neg3A_418 : f32 to vector<16xf32>
        %neg3A_420 = arith.subf %neg3A_419, %div3A_391 : vector<16xf32>
        %mul3A_421 = arith.mulf %neg3A_420, %get3A_370 : vector<16xf32>
        %sub3A_422 = arith.subf %gather3A_343, %gather3A_359 : vector<16xf32>
        %mul3A_423 = arith.constant 0.00999999511 : f32
        %mul3A_424 = vector.broadcast %mul3A_423 : f32 to vector<16xf32>
        %mul3A_425 = arith.mulf %mul3A_424, %sub3A_422 : vector<16xf32>
        %add3A_426 = arith.addf %mul3A_421, %mul3A_425 : vector<16xf32>
        %mul3A_427 = arith.mulf %mul3A_381, %add3A_426 : vector<16xf32>
        %swap3A_428 = arith.constant 2000 : i32
        %swap3A_429 = tpu.memref_slice %arg26[%swap3A_428] : memref<4000xf32, #tpu.memory_space<vmem>> -> memref<2000xf32, #tpu.memory_space<vmem>>
        %swap3A_430 = arith.index_cast %mul3A_365 : i32 to index
        %swap3A_431 = tpu.vector_load %swap3A_429[%swap3A_430] {strides = array<i32>} : memref<2000xf32, #tpu.memory_space<vmem>>, vector<16xf32>,
        tpu.vector_store %swap3A_429[%swap3A_430], %mul3A_427 {strides = array<i32>} : memref<2000xf32, #tpu.memory_space<vmem>>, vector<16xf32>,
      }
      %scan3A_309 = arith.constant 125 : i32
      %dma_start3A_310 = arith.constant 2000 : i32
      %dma_start3A_311 = tpu.memref_slice %arg24[%dma_start3A_310] : memref<4000xf32, #tpu.memory_space<vmem>> -> memref<2000xf32, #tpu.memory_space<vmem>>
      %dma_start3A_312 = arith.constant 2000 : i32
      %dma_start3A_313 = tpu.memref_slice %arg17[%dma_start3A_312] : memref<4000xi32, #tpu.memory_space<vmem>> -> memref<2000xi32, #tpu.memory_space<vmem>>
      %dma_start3A_314 = arith.constant 0 : i32
      %dma_start3A_315 = tpu.memref_slice %arg29[%dma_start3A_314] : memref<50048xf32, #tpu.memory_space<vmem_shared>> -> memref<50048xf32, #tpu.memory_space<vmem_shared>>
      tpu.enqueue_indirect_dma source(%dma_start3A_311 : memref<2000xf32, #tpu.memory_space<vmem>>) target(%dma_start3A_315 : memref<50048xf32, #tpu.memory_space<vmem_shared>>) offsets(%dma_start3A_313 : memref<2000xi32, #tpu.memory_space<vmem>>) semaphore(%arg37 : memref<!tpu.dma_semaphore, #tpu.memory_space<semaphore_mem>>) {add = true}
      %dma_start3A_316 = arith.constant 2000 : i32
      %dma_start3A_317 = tpu.memref_slice %arg25[%dma_start3A_316] : memref<4000xf32, #tpu.memory_space<vmem>> -> memref<2000xf32, #tpu.memory_space<vmem>>
      %dma_start3A_318 = arith.constant 2000 : i32
      %dma_start3A_319 = tpu.memref_slice %arg17[%dma_start3A_318] : memref<4000xi32, #tpu.memory_space<vmem>> -> memref<2000xi32, #tpu.memory_space<vmem>>
      %dma_start3A_320 = arith.constant 0 : i32
      %dma_start3A_321 = tpu.memref_slice %arg30[%dma_start3A_320] : memref<50048xf32, #tpu.memory_space<vmem_shared>> -> memref<50048xf32, #tpu.memory_space<vmem_shared>>
      tpu.enqueue_indirect_dma source(%dma_start3A_317 : memref<2000xf32, #tpu.memory_space<vmem>>) target(%dma_start3A_321 : memref<50048xf32, #tpu.memory_space<vmem_shared>>) offsets(%dma_start3A_319 : memref<2000xi32, #tpu.memory_space<vmem>>) semaphore(%arg37 : memref<!tpu.dma_semaphore, #tpu.memory_space<semaphore_mem>>) {add = true}
      %dma_start3A_322 = arith.constant 2000 : i32
      %dma_start3A_323 = tpu.memref_slice %arg26[%dma_start3A_322] : memref<4000xf32, #tpu.memory_space<vmem>> -> memref<2000xf32, #tpu.memory_space<vmem>>
      %dma_start3A_324 = arith.constant 2000 : i32
      %dma_start3A_325 = tpu.memref_slice %arg17[%dma_start3A_324] : memref<4000xi32, #tpu.memory_space<vmem>> -> memref<2000xi32, #tpu.memory_space<vmem>>
      %dma_start3A_326 = arith.constant 0 : i32
      %dma_start3A_327 = tpu.memref_slice %arg31[%dma_start3A_326] : memref<50048xf32, #tpu.memory_space<vmem_shared>> -> memref<50048xf32, #tpu.memory_space<vmem_shared>>
      tpu.enqueue_indirect_dma source(%dma_start3A_323 : memref<2000xf32, #tpu.memory_space<vmem>>) target(%dma_start3A_327 : memref<50048xf32, #tpu.memory_space<vmem_shared>>) offsets(%dma_start3A_325 : memref<2000xi32, #tpu.memory_space<vmem>>) semaphore(%arg37 : memref<!tpu.dma_semaphore, #tpu.memory_space<semaphore_mem>>) {add = true}
    }
    %scan3A_67 = arith.constant 12 : i32
    %dma_wait3A = arith.constant 0 : i32
    %dma_wait3A_68 = arith.constant 0 : i32
    %dma_wait3A_69 = tpu.memref_slice %arg18[%dma_wait3A, %dma_wait3A_68] : memref<4000x8xf32, #tpu.memory_space<vmem>> -> memref<2000x8xf32, #tpu.memory_space<vmem>>
    %dma_wait3A_70 = arith.constant 0 : i32
    %dma_wait3A_71 = tpu.memref_slice %arg15[%dma_wait3A_70] : memref<4000xi32, #tpu.memory_space<vmem>> -> memref<2000xi32, #tpu.memory_space<vmem>>
    %dma_wait3A_72 = arith.constant 0 : i32
    %dma_wait3A_73 = arith.constant 0 : i32
    %dma_wait3A_74 = tpu.memref_slice %arg12[%arg0, %dma_wait3A_72, %dma_wait3A_73] : memref<2x51200x8xf32, #tpu.memory_space<hbm>> -> memref<1x51200x8xf32, #tpu.memory_space<hbm>>
    %dma_wait3A_75 = tpu.memref_squeeze %dma_wait3A_74 : memref<1x51200x8xf32, #tpu.memory_space<hbm>> -> memref<51200x8xf32, #tpu.memory_space<hbm>>
    %dma_wait3A_76 = arith.constant 0 : i32
    %dma_wait3A_77 = arith.constant 0 : i32
    %dma_wait3A_78 = tpu.memref_slice %dma_wait3A_75[%dma_wait3A_76, %dma_wait3A_77] : memref<51200x8xf32, #tpu.memory_space<hbm>> -> memref<51200x8xf32, #tpu.memory_space<hbm>>
    tpu.wait_indirect_dma semaphore(%arg32 : memref<!tpu.dma_semaphore, #tpu.memory_space<semaphore_mem>>) src(%dma_wait3A_78 : memref<51200x8xf32, #tpu.memory_space<hbm>>) dst(%dma_wait3A_69 : memref<2000x8xf32, #tpu.memory_space<vmem>>)
    %dma_wait3A_79 = arith.constant 0 : i32
    %dma_wait3A_80 = arith.constant 0 : i32
    %dma_wait3A_81 = tpu.memref_slice %arg19[%dma_wait3A_79, %dma_wait3A_80] : memref<4000x8xf32, #tpu.memory_space<vmem>> -> memref<2000x8xf32, #tpu.memory_space<vmem>>
    %dma_wait3A_82 = arith.constant 0 : i32
    %dma_wait3A_83 = tpu.memref_slice %arg16[%dma_wait3A_82] : memref<4000xi32, #tpu.memory_space<vmem>> -> memref<2000xi32, #tpu.memory_space<vmem>>
    %dma_wait3A_84 = arith.constant 0 : i32
    %dma_wait3A_85 = arith.constant 0 : i32
    %dma_wait3A_86 = tpu.memref_slice %arg12[%arg0, %dma_wait3A_84, %dma_wait3A_85] : memref<2x51200x8xf32, #tpu.memory_space<hbm>> -> memref<1x51200x8xf32, #tpu.memory_space<hbm>>
    %dma_wait3A_87 = tpu.memref_squeeze %dma_wait3A_86 : memref<1x51200x8xf32, #tpu.memory_space<hbm>> -> memref<51200x8xf32, #tpu.memory_space<hbm>>
    %dma_wait3A_88 = arith.constant 0 : i32
    %dma_wait3A_89 = arith.constant 0 : i32
    %dma_wait3A_90 = tpu.memref_slice %dma_wait3A_87[%dma_wait3A_88, %dma_wait3A_89] : memref<51200x8xf32, #tpu.memory_space<hbm>> -> memref<51200x8xf32, #tpu.memory_space<hbm>>
    tpu.wait_indirect_dma semaphore(%arg33 : memref<!tpu.dma_semaphore, #tpu.memory_space<semaphore_mem>>) src(%dma_wait3A_90 : memref<51200x8xf32, #tpu.memory_space<hbm>>) dst(%dma_wait3A_81 : memref<2000x8xf32, #tpu.memory_space<vmem>>)
    %dma_wait3A_91 = arith.constant 0 : i32
    %dma_wait3A_92 = tpu.memref_slice %arg24[%dma_wait3A_91] : memref<4000xf32, #tpu.memory_space<vmem>> -> memref<2000xf32, #tpu.memory_space<vmem>>
    %dma_wait3A_93 = arith.constant 0 : i32
    %dma_wait3A_94 = tpu.memref_slice %arg17[%dma_wait3A_93] : memref<4000xi32, #tpu.memory_space<vmem>> -> memref<2000xi32, #tpu.memory_space<vmem>>
    %dma_wait3A_95 = arith.constant 0 : i32
    %dma_wait3A_96 = tpu.memref_slice %arg29[%dma_wait3A_95] : memref<50048xf32, #tpu.memory_space<vmem_shared>> -> memref<50048xf32, #tpu.memory_space<vmem_shared>>
    tpu.wait_indirect_dma semaphore(%arg36 : memref<!tpu.dma_semaphore, #tpu.memory_space<semaphore_mem>>) src(%dma_wait3A_92 : memref<2000xf32, #tpu.memory_space<vmem>>) dst(%dma_wait3A_96 : memref<50048xf32, #tpu.memory_space<vmem_shared>>)
    %dma_wait3A_97 = arith.constant 0 : i32
    %dma_wait3A_98 = tpu.memref_slice %arg25[%dma_wait3A_97] : memref<4000xf32, #tpu.memory_space<vmem>> -> memref<2000xf32, #tpu.memory_space<vmem>>
    %dma_wait3A_99 = arith.constant 0 : i32
    %dma_wait3A_100 = tpu.memref_slice %arg17[%dma_wait3A_99] : memref<4000xi32, #tpu.memory_space<vmem>> -> memref<2000xi32, #tpu.memory_space<vmem>>
    %dma_wait3A_101 = arith.constant 0 : i32
    %dma_wait3A_102 = tpu.memref_slice %arg30[%dma_wait3A_101] : memref<50048xf32, #tpu.memory_space<vmem_shared>> -> memref<50048xf32, #tpu.memory_space<vmem_shared>>
    tpu.wait_indirect_dma semaphore(%arg36 : memref<!tpu.dma_semaphore, #tpu.memory_space<semaphore_mem>>) src(%dma_wait3A_98 : memref<2000xf32, #tpu.memory_space<vmem>>) dst(%dma_wait3A_102 : memref<50048xf32, #tpu.memory_space<vmem_shared>>)
    %dma_wait3A_103 = arith.constant 0 : i32
    %dma_wait3A_104 = tpu.memref_slice %arg26[%dma_wait3A_103] : memref<4000xf32, #tpu.memory_space<vmem>> -> memref<2000xf32, #tpu.memory_space<vmem>>
    %dma_wait3A_105 = arith.constant 0 : i32
    %dma_wait3A_106 = tpu.memref_slice %arg17[%dma_wait3A_105] : memref<4000xi32, #tpu.memory_space<vmem>> -> memref<2000xi32, #tpu.memory_space<vmem>>
    %dma_wait3A_107 = arith.constant 0 : i32
    %dma_wait3A_108 = tpu.memref_slice %arg31[%dma_wait3A_107] : memref<50048xf32, #tpu.memory_space<vmem_shared>> -> memref<50048xf32, #tpu.memory_space<vmem_shared>>
    tpu.wait_indirect_dma semaphore(%arg36 : memref<!tpu.dma_semaphore, #tpu.memory_space<semaphore_mem>>) src(%dma_wait3A_104 : memref<2000xf32, #tpu.memory_space<vmem>>) dst(%dma_wait3A_108 : memref<50048xf32, #tpu.memory_space<vmem_shared>>)
    %add3A_109 = arith.constant 48000 : i32
    %add3A_110 = arith.addi %mul3A_2, %add3A_109 : i32
    %multiple_of3A_111 = tpu.assume_multiple %add3A_110, 8 : i32
    "tpu.region"() ({
      %run_scoped3A_177 = tpu.sem_alloc : memref<!tpu.dma_semaphore, #tpu.memory_space<semaphore_mem>>
      %dma_start3A_178 = arith.constant 0 : i32
      %dma_start3A_179 = tpu.memref_slice %arg17[%dma_start3A_178] : memref<4000xi32, #tpu.memory_space<vmem>> -> memref<2000xi32, #tpu.memory_space<vmem>>
      %dma_start3A_180 = tpu.memref_slice %arg3[%multiple_of3A_111] : memref<1600000xi32, #tpu.memory_space<hbm>> -> memref<2000xi32, #tpu.memory_space<hbm>>
      %dma_start3A_181 = arith.constant 0 : i32
      %dma_start3A_182 = tpu.memref_slice %arg17[%dma_start3A_181] : memref<4000xi32, #tpu.memory_space<vmem>> -> memref<2000xi32, #tpu.memory_space<vmem>>
      %dma_start3A_183 = tpu.memref_slice %arg3[%multiple_of3A_111] : memref<1600000xi32, #tpu.memory_space<hbm>> -> memref<2000xi32, #tpu.memory_space<hbm>>
      tpu.enqueue_dma source(%dma_start3A_183 : memref<2000xi32, #tpu.memory_space<hbm>>) target(%dma_start3A_182 : memref<2000xi32, #tpu.memory_space<vmem>>) target_semaphore(%run_scoped3A_177 : memref<!tpu.dma_semaphore, #tpu.memory_space<semaphore_mem>>)
      %dma_wait3A_184 = arith.constant 0 : i32
      %dma_wait3A_185 = tpu.memref_slice %arg17[%dma_wait3A_184] : memref<4000xi32, #tpu.memory_space<vmem>> -> memref<2000xi32, #tpu.memory_space<vmem>>
      %dma_wait3A_186 = tpu.memref_slice %arg3[%multiple_of3A_111] : memref<1600000xi32, #tpu.memory_space<hbm>> -> memref<2000xi32, #tpu.memory_space<hbm>>
      %dma_wait3A_187 = arith.constant 0 : i32
      %dma_wait3A_188 = tpu.memref_slice %arg17[%dma_wait3A_187] : memref<4000xi32, #tpu.memory_space<vmem>> -> memref<2000xi32, #tpu.memory_space<vmem>>
      %dma_wait3A_189 = tpu.memref_slice %arg3[%multiple_of3A_111] : memref<1600000xi32, #tpu.memory_space<hbm>> -> memref<2000xi32, #tpu.memory_space<hbm>>
      tpu.wait_dma2 semaphore(%run_scoped3A_177 : memref<!tpu.dma_semaphore, #tpu.memory_space<semaphore_mem>>) src(%dma_wait3A_189 : memref<2000xi32, #tpu.memory_space<hbm>>) dst(%dma_wait3A_188 : memref<2000xi32, #tpu.memory_space<vmem>>)
      tpu.yield
    }) : () -> ()
    "tpu.region"() ({
      %run_scoped3A_177 = tpu.sem_alloc : memref<!tpu.dma_semaphore, #tpu.memory_space<semaphore_mem>>
      %dma_start3A_178 = tpu.memref_slice %arg6[%multiple_of3A_111] : memref<1600000xf32, #tpu.memory_space<hbm>> -> memref<2000xf32, #tpu.memory_space<hbm>>
      %dma_start3A_179 = tpu.memref_slice %arg6[%multiple_of3A_111] : memref<1600000xf32, #tpu.memory_space<hbm>> -> memref<2000xf32, #tpu.memory_space<hbm>>
      tpu.enqueue_dma source(%dma_start3A_179 : memref<2000xf32, #tpu.memory_space<hbm>>) target(%arg20 : memref<2000xf32, #tpu.memory_space<vmem>>) target_semaphore(%run_scoped3A_177 : memref<!tpu.dma_semaphore, #tpu.memory_space<semaphore_mem>>)
      %dma_wait3A_180 = tpu.memref_slice %arg6[%multiple_of3A_111] : memref<1600000xf32, #tpu.memory_space<hbm>> -> memref<2000xf32, #tpu.memory_space<hbm>>
      %dma_wait3A_181 = tpu.memref_slice %arg6[%multiple_of3A_111] : memref<1600000xf32, #tpu.memory_space<hbm>> -> memref<2000xf32, #tpu.memory_space<hbm>>
      tpu.wait_dma2 semaphore(%run_scoped3A_177 : memref<!tpu.dma_semaphore, #tpu.memory_space<semaphore_mem>>) src(%dma_wait3A_181 : memref<2000xf32, #tpu.memory_space<hbm>>) dst(%arg20 : memref<2000xf32, #tpu.memory_space<vmem>>)
      tpu.yield
    }) : () -> ()
    "tpu.region"() ({
      %run_scoped3A_177 = tpu.sem_alloc : memref<!tpu.dma_semaphore, #tpu.memory_space<semaphore_mem>>
      %dma_start3A_178 = tpu.memref_slice %arg7[%multiple_of3A_111] : memref<1600000xf32, #tpu.memory_space<hbm>> -> memref<2000xf32, #tpu.memory_space<hbm>>
      %dma_start3A_179 = tpu.memref_slice %arg7[%multiple_of3A_111] : memref<1600000xf32, #tpu.memory_space<hbm>> -> memref<2000xf32, #tpu.memory_space<hbm>>
      tpu.enqueue_dma source(%dma_start3A_179 : memref<2000xf32, #tpu.memory_space<hbm>>) target(%arg21 : memref<2000xf32, #tpu.memory_space<vmem>>) target_semaphore(%run_scoped3A_177 : memref<!tpu.dma_semaphore, #tpu.memory_space<semaphore_mem>>)
      %dma_wait3A_180 = tpu.memref_slice %arg7[%multiple_of3A_111] : memref<1600000xf32, #tpu.memory_space<hbm>> -> memref<2000xf32, #tpu.memory_space<hbm>>
      %dma_wait3A_181 = tpu.memref_slice %arg7[%multiple_of3A_111] : memref<1600000xf32, #tpu.memory_space<hbm>> -> memref<2000xf32, #tpu.memory_space<hbm>>
      tpu.wait_dma2 semaphore(%run_scoped3A_177 : memref<!tpu.dma_semaphore, #tpu.memory_space<semaphore_mem>>) src(%dma_wait3A_181 : memref<2000xf32, #tpu.memory_space<hbm>>) dst(%arg21 : memref<2000xf32, #tpu.memory_space<vmem>>)
      tpu.yield
    }) : () -> ()
    "tpu.region"() ({
      %run_scoped3A_177 = tpu.sem_alloc : memref<!tpu.dma_semaphore, #tpu.memory_space<semaphore_mem>>
      %dma_start3A_178 = tpu.memref_slice %arg8[%multiple_of3A_111] : memref<1600000xf32, #tpu.memory_space<hbm>> -> memref<2000xf32, #tpu.memory_space<hbm>>
      %dma_start3A_179 = tpu.memref_slice %arg8[%multiple_of3A_111] : memref<1600000xf32, #tpu.memory_space<hbm>> -> memref<2000xf32, #tpu.memory_space<hbm>>
      tpu.enqueue_dma source(%dma_start3A_179 : memref<2000xf32, #tpu.memory_space<hbm>>) target(%arg22 : memref<2000xf32, #tpu.memory_space<vmem>>) target_semaphore(%run_scoped3A_177 : memref<!tpu.dma_semaphore, #tpu.memory_space<semaphore_mem>>)
      %dma_wait3A_180 = tpu.memref_slice %arg8[%multiple_of3A_111] : memref<1600000xf32, #tpu.memory_space<hbm>> -> memref<2000xf32, #tpu.memory_space<hbm>>
      %dma_wait3A_181 = tpu.memref_slice %arg8[%multiple_of3A_111] : memref<1600000xf32, #tpu.memory_space<hbm>> -> memref<2000xf32, #tpu.memory_space<hbm>>
      tpu.wait_dma2 semaphore(%run_scoped3A_177 : memref<!tpu.dma_semaphore, #tpu.memory_space<semaphore_mem>>) src(%dma_wait3A_181 : memref<2000xf32, #tpu.memory_space<hbm>>) dst(%arg22 : memref<2000xf32, #tpu.memory_space<vmem>>)
      tpu.yield
    }) : () -> ()
    "tpu.region"() ({
      %run_scoped3A_177 = tpu.sem_alloc : memref<!tpu.dma_semaphore, #tpu.memory_space<semaphore_mem>>
      %dma_start3A_178 = tpu.memref_slice %arg9[%multiple_of3A_111] : memref<1600000xf32, #tpu.memory_space<hbm>> -> memref<2000xf32, #tpu.memory_space<hbm>>
      %dma_start3A_179 = tpu.memref_slice %arg9[%multiple_of3A_111] : memref<1600000xf32, #tpu.memory_space<hbm>> -> memref<2000xf32, #tpu.memory_space<hbm>>
      tpu.enqueue_dma source(%dma_start3A_179 : memref<2000xf32, #tpu.memory_space<hbm>>) target(%arg23 : memref<2000xf32, #tpu.memory_space<vmem>>) target_semaphore(%run_scoped3A_177 : memref<!tpu.dma_semaphore, #tpu.memory_space<semaphore_mem>>)
      %dma_wait3A_180 = tpu.memref_slice %arg9[%multiple_of3A_111] : memref<1600000xf32, #tpu.memory_space<hbm>> -> memref<2000xf32, #tpu.memory_space<hbm>>
      %dma_wait3A_181 = tpu.memref_slice %arg9[%multiple_of3A_111] : memref<1600000xf32, #tpu.memory_space<hbm>> -> memref<2000xf32, #tpu.memory_space<hbm>>
      tpu.wait_dma2 semaphore(%run_scoped3A_177 : memref<!tpu.dma_semaphore, #tpu.memory_space<semaphore_mem>>) src(%dma_wait3A_181 : memref<2000xf32, #tpu.memory_space<hbm>>) dst(%arg23 : memref<2000xf32, #tpu.memory_space<vmem>>)
      tpu.yield
    }) : () -> ()
    %scan3A_112 = arith.constant 0 : i32
    %scan3A_113 = arith.constant 125 : i32
    %scan3A_114 = arith.addi %scan3A_112, %scan3A_113 : i32
    %scan3A_115 = arith.constant 1 : i32
    scf.for %scan3A_177 = %scan3A_112 to %scan3A_114 step %scan3A_115  : i32 {
      %mul3A_178 = arith.constant 16 : i32
      %mul3A_179 = arith.muli %scan3A_177, %mul3A_178 : i32
      %add3A_180 = vector.broadcast %mul3A_179 : i32 to vector<16xi32>
      %add3A_181 = arith.addi %add3A_180, %iota3A : vector<16xi32>
      %gather3A = arith.constant 0 : i32
      %gather3A_182 = arith.constant 0 : i32
      %gather3A_183 = tpu.memref_slice %arg18[%gather3A, %gather3A_182] : memref<4000x8xf32, #tpu.memory_space<vmem>> -> memref<2000x8xf32, #tpu.memory_space<vmem>>
      %gather3A_184 = tpu.vector_load_idx %gather3A_183[%add3A_181, %broadcast_in_dim3A_5] : memref<2000x8xf32, #tpu.memory_space<vmem>>[vector<16xi32>, vector<16xi32>], vector<16xf32>,
      %gather3A_185 = arith.constant 0 : i32
      %gather3A_186 = arith.constant 0 : i32
      %gather3A_187 = tpu.memref_slice %arg18[%gather3A_185, %gather3A_186] : memref<4000x8xf32, #tpu.memory_space<vmem>> -> memref<2000x8xf32, #tpu.memory_space<vmem>>
      %gather3A_188 = tpu.vector_load_idx %gather3A_187[%add3A_181, %broadcast_in_dim3A_7] : memref<2000x8xf32, #tpu.memory_space<vmem>>[vector<16xi32>, vector<16xi32>], vector<16xf32>,
      %gather3A_189 = arith.constant 0 : i32
      %gather3A_190 = arith.constant 0 : i32
      %gather3A_191 = tpu.memref_slice %arg18[%gather3A_189, %gather3A_190] : memref<4000x8xf32, #tpu.memory_space<vmem>> -> memref<2000x8xf32, #tpu.memory_space<vmem>>
      %gather3A_192 = tpu.vector_load_idx %gather3A_191[%add3A_181, %broadcast_in_dim3A_9] : memref<2000x8xf32, #tpu.memory_space<vmem>>[vector<16xi32>, vector<16xi32>], vector<16xf32>,
      %gather3A_193 = arith.constant 0 : i32
      %gather3A_194 = arith.constant 0 : i32
      %gather3A_195 = tpu.memref_slice %arg18[%gather3A_193, %gather3A_194] : memref<4000x8xf32, #tpu.memory_space<vmem>> -> memref<2000x8xf32, #tpu.memory_space<vmem>>
      %gather3A_196 = tpu.vector_load_idx %gather3A_195[%add3A_181, %broadcast_in_dim3A_11] : memref<2000x8xf32, #tpu.memory_space<vmem>>[vector<16xi32>, vector<16xi32>], vector<16xf32>,
      %gather3A_197 = arith.constant 0 : i32
      %gather3A_198 = arith.constant 0 : i32
      %gather3A_199 = tpu.memref_slice %arg19[%gather3A_197, %gather3A_198] : memref<4000x8xf32, #tpu.memory_space<vmem>> -> memref<2000x8xf32, #tpu.memory_space<vmem>>
      %gather3A_200 = tpu.vector_load_idx %gather3A_199[%add3A_181, %broadcast_in_dim3A_5] : memref<2000x8xf32, #tpu.memory_space<vmem>>[vector<16xi32>, vector<16xi32>], vector<16xf32>,
      %gather3A_201 = arith.constant 0 : i32
      %gather3A_202 = arith.constant 0 : i32
      %gather3A_203 = tpu.memref_slice %arg19[%gather3A_201, %gather3A_202] : memref<4000x8xf32, #tpu.memory_space<vmem>> -> memref<2000x8xf32, #tpu.memory_space<vmem>>
      %gather3A_204 = tpu.vector_load_idx %gather3A_203[%add3A_181, %broadcast_in_dim3A_7] : memref<2000x8xf32, #tpu.memory_space<vmem>>[vector<16xi32>, vector<16xi32>], vector<16xf32>,
      %gather3A_205 = arith.constant 0 : i32
      %gather3A_206 = arith.constant 0 : i32
      %gather3A_207 = tpu.memref_slice %arg19[%gather3A_205, %gather3A_206] : memref<4000x8xf32, #tpu.memory_space<vmem>> -> memref<2000x8xf32, #tpu.memory_space<vmem>>
      %gather3A_208 = tpu.vector_load_idx %gather3A_207[%add3A_181, %broadcast_in_dim3A_9] : memref<2000x8xf32, #tpu.memory_space<vmem>>[vector<16xi32>, vector<16xi32>], vector<16xf32>,
      %gather3A_209 = arith.constant 0 : i32
      %gather3A_210 = arith.constant 0 : i32
      %gather3A_211 = tpu.memref_slice %arg19[%gather3A_209, %gather3A_210] : memref<4000x8xf32, #tpu.memory_space<vmem>> -> memref<2000x8xf32, #tpu.memory_space<vmem>>
      %gather3A_212 = tpu.vector_load_idx %gather3A_211[%add3A_181, %broadcast_in_dim3A_11] : memref<2000x8xf32, #tpu.memory_space<vmem>>[vector<16xi32>, vector<16xi32>], vector<16xf32>,
      %mul3A_213 = arith.constant 16 : i32
      %mul3A_214 = arith.muli %scan3A_177, %mul3A_213 : i32
      %get3A = arith.index_cast %mul3A_214 : i32 to index
      %get3A_215 = tpu.vector_load %arg20[%get3A] {strides = array<i32>} : memref<2000xf32, #tpu.memory_space<vmem>>, vector<16xf32>,
      %get3A_216 = arith.index_cast %mul3A_214 : i32 to index
      %get3A_217 = tpu.vector_load %arg21[%get3A_216] {strides = array<i32>} : memref<2000xf32, #tpu.memory_space<vmem>>, vector<16xf32>,
      %get3A_218 = arith.index_cast %mul3A_214 : i32 to index
      %get3A_219 = tpu.vector_load %arg22[%get3A_218] {strides = array<i32>} : memref<2000xf32, #tpu.memory_space<vmem>>, vector<16xf32>,
      %get3A_220 = arith.index_cast %mul3A_214 : i32 to index
      %get3A_221 = tpu.vector_load %arg23[%get3A_220] {strides = array<i32>} : memref<2000xf32, #tpu.memory_space<vmem>>, vector<16xf32>,
      %div3A = arith.constant 1.000000e+00 : f32
      %div3A_222 = vector.broadcast %div3A : f32 to vector<16xf32>
      %div3A_223 = arith.divf %div3A_222, %gather3A_196 : vector<16xf32>
      %div3A_224 = arith.constant 1.000000e+00 : f32
      %div3A_225 = vector.broadcast %div3A_224 : f32 to vector<16xf32>
      %div3A_226 = arith.divf %div3A_225, %gather3A_212 : vector<16xf32>
      %mul3A_227 = arith.mulf %div3A_223, %div3A_223 : vector<16xf32>
      %mul3A_228 = arith.mulf %div3A_226, %div3A_226 : vector<16xf32>
      %add3A_229 = arith.addf %mul3A_227, %mul3A_228 : vector<16xf32>
      %mul3A_230 = arith.mulf %add3A_229, %get3A_221 : vector<16xf32>
      %mul3A_231 = arith.constant 2.000000e+00 : f32
      %mul3A_232 = vector.broadcast %mul3A_231 : f32 to vector<16xf32>
      %mul3A_233 = arith.mulf %mul3A_232, %gather3A_196 : vector<16xf32>
      %mul3A_234 = arith.mulf %mul3A_233, %gather3A_212 : vector<16xf32>
      %sub3A = arith.subf %mul3A_234, %gather3A_196 : vector<16xf32>
      %sub3A_235 = arith.subf %sub3A, %gather3A_212 : vector<16xf32>
      %mul3A_236 = arith.constant 1.000000e+02 : f32
      %mul3A_237 = vector.broadcast %mul3A_236 : f32 to vector<16xf32>
      %mul3A_238 = arith.mulf %mul3A_237, %sub3A_235 : vector<16xf32>
      %add3A_239 = arith.addf %gather3A_196, %gather3A_212 : vector<16xf32>
      %div3A_240 = arith.divf %mul3A_238, %add3A_239 : vector<16xf32>
      %neg3A = arith.constant 0.000000e+00 : f32
      %neg3A_241 = vector.broadcast %neg3A : f32 to vector<16xf32>
      %neg3A_242 = arith.subf %neg3A_241, %div3A_240 : vector<16xf32>
      %mul3A_243 = arith.mulf %neg3A_242, %get3A_215 : vector<16xf32>
      %sub3A_244 = arith.subf %gather3A_184, %gather3A_200 : vector<16xf32>
      %mul3A_245 = arith.constant 0.00999999511 : f32
      %mul3A_246 = vector.broadcast %mul3A_245 : f32 to vector<16xf32>
      %mul3A_247 = arith.mulf %mul3A_246, %sub3A_244 : vector<16xf32>
      %add3A_248 = arith.addf %mul3A_243, %mul3A_247 : vector<16xf32>
      %mul3A_249 = arith.mulf %mul3A_230, %add3A_248 : vector<16xf32>
      %swap3A = arith.constant 0 : i32
      %swap3A_250 = tpu.memref_slice %arg24[%swap3A] : memref<4000xf32, #tpu.memory_space<vmem>> -> memref<2000xf32, #tpu.memory_space<vmem>>
      %swap3A_251 = arith.index_cast %mul3A_214 : i32 to index
      %swap3A_252 = tpu.vector_load %swap3A_250[%swap3A_251] {strides = array<i32>} : memref<2000xf32, #tpu.memory_space<vmem>>, vector<16xf32>,
      tpu.vector_store %swap3A_250[%swap3A_251], %mul3A_249 {strides = array<i32>} : memref<2000xf32, #tpu.memory_space<vmem>>, vector<16xf32>,
      %neg3A_253 = arith.constant 0.000000e+00 : f32
      %neg3A_254 = vector.broadcast %neg3A_253 : f32 to vector<16xf32>
      %neg3A_255 = arith.subf %neg3A_254, %div3A_240 : vector<16xf32>
      %mul3A_256 = arith.mulf %neg3A_255, %get3A_217 : vector<16xf32>
      %sub3A_257 = arith.subf %gather3A_188, %gather3A_204 : vector<16xf32>
      %mul3A_258 = arith.constant 0.00999999511 : f32
      %mul3A_259 = vector.broadcast %mul3A_258 : f32 to vector<16xf32>
      %mul3A_260 = arith.mulf %mul3A_259, %sub3A_257 : vector<16xf32>
      %add3A_261 = arith.addf %mul3A_256, %mul3A_260 : vector<16xf32>
      %mul3A_262 = arith.mulf %mul3A_230, %add3A_261 : vector<16xf32>
      %swap3A_263 = arith.constant 0 : i32
      %swap3A_264 = tpu.memref_slice %arg25[%swap3A_263] : memref<4000xf32, #tpu.memory_space<vmem>> -> memref<2000xf32, #tpu.memory_space<vmem>>
      %swap3A_265 = arith.index_cast %mul3A_214 : i32 to index
      %swap3A_266 = tpu.vector_load %swap3A_264[%swap3A_265] {strides = array<i32>} : memref<2000xf32, #tpu.memory_space<vmem>>, vector<16xf32>,
      tpu.vector_store %swap3A_264[%swap3A_265], %mul3A_262 {strides = array<i32>} : memref<2000xf32, #tpu.memory_space<vmem>>, vector<16xf32>,
      %neg3A_267 = arith.constant 0.000000e+00 : f32
      %neg3A_268 = vector.broadcast %neg3A_267 : f32 to vector<16xf32>
      %neg3A_269 = arith.subf %neg3A_268, %div3A_240 : vector<16xf32>
      %mul3A_270 = arith.mulf %neg3A_269, %get3A_219 : vector<16xf32>
      %sub3A_271 = arith.subf %gather3A_192, %gather3A_208 : vector<16xf32>
      %mul3A_272 = arith.constant 0.00999999511 : f32
      %mul3A_273 = vector.broadcast %mul3A_272 : f32 to vector<16xf32>
      %mul3A_274 = arith.mulf %mul3A_273, %sub3A_271 : vector<16xf32>
      %add3A_275 = arith.addf %mul3A_270, %mul3A_274 : vector<16xf32>
      %mul3A_276 = arith.mulf %mul3A_230, %add3A_275 : vector<16xf32>
      %swap3A_277 = arith.constant 0 : i32
      %swap3A_278 = tpu.memref_slice %arg26[%swap3A_277] : memref<4000xf32, #tpu.memory_space<vmem>> -> memref<2000xf32, #tpu.memory_space<vmem>>
      %swap3A_279 = arith.index_cast %mul3A_214 : i32 to index
      %swap3A_280 = tpu.vector_load %swap3A_278[%swap3A_279] {strides = array<i32>} : memref<2000xf32, #tpu.memory_space<vmem>>, vector<16xf32>,
      tpu.vector_store %swap3A_278[%swap3A_279], %mul3A_276 {strides = array<i32>} : memref<2000xf32, #tpu.memory_space<vmem>>, vector<16xf32>,
    }
    %scan3A_116 = arith.constant 125 : i32
    %dma_start3A_117 = arith.constant 0 : i32
    %dma_start3A_118 = tpu.memref_slice %arg24[%dma_start3A_117] : memref<4000xf32, #tpu.memory_space<vmem>> -> memref<2000xf32, #tpu.memory_space<vmem>>
    %dma_start3A_119 = arith.constant 0 : i32
    %dma_start3A_120 = tpu.memref_slice %arg17[%dma_start3A_119] : memref<4000xi32, #tpu.memory_space<vmem>> -> memref<2000xi32, #tpu.memory_space<vmem>>
    %dma_start3A_121 = arith.constant 0 : i32
    %dma_start3A_122 = tpu.memref_slice %arg29[%dma_start3A_121] : memref<50048xf32, #tpu.memory_space<vmem_shared>> -> memref<50048xf32, #tpu.memory_space<vmem_shared>>
    tpu.enqueue_indirect_dma source(%dma_start3A_118 : memref<2000xf32, #tpu.memory_space<vmem>>) target(%dma_start3A_122 : memref<50048xf32, #tpu.memory_space<vmem_shared>>) offsets(%dma_start3A_120 : memref<2000xi32, #tpu.memory_space<vmem>>) semaphore(%arg36 : memref<!tpu.dma_semaphore, #tpu.memory_space<semaphore_mem>>) {add = true}
    %dma_start3A_123 = arith.constant 0 : i32
    %dma_start3A_124 = tpu.memref_slice %arg25[%dma_start3A_123] : memref<4000xf32, #tpu.memory_space<vmem>> -> memref<2000xf32, #tpu.memory_space<vmem>>
    %dma_start3A_125 = arith.constant 0 : i32
    %dma_start3A_126 = tpu.memref_slice %arg17[%dma_start3A_125] : memref<4000xi32, #tpu.memory_space<vmem>> -> memref<2000xi32, #tpu.memory_space<vmem>>
    %dma_start3A_127 = arith.constant 0 : i32
    %dma_start3A_128 = tpu.memref_slice %arg30[%dma_start3A_127] : memref<50048xf32, #tpu.memory_space<vmem_shared>> -> memref<50048xf32, #tpu.memory_space<vmem_shared>>
    tpu.enqueue_indirect_dma source(%dma_start3A_124 : memref<2000xf32, #tpu.memory_space<vmem>>) target(%dma_start3A_128 : memref<50048xf32, #tpu.memory_space<vmem_shared>>) offsets(%dma_start3A_126 : memref<2000xi32, #tpu.memory_space<vmem>>) semaphore(%arg36 : memref<!tpu.dma_semaphore, #tpu.memory_space<semaphore_mem>>) {add = true}
    %dma_start3A_129 = arith.constant 0 : i32
    %dma_start3A_130 = tpu.memref_slice %arg26[%dma_start3A_129] : memref<4000xf32, #tpu.memory_space<vmem>> -> memref<2000xf32, #tpu.memory_space<vmem>>
    %dma_start3A_131 = arith.constant 0 : i32
    %dma_start3A_132 = tpu.memref_slice %arg17[%dma_start3A_131] : memref<4000xi32, #tpu.memory_space<vmem>> -> memref<2000xi32, #tpu.memory_space<vmem>>
    %dma_start3A_133 = arith.constant 0 : i32
    %dma_start3A_134 = tpu.memref_slice %arg31[%dma_start3A_133] : memref<50048xf32, #tpu.memory_space<vmem_shared>> -> memref<50048xf32, #tpu.memory_space<vmem_shared>>
    tpu.enqueue_indirect_dma source(%dma_start3A_130 : memref<2000xf32, #tpu.memory_space<vmem>>) target(%dma_start3A_134 : memref<50048xf32, #tpu.memory_space<vmem_shared>>) offsets(%dma_start3A_132 : memref<2000xi32, #tpu.memory_space<vmem>>) semaphore(%arg36 : memref<!tpu.dma_semaphore, #tpu.memory_space<semaphore_mem>>) {add = true}
    %dma_wait3A_135 = arith.constant 0 : i32
    %dma_wait3A_136 = tpu.memref_slice %arg24[%dma_wait3A_135] : memref<4000xf32, #tpu.memory_space<vmem>> -> memref<2000xf32, #tpu.memory_space<vmem>>
    %dma_wait3A_137 = arith.constant 0 : i32
    %dma_wait3A_138 = tpu.memref_slice %arg17[%dma_wait3A_137] : memref<4000xi32, #tpu.memory_space<vmem>> -> memref<2000xi32, #tpu.memory_space<vmem>>
    %dma_wait3A_139 = arith.constant 0 : i32
    %dma_wait3A_140 = tpu.memref_slice %arg29[%dma_wait3A_139] : memref<50048xf32, #tpu.memory_space<vmem_shared>> -> memref<50048xf32, #tpu.memory_space<vmem_shared>>
    tpu.wait_indirect_dma semaphore(%arg36 : memref<!tpu.dma_semaphore, #tpu.memory_space<semaphore_mem>>) src(%dma_wait3A_136 : memref<2000xf32, #tpu.memory_space<vmem>>) dst(%dma_wait3A_140 : memref<50048xf32, #tpu.memory_space<vmem_shared>>)
    %dma_wait3A_141 = arith.constant 0 : i32
    %dma_wait3A_142 = tpu.memref_slice %arg25[%dma_wait3A_141] : memref<4000xf32, #tpu.memory_space<vmem>> -> memref<2000xf32, #tpu.memory_space<vmem>>
    %dma_wait3A_143 = arith.constant 0 : i32
    %dma_wait3A_144 = tpu.memref_slice %arg17[%dma_wait3A_143] : memref<4000xi32, #tpu.memory_space<vmem>> -> memref<2000xi32, #tpu.memory_space<vmem>>
    %dma_wait3A_145 = arith.constant 0 : i32
    %dma_wait3A_146 = tpu.memref_slice %arg30[%dma_wait3A_145] : memref<50048xf32, #tpu.memory_space<vmem_shared>> -> memref<50048xf32, #tpu.memory_space<vmem_shared>>
    tpu.wait_indirect_dma semaphore(%arg36 : memref<!tpu.dma_semaphore, #tpu.memory_space<semaphore_mem>>) src(%dma_wait3A_142 : memref<2000xf32, #tpu.memory_space<vmem>>) dst(%dma_wait3A_146 : memref<50048xf32, #tpu.memory_space<vmem_shared>>)
    %dma_wait3A_147 = arith.constant 0 : i32
    %dma_wait3A_148 = tpu.memref_slice %arg26[%dma_wait3A_147] : memref<4000xf32, #tpu.memory_space<vmem>> -> memref<2000xf32, #tpu.memory_space<vmem>>
    %dma_wait3A_149 = arith.constant 0 : i32
    %dma_wait3A_150 = tpu.memref_slice %arg17[%dma_wait3A_149] : memref<4000xi32, #tpu.memory_space<vmem>> -> memref<2000xi32, #tpu.memory_space<vmem>>
    %dma_wait3A_151 = arith.constant 0 : i32
    %dma_wait3A_152 = tpu.memref_slice %arg31[%dma_wait3A_151] : memref<50048xf32, #tpu.memory_space<vmem_shared>> -> memref<50048xf32, #tpu.memory_space<vmem_shared>>
    tpu.wait_indirect_dma semaphore(%arg36 : memref<!tpu.dma_semaphore, #tpu.memory_space<semaphore_mem>>) src(%dma_wait3A_148 : memref<2000xf32, #tpu.memory_space<vmem>>) dst(%dma_wait3A_152 : memref<50048xf32, #tpu.memory_space<vmem_shared>>)
    %dma_wait3A_153 = arith.constant 2000 : i32
    %dma_wait3A_154 = tpu.memref_slice %arg24[%dma_wait3A_153] : memref<4000xf32, #tpu.memory_space<vmem>> -> memref<2000xf32, #tpu.memory_space<vmem>>
    %dma_wait3A_155 = arith.constant 2000 : i32
    %dma_wait3A_156 = tpu.memref_slice %arg17[%dma_wait3A_155] : memref<4000xi32, #tpu.memory_space<vmem>> -> memref<2000xi32, #tpu.memory_space<vmem>>
    %dma_wait3A_157 = arith.constant 0 : i32
    %dma_wait3A_158 = tpu.memref_slice %arg29[%dma_wait3A_157] : memref<50048xf32, #tpu.memory_space<vmem_shared>> -> memref<50048xf32, #tpu.memory_space<vmem_shared>>
    tpu.wait_indirect_dma semaphore(%arg37 : memref<!tpu.dma_semaphore, #tpu.memory_space<semaphore_mem>>) src(%dma_wait3A_154 : memref<2000xf32, #tpu.memory_space<vmem>>) dst(%dma_wait3A_158 : memref<50048xf32, #tpu.memory_space<vmem_shared>>)
    %dma_wait3A_159 = arith.constant 2000 : i32
    %dma_wait3A_160 = tpu.memref_slice %arg25[%dma_wait3A_159] : memref<4000xf32, #tpu.memory_space<vmem>> -> memref<2000xf32, #tpu.memory_space<vmem>>
    %dma_wait3A_161 = arith.constant 2000 : i32
    %dma_wait3A_162 = tpu.memref_slice %arg17[%dma_wait3A_161] : memref<4000xi32, #tpu.memory_space<vmem>> -> memref<2000xi32, #tpu.memory_space<vmem>>
    %dma_wait3A_163 = arith.constant 0 : i32
    %dma_wait3A_164 = tpu.memref_slice %arg30[%dma_wait3A_163] : memref<50048xf32, #tpu.memory_space<vmem_shared>> -> memref<50048xf32, #tpu.memory_space<vmem_shared>>
    tpu.wait_indirect_dma semaphore(%arg37 : memref<!tpu.dma_semaphore, #tpu.memory_space<semaphore_mem>>) src(%dma_wait3A_160 : memref<2000xf32, #tpu.memory_space<vmem>>) dst(%dma_wait3A_164 : memref<50048xf32, #tpu.memory_space<vmem_shared>>)
    %dma_wait3A_165 = arith.constant 2000 : i32
    %dma_wait3A_166 = tpu.memref_slice %arg26[%dma_wait3A_165] : memref<4000xf32, #tpu.memory_space<vmem>> -> memref<2000xf32, #tpu.memory_space<vmem>>
    %dma_wait3A_167 = arith.constant 2000 : i32
    %dma_wait3A_168 = tpu.memref_slice %arg17[%dma_wait3A_167] : memref<4000xi32, #tpu.memory_space<vmem>> -> memref<2000xi32, #tpu.memory_space<vmem>>
    %dma_wait3A_169 = arith.constant 0 : i32
    %dma_wait3A_170 = tpu.memref_slice %arg31[%dma_wait3A_169] : memref<50048xf32, #tpu.memory_space<vmem_shared>> -> memref<50048xf32, #tpu.memory_space<vmem_shared>>
    tpu.wait_indirect_dma semaphore(%arg37 : memref<!tpu.dma_semaphore, #tpu.memory_space<semaphore_mem>>) src(%dma_wait3A_166 : memref<2000xf32, #tpu.memory_space<vmem>>) dst(%dma_wait3A_170 : memref<50048xf32, #tpu.memory_space<vmem_shared>>)
    %barrier3A_171 = arith.constant 0 : index
    tpu.barrier barrier_id(%barrier3A_171)
    %mul3A_172 = arith.constant 3128 : i32
    %mul3A_173 = arith.muli %arg1, %mul3A_172 : i32
    %run_scoped3A_174 = arith.constant 0 : i32
    "tpu.region"() ({
      %run_scoped3A_177 = tpu.sem_alloc : memref<!tpu.dma_semaphore, #tpu.memory_space<semaphore_mem>>
      %dma_start3A_178 = tpu.memref_slice %arg11[%arg0, %run_scoped3A_174, %mul3A_173] : memref<2x3x50048xf32, #tpu.memory_space<hbm>> -> memref<1x1x3128xf32, #tpu.memory_space<hbm>>
      %dma_start3A_179 = tpu.memref_squeeze %dma_start3A_178 : memref<1x1x3128xf32, #tpu.memory_space<hbm>> -> memref<3128xf32, #tpu.memory_space<hbm>>
      %dma_start3A_180 = tpu.memref_slice %arg29[%mul3A_173] : memref<50048xf32, #tpu.memory_space<vmem_shared>> -> memref<3128xf32, #tpu.memory_space<vmem_shared>>
      tpu.enqueue_dma source(%dma_start3A_180 : memref<3128xf32, #tpu.memory_space<vmem_shared>>) target(%dma_start3A_179 : memref<3128xf32, #tpu.memory_space<hbm>>) target_semaphore(%run_scoped3A_177 : memref<!tpu.dma_semaphore, #tpu.memory_space<semaphore_mem>>)
      %dma_wait3A_181 = tpu.memref_slice %arg11[%arg0, %run_scoped3A_174, %mul3A_173] : memref<2x3x50048xf32, #tpu.memory_space<hbm>> -> memref<1x1x3128xf32, #tpu.memory_space<hbm>>
      %dma_wait3A_182 = tpu.memref_squeeze %dma_wait3A_181 : memref<1x1x3128xf32, #tpu.memory_space<hbm>> -> memref<3128xf32, #tpu.memory_space<hbm>>
      %dma_wait3A_183 = tpu.memref_slice %arg29[%mul3A_173] : memref<50048xf32, #tpu.memory_space<vmem_shared>> -> memref<3128xf32, #tpu.memory_space<vmem_shared>>
      tpu.wait_dma2 semaphore(%run_scoped3A_177 : memref<!tpu.dma_semaphore, #tpu.memory_space<semaphore_mem>>) src(%dma_wait3A_183 : memref<3128xf32, #tpu.memory_space<vmem_shared>>) dst(%dma_wait3A_182 : memref<3128xf32, #tpu.memory_space<hbm>>)
      tpu.yield
    }) : () -> ()
    %run_scoped3A_175 = arith.constant 1 : i32
    "tpu.region"() ({
      %run_scoped3A_177 = tpu.sem_alloc : memref<!tpu.dma_semaphore, #tpu.memory_space<semaphore_mem>>
      %dma_start3A_178 = tpu.memref_slice %arg11[%arg0, %run_scoped3A_175, %mul3A_173] : memref<2x3x50048xf32, #tpu.memory_space<hbm>> -> memref<1x1x3128xf32, #tpu.memory_space<hbm>>
      %dma_start3A_179 = tpu.memref_squeeze %dma_start3A_178 : memref<1x1x3128xf32, #tpu.memory_space<hbm>> -> memref<3128xf32, #tpu.memory_space<hbm>>
      %dma_start3A_180 = tpu.memref_slice %arg30[%mul3A_173] : memref<50048xf32, #tpu.memory_space<vmem_shared>> -> memref<3128xf32, #tpu.memory_space<vmem_shared>>
      tpu.enqueue_dma source(%dma_start3A_180 : memref<3128xf32, #tpu.memory_space<vmem_shared>>) target(%dma_start3A_179 : memref<3128xf32, #tpu.memory_space<hbm>>) target_semaphore(%run_scoped3A_177 : memref<!tpu.dma_semaphore, #tpu.memory_space<semaphore_mem>>)
      %dma_wait3A_181 = tpu.memref_slice %arg11[%arg0, %run_scoped3A_175, %mul3A_173] : memref<2x3x50048xf32, #tpu.memory_space<hbm>> -> memref<1x1x3128xf32, #tpu.memory_space<hbm>>
      %dma_wait3A_182 = tpu.memref_squeeze %dma_wait3A_181 : memref<1x1x3128xf32, #tpu.memory_space<hbm>> -> memref<3128xf32, #tpu.memory_space<hbm>>
      %dma_wait3A_183 = tpu.memref_slice %arg30[%mul3A_173] : memref<50048xf32, #tpu.memory_space<vmem_shared>> -> memref<3128xf32, #tpu.memory_space<vmem_shared>>
      tpu.wait_dma2 semaphore(%run_scoped3A_177 : memref<!tpu.dma_semaphore, #tpu.memory_space<semaphore_mem>>) src(%dma_wait3A_183 : memref<3128xf32, #tpu.memory_space<vmem_shared>>) dst(%dma_wait3A_182 : memref<3128xf32, #tpu.memory_space<hbm>>)
      tpu.yield
    }) : () -> ()
    %run_scoped3A_176 = arith.constant 2 : i32
    "tpu.region"() ({
      %run_scoped3A_177 = tpu.sem_alloc : memref<!tpu.dma_semaphore, #tpu.memory_space<semaphore_mem>>
      %dma_start3A_178 = tpu.memref_slice %arg11[%arg0, %run_scoped3A_176, %mul3A_173] : memref<2x3x50048xf32, #tpu.memory_space<hbm>> -> memref<1x1x3128xf32, #tpu.memory_space<hbm>>
      %dma_start3A_179 = tpu.memref_squeeze %dma_start3A_178 : memref<1x1x3128xf32, #tpu.memory_space<hbm>> -> memref<3128xf32, #tpu.memory_space<hbm>>
      %dma_start3A_180 = tpu.memref_slice %arg31[%mul3A_173] : memref<50048xf32, #tpu.memory_space<vmem_shared>> -> memref<3128xf32, #tpu.memory_space<vmem_shared>>
      tpu.enqueue_dma source(%dma_start3A_180 : memref<3128xf32, #tpu.memory_space<vmem_shared>>) target(%dma_start3A_179 : memref<3128xf32, #tpu.memory_space<hbm>>) target_semaphore(%run_scoped3A_177 : memref<!tpu.dma_semaphore, #tpu.memory_space<semaphore_mem>>)
      %dma_wait3A_181 = tpu.memref_slice %arg11[%arg0, %run_scoped3A_176, %mul3A_173] : memref<2x3x50048xf32, #tpu.memory_space<hbm>> -> memref<1x1x3128xf32, #tpu.memory_space<hbm>>
      %dma_wait3A_182 = tpu.memref_squeeze %dma_wait3A_181 : memref<1x1x3128xf32, #tpu.memory_space<hbm>> -> memref<3128xf32, #tpu.memory_space<hbm>>
      %dma_wait3A_183 = tpu.memref_slice %arg31[%mul3A_173] : memref<50048xf32, #tpu.memory_space<vmem_shared>> -> memref<3128xf32, #tpu.memory_space<vmem_shared>>
      tpu.wait_dma2 semaphore(%run_scoped3A_177 : memref<!tpu.dma_semaphore, #tpu.memory_space<semaphore_mem>>) src(%dma_wait3A_183 : memref<3128xf32, #tpu.memory_space<vmem_shared>>) dst(%dma_wait3A_182 : memref<3128xf32, #tpu.memory_space<hbm>>)
      tpu.yield
    }) : () -> ()
    return
  }
}

#map = affine_map<(d0, d1) -> (0, 0)>
#map1 = affine_map<(d0, d1) -> (0)>
module attributes {stable_mosaic.version = 14 : i64} {
  func.func @_pass1_body(%arg0: i32, %arg1: i32, %arg2: memref<50000x8xf32, #tpu.memory_space<hbm>>, %arg3: memref<1600000xi32, #tpu.memory_space<hbm>>, %arg4: memref<1600000xi32, #tpu.memory_space<hbm>>, %arg5: memref<3200xf32, #tpu.memory_space<hbm>>, %arg6: memref<2x51200xf32, #tpu.memory_space<hbm>>, %arg7: memref<1600000xf32, #tpu.memory_space<hbm>>, %arg8: memref<1600000xf32, #tpu.memory_space<hbm>>, %arg9: memref<1600000xf32, #tpu.memory_space<hbm>>, %arg10: memref<1600000xf32, #tpu.memory_space<hbm>>, %arg11: memref<4000xi32, #tpu.memory_space<vmem>>, %arg12: memref<4000xi32, #tpu.memory_space<vmem>>, %arg13: memref<4000xi32, #tpu.memory_space<vmem>>, %arg14: memref<4000x8xf32, #tpu.memory_space<vmem>>, %arg15: memref<4000x8xf32, #tpu.memory_space<vmem>>, %arg16: memref<4000xf32, #tpu.memory_space<vmem>>, %arg17: memref<2000xf32, #tpu.memory_space<vmem>>, %arg18: memref<2000xf32, #tpu.memory_space<vmem>>, %arg19: memref<2000xf32, #tpu.memory_space<vmem>>, %arg20: memref<2000xf32, #tpu.memory_space<vmem>>, %arg21: memref<51200xf32, #tpu.memory_space<vmem_shared>>, %arg22: memref<!tpu.dma_semaphore, #tpu.memory_space<semaphore_mem>>, %arg23: memref<!tpu.dma_semaphore, #tpu.memory_space<semaphore_mem>>, %arg24: memref<!tpu.dma_semaphore, #tpu.memory_space<semaphore_mem>>, %arg25: memref<!tpu.dma_semaphore, #tpu.memory_space<semaphore_mem>>, %arg26: memref<!tpu.dma_semaphore, #tpu.memory_space<semaphore_mem>>, %arg27: memref<!tpu.dma_semaphore, #tpu.memory_space<semaphore_mem>>) attributes {dimension_semantics = [#tpu.dimension_semantics<core_parallel>, #tpu.dimension_semantics<subcore_parallel>], iteration_bounds = array<i64: 2, 16>, scalar_prefetch = 0 : i64, scratch_operands = 17 : i64, tpu.core_type = #tpu.core_type<sc_vector_subcore>, window_params = [{transform_indices = #map}, {transform_indices = #map1}, {transform_indices = #map1}, {transform_indices = #map1}, {transform_indices = #map}, {transform_indices = #map1}, {transform_indices = #map1}, {transform_indices = #map1}, {transform_indices = #map1}]} {
    %mul3A = arith.constant 2 : i32
    %mul3A_0 = arith.muli %arg1, %mul3A : i32
    %add3A = arith.addi %mul3A_0, %arg0 : i32
    %mul3A_1 = arith.constant 50000 : i32
    %mul3A_2 = arith.muli %add3A, %mul3A_1 : i32
    %mul3A_3 = arith.constant 3200 : i32
    %mul3A_4 = arith.muli %arg1, %mul3A_3 : i32
    "tpu.region"() ({
      %run_scoped3A = tpu.sem_alloc : memref<!tpu.dma_semaphore, #tpu.memory_space<semaphore_mem>>
      %dma_start3A_81 = tpu.memref_slice %arg21[%mul3A_4] : memref<51200xf32, #tpu.memory_space<vmem_shared>> -> memref<3200xf32, #tpu.memory_space<vmem_shared>>
      tpu.enqueue_dma source(%arg5 : memref<3200xf32, #tpu.memory_space<hbm>>) target(%dma_start3A_81 : memref<3200xf32, #tpu.memory_space<vmem_shared>>) target_semaphore(%run_scoped3A : memref<!tpu.dma_semaphore, #tpu.memory_space<semaphore_mem>>)
      %dma_wait3A_82 = tpu.memref_slice %arg21[%mul3A_4] : memref<51200xf32, #tpu.memory_space<vmem_shared>> -> memref<3200xf32, #tpu.memory_space<vmem_shared>>
      tpu.wait_dma2 semaphore(%run_scoped3A : memref<!tpu.dma_semaphore, #tpu.memory_space<semaphore_mem>>) src(%arg5 : memref<3200xf32, #tpu.memory_space<hbm>>) dst(%dma_wait3A_82 : memref<3200xf32, #tpu.memory_space<vmem_shared>>)
      tpu.yield
    }) : () -> ()
    %barrier3A = arith.constant 0 : index
    tpu.barrier barrier_id(%barrier3A)
    %iota3A = tpu.iota {dimensions = array<i32: 0>} : vector<16xi32>
    %broadcast_in_dim3A = arith.constant 0 : i32
    %broadcast_in_dim3A_5 = vector.broadcast %broadcast_in_dim3A : i32 to vector<16xi32>
    %broadcast_in_dim3A_6 = arith.constant 1 : i32
    %broadcast_in_dim3A_7 = vector.broadcast %broadcast_in_dim3A_6 : i32 to vector<16xi32>
    %broadcast_in_dim3A_8 = arith.constant 2 : i32
    %broadcast_in_dim3A_9 = vector.broadcast %broadcast_in_dim3A_8 : i32 to vector<16xi32>
    "tpu.region"() ({
      %run_scoped3A = tpu.sem_alloc : memref<!tpu.dma_semaphore, #tpu.memory_space<semaphore_mem>>
      %dma_start3A_81 = arith.constant 0 : i32
      %dma_start3A_82 = tpu.memref_slice %arg11[%dma_start3A_81] : memref<4000xi32, #tpu.memory_space<vmem>> -> memref<2000xi32, #tpu.memory_space<vmem>>
      %dma_start3A_83 = tpu.memref_slice %arg3[%mul3A_2] : memref<1600000xi32, #tpu.memory_space<hbm>> -> memref<2000xi32, #tpu.memory_space<hbm>>
      %dma_start3A_84 = arith.constant 0 : i32
      %dma_start3A_85 = tpu.memref_slice %arg11[%dma_start3A_84] : memref<4000xi32, #tpu.memory_space<vmem>> -> memref<2000xi32, #tpu.memory_space<vmem>>
      %dma_start3A_86 = tpu.memref_slice %arg3[%mul3A_2] : memref<1600000xi32, #tpu.memory_space<hbm>> -> memref<2000xi32, #tpu.memory_space<hbm>>
      tpu.enqueue_dma source(%dma_start3A_86 : memref<2000xi32, #tpu.memory_space<hbm>>) target(%dma_start3A_85 : memref<2000xi32, #tpu.memory_space<vmem>>) target_semaphore(%run_scoped3A : memref<!tpu.dma_semaphore, #tpu.memory_space<semaphore_mem>>)
      %dma_wait3A_87 = arith.constant 0 : i32
      %dma_wait3A_88 = tpu.memref_slice %arg11[%dma_wait3A_87] : memref<4000xi32, #tpu.memory_space<vmem>> -> memref<2000xi32, #tpu.memory_space<vmem>>
      %dma_wait3A_89 = tpu.memref_slice %arg3[%mul3A_2] : memref<1600000xi32, #tpu.memory_space<hbm>> -> memref<2000xi32, #tpu.memory_space<hbm>>
      %dma_wait3A_90 = arith.constant 0 : i32
      %dma_wait3A_91 = tpu.memref_slice %arg11[%dma_wait3A_90] : memref<4000xi32, #tpu.memory_space<vmem>> -> memref<2000xi32, #tpu.memory_space<vmem>>
      %dma_wait3A_92 = tpu.memref_slice %arg3[%mul3A_2] : memref<1600000xi32, #tpu.memory_space<hbm>> -> memref<2000xi32, #tpu.memory_space<hbm>>
      tpu.wait_dma2 semaphore(%run_scoped3A : memref<!tpu.dma_semaphore, #tpu.memory_space<semaphore_mem>>) src(%dma_wait3A_92 : memref<2000xi32, #tpu.memory_space<hbm>>) dst(%dma_wait3A_91 : memref<2000xi32, #tpu.memory_space<vmem>>)
      tpu.yield
    }) : () -> ()
    "tpu.region"() ({
      %run_scoped3A = tpu.sem_alloc : memref<!tpu.dma_semaphore, #tpu.memory_space<semaphore_mem>>
      %dma_start3A_81 = arith.constant 0 : i32
      %dma_start3A_82 = tpu.memref_slice %arg12[%dma_start3A_81] : memref<4000xi32, #tpu.memory_space<vmem>> -> memref<2000xi32, #tpu.memory_space<vmem>>
      %dma_start3A_83 = tpu.memref_slice %arg4[%mul3A_2] : memref<1600000xi32, #tpu.memory_space<hbm>> -> memref<2000xi32, #tpu.memory_space<hbm>>
      %dma_start3A_84 = arith.constant 0 : i32
      %dma_start3A_85 = tpu.memref_slice %arg12[%dma_start3A_84] : memref<4000xi32, #tpu.memory_space<vmem>> -> memref<2000xi32, #tpu.memory_space<vmem>>
      %dma_start3A_86 = tpu.memref_slice %arg4[%mul3A_2] : memref<1600000xi32, #tpu.memory_space<hbm>> -> memref<2000xi32, #tpu.memory_space<hbm>>
      tpu.enqueue_dma source(%dma_start3A_86 : memref<2000xi32, #tpu.memory_space<hbm>>) target(%dma_start3A_85 : memref<2000xi32, #tpu.memory_space<vmem>>) target_semaphore(%run_scoped3A : memref<!tpu.dma_semaphore, #tpu.memory_space<semaphore_mem>>)
      %dma_wait3A_87 = arith.constant 0 : i32
      %dma_wait3A_88 = tpu.memref_slice %arg12[%dma_wait3A_87] : memref<4000xi32, #tpu.memory_space<vmem>> -> memref<2000xi32, #tpu.memory_space<vmem>>
      %dma_wait3A_89 = tpu.memref_slice %arg4[%mul3A_2] : memref<1600000xi32, #tpu.memory_space<hbm>> -> memref<2000xi32, #tpu.memory_space<hbm>>
      %dma_wait3A_90 = arith.constant 0 : i32
      %dma_wait3A_91 = tpu.memref_slice %arg12[%dma_wait3A_90] : memref<4000xi32, #tpu.memory_space<vmem>> -> memref<2000xi32, #tpu.memory_space<vmem>>
      %dma_wait3A_92 = tpu.memref_slice %arg4[%mul3A_2] : memref<1600000xi32, #tpu.memory_space<hbm>> -> memref<2000xi32, #tpu.memory_space<hbm>>
      tpu.wait_dma2 semaphore(%run_scoped3A : memref<!tpu.dma_semaphore, #tpu.memory_space<semaphore_mem>>) src(%dma_wait3A_92 : memref<2000xi32, #tpu.memory_space<hbm>>) dst(%dma_wait3A_91 : memref<2000xi32, #tpu.memory_space<vmem>>)
      tpu.yield
    }) : () -> ()
    %dma_start3A = arith.constant 0 : i32
    %dma_start3A_10 = arith.constant 0 : i32
    %dma_start3A_11 = tpu.memref_slice %arg14[%dma_start3A, %dma_start3A_10] : memref<4000x8xf32, #tpu.memory_space<vmem>> -> memref<2000x8xf32, #tpu.memory_space<vmem>>
    %dma_start3A_12 = arith.constant 0 : i32
    %dma_start3A_13 = tpu.memref_slice %arg11[%dma_start3A_12] : memref<4000xi32, #tpu.memory_space<vmem>> -> memref<2000xi32, #tpu.memory_space<vmem>>
    %dma_start3A_14 = arith.constant 0 : i32
    %dma_start3A_15 = arith.constant 0 : i32
    %dma_start3A_16 = tpu.memref_slice %arg2[%dma_start3A_14, %dma_start3A_15] : memref<50000x8xf32, #tpu.memory_space<hbm>> -> memref<50000x8xf32, #tpu.memory_space<hbm>>
    tpu.enqueue_indirect_dma source(%dma_start3A_16 : memref<50000x8xf32, #tpu.memory_space<hbm>>) target(%dma_start3A_11 : memref<2000x8xf32, #tpu.memory_space<vmem>>) offsets(%dma_start3A_13 : memref<2000xi32, #tpu.memory_space<vmem>>) semaphore(%arg22 : memref<!tpu.dma_semaphore, #tpu.memory_space<semaphore_mem>>)
    %dma_start3A_17 = arith.constant 0 : i32
    %dma_start3A_18 = arith.constant 0 : i32
    %dma_start3A_19 = tpu.memref_slice %arg15[%dma_start3A_17, %dma_start3A_18] : memref<4000x8xf32, #tpu.memory_space<vmem>> -> memref<2000x8xf32, #tpu.memory_space<vmem>>
    %dma_start3A_20 = arith.constant 0 : i32
    %dma_start3A_21 = tpu.memref_slice %arg12[%dma_start3A_20] : memref<4000xi32, #tpu.memory_space<vmem>> -> memref<2000xi32, #tpu.memory_space<vmem>>
    %dma_start3A_22 = arith.constant 0 : i32
    %dma_start3A_23 = arith.constant 0 : i32
    %dma_start3A_24 = tpu.memref_slice %arg2[%dma_start3A_22, %dma_start3A_23] : memref<50000x8xf32, #tpu.memory_space<hbm>> -> memref<50000x8xf32, #tpu.memory_space<hbm>>
    tpu.enqueue_indirect_dma source(%dma_start3A_24 : memref<50000x8xf32, #tpu.memory_space<hbm>>) target(%dma_start3A_19 : memref<2000x8xf32, #tpu.memory_space<vmem>>) offsets(%dma_start3A_21 : memref<2000xi32, #tpu.memory_space<vmem>>) semaphore(%arg23 : memref<!tpu.dma_semaphore, #tpu.memory_space<semaphore_mem>>)
    %scan3A = arith.constant 0 : i32
    %scan3A_25 = arith.constant 12 : i32
    %scan3A_26 = arith.addi %scan3A, %scan3A_25 : i32
    %scan3A_27 = arith.constant 1 : i32
    scf.for %scan3A_81 = %scan3A to %scan3A_26 step %scan3A_27  : i32 {
      %mul3A_82 = arith.constant 2 : i32
      %mul3A_83 = arith.muli %mul3A_82, %scan3A_81 : i32
      %add3A_84 = arith.constant 1 : i32
      %add3A_85 = arith.addi %mul3A_83, %add3A_84 : i32
      %mul3A_86 = arith.constant 2000 : i32
      %mul3A_87 = arith.muli %add3A_85, %mul3A_86 : i32
      %add3A_88 = arith.addi %mul3A_2, %mul3A_87 : i32
      "tpu.region"() ({
        %run_scoped3A = tpu.sem_alloc : memref<!tpu.dma_semaphore, #tpu.memory_space<semaphore_mem>>
        %dma_start3A_190 = arith.constant 2000 : i32
        %dma_start3A_191 = tpu.memref_slice %arg11[%dma_start3A_190] : memref<4000xi32, #tpu.memory_space<vmem>> -> memref<2000xi32, #tpu.memory_space<vmem>>
        %dma_start3A_192 = tpu.memref_slice %arg3[%add3A_88] : memref<1600000xi32, #tpu.memory_space<hbm>> -> memref<2000xi32, #tpu.memory_space<hbm>>
        %dma_start3A_193 = arith.constant 2000 : i32
        %dma_start3A_194 = tpu.memref_slice %arg11[%dma_start3A_193] : memref<4000xi32, #tpu.memory_space<vmem>> -> memref<2000xi32, #tpu.memory_space<vmem>>
        %dma_start3A_195 = tpu.memref_slice %arg3[%add3A_88] : memref<1600000xi32, #tpu.memory_space<hbm>> -> memref<2000xi32, #tpu.memory_space<hbm>>
        tpu.enqueue_dma source(%dma_start3A_195 : memref<2000xi32, #tpu.memory_space<hbm>>) target(%dma_start3A_194 : memref<2000xi32, #tpu.memory_space<vmem>>) target_semaphore(%run_scoped3A : memref<!tpu.dma_semaphore, #tpu.memory_space<semaphore_mem>>)
        %dma_wait3A_196 = arith.constant 2000 : i32
        %dma_wait3A_197 = tpu.memref_slice %arg11[%dma_wait3A_196] : memref<4000xi32, #tpu.memory_space<vmem>> -> memref<2000xi32, #tpu.memory_space<vmem>>
        %dma_wait3A_198 = tpu.memref_slice %arg3[%add3A_88] : memref<1600000xi32, #tpu.memory_space<hbm>> -> memref<2000xi32, #tpu.memory_space<hbm>>
        %dma_wait3A_199 = arith.constant 2000 : i32
        %dma_wait3A_200 = tpu.memref_slice %arg11[%dma_wait3A_199] : memref<4000xi32, #tpu.memory_space<vmem>> -> memref<2000xi32, #tpu.memory_space<vmem>>
        %dma_wait3A_201 = tpu.memref_slice %arg3[%add3A_88] : memref<1600000xi32, #tpu.memory_space<hbm>> -> memref<2000xi32, #tpu.memory_space<hbm>>
        tpu.wait_dma2 semaphore(%run_scoped3A : memref<!tpu.dma_semaphore, #tpu.memory_space<semaphore_mem>>) src(%dma_wait3A_201 : memref<2000xi32, #tpu.memory_space<hbm>>) dst(%dma_wait3A_200 : memref<2000xi32, #tpu.memory_space<vmem>>)
        tpu.yield
      }) : () -> ()
      "tpu.region"() ({
        %run_scoped3A = tpu.sem_alloc : memref<!tpu.dma_semaphore, #tpu.memory_space<semaphore_mem>>
        %dma_start3A_190 = arith.constant 2000 : i32
        %dma_start3A_191 = tpu.memref_slice %arg12[%dma_start3A_190] : memref<4000xi32, #tpu.memory_space<vmem>> -> memref<2000xi32, #tpu.memory_space<vmem>>
        %dma_start3A_192 = tpu.memref_slice %arg4[%add3A_88] : memref<1600000xi32, #tpu.memory_space<hbm>> -> memref<2000xi32, #tpu.memory_space<hbm>>
        %dma_start3A_193 = arith.constant 2000 : i32
        %dma_start3A_194 = tpu.memref_slice %arg12[%dma_start3A_193] : memref<4000xi32, #tpu.memory_space<vmem>> -> memref<2000xi32, #tpu.memory_space<vmem>>
        %dma_start3A_195 = tpu.memref_slice %arg4[%add3A_88] : memref<1600000xi32, #tpu.memory_space<hbm>> -> memref<2000xi32, #tpu.memory_space<hbm>>
        tpu.enqueue_dma source(%dma_start3A_195 : memref<2000xi32, #tpu.memory_space<hbm>>) target(%dma_start3A_194 : memref<2000xi32, #tpu.memory_space<vmem>>) target_semaphore(%run_scoped3A : memref<!tpu.dma_semaphore, #tpu.memory_space<semaphore_mem>>)
        %dma_wait3A_196 = arith.constant 2000 : i32
        %dma_wait3A_197 = tpu.memref_slice %arg12[%dma_wait3A_196] : memref<4000xi32, #tpu.memory_space<vmem>> -> memref<2000xi32, #tpu.memory_space<vmem>>
        %dma_wait3A_198 = tpu.memref_slice %arg4[%add3A_88] : memref<1600000xi32, #tpu.memory_space<hbm>> -> memref<2000xi32, #tpu.memory_space<hbm>>
        %dma_wait3A_199 = arith.constant 2000 : i32
        %dma_wait3A_200 = tpu.memref_slice %arg12[%dma_wait3A_199] : memref<4000xi32, #tpu.memory_space<vmem>> -> memref<2000xi32, #tpu.memory_space<vmem>>
        %dma_wait3A_201 = tpu.memref_slice %arg4[%add3A_88] : memref<1600000xi32, #tpu.memory_space<hbm>> -> memref<2000xi32, #tpu.memory_space<hbm>>
        tpu.wait_dma2 semaphore(%run_scoped3A : memref<!tpu.dma_semaphore, #tpu.memory_space<semaphore_mem>>) src(%dma_wait3A_201 : memref<2000xi32, #tpu.memory_space<hbm>>) dst(%dma_wait3A_200 : memref<2000xi32, #tpu.memory_space<vmem>>)
        tpu.yield
      }) : () -> ()
      %dma_start3A_89 = arith.constant 2000 : i32
      %dma_start3A_90 = arith.constant 0 : i32
      %dma_start3A_91 = tpu.memref_slice %arg14[%dma_start3A_89, %dma_start3A_90] : memref<4000x8xf32, #tpu.memory_space<vmem>> -> memref<2000x8xf32, #tpu.memory_space<vmem>>
      %dma_start3A_92 = arith.constant 2000 : i32
      %dma_start3A_93 = tpu.memref_slice %arg11[%dma_start3A_92] : memref<4000xi32, #tpu.memory_space<vmem>> -> memref<2000xi32, #tpu.memory_space<vmem>>
      %dma_start3A_94 = arith.constant 0 : i32
      %dma_start3A_95 = arith.constant 0 : i32
      %dma_start3A_96 = tpu.memref_slice %arg2[%dma_start3A_94, %dma_start3A_95] : memref<50000x8xf32, #tpu.memory_space<hbm>> -> memref<50000x8xf32, #tpu.memory_space<hbm>>
      tpu.enqueue_indirect_dma source(%dma_start3A_96 : memref<50000x8xf32, #tpu.memory_space<hbm>>) target(%dma_start3A_91 : memref<2000x8xf32, #tpu.memory_space<vmem>>) offsets(%dma_start3A_93 : memref<2000xi32, #tpu.memory_space<vmem>>) semaphore(%arg24 : memref<!tpu.dma_semaphore, #tpu.memory_space<semaphore_mem>>)
      %dma_start3A_97 = arith.constant 2000 : i32
      %dma_start3A_98 = arith.constant 0 : i32
      %dma_start3A_99 = tpu.memref_slice %arg15[%dma_start3A_97, %dma_start3A_98] : memref<4000x8xf32, #tpu.memory_space<vmem>> -> memref<2000x8xf32, #tpu.memory_space<vmem>>
      %dma_start3A_100 = arith.constant 2000 : i32
      %dma_start3A_101 = tpu.memref_slice %arg12[%dma_start3A_100] : memref<4000xi32, #tpu.memory_space<vmem>> -> memref<2000xi32, #tpu.memory_space<vmem>>
      %dma_start3A_102 = arith.constant 0 : i32
      %dma_start3A_103 = arith.constant 0 : i32
      %dma_start3A_104 = tpu.memref_slice %arg2[%dma_start3A_102, %dma_start3A_103] : memref<50000x8xf32, #tpu.memory_space<hbm>> -> memref<50000x8xf32, #tpu.memory_space<hbm>>
      tpu.enqueue_indirect_dma source(%dma_start3A_104 : memref<50000x8xf32, #tpu.memory_space<hbm>>) target(%dma_start3A_99 : memref<2000x8xf32, #tpu.memory_space<vmem>>) offsets(%dma_start3A_101 : memref<2000xi32, #tpu.memory_space<vmem>>) semaphore(%arg25 : memref<!tpu.dma_semaphore, #tpu.memory_space<semaphore_mem>>)
      %dma_wait3A_105 = arith.constant 0 : i32
      %dma_wait3A_106 = arith.constant 0 : i32
      %dma_wait3A_107 = tpu.memref_slice %arg14[%dma_wait3A_105, %dma_wait3A_106] : memref<4000x8xf32, #tpu.memory_space<vmem>> -> memref<2000x8xf32, #tpu.memory_space<vmem>>
      %dma_wait3A_108 = arith.constant 0 : i32
      %dma_wait3A_109 = tpu.memref_slice %arg11[%dma_wait3A_108] : memref<4000xi32, #tpu.memory_space<vmem>> -> memref<2000xi32, #tpu.memory_space<vmem>>
      %dma_wait3A_110 = arith.constant 0 : i32
      %dma_wait3A_111 = arith.constant 0 : i32
      %dma_wait3A_112 = tpu.memref_slice %arg2[%dma_wait3A_110, %dma_wait3A_111] : memref<50000x8xf32, #tpu.memory_space<hbm>> -> memref<50000x8xf32, #tpu.memory_space<hbm>>
      tpu.wait_indirect_dma semaphore(%arg22 : memref<!tpu.dma_semaphore, #tpu.memory_space<semaphore_mem>>) src(%dma_wait3A_112 : memref<50000x8xf32, #tpu.memory_space<hbm>>) dst(%dma_wait3A_107 : memref<2000x8xf32, #tpu.memory_space<vmem>>)
      %dma_wait3A_113 = arith.constant 0 : i32
      %dma_wait3A_114 = arith.constant 0 : i32
      %dma_wait3A_115 = tpu.memref_slice %arg15[%dma_wait3A_113, %dma_wait3A_114] : memref<4000x8xf32, #tpu.memory_space<vmem>> -> memref<2000x8xf32, #tpu.memory_space<vmem>>
      %dma_wait3A_116 = arith.constant 0 : i32
      %dma_wait3A_117 = tpu.memref_slice %arg12[%dma_wait3A_116] : memref<4000xi32, #tpu.memory_space<vmem>> -> memref<2000xi32, #tpu.memory_space<vmem>>
      %dma_wait3A_118 = arith.constant 0 : i32
      %dma_wait3A_119 = arith.constant 0 : i32
      %dma_wait3A_120 = tpu.memref_slice %arg2[%dma_wait3A_118, %dma_wait3A_119] : memref<50000x8xf32, #tpu.memory_space<hbm>> -> memref<50000x8xf32, #tpu.memory_space<hbm>>
      tpu.wait_indirect_dma semaphore(%arg23 : memref<!tpu.dma_semaphore, #tpu.memory_space<semaphore_mem>>) src(%dma_wait3A_120 : memref<50000x8xf32, #tpu.memory_space<hbm>>) dst(%dma_wait3A_115 : memref<2000x8xf32, #tpu.memory_space<vmem>>)
      %ge3A = arith.constant 2 : i32
      %ge3A_121 = arith.cmpi sge, %mul3A_83, %ge3A : i32
      %convert_element_type3A = arith.extui %ge3A_121 : i1 to i32
      %cond3A = arith.constant 0 : i32
      %cond3A_122 = arith.cmpi ne, %convert_element_type3A, %cond3A : i32
      scf.if %cond3A_122 {
        %dma_wait3A_190 = arith.constant 0 : i32
        %dma_wait3A_191 = tpu.memref_slice %arg16[%dma_wait3A_190] : memref<4000xf32, #tpu.memory_space<vmem>> -> memref<2000xf32, #tpu.memory_space<vmem>>
        %dma_wait3A_192 = arith.constant 0 : i32
        %dma_wait3A_193 = tpu.memref_slice %arg13[%dma_wait3A_192] : memref<4000xi32, #tpu.memory_space<vmem>> -> memref<2000xi32, #tpu.memory_space<vmem>>
        %dma_wait3A_194 = arith.constant 0 : i32
        %dma_wait3A_195 = tpu.memref_slice %arg21[%dma_wait3A_194] : memref<51200xf32, #tpu.memory_space<vmem_shared>> -> memref<51200xf32, #tpu.memory_space<vmem_shared>>
        tpu.wait_indirect_dma semaphore(%arg26 : memref<!tpu.dma_semaphore, #tpu.memory_space<semaphore_mem>>) src(%dma_wait3A_191 : memref<2000xf32, #tpu.memory_space<vmem>>) dst(%dma_wait3A_195 : memref<51200xf32, #tpu.memory_space<vmem_shared>>)
      } else {
      }
      %mul3A_123 = arith.constant 2000 : i32
      %mul3A_124 = arith.muli %mul3A_83, %mul3A_123 : i32
      %add3A_125 = arith.addi %mul3A_2, %mul3A_124 : i32
      %multiple_of3A_126 = tpu.assume_multiple %add3A_125, 8 : i32
      "tpu.region"() ({
        %run_scoped3A = tpu.sem_alloc : memref<!tpu.dma_semaphore, #tpu.memory_space<semaphore_mem>>
        %dma_start3A_190 = arith.constant 0 : i32
        %dma_start3A_191 = tpu.memref_slice %arg13[%dma_start3A_190] : memref<4000xi32, #tpu.memory_space<vmem>> -> memref<2000xi32, #tpu.memory_space<vmem>>
        %dma_start3A_192 = tpu.memref_slice %arg3[%multiple_of3A_126] : memref<1600000xi32, #tpu.memory_space<hbm>> -> memref<2000xi32, #tpu.memory_space<hbm>>
        %dma_start3A_193 = arith.constant 0 : i32
        %dma_start3A_194 = tpu.memref_slice %arg13[%dma_start3A_193] : memref<4000xi32, #tpu.memory_space<vmem>> -> memref<2000xi32, #tpu.memory_space<vmem>>
        %dma_start3A_195 = tpu.memref_slice %arg3[%multiple_of3A_126] : memref<1600000xi32, #tpu.memory_space<hbm>> -> memref<2000xi32, #tpu.memory_space<hbm>>
        tpu.enqueue_dma source(%dma_start3A_195 : memref<2000xi32, #tpu.memory_space<hbm>>) target(%dma_start3A_194 : memref<2000xi32, #tpu.memory_space<vmem>>) target_semaphore(%run_scoped3A : memref<!tpu.dma_semaphore, #tpu.memory_space<semaphore_mem>>)
        %dma_wait3A_196 = arith.constant 0 : i32
        %dma_wait3A_197 = tpu.memref_slice %arg13[%dma_wait3A_196] : memref<4000xi32, #tpu.memory_space<vmem>> -> memref<2000xi32, #tpu.memory_space<vmem>>
        %dma_wait3A_198 = tpu.memref_slice %arg3[%multiple_of3A_126] : memref<1600000xi32, #tpu.memory_space<hbm>> -> memref<2000xi32, #tpu.memory_space<hbm>>
        %dma_wait3A_199 = arith.constant 0 : i32
        %dma_wait3A_200 = tpu.memref_slice %arg13[%dma_wait3A_199] : memref<4000xi32, #tpu.memory_space<vmem>> -> memref<2000xi32, #tpu.memory_space<vmem>>
        %dma_wait3A_201 = tpu.memref_slice %arg3[%multiple_of3A_126] : memref<1600000xi32, #tpu.memory_space<hbm>> -> memref<2000xi32, #tpu.memory_space<hbm>>
        tpu.wait_dma2 semaphore(%run_scoped3A : memref<!tpu.dma_semaphore, #tpu.memory_space<semaphore_mem>>) src(%dma_wait3A_201 : memref<2000xi32, #tpu.memory_space<hbm>>) dst(%dma_wait3A_200 : memref<2000xi32, #tpu.memory_space<vmem>>)
        tpu.yield
      }) : () -> ()
      %scan3A_127 = arith.constant 0 : i32
      %scan3A_128 = arith.constant 125 : i32
      %scan3A_129 = arith.addi %scan3A_127, %scan3A_128 : i32
      %scan3A_130 = arith.constant 1 : i32
      scf.for %scan3A_190 = %scan3A_127 to %scan3A_129 step %scan3A_130  : i32 {
        %mul3A_191 = arith.constant 16 : i32
        %mul3A_192 = arith.muli %scan3A_190, %mul3A_191 : i32
        %add3A_193 = vector.broadcast %mul3A_192 : i32 to vector<16xi32>
        %add3A_194 = arith.addi %add3A_193, %iota3A : vector<16xi32>
        %gather3A = arith.constant 0 : i32
        %gather3A_195 = arith.constant 0 : i32
        %gather3A_196 = tpu.memref_slice %arg14[%gather3A, %gather3A_195] : memref<4000x8xf32, #tpu.memory_space<vmem>> -> memref<2000x8xf32, #tpu.memory_space<vmem>>
        %gather3A_197 = tpu.vector_load_idx %gather3A_196[%add3A_194, %broadcast_in_dim3A_5] : memref<2000x8xf32, #tpu.memory_space<vmem>>[vector<16xi32>, vector<16xi32>], vector<16xf32>,
        %gather3A_198 = arith.constant 0 : i32
        %gather3A_199 = arith.constant 0 : i32
        %gather3A_200 = tpu.memref_slice %arg14[%gather3A_198, %gather3A_199] : memref<4000x8xf32, #tpu.memory_space<vmem>> -> memref<2000x8xf32, #tpu.memory_space<vmem>>
        %gather3A_201 = tpu.vector_load_idx %gather3A_200[%add3A_194, %broadcast_in_dim3A_7] : memref<2000x8xf32, #tpu.memory_space<vmem>>[vector<16xi32>, vector<16xi32>], vector<16xf32>,
        %gather3A_202 = arith.constant 0 : i32
        %gather3A_203 = arith.constant 0 : i32
        %gather3A_204 = tpu.memref_slice %arg14[%gather3A_202, %gather3A_203] : memref<4000x8xf32, #tpu.memory_space<vmem>> -> memref<2000x8xf32, #tpu.memory_space<vmem>>
        %gather3A_205 = tpu.vector_load_idx %gather3A_204[%add3A_194, %broadcast_in_dim3A_9] : memref<2000x8xf32, #tpu.memory_space<vmem>>[vector<16xi32>, vector<16xi32>], vector<16xf32>,
        %gather3A_206 = arith.constant 0 : i32
        %gather3A_207 = arith.constant 0 : i32
        %gather3A_208 = tpu.memref_slice %arg15[%gather3A_206, %gather3A_207] : memref<4000x8xf32, #tpu.memory_space<vmem>> -> memref<2000x8xf32, #tpu.memory_space<vmem>>
        %gather3A_209 = tpu.vector_load_idx %gather3A_208[%add3A_194, %broadcast_in_dim3A_5] : memref<2000x8xf32, #tpu.memory_space<vmem>>[vector<16xi32>, vector<16xi32>], vector<16xf32>,
        %gather3A_210 = arith.constant 0 : i32
        %gather3A_211 = arith.constant 0 : i32
        %gather3A_212 = tpu.memref_slice %arg15[%gather3A_210, %gather3A_211] : memref<4000x8xf32, #tpu.memory_space<vmem>> -> memref<2000x8xf32, #tpu.memory_space<vmem>>
        %gather3A_213 = tpu.vector_load_idx %gather3A_212[%add3A_194, %broadcast_in_dim3A_7] : memref<2000x8xf32, #tpu.memory_space<vmem>>[vector<16xi32>, vector<16xi32>], vector<16xf32>,
        %gather3A_214 = arith.constant 0 : i32
        %gather3A_215 = arith.constant 0 : i32
        %gather3A_216 = tpu.memref_slice %arg15[%gather3A_214, %gather3A_215] : memref<4000x8xf32, #tpu.memory_space<vmem>> -> memref<2000x8xf32, #tpu.memory_space<vmem>>
        %gather3A_217 = tpu.vector_load_idx %gather3A_216[%add3A_194, %broadcast_in_dim3A_9] : memref<2000x8xf32, #tpu.memory_space<vmem>>[vector<16xi32>, vector<16xi32>], vector<16xf32>,
        %sub3A = arith.subf %gather3A_197, %gather3A_209 : vector<16xf32>
        %sub3A_218 = arith.subf %gather3A_201, %gather3A_213 : vector<16xf32>
        %sub3A_219 = arith.subf %gather3A_205, %gather3A_217 : vector<16xf32>
        %mul3A_220 = arith.mulf %sub3A, %sub3A : vector<16xf32>
        %mul3A_221 = arith.mulf %sub3A_218, %sub3A_218 : vector<16xf32>
        %add3A_222 = arith.addf %mul3A_220, %mul3A_221 : vector<16xf32>
        %mul3A_223 = arith.mulf %sub3A_219, %sub3A_219 : vector<16xf32>
        %add3A_224 = arith.addf %add3A_222, %mul3A_223 : vector<16xf32>
        %add3A_225 = arith.constant 1.000000e-16 : f32
        %add3A_226 = vector.broadcast %add3A_225 : f32 to vector<16xf32>
        %add3A_227 = arith.addf %add3A_224, %add3A_226 : vector<16xf32>
        %bitcast3A = vector.bitcast %add3A_227 : vector<16xf32> to vector<16xi32>
        %shift_right_arithmetic3A = arith.constant 1 : i32
        %shift_right_arithmetic3A_228 = vector.broadcast %shift_right_arithmetic3A : i32 to vector<16xi32>
        %shift_right_arithmetic3A_229 = arith.shrsi %bitcast3A, %shift_right_arithmetic3A_228 : vector<16xi32>
        %sub3A_230 = arith.constant 1597463007 : i32
        %sub3A_231 = vector.broadcast %sub3A_230 : i32 to vector<16xi32>
        %sub3A_232 = arith.subi %sub3A_231, %shift_right_arithmetic3A_229 : vector<16xi32>
        %bitcast3A_233 = vector.bitcast %sub3A_232 : vector<16xi32> to vector<16xf32>
        %mul3A_234 = arith.constant 5.000000e-01 : f32
        %mul3A_235 = vector.broadcast %mul3A_234 : f32 to vector<16xf32>
        %mul3A_236 = arith.mulf %mul3A_235, %add3A_227 : vector<16xf32>
        %mul3A_237 = arith.mulf %mul3A_236, %bitcast3A_233 : vector<16xf32>
        %mul3A_238 = arith.mulf %mul3A_237, %bitcast3A_233 : vector<16xf32>
        %sub3A_239 = arith.constant 1.500000e+00 : f32
        %sub3A_240 = vector.broadcast %sub3A_239 : f32 to vector<16xf32>
        %sub3A_241 = arith.subf %sub3A_240, %mul3A_238 : vector<16xf32>
        %mul3A_242 = arith.mulf %bitcast3A_233, %sub3A_241 : vector<16xf32>
        %mul3A_243 = arith.constant 5.000000e-01 : f32
        %mul3A_244 = vector.broadcast %mul3A_243 : f32 to vector<16xf32>
        %mul3A_245 = arith.mulf %mul3A_244, %add3A_227 : vector<16xf32>
        %mul3A_246 = arith.mulf %mul3A_245, %mul3A_242 : vector<16xf32>
        %mul3A_247 = arith.mulf %mul3A_246, %mul3A_242 : vector<16xf32>
        %sub3A_248 = arith.constant 1.500000e+00 : f32
        %sub3A_249 = vector.broadcast %sub3A_248 : f32 to vector<16xf32>
        %sub3A_250 = arith.subf %sub3A_249, %mul3A_247 : vector<16xf32>
        %mul3A_251 = arith.mulf %mul3A_242, %sub3A_250 : vector<16xf32>
        %mul3A_252 = arith.constant 5.000000e-01 : f32
        %mul3A_253 = vector.broadcast %mul3A_252 : f32 to vector<16xf32>
        %mul3A_254 = arith.mulf %mul3A_253, %add3A_227 : vector<16xf32>
        %mul3A_255 = arith.mulf %mul3A_254, %mul3A_251 : vector<16xf32>
        %mul3A_256 = arith.mulf %mul3A_255, %mul3A_251 : vector<16xf32>
        %sub3A_257 = arith.constant 1.500000e+00 : f32
        %sub3A_258 = vector.broadcast %sub3A_257 : f32 to vector<16xf32>
        %sub3A_259 = arith.subf %sub3A_258, %mul3A_256 : vector<16xf32>
        %mul3A_260 = arith.mulf %mul3A_251, %sub3A_259 : vector<16xf32>
        %mul3A_261 = arith.mulf %add3A_227, %mul3A_260 : vector<16xf32>
        %sub3A_262 = arith.constant 1.000000e+00 : f32
        %sub3A_263 = vector.broadcast %sub3A_262 : f32 to vector<16xf32>
        %sub3A_264 = arith.subf %sub3A_263, %mul3A_261 : vector<16xf32>
        %max3A = arith.constant 0.000000e+00 : f32
        %max3A_265 = vector.broadcast %max3A : f32 to vector<16xf32>
        %max3A_266 = arith.maximumf %max3A_265, %sub3A_264 : vector<16xf32>
        %sub3A_267 = arith.constant 2.000000e+00 : f32
        %sub3A_268 = vector.broadcast %sub3A_267 : f32 to vector<16xf32>
        %sub3A_269 = arith.subf %sub3A_268, %mul3A_261 : vector<16xf32>
        %max3A_270 = arith.constant 0.000000e+00 : f32
        %max3A_271 = vector.broadcast %max3A_270 : f32 to vector<16xf32>
        %max3A_272 = arith.maximumf %max3A_271, %sub3A_269 : vector<16xf32>
        %sub3A_273 = arith.constant 3.000000e+00 : f32
        %sub3A_274 = vector.broadcast %sub3A_273 : f32 to vector<16xf32>
        %sub3A_275 = arith.subf %sub3A_274, %mul3A_261 : vector<16xf32>
        %max3A_276 = arith.constant 0.000000e+00 : f32
        %max3A_277 = vector.broadcast %max3A_276 : f32 to vector<16xf32>
        %max3A_278 = arith.maximumf %max3A_277, %sub3A_275 : vector<16xf32>
        %mul3A_279 = arith.mulf %max3A_266, %max3A_266 : vector<16xf32>
        %mul3A_280 = arith.mulf %mul3A_279, %mul3A_279 : vector<16xf32>
        %mul3A_281 = arith.mulf %max3A_272, %max3A_272 : vector<16xf32>
        %mul3A_282 = arith.mulf %mul3A_281, %mul3A_281 : vector<16xf32>
        %mul3A_283 = arith.mulf %max3A_278, %max3A_278 : vector<16xf32>
        %mul3A_284 = arith.mulf %mul3A_283, %mul3A_283 : vector<16xf32>
        %mul3A_285 = arith.mulf %mul3A_284, %max3A_278 : vector<16xf32>
        %mul3A_286 = arith.mulf %mul3A_282, %max3A_272 : vector<16xf32>
        %mul3A_287 = arith.constant 6.000000e+00 : f32
        %mul3A_288 = vector.broadcast %mul3A_287 : f32 to vector<16xf32>
        %mul3A_289 = arith.mulf %mul3A_288, %mul3A_286 : vector<16xf32>
        %sub3A_290 = arith.subf %mul3A_285, %mul3A_289 : vector<16xf32>
        %mul3A_291 = arith.mulf %mul3A_280, %max3A_266 : vector<16xf32>
        %mul3A_292 = arith.constant 1.500000e+01 : f32
        %mul3A_293 = vector.broadcast %mul3A_292 : f32 to vector<16xf32>
        %mul3A_294 = arith.mulf %mul3A_293, %mul3A_291 : vector<16xf32>
        %add3A_295 = arith.addf %sub3A_290, %mul3A_294 : vector<16xf32>
        %mul3A_296 = arith.constant 0.00265997113 : f32
        %mul3A_297 = vector.broadcast %mul3A_296 : f32 to vector<16xf32>
        %mul3A_298 = arith.mulf %mul3A_297, %add3A_295 : vector<16xf32>
        %mul3A_299 = arith.constant 6.000000e+00 : f32
        %mul3A_300 = vector.broadcast %mul3A_299 : f32 to vector<16xf32>
        %mul3A_301 = arith.mulf %mul3A_300, %mul3A_282 : vector<16xf32>
        %sub3A_302 = arith.subf %mul3A_284, %mul3A_301 : vector<16xf32>
        %mul3A_303 = arith.constant 1.500000e+01 : f32
        %mul3A_304 = vector.broadcast %mul3A_303 : f32 to vector<16xf32>
        %mul3A_305 = arith.mulf %mul3A_304, %mul3A_280 : vector<16xf32>
        %add3A_306 = arith.addf %sub3A_302, %mul3A_305 : vector<16xf32>
        %mul3A_307 = arith.constant -0.0132998563 : f32
        %mul3A_308 = vector.broadcast %mul3A_307 : f32 to vector<16xf32>
        %mul3A_309 = arith.mulf %mul3A_308, %add3A_306 : vector<16xf32>
        %add3A_310 = arith.constant 9.99999993E-9 : f32
        %add3A_311 = vector.broadcast %add3A_310 : f32 to vector<16xf32>
        %add3A_312 = arith.addf %mul3A_261, %add3A_311 : vector<16xf32>
        %div3A = arith.divf %mul3A_309, %add3A_312 : vector<16xf32>
        %mul3A_313 = arith.constant 16 : i32
        %mul3A_314 = arith.muli %scan3A_190, %mul3A_313 : i32
        %swap3A = arith.constant 0 : i32
        %swap3A_315 = tpu.memref_slice %arg16[%swap3A] : memref<4000xf32, #tpu.memory_space<vmem>> -> memref<2000xf32, #tpu.memory_space<vmem>>
        %swap3A_316 = arith.index_cast %mul3A_314 : i32 to index
        %swap3A_317 = tpu.vector_load %swap3A_315[%swap3A_316] {strides = array<i32>} : memref<2000xf32, #tpu.memory_space<vmem>>, vector<16xf32>,
        tpu.vector_store %swap3A_315[%swap3A_316], %mul3A_298 {strides = array<i32>} : memref<2000xf32, #tpu.memory_space<vmem>>, vector<16xf32>,
        %swap3A_318 = arith.index_cast %mul3A_314 : i32 to index
        %swap3A_319 = tpu.vector_load %arg17[%swap3A_318] {strides = array<i32>} : memref<2000xf32, #tpu.memory_space<vmem>>, vector<16xf32>,
        tpu.vector_store %arg17[%swap3A_318], %sub3A {strides = array<i32>} : memref<2000xf32, #tpu.memory_space<vmem>>, vector<16xf32>,
        %swap3A_320 = arith.index_cast %mul3A_314 : i32 to index
        %swap3A_321 = tpu.vector_load %arg18[%swap3A_320] {strides = array<i32>} : memref<2000xf32, #tpu.memory_space<vmem>>, vector<16xf32>,
        tpu.vector_store %arg18[%swap3A_320], %sub3A_218 {strides = array<i32>} : memref<2000xf32, #tpu.memory_space<vmem>>, vector<16xf32>,
        %swap3A_322 = arith.index_cast %mul3A_314 : i32 to index
        %swap3A_323 = tpu.vector_load %arg19[%swap3A_322] {strides = array<i32>} : memref<2000xf32, #tpu.memory_space<vmem>>, vector<16xf32>,
        tpu.vector_store %arg19[%swap3A_322], %sub3A_219 {strides = array<i32>} : memref<2000xf32, #tpu.memory_space<vmem>>, vector<16xf32>,
        %swap3A_324 = arith.index_cast %mul3A_314 : i32 to index
        %swap3A_325 = tpu.vector_load %arg20[%swap3A_324] {strides = array<i32>} : memref<2000xf32, #tpu.memory_space<vmem>>, vector<16xf32>,
        tpu.vector_store %arg20[%swap3A_324], %div3A {strides = array<i32>} : memref<2000xf32, #tpu.memory_space<vmem>>, vector<16xf32>,
      }
      %scan3A_131 = arith.constant 125 : i32
      %mul3A_132 = arith.constant 2000 : i32
      %mul3A_133 = arith.muli %mul3A_83, %mul3A_132 : i32
      %add3A_134 = arith.addi %mul3A_2, %mul3A_133 : i32
      %multiple_of3A_135 = tpu.assume_multiple %add3A_134, 8 : i32
      %dma_start3A_136 = arith.constant 0 : i32
      %dma_start3A_137 = tpu.memref_slice %arg16[%dma_start3A_136] : memref<4000xf32, #tpu.memory_space<vmem>> -> memref<2000xf32, #tpu.memory_space<vmem>>
      %dma_start3A_138 = arith.constant 0 : i32
      %dma_start3A_139 = tpu.memref_slice %arg13[%dma_start3A_138] : memref<4000xi32, #tpu.memory_space<vmem>> -> memref<2000xi32, #tpu.memory_space<vmem>>
      %dma_start3A_140 = arith.constant 0 : i32
      %dma_start3A_141 = tpu.memref_slice %arg21[%dma_start3A_140] : memref<51200xf32, #tpu.memory_space<vmem_shared>> -> memref<51200xf32, #tpu.memory_space<vmem_shared>>
      tpu.enqueue_indirect_dma source(%dma_start3A_137 : memref<2000xf32, #tpu.memory_space<vmem>>) target(%dma_start3A_141 : memref<51200xf32, #tpu.memory_space<vmem_shared>>) offsets(%dma_start3A_139 : memref<2000xi32, #tpu.memory_space<vmem>>) semaphore(%arg26 : memref<!tpu.dma_semaphore, #tpu.memory_space<semaphore_mem>>) {add = true}
      "tpu.region"() ({
        %run_scoped3A = tpu.sem_alloc : memref<!tpu.dma_semaphore, #tpu.memory_space<semaphore_mem>>
        %dma_start3A_190 = tpu.memref_slice %arg7[%multiple_of3A_135] : memref<1600000xf32, #tpu.memory_space<hbm>> -> memref<2000xf32, #tpu.memory_space<hbm>>
        %dma_start3A_191 = tpu.memref_slice %arg7[%multiple_of3A_135] : memref<1600000xf32, #tpu.memory_space<hbm>> -> memref<2000xf32, #tpu.memory_space<hbm>>
        tpu.enqueue_dma source(%arg17 : memref<2000xf32, #tpu.memory_space<vmem>>) target(%dma_start3A_191 : memref<2000xf32, #tpu.memory_space<hbm>>) target_semaphore(%run_scoped3A : memref<!tpu.dma_semaphore, #tpu.memory_space<semaphore_mem>>)
        %dma_wait3A_192 = tpu.memref_slice %arg7[%multiple_of3A_135] : memref<1600000xf32, #tpu.memory_space<hbm>> -> memref<2000xf32, #tpu.memory_space<hbm>>
        %dma_wait3A_193 = tpu.memref_slice %arg7[%multiple_of3A_135] : memref<1600000xf32, #tpu.memory_space<hbm>> -> memref<2000xf32, #tpu.memory_space<hbm>>
        tpu.wait_dma2 semaphore(%run_scoped3A : memref<!tpu.dma_semaphore, #tpu.memory_space<semaphore_mem>>) src(%arg17 : memref<2000xf32, #tpu.memory_space<vmem>>) dst(%dma_wait3A_193 : memref<2000xf32, #tpu.memory_space<hbm>>)
        tpu.yield
      }) : () -> ()
      "tpu.region"() ({
        %run_scoped3A = tpu.sem_alloc : memref<!tpu.dma_semaphore, #tpu.memory_space<semaphore_mem>>
        %dma_start3A_190 = tpu.memref_slice %arg8[%multiple_of3A_135] : memref<1600000xf32, #tpu.memory_space<hbm>> -> memref<2000xf32, #tpu.memory_space<hbm>>
        %dma_start3A_191 = tpu.memref_slice %arg8[%multiple_of3A_135] : memref<1600000xf32, #tpu.memory_space<hbm>> -> memref<2000xf32, #tpu.memory_space<hbm>>
        tpu.enqueue_dma source(%arg18 : memref<2000xf32, #tpu.memory_space<vmem>>) target(%dma_start3A_191 : memref<2000xf32, #tpu.memory_space<hbm>>) target_semaphore(%run_scoped3A : memref<!tpu.dma_semaphore, #tpu.memory_space<semaphore_mem>>)
        %dma_wait3A_192 = tpu.memref_slice %arg8[%multiple_of3A_135] : memref<1600000xf32, #tpu.memory_space<hbm>> -> memref<2000xf32, #tpu.memory_space<hbm>>
        %dma_wait3A_193 = tpu.memref_slice %arg8[%multiple_of3A_135] : memref<1600000xf32, #tpu.memory_space<hbm>> -> memref<2000xf32, #tpu.memory_space<hbm>>
        tpu.wait_dma2 semaphore(%run_scoped3A : memref<!tpu.dma_semaphore, #tpu.memory_space<semaphore_mem>>) src(%arg18 : memref<2000xf32, #tpu.memory_space<vmem>>) dst(%dma_wait3A_193 : memref<2000xf32, #tpu.memory_space<hbm>>)
        tpu.yield
      }) : () -> ()
      "tpu.region"() ({
        %run_scoped3A = tpu.sem_alloc : memref<!tpu.dma_semaphore, #tpu.memory_space<semaphore_mem>>
        %dma_start3A_190 = tpu.memref_slice %arg9[%multiple_of3A_135] : memref<1600000xf32, #tpu.memory_space<hbm>> -> memref<2000xf32, #tpu.memory_space<hbm>>
        %dma_start3A_191 = tpu.memref_slice %arg9[%multiple_of3A_135] : memref<1600000xf32, #tpu.memory_space<hbm>> -> memref<2000xf32, #tpu.memory_space<hbm>>
        tpu.enqueue_dma source(%arg19 : memref<2000xf32, #tpu.memory_space<vmem>>) target(%dma_start3A_191 : memref<2000xf32, #tpu.memory_space<hbm>>) target_semaphore(%run_scoped3A : memref<!tpu.dma_semaphore, #tpu.memory_space<semaphore_mem>>)
        %dma_wait3A_192 = tpu.memref_slice %arg9[%multiple_of3A_135] : memref<1600000xf32, #tpu.memory_space<hbm>> -> memref<2000xf32, #tpu.memory_space<hbm>>
        %dma_wait3A_193 = tpu.memref_slice %arg9[%multiple_of3A_135] : memref<1600000xf32, #tpu.memory_space<hbm>> -> memref<2000xf32, #tpu.memory_space<hbm>>
        tpu.wait_dma2 semaphore(%run_scoped3A : memref<!tpu.dma_semaphore, #tpu.memory_space<semaphore_mem>>) src(%arg19 : memref<2000xf32, #tpu.memory_space<vmem>>) dst(%dma_wait3A_193 : memref<2000xf32, #tpu.memory_space<hbm>>)
        tpu.yield
      }) : () -> ()
      "tpu.region"() ({
        %run_scoped3A = tpu.sem_alloc : memref<!tpu.dma_semaphore, #tpu.memory_space<semaphore_mem>>
        %dma_start3A_190 = tpu.memref_slice %arg10[%multiple_of3A_135] : memref<1600000xf32, #tpu.memory_space<hbm>> -> memref<2000xf32, #tpu.memory_space<hbm>>
        %dma_start3A_191 = tpu.memref_slice %arg10[%multiple_of3A_135] : memref<1600000xf32, #tpu.memory_space<hbm>> -> memref<2000xf32, #tpu.memory_space<hbm>>
        tpu.enqueue_dma source(%arg20 : memref<2000xf32, #tpu.memory_space<vmem>>) target(%dma_start3A_191 : memref<2000xf32, #tpu.memory_space<hbm>>) target_semaphore(%run_scoped3A : memref<!tpu.dma_semaphore, #tpu.memory_space<semaphore_mem>>)
        %dma_wait3A_192 = tpu.memref_slice %arg10[%multiple_of3A_135] : memref<1600000xf32, #tpu.memory_space<hbm>> -> memref<2000xf32, #tpu.memory_space<hbm>>
        %dma_wait3A_193 = tpu.memref_slice %arg10[%multiple_of3A_135] : memref<1600000xf32, #tpu.memory_space<hbm>> -> memref<2000xf32, #tpu.memory_space<hbm>>
        tpu.wait_dma2 semaphore(%run_scoped3A : memref<!tpu.dma_semaphore, #tpu.memory_space<semaphore_mem>>) src(%arg20 : memref<2000xf32, #tpu.memory_space<vmem>>) dst(%dma_wait3A_193 : memref<2000xf32, #tpu.memory_space<hbm>>)
        tpu.yield
      }) : () -> ()
      %add3A_142 = arith.constant 2 : i32
      %add3A_143 = arith.addi %mul3A_83, %add3A_142 : i32
      %lt3A = arith.constant 25 : i32
      %lt3A_144 = arith.cmpi slt, %add3A_143, %lt3A : i32
      %convert_element_type3A_145 = arith.extui %lt3A_144 : i1 to i32
      %cond3A_146 = arith.constant 0 : i32
      %cond3A_147 = arith.cmpi ne, %convert_element_type3A_145, %cond3A_146 : i32
      scf.if %cond3A_147 {
        %add3A_190 = arith.constant 2 : i32
        %add3A_191 = arith.addi %mul3A_83, %add3A_190 : i32
        %mul3A_192 = arith.constant 2000 : i32
        %mul3A_193 = arith.muli %add3A_191, %mul3A_192 : i32
        %add3A_194 = arith.addi %mul3A_2, %mul3A_193 : i32
        "tpu.region"() ({
          %run_scoped3A = tpu.sem_alloc : memref<!tpu.dma_semaphore, #tpu.memory_space<semaphore_mem>>
          %dma_start3A_211 = arith.constant 0 : i32
          %dma_start3A_212 = tpu.memref_slice %arg11[%dma_start3A_211] : memref<4000xi32, #tpu.memory_space<vmem>> -> memref<2000xi32, #tpu.memory_space<vmem>>
          %dma_start3A_213 = tpu.memref_slice %arg3[%add3A_194] : memref<1600000xi32, #tpu.memory_space<hbm>> -> memref<2000xi32, #tpu.memory_space<hbm>>
          %dma_start3A_214 = arith.constant 0 : i32
          %dma_start3A_215 = tpu.memref_slice %arg11[%dma_start3A_214] : memref<4000xi32, #tpu.memory_space<vmem>> -> memref<2000xi32, #tpu.memory_space<vmem>>
          %dma_start3A_216 = tpu.memref_slice %arg3[%add3A_194] : memref<1600000xi32, #tpu.memory_space<hbm>> -> memref<2000xi32, #tpu.memory_space<hbm>>
          tpu.enqueue_dma source(%dma_start3A_216 : memref<2000xi32, #tpu.memory_space<hbm>>) target(%dma_start3A_215 : memref<2000xi32, #tpu.memory_space<vmem>>) target_semaphore(%run_scoped3A : memref<!tpu.dma_semaphore, #tpu.memory_space<semaphore_mem>>)
          %dma_wait3A_217 = arith.constant 0 : i32
          %dma_wait3A_218 = tpu.memref_slice %arg11[%dma_wait3A_217] : memref<4000xi32, #tpu.memory_space<vmem>> -> memref<2000xi32, #tpu.memory_space<vmem>>
          %dma_wait3A_219 = tpu.memref_slice %arg3[%add3A_194] : memref<1600000xi32, #tpu.memory_space<hbm>> -> memref<2000xi32, #tpu.memory_space<hbm>>
          %dma_wait3A_220 = arith.constant 0 : i32
          %dma_wait3A_221 = tpu.memref_slice %arg11[%dma_wait3A_220] : memref<4000xi32, #tpu.memory_space<vmem>> -> memref<2000xi32, #tpu.memory_space<vmem>>
          %dma_wait3A_222 = tpu.memref_slice %arg3[%add3A_194] : memref<1600000xi32, #tpu.memory_space<hbm>> -> memref<2000xi32, #tpu.memory_space<hbm>>
          tpu.wait_dma2 semaphore(%run_scoped3A : memref<!tpu.dma_semaphore, #tpu.memory_space<semaphore_mem>>) src(%dma_wait3A_222 : memref<2000xi32, #tpu.memory_space<hbm>>) dst(%dma_wait3A_221 : memref<2000xi32, #tpu.memory_space<vmem>>)
          tpu.yield
        }) : () -> ()
        "tpu.region"() ({
          %run_scoped3A = tpu.sem_alloc : memref<!tpu.dma_semaphore, #tpu.memory_space<semaphore_mem>>
          %dma_start3A_211 = arith.constant 0 : i32
          %dma_start3A_212 = tpu.memref_slice %arg12[%dma_start3A_211] : memref<4000xi32, #tpu.memory_space<vmem>> -> memref<2000xi32, #tpu.memory_space<vmem>>
          %dma_start3A_213 = tpu.memref_slice %arg4[%add3A_194] : memref<1600000xi32, #tpu.memory_space<hbm>> -> memref<2000xi32, #tpu.memory_space<hbm>>
          %dma_start3A_214 = arith.constant 0 : i32
          %dma_start3A_215 = tpu.memref_slice %arg12[%dma_start3A_214] : memref<4000xi32, #tpu.memory_space<vmem>> -> memref<2000xi32, #tpu.memory_space<vmem>>
          %dma_start3A_216 = tpu.memref_slice %arg4[%add3A_194] : memref<1600000xi32, #tpu.memory_space<hbm>> -> memref<2000xi32, #tpu.memory_space<hbm>>
          tpu.enqueue_dma source(%dma_start3A_216 : memref<2000xi32, #tpu.memory_space<hbm>>) target(%dma_start3A_215 : memref<2000xi32, #tpu.memory_space<vmem>>) target_semaphore(%run_scoped3A : memref<!tpu.dma_semaphore, #tpu.memory_space<semaphore_mem>>)
          %dma_wait3A_217 = arith.constant 0 : i32
          %dma_wait3A_218 = tpu.memref_slice %arg12[%dma_wait3A_217] : memref<4000xi32, #tpu.memory_space<vmem>> -> memref<2000xi32, #tpu.memory_space<vmem>>
          %dma_wait3A_219 = tpu.memref_slice %arg4[%add3A_194] : memref<1600000xi32, #tpu.memory_space<hbm>> -> memref<2000xi32, #tpu.memory_space<hbm>>
          %dma_wait3A_220 = arith.constant 0 : i32
          %dma_wait3A_221 = tpu.memref_slice %arg12[%dma_wait3A_220] : memref<4000xi32, #tpu.memory_space<vmem>> -> memref<2000xi32, #tpu.memory_space<vmem>>
          %dma_wait3A_222 = tpu.memref_slice %arg4[%add3A_194] : memref<1600000xi32, #tpu.memory_space<hbm>> -> memref<2000xi32, #tpu.memory_space<hbm>>
          tpu.wait_dma2 semaphore(%run_scoped3A : memref<!tpu.dma_semaphore, #tpu.memory_space<semaphore_mem>>) src(%dma_wait3A_222 : memref<2000xi32, #tpu.memory_space<hbm>>) dst(%dma_wait3A_221 : memref<2000xi32, #tpu.memory_space<vmem>>)
          tpu.yield
        }) : () -> ()
        %dma_start3A_195 = arith.constant 0 : i32
        %dma_start3A_196 = arith.constant 0 : i32
        %dma_start3A_197 = tpu.memref_slice %arg14[%dma_start3A_195, %dma_start3A_196] : memref<4000x8xf32, #tpu.memory_space<vmem>> -> memref<2000x8xf32, #tpu.memory_space<vmem>>
        %dma_start3A_198 = arith.constant 0 : i32
        %dma_start3A_199 = tpu.memref_slice %arg11[%dma_start3A_198] : memref<4000xi32, #tpu.memory_space<vmem>> -> memref<2000xi32, #tpu.memory_space<vmem>>
        %dma_start3A_200 = arith.constant 0 : i32
        %dma_start3A_201 = arith.constant 0 : i32
        %dma_start3A_202 = tpu.memref_slice %arg2[%dma_start3A_200, %dma_start3A_201] : memref<50000x8xf32, #tpu.memory_space<hbm>> -> memref<50000x8xf32, #tpu.memory_space<hbm>>
        tpu.enqueue_indirect_dma source(%dma_start3A_202 : memref<50000x8xf32, #tpu.memory_space<hbm>>) target(%dma_start3A_197 : memref<2000x8xf32, #tpu.memory_space<vmem>>) offsets(%dma_start3A_199 : memref<2000xi32, #tpu.memory_space<vmem>>) semaphore(%arg22 : memref<!tpu.dma_semaphore, #tpu.memory_space<semaphore_mem>>)
        %dma_start3A_203 = arith.constant 0 : i32
        %dma_start3A_204 = arith.constant 0 : i32
        %dma_start3A_205 = tpu.memref_slice %arg15[%dma_start3A_203, %dma_start3A_204] : memref<4000x8xf32, #tpu.memory_space<vmem>> -> memref<2000x8xf32, #tpu.memory_space<vmem>>
        %dma_start3A_206 = arith.constant 0 : i32
        %dma_start3A_207 = tpu.memref_slice %arg12[%dma_start3A_206] : memref<4000xi32, #tpu.memory_space<vmem>> -> memref<2000xi32, #tpu.memory_space<vmem>>
        %dma_start3A_208 = arith.constant 0 : i32
        %dma_start3A_209 = arith.constant 0 : i32
        %dma_start3A_210 = tpu.memref_slice %arg2[%dma_start3A_208, %dma_start3A_209] : memref<50000x8xf32, #tpu.memory_space<hbm>> -> memref<50000x8xf32, #tpu.memory_space<hbm>>
        tpu.enqueue_indirect_dma source(%dma_start3A_210 : memref<50000x8xf32, #tpu.memory_space<hbm>>) target(%dma_start3A_205 : memref<2000x8xf32, #tpu.memory_space<vmem>>) offsets(%dma_start3A_207 : memref<2000xi32, #tpu.memory_space<vmem>>) semaphore(%arg23 : memref<!tpu.dma_semaphore, #tpu.memory_space<semaphore_mem>>)
      } else {
      }
      %dma_wait3A_148 = arith.constant 2000 : i32
      %dma_wait3A_149 = arith.constant 0 : i32
      %dma_wait3A_150 = tpu.memref_slice %arg14[%dma_wait3A_148, %dma_wait3A_149] : memref<4000x8xf32, #tpu.memory_space<vmem>> -> memref<2000x8xf32, #tpu.memory_space<vmem>>
      %dma_wait3A_151 = arith.constant 2000 : i32
      %dma_wait3A_152 = tpu.memref_slice %arg11[%dma_wait3A_151] : memref<4000xi32, #tpu.memory_space<vmem>> -> memref<2000xi32, #tpu.memory_space<vmem>>
      %dma_wait3A_153 = arith.constant 0 : i32
      %dma_wait3A_154 = arith.constant 0 : i32
      %dma_wait3A_155 = tpu.memref_slice %arg2[%dma_wait3A_153, %dma_wait3A_154] : memref<50000x8xf32, #tpu.memory_space<hbm>> -> memref<50000x8xf32, #tpu.memory_space<hbm>>
      tpu.wait_indirect_dma semaphore(%arg24 : memref<!tpu.dma_semaphore, #tpu.memory_space<semaphore_mem>>) src(%dma_wait3A_155 : memref<50000x8xf32, #tpu.memory_space<hbm>>) dst(%dma_wait3A_150 : memref<2000x8xf32, #tpu.memory_space<vmem>>)
      %dma_wait3A_156 = arith.constant 2000 : i32
      %dma_wait3A_157 = arith.constant 0 : i32
      %dma_wait3A_158 = tpu.memref_slice %arg15[%dma_wait3A_156, %dma_wait3A_157] : memref<4000x8xf32, #tpu.memory_space<vmem>> -> memref<2000x8xf32, #tpu.memory_space<vmem>>
      %dma_wait3A_159 = arith.constant 2000 : i32
      %dma_wait3A_160 = tpu.memref_slice %arg12[%dma_wait3A_159] : memref<4000xi32, #tpu.memory_space<vmem>> -> memref<2000xi32, #tpu.memory_space<vmem>>
      %dma_wait3A_161 = arith.constant 0 : i32
      %dma_wait3A_162 = arith.constant 0 : i32
      %dma_wait3A_163 = tpu.memref_slice %arg2[%dma_wait3A_161, %dma_wait3A_162] : memref<50000x8xf32, #tpu.memory_space<hbm>> -> memref<50000x8xf32, #tpu.memory_space<hbm>>
      tpu.wait_indirect_dma semaphore(%arg25 : memref<!tpu.dma_semaphore, #tpu.memory_space<semaphore_mem>>) src(%dma_wait3A_163 : memref<50000x8xf32, #tpu.memory_space<hbm>>) dst(%dma_wait3A_158 : memref<2000x8xf32, #tpu.memory_space<vmem>>)
      %add3A_164 = arith.constant 1 : i32
      %add3A_165 = arith.addi %mul3A_83, %add3A_164 : i32
      %ge3A_166 = arith.constant 2 : i32
      %ge3A_167 = arith.cmpi sge, %add3A_165, %ge3A_166 : i32
      %convert_element_type3A_168 = arith.extui %ge3A_167 : i1 to i32
      %cond3A_169 = arith.constant 0 : i32
      %cond3A_170 = arith.cmpi ne, %convert_element_type3A_168, %cond3A_169 : i32
      scf.if %cond3A_170 {
        %dma_wait3A_190 = arith.constant 2000 : i32
        %dma_wait3A_191 = tpu.memref_slice %arg16[%dma_wait3A_190] : memref<4000xf32, #tpu.memory_space<vmem>> -> memref<2000xf32, #tpu.memory_space<vmem>>
        %dma_wait3A_192 = arith.constant 2000 : i32
        %dma_wait3A_193 = tpu.memref_slice %arg13[%dma_wait3A_192] : memref<4000xi32, #tpu.memory_space<vmem>> -> memref<2000xi32, #tpu.memory_space<vmem>>
        %dma_wait3A_194 = arith.constant 0 : i32
        %dma_wait3A_195 = tpu.memref_slice %arg21[%dma_wait3A_194] : memref<51200xf32, #tpu.memory_space<vmem_shared>> -> memref<51200xf32, #tpu.memory_space<vmem_shared>>
        tpu.wait_indirect_dma semaphore(%arg27 : memref<!tpu.dma_semaphore, #tpu.memory_space<semaphore_mem>>) src(%dma_wait3A_191 : memref<2000xf32, #tpu.memory_space<vmem>>) dst(%dma_wait3A_195 : memref<51200xf32, #tpu.memory_space<vmem_shared>>)
      } else {
      }
      %mul3A_171 = arith.constant 2000 : i32
      %mul3A_172 = arith.muli %add3A_165, %mul3A_171 : i32
      %add3A_173 = arith.addi %mul3A_2, %mul3A_172 : i32
      %multiple_of3A_174 = tpu.assume_multiple %add3A_173, 8 : i32
      "tpu.region"() ({
        %run_scoped3A = tpu.sem_alloc : memref<!tpu.dma_semaphore, #tpu.memory_space<semaphore_mem>>
        %dma_start3A_190 = arith.constant 2000 : i32
        %dma_start3A_191 = tpu.memref_slice %arg13[%dma_start3A_190] : memref<4000xi32, #tpu.memory_space<vmem>> -> memref<2000xi32, #tpu.memory_space<vmem>>
        %dma_start3A_192 = tpu.memref_slice %arg3[%multiple_of3A_174] : memref<1600000xi32, #tpu.memory_space<hbm>> -> memref<2000xi32, #tpu.memory_space<hbm>>
        %dma_start3A_193 = arith.constant 2000 : i32
        %dma_start3A_194 = tpu.memref_slice %arg13[%dma_start3A_193] : memref<4000xi32, #tpu.memory_space<vmem>> -> memref<2000xi32, #tpu.memory_space<vmem>>
        %dma_start3A_195 = tpu.memref_slice %arg3[%multiple_of3A_174] : memref<1600000xi32, #tpu.memory_space<hbm>> -> memref<2000xi32, #tpu.memory_space<hbm>>
        tpu.enqueue_dma source(%dma_start3A_195 : memref<2000xi32, #tpu.memory_space<hbm>>) target(%dma_start3A_194 : memref<2000xi32, #tpu.memory_space<vmem>>) target_semaphore(%run_scoped3A : memref<!tpu.dma_semaphore, #tpu.memory_space<semaphore_mem>>)
        %dma_wait3A_196 = arith.constant 2000 : i32
        %dma_wait3A_197 = tpu.memref_slice %arg13[%dma_wait3A_196] : memref<4000xi32, #tpu.memory_space<vmem>> -> memref<2000xi32, #tpu.memory_space<vmem>>
        %dma_wait3A_198 = tpu.memref_slice %arg3[%multiple_of3A_174] : memref<1600000xi32, #tpu.memory_space<hbm>> -> memref<2000xi32, #tpu.memory_space<hbm>>
        %dma_wait3A_199 = arith.constant 2000 : i32
        %dma_wait3A_200 = tpu.memref_slice %arg13[%dma_wait3A_199] : memref<4000xi32, #tpu.memory_space<vmem>> -> memref<2000xi32, #tpu.memory_space<vmem>>
        %dma_wait3A_201 = tpu.memref_slice %arg3[%multiple_of3A_174] : memref<1600000xi32, #tpu.memory_space<hbm>> -> memref<2000xi32, #tpu.memory_space<hbm>>
        tpu.wait_dma2 semaphore(%run_scoped3A : memref<!tpu.dma_semaphore, #tpu.memory_space<semaphore_mem>>) src(%dma_wait3A_201 : memref<2000xi32, #tpu.memory_space<hbm>>) dst(%dma_wait3A_200 : memref<2000xi32, #tpu.memory_space<vmem>>)
        tpu.yield
      }) : () -> ()
      %scan3A_175 = arith.constant 0 : i32
      %scan3A_176 = arith.constant 125 : i32
      %scan3A_177 = arith.addi %scan3A_175, %scan3A_176 : i32
      %scan3A_178 = arith.constant 1 : i32
      scf.for %scan3A_190 = %scan3A_175 to %scan3A_177 step %scan3A_178  : i32 {
        %mul3A_191 = arith.constant 16 : i32
        %mul3A_192 = arith.muli %scan3A_190, %mul3A_191 : i32
        %add3A_193 = vector.broadcast %mul3A_192 : i32 to vector<16xi32>
        %add3A_194 = arith.addi %add3A_193, %iota3A : vector<16xi32>
        %gather3A = arith.constant 2000 : i32
        %gather3A_195 = arith.constant 0 : i32
        %gather3A_196 = tpu.memref_slice %arg14[%gather3A, %gather3A_195] : memref<4000x8xf32, #tpu.memory_space<vmem>> -> memref<2000x8xf32, #tpu.memory_space<vmem>>
        %gather3A_197 = tpu.vector_load_idx %gather3A_196[%add3A_194, %broadcast_in_dim3A_5] : memref<2000x8xf32, #tpu.memory_space<vmem>>[vector<16xi32>, vector<16xi32>], vector<16xf32>,
        %gather3A_198 = arith.constant 2000 : i32
        %gather3A_199 = arith.constant 0 : i32
        %gather3A_200 = tpu.memref_slice %arg14[%gather3A_198, %gather3A_199] : memref<4000x8xf32, #tpu.memory_space<vmem>> -> memref<2000x8xf32, #tpu.memory_space<vmem>>
        %gather3A_201 = tpu.vector_load_idx %gather3A_200[%add3A_194, %broadcast_in_dim3A_7] : memref<2000x8xf32, #tpu.memory_space<vmem>>[vector<16xi32>, vector<16xi32>], vector<16xf32>,
        %gather3A_202 = arith.constant 2000 : i32
        %gather3A_203 = arith.constant 0 : i32
        %gather3A_204 = tpu.memref_slice %arg14[%gather3A_202, %gather3A_203] : memref<4000x8xf32, #tpu.memory_space<vmem>> -> memref<2000x8xf32, #tpu.memory_space<vmem>>
        %gather3A_205 = tpu.vector_load_idx %gather3A_204[%add3A_194, %broadcast_in_dim3A_9] : memref<2000x8xf32, #tpu.memory_space<vmem>>[vector<16xi32>, vector<16xi32>], vector<16xf32>,
        %gather3A_206 = arith.constant 2000 : i32
        %gather3A_207 = arith.constant 0 : i32
        %gather3A_208 = tpu.memref_slice %arg15[%gather3A_206, %gather3A_207] : memref<4000x8xf32, #tpu.memory_space<vmem>> -> memref<2000x8xf32, #tpu.memory_space<vmem>>
        %gather3A_209 = tpu.vector_load_idx %gather3A_208[%add3A_194, %broadcast_in_dim3A_5] : memref<2000x8xf32, #tpu.memory_space<vmem>>[vector<16xi32>, vector<16xi32>], vector<16xf32>,
        %gather3A_210 = arith.constant 2000 : i32
        %gather3A_211 = arith.constant 0 : i32
        %gather3A_212 = tpu.memref_slice %arg15[%gather3A_210, %gather3A_211] : memref<4000x8xf32, #tpu.memory_space<vmem>> -> memref<2000x8xf32, #tpu.memory_space<vmem>>
        %gather3A_213 = tpu.vector_load_idx %gather3A_212[%add3A_194, %broadcast_in_dim3A_7] : memref<2000x8xf32, #tpu.memory_space<vmem>>[vector<16xi32>, vector<16xi32>], vector<16xf32>,
        %gather3A_214 = arith.constant 2000 : i32
        %gather3A_215 = arith.constant 0 : i32
        %gather3A_216 = tpu.memref_slice %arg15[%gather3A_214, %gather3A_215] : memref<4000x8xf32, #tpu.memory_space<vmem>> -> memref<2000x8xf32, #tpu.memory_space<vmem>>
        %gather3A_217 = tpu.vector_load_idx %gather3A_216[%add3A_194, %broadcast_in_dim3A_9] : memref<2000x8xf32, #tpu.memory_space<vmem>>[vector<16xi32>, vector<16xi32>], vector<16xf32>,
        %sub3A = arith.subf %gather3A_197, %gather3A_209 : vector<16xf32>
        %sub3A_218 = arith.subf %gather3A_201, %gather3A_213 : vector<16xf32>
        %sub3A_219 = arith.subf %gather3A_205, %gather3A_217 : vector<16xf32>
        %mul3A_220 = arith.mulf %sub3A, %sub3A : vector<16xf32>
        %mul3A_221 = arith.mulf %sub3A_218, %sub3A_218 : vector<16xf32>
        %add3A_222 = arith.addf %mul3A_220, %mul3A_221 : vector<16xf32>
        %mul3A_223 = arith.mulf %sub3A_219, %sub3A_219 : vector<16xf32>
        %add3A_224 = arith.addf %add3A_222, %mul3A_223 : vector<16xf32>
        %add3A_225 = arith.constant 1.000000e-16 : f32
        %add3A_226 = vector.broadcast %add3A_225 : f32 to vector<16xf32>
        %add3A_227 = arith.addf %add3A_224, %add3A_226 : vector<16xf32>
        %bitcast3A = vector.bitcast %add3A_227 : vector<16xf32> to vector<16xi32>
        %shift_right_arithmetic3A = arith.constant 1 : i32
        %shift_right_arithmetic3A_228 = vector.broadcast %shift_right_arithmetic3A : i32 to vector<16xi32>
        %shift_right_arithmetic3A_229 = arith.shrsi %bitcast3A, %shift_right_arithmetic3A_228 : vector<16xi32>
        %sub3A_230 = arith.constant 1597463007 : i32
        %sub3A_231 = vector.broadcast %sub3A_230 : i32 to vector<16xi32>
        %sub3A_232 = arith.subi %sub3A_231, %shift_right_arithmetic3A_229 : vector<16xi32>
        %bitcast3A_233 = vector.bitcast %sub3A_232 : vector<16xi32> to vector<16xf32>
        %mul3A_234 = arith.constant 5.000000e-01 : f32
        %mul3A_235 = vector.broadcast %mul3A_234 : f32 to vector<16xf32>
        %mul3A_236 = arith.mulf %mul3A_235, %add3A_227 : vector<16xf32>
        %mul3A_237 = arith.mulf %mul3A_236, %bitcast3A_233 : vector<16xf32>
        %mul3A_238 = arith.mulf %mul3A_237, %bitcast3A_233 : vector<16xf32>
        %sub3A_239 = arith.constant 1.500000e+00 : f32
        %sub3A_240 = vector.broadcast %sub3A_239 : f32 to vector<16xf32>
        %sub3A_241 = arith.subf %sub3A_240, %mul3A_238 : vector<16xf32>
        %mul3A_242 = arith.mulf %bitcast3A_233, %sub3A_241 : vector<16xf32>
        %mul3A_243 = arith.constant 5.000000e-01 : f32
        %mul3A_244 = vector.broadcast %mul3A_243 : f32 to vector<16xf32>
        %mul3A_245 = arith.mulf %mul3A_244, %add3A_227 : vector<16xf32>
        %mul3A_246 = arith.mulf %mul3A_245, %mul3A_242 : vector<16xf32>
        %mul3A_247 = arith.mulf %mul3A_246, %mul3A_242 : vector<16xf32>
        %sub3A_248 = arith.constant 1.500000e+00 : f32
        %sub3A_249 = vector.broadcast %sub3A_248 : f32 to vector<16xf32>
        %sub3A_250 = arith.subf %sub3A_249, %mul3A_247 : vector<16xf32>
        %mul3A_251 = arith.mulf %mul3A_242, %sub3A_250 : vector<16xf32>
        %mul3A_252 = arith.constant 5.000000e-01 : f32
        %mul3A_253 = vector.broadcast %mul3A_252 : f32 to vector<16xf32>
        %mul3A_254 = arith.mulf %mul3A_253, %add3A_227 : vector<16xf32>
        %mul3A_255 = arith.mulf %mul3A_254, %mul3A_251 : vector<16xf32>
        %mul3A_256 = arith.mulf %mul3A_255, %mul3A_251 : vector<16xf32>
        %sub3A_257 = arith.constant 1.500000e+00 : f32
        %sub3A_258 = vector.broadcast %sub3A_257 : f32 to vector<16xf32>
        %sub3A_259 = arith.subf %sub3A_258, %mul3A_256 : vector<16xf32>
        %mul3A_260 = arith.mulf %mul3A_251, %sub3A_259 : vector<16xf32>
        %mul3A_261 = arith.mulf %add3A_227, %mul3A_260 : vector<16xf32>
        %sub3A_262 = arith.constant 1.000000e+00 : f32
        %sub3A_263 = vector.broadcast %sub3A_262 : f32 to vector<16xf32>
        %sub3A_264 = arith.subf %sub3A_263, %mul3A_261 : vector<16xf32>
        %max3A = arith.constant 0.000000e+00 : f32
        %max3A_265 = vector.broadcast %max3A : f32 to vector<16xf32>
        %max3A_266 = arith.maximumf %max3A_265, %sub3A_264 : vector<16xf32>
        %sub3A_267 = arith.constant 2.000000e+00 : f32
        %sub3A_268 = vector.broadcast %sub3A_267 : f32 to vector<16xf32>
        %sub3A_269 = arith.subf %sub3A_268, %mul3A_261 : vector<16xf32>
        %max3A_270 = arith.constant 0.000000e+00 : f32
        %max3A_271 = vector.broadcast %max3A_270 : f32 to vector<16xf32>
        %max3A_272 = arith.maximumf %max3A_271, %sub3A_269 : vector<16xf32>
        %sub3A_273 = arith.constant 3.000000e+00 : f32
        %sub3A_274 = vector.broadcast %sub3A_273 : f32 to vector<16xf32>
        %sub3A_275 = arith.subf %sub3A_274, %mul3A_261 : vector<16xf32>
        %max3A_276 = arith.constant 0.000000e+00 : f32
        %max3A_277 = vector.broadcast %max3A_276 : f32 to vector<16xf32>
        %max3A_278 = arith.maximumf %max3A_277, %sub3A_275 : vector<16xf32>
        %mul3A_279 = arith.mulf %max3A_266, %max3A_266 : vector<16xf32>
        %mul3A_280 = arith.mulf %mul3A_279, %mul3A_279 : vector<16xf32>
        %mul3A_281 = arith.mulf %max3A_272, %max3A_272 : vector<16xf32>
        %mul3A_282 = arith.mulf %mul3A_281, %mul3A_281 : vector<16xf32>
        %mul3A_283 = arith.mulf %max3A_278, %max3A_278 : vector<16xf32>
        %mul3A_284 = arith.mulf %mul3A_283, %mul3A_283 : vector<16xf32>
        %mul3A_285 = arith.mulf %mul3A_284, %max3A_278 : vector<16xf32>
        %mul3A_286 = arith.mulf %mul3A_282, %max3A_272 : vector<16xf32>
        %mul3A_287 = arith.constant 6.000000e+00 : f32
        %mul3A_288 = vector.broadcast %mul3A_287 : f32 to vector<16xf32>
        %mul3A_289 = arith.mulf %mul3A_288, %mul3A_286 : vector<16xf32>
        %sub3A_290 = arith.subf %mul3A_285, %mul3A_289 : vector<16xf32>
        %mul3A_291 = arith.mulf %mul3A_280, %max3A_266 : vector<16xf32>
        %mul3A_292 = arith.constant 1.500000e+01 : f32
        %mul3A_293 = vector.broadcast %mul3A_292 : f32 to vector<16xf32>
        %mul3A_294 = arith.mulf %mul3A_293, %mul3A_291 : vector<16xf32>
        %add3A_295 = arith.addf %sub3A_290, %mul3A_294 : vector<16xf32>
        %mul3A_296 = arith.constant 0.00265997113 : f32
        %mul3A_297 = vector.broadcast %mul3A_296 : f32 to vector<16xf32>
        %mul3A_298 = arith.mulf %mul3A_297, %add3A_295 : vector<16xf32>
        %mul3A_299 = arith.constant 6.000000e+00 : f32
        %mul3A_300 = vector.broadcast %mul3A_299 : f32 to vector<16xf32>
        %mul3A_301 = arith.mulf %mul3A_300, %mul3A_282 : vector<16xf32>
        %sub3A_302 = arith.subf %mul3A_284, %mul3A_301 : vector<16xf32>
        %mul3A_303 = arith.constant 1.500000e+01 : f32
        %mul3A_304 = vector.broadcast %mul3A_303 : f32 to vector<16xf32>
        %mul3A_305 = arith.mulf %mul3A_304, %mul3A_280 : vector<16xf32>
        %add3A_306 = arith.addf %sub3A_302, %mul3A_305 : vector<16xf32>
        %mul3A_307 = arith.constant -0.0132998563 : f32
        %mul3A_308 = vector.broadcast %mul3A_307 : f32 to vector<16xf32>
        %mul3A_309 = arith.mulf %mul3A_308, %add3A_306 : vector<16xf32>
        %add3A_310 = arith.constant 9.99999993E-9 : f32
        %add3A_311 = vector.broadcast %add3A_310 : f32 to vector<16xf32>
        %add3A_312 = arith.addf %mul3A_261, %add3A_311 : vector<16xf32>
        %div3A = arith.divf %mul3A_309, %add3A_312 : vector<16xf32>
        %mul3A_313 = arith.constant 16 : i32
        %mul3A_314 = arith.muli %scan3A_190, %mul3A_313 : i32
        %swap3A = arith.constant 2000 : i32
        %swap3A_315 = tpu.memref_slice %arg16[%swap3A] : memref<4000xf32, #tpu.memory_space<vmem>> -> memref<2000xf32, #tpu.memory_space<vmem>>
        %swap3A_316 = arith.index_cast %mul3A_314 : i32 to index
        %swap3A_317 = tpu.vector_load %swap3A_315[%swap3A_316] {strides = array<i32>} : memref<2000xf32, #tpu.memory_space<vmem>>, vector<16xf32>,
        tpu.vector_store %swap3A_315[%swap3A_316], %mul3A_298 {strides = array<i32>} : memref<2000xf32, #tpu.memory_space<vmem>>, vector<16xf32>,
        %swap3A_318 = arith.index_cast %mul3A_314 : i32 to index
        %swap3A_319 = tpu.vector_load %arg17[%swap3A_318] {strides = array<i32>} : memref<2000xf32, #tpu.memory_space<vmem>>, vector<16xf32>,
        tpu.vector_store %arg17[%swap3A_318], %sub3A {strides = array<i32>} : memref<2000xf32, #tpu.memory_space<vmem>>, vector<16xf32>,
        %swap3A_320 = arith.index_cast %mul3A_314 : i32 to index
        %swap3A_321 = tpu.vector_load %arg18[%swap3A_320] {strides = array<i32>} : memref<2000xf32, #tpu.memory_space<vmem>>, vector<16xf32>,
        tpu.vector_store %arg18[%swap3A_320], %sub3A_218 {strides = array<i32>} : memref<2000xf32, #tpu.memory_space<vmem>>, vector<16xf32>,
        %swap3A_322 = arith.index_cast %mul3A_314 : i32 to index
        %swap3A_323 = tpu.vector_load %arg19[%swap3A_322] {strides = array<i32>} : memref<2000xf32, #tpu.memory_space<vmem>>, vector<16xf32>,
        tpu.vector_store %arg19[%swap3A_322], %sub3A_219 {strides = array<i32>} : memref<2000xf32, #tpu.memory_space<vmem>>, vector<16xf32>,
        %swap3A_324 = arith.index_cast %mul3A_314 : i32 to index
        %swap3A_325 = tpu.vector_load %arg20[%swap3A_324] {strides = array<i32>} : memref<2000xf32, #tpu.memory_space<vmem>>, vector<16xf32>,
        tpu.vector_store %arg20[%swap3A_324], %div3A {strides = array<i32>} : memref<2000xf32, #tpu.memory_space<vmem>>, vector<16xf32>,
      }
      %scan3A_179 = arith.constant 125 : i32
      %mul3A_180 = arith.constant 2000 : i32
      %mul3A_181 = arith.muli %add3A_165, %mul3A_180 : i32
      %add3A_182 = arith.addi %mul3A_2, %mul3A_181 : i32
      %multiple_of3A_183 = tpu.assume_multiple %add3A_182, 8 : i32
      %dma_start3A_184 = arith.constant 2000 : i32
      %dma_start3A_185 = tpu.memref_slice %arg16[%dma_start3A_184] : memref<4000xf32, #tpu.memory_space<vmem>> -> memref<2000xf32, #tpu.memory_space<vmem>>
      %dma_start3A_186 = arith.constant 2000 : i32
      %dma_start3A_187 = tpu.memref_slice %arg13[%dma_start3A_186] : memref<4000xi32, #tpu.memory_space<vmem>> -> memref<2000xi32, #tpu.memory_space<vmem>>
      %dma_start3A_188 = arith.constant 0 : i32
      %dma_start3A_189 = tpu.memref_slice %arg21[%dma_start3A_188] : memref<51200xf32, #tpu.memory_space<vmem_shared>> -> memref<51200xf32, #tpu.memory_space<vmem_shared>>
      tpu.enqueue_indirect_dma source(%dma_start3A_185 : memref<2000xf32, #tpu.memory_space<vmem>>) target(%dma_start3A_189 : memref<51200xf32, #tpu.memory_space<vmem_shared>>) offsets(%dma_start3A_187 : memref<2000xi32, #tpu.memory_space<vmem>>) semaphore(%arg27 : memref<!tpu.dma_semaphore, #tpu.memory_space<semaphore_mem>>) {add = true}
      "tpu.region"() ({
        %run_scoped3A = tpu.sem_alloc : memref<!tpu.dma_semaphore, #tpu.memory_space<semaphore_mem>>
        %dma_start3A_190 = tpu.memref_slice %arg7[%multiple_of3A_183] : memref<1600000xf32, #tpu.memory_space<hbm>> -> memref<2000xf32, #tpu.memory_space<hbm>>
        %dma_start3A_191 = tpu.memref_slice %arg7[%multiple_of3A_183] : memref<1600000xf32, #tpu.memory_space<hbm>> -> memref<2000xf32, #tpu.memory_space<hbm>>
        tpu.enqueue_dma source(%arg17 : memref<2000xf32, #tpu.memory_space<vmem>>) target(%dma_start3A_191 : memref<2000xf32, #tpu.memory_space<hbm>>) target_semaphore(%run_scoped3A : memref<!tpu.dma_semaphore, #tpu.memory_space<semaphore_mem>>)
        %dma_wait3A_192 = tpu.memref_slice %arg7[%multiple_of3A_183] : memref<1600000xf32, #tpu.memory_space<hbm>> -> memref<2000xf32, #tpu.memory_space<hbm>>
        %dma_wait3A_193 = tpu.memref_slice %arg7[%multiple_of3A_183] : memref<1600000xf32, #tpu.memory_space<hbm>> -> memref<2000xf32, #tpu.memory_space<hbm>>
        tpu.wait_dma2 semaphore(%run_scoped3A : memref<!tpu.dma_semaphore, #tpu.memory_space<semaphore_mem>>) src(%arg17 : memref<2000xf32, #tpu.memory_space<vmem>>) dst(%dma_wait3A_193 : memref<2000xf32, #tpu.memory_space<hbm>>)
        tpu.yield
      }) : () -> ()
      "tpu.region"() ({
        %run_scoped3A = tpu.sem_alloc : memref<!tpu.dma_semaphore, #tpu.memory_space<semaphore_mem>>
        %dma_start3A_190 = tpu.memref_slice %arg8[%multiple_of3A_183] : memref<1600000xf32, #tpu.memory_space<hbm>> -> memref<2000xf32, #tpu.memory_space<hbm>>
        %dma_start3A_191 = tpu.memref_slice %arg8[%multiple_of3A_183] : memref<1600000xf32, #tpu.memory_space<hbm>> -> memref<2000xf32, #tpu.memory_space<hbm>>
        tpu.enqueue_dma source(%arg18 : memref<2000xf32, #tpu.memory_space<vmem>>) target(%dma_start3A_191 : memref<2000xf32, #tpu.memory_space<hbm>>) target_semaphore(%run_scoped3A : memref<!tpu.dma_semaphore, #tpu.memory_space<semaphore_mem>>)
        %dma_wait3A_192 = tpu.memref_slice %arg8[%multiple_of3A_183] : memref<1600000xf32, #tpu.memory_space<hbm>> -> memref<2000xf32, #tpu.memory_space<hbm>>
        %dma_wait3A_193 = tpu.memref_slice %arg8[%multiple_of3A_183] : memref<1600000xf32, #tpu.memory_space<hbm>> -> memref<2000xf32, #tpu.memory_space<hbm>>
        tpu.wait_dma2 semaphore(%run_scoped3A : memref<!tpu.dma_semaphore, #tpu.memory_space<semaphore_mem>>) src(%arg18 : memref<2000xf32, #tpu.memory_space<vmem>>) dst(%dma_wait3A_193 : memref<2000xf32, #tpu.memory_space<hbm>>)
        tpu.yield
      }) : () -> ()
      "tpu.region"() ({
        %run_scoped3A = tpu.sem_alloc : memref<!tpu.dma_semaphore, #tpu.memory_space<semaphore_mem>>
        %dma_start3A_190 = tpu.memref_slice %arg9[%multiple_of3A_183] : memref<1600000xf32, #tpu.memory_space<hbm>> -> memref<2000xf32, #tpu.memory_space<hbm>>
        %dma_start3A_191 = tpu.memref_slice %arg9[%multiple_of3A_183] : memref<1600000xf32, #tpu.memory_space<hbm>> -> memref<2000xf32, #tpu.memory_space<hbm>>
        tpu.enqueue_dma source(%arg19 : memref<2000xf32, #tpu.memory_space<vmem>>) target(%dma_start3A_191 : memref<2000xf32, #tpu.memory_space<hbm>>) target_semaphore(%run_scoped3A : memref<!tpu.dma_semaphore, #tpu.memory_space<semaphore_mem>>)
        %dma_wait3A_192 = tpu.memref_slice %arg9[%multiple_of3A_183] : memref<1600000xf32, #tpu.memory_space<hbm>> -> memref<2000xf32, #tpu.memory_space<hbm>>
        %dma_wait3A_193 = tpu.memref_slice %arg9[%multiple_of3A_183] : memref<1600000xf32, #tpu.memory_space<hbm>> -> memref<2000xf32, #tpu.memory_space<hbm>>
        tpu.wait_dma2 semaphore(%run_scoped3A : memref<!tpu.dma_semaphore, #tpu.memory_space<semaphore_mem>>) src(%arg19 : memref<2000xf32, #tpu.memory_space<vmem>>) dst(%dma_wait3A_193 : memref<2000xf32, #tpu.memory_space<hbm>>)
        tpu.yield
      }) : () -> ()
      "tpu.region"() ({
        %run_scoped3A = tpu.sem_alloc : memref<!tpu.dma_semaphore, #tpu.memory_space<semaphore_mem>>
        %dma_start3A_190 = tpu.memref_slice %arg10[%multiple_of3A_183] : memref<1600000xf32, #tpu.memory_space<hbm>> -> memref<2000xf32, #tpu.memory_space<hbm>>
        %dma_start3A_191 = tpu.memref_slice %arg10[%multiple_of3A_183] : memref<1600000xf32, #tpu.memory_space<hbm>> -> memref<2000xf32, #tpu.memory_space<hbm>>
        tpu.enqueue_dma source(%arg20 : memref<2000xf32, #tpu.memory_space<vmem>>) target(%dma_start3A_191 : memref<2000xf32, #tpu.memory_space<hbm>>) target_semaphore(%run_scoped3A : memref<!tpu.dma_semaphore, #tpu.memory_space<semaphore_mem>>)
        %dma_wait3A_192 = tpu.memref_slice %arg10[%multiple_of3A_183] : memref<1600000xf32, #tpu.memory_space<hbm>> -> memref<2000xf32, #tpu.memory_space<hbm>>
        %dma_wait3A_193 = tpu.memref_slice %arg10[%multiple_of3A_183] : memref<1600000xf32, #tpu.memory_space<hbm>> -> memref<2000xf32, #tpu.memory_space<hbm>>
        tpu.wait_dma2 semaphore(%run_scoped3A : memref<!tpu.dma_semaphore, #tpu.memory_space<semaphore_mem>>) src(%arg20 : memref<2000xf32, #tpu.memory_space<vmem>>) dst(%dma_wait3A_193 : memref<2000xf32, #tpu.memory_space<hbm>>)
        tpu.yield
      }) : () -> ()
    }
    %scan3A_28 = arith.constant 12 : i32
    %dma_wait3A = arith.constant 0 : i32
    %dma_wait3A_29 = arith.constant 0 : i32
    %dma_wait3A_30 = tpu.memref_slice %arg14[%dma_wait3A, %dma_wait3A_29] : memref<4000x8xf32, #tpu.memory_space<vmem>> -> memref<2000x8xf32, #tpu.memory_space<vmem>>
    %dma_wait3A_31 = arith.constant 0 : i32
    %dma_wait3A_32 = tpu.memref_slice %arg11[%dma_wait3A_31] : memref<4000xi32, #tpu.memory_space<vmem>> -> memref<2000xi32, #tpu.memory_space<vmem>>
    %dma_wait3A_33 = arith.constant 0 : i32
    %dma_wait3A_34 = arith.constant 0 : i32
    %dma_wait3A_35 = tpu.memref_slice %arg2[%dma_wait3A_33, %dma_wait3A_34] : memref<50000x8xf32, #tpu.memory_space<hbm>> -> memref<50000x8xf32, #tpu.memory_space<hbm>>
    tpu.wait_indirect_dma semaphore(%arg22 : memref<!tpu.dma_semaphore, #tpu.memory_space<semaphore_mem>>) src(%dma_wait3A_35 : memref<50000x8xf32, #tpu.memory_space<hbm>>) dst(%dma_wait3A_30 : memref<2000x8xf32, #tpu.memory_space<vmem>>)
    %dma_wait3A_36 = arith.constant 0 : i32
    %dma_wait3A_37 = arith.constant 0 : i32
    %dma_wait3A_38 = tpu.memref_slice %arg15[%dma_wait3A_36, %dma_wait3A_37] : memref<4000x8xf32, #tpu.memory_space<vmem>> -> memref<2000x8xf32, #tpu.memory_space<vmem>>
    %dma_wait3A_39 = arith.constant 0 : i32
    %dma_wait3A_40 = tpu.memref_slice %arg12[%dma_wait3A_39] : memref<4000xi32, #tpu.memory_space<vmem>> -> memref<2000xi32, #tpu.memory_space<vmem>>
    %dma_wait3A_41 = arith.constant 0 : i32
    %dma_wait3A_42 = arith.constant 0 : i32
    %dma_wait3A_43 = tpu.memref_slice %arg2[%dma_wait3A_41, %dma_wait3A_42] : memref<50000x8xf32, #tpu.memory_space<hbm>> -> memref<50000x8xf32, #tpu.memory_space<hbm>>
    tpu.wait_indirect_dma semaphore(%arg23 : memref<!tpu.dma_semaphore, #tpu.memory_space<semaphore_mem>>) src(%dma_wait3A_43 : memref<50000x8xf32, #tpu.memory_space<hbm>>) dst(%dma_wait3A_38 : memref<2000x8xf32, #tpu.memory_space<vmem>>)
    %dma_wait3A_44 = arith.constant 0 : i32
    %dma_wait3A_45 = tpu.memref_slice %arg16[%dma_wait3A_44] : memref<4000xf32, #tpu.memory_space<vmem>> -> memref<2000xf32, #tpu.memory_space<vmem>>
    %dma_wait3A_46 = arith.constant 0 : i32
    %dma_wait3A_47 = tpu.memref_slice %arg13[%dma_wait3A_46] : memref<4000xi32, #tpu.memory_space<vmem>> -> memref<2000xi32, #tpu.memory_space<vmem>>
    %dma_wait3A_48 = arith.constant 0 : i32
    %dma_wait3A_49 = tpu.memref_slice %arg21[%dma_wait3A_48] : memref<51200xf32, #tpu.memory_space<vmem_shared>> -> memref<51200xf32, #tpu.memory_space<vmem_shared>>
    tpu.wait_indirect_dma semaphore(%arg26 : memref<!tpu.dma_semaphore, #tpu.memory_space<semaphore_mem>>) src(%dma_wait3A_45 : memref<2000xf32, #tpu.memory_space<vmem>>) dst(%dma_wait3A_49 : memref<51200xf32, #tpu.memory_space<vmem_shared>>)
    %add3A_50 = arith.constant 48000 : i32
    %add3A_51 = arith.addi %mul3A_2, %add3A_50 : i32
    %multiple_of3A = tpu.assume_multiple %add3A_51, 8 : i32
    "tpu.region"() ({
      %run_scoped3A = tpu.sem_alloc : memref<!tpu.dma_semaphore, #tpu.memory_space<semaphore_mem>>
      %dma_start3A_81 = arith.constant 0 : i32
      %dma_start3A_82 = tpu.memref_slice %arg13[%dma_start3A_81] : memref<4000xi32, #tpu.memory_space<vmem>> -> memref<2000xi32, #tpu.memory_space<vmem>>
      %dma_start3A_83 = tpu.memref_slice %arg3[%multiple_of3A] : memref<1600000xi32, #tpu.memory_space<hbm>> -> memref<2000xi32, #tpu.memory_space<hbm>>
      %dma_start3A_84 = arith.constant 0 : i32
      %dma_start3A_85 = tpu.memref_slice %arg13[%dma_start3A_84] : memref<4000xi32, #tpu.memory_space<vmem>> -> memref<2000xi32, #tpu.memory_space<vmem>>
      %dma_start3A_86 = tpu.memref_slice %arg3[%multiple_of3A] : memref<1600000xi32, #tpu.memory_space<hbm>> -> memref<2000xi32, #tpu.memory_space<hbm>>
      tpu.enqueue_dma source(%dma_start3A_86 : memref<2000xi32, #tpu.memory_space<hbm>>) target(%dma_start3A_85 : memref<2000xi32, #tpu.memory_space<vmem>>) target_semaphore(%run_scoped3A : memref<!tpu.dma_semaphore, #tpu.memory_space<semaphore_mem>>)
      %dma_wait3A_87 = arith.constant 0 : i32
      %dma_wait3A_88 = tpu.memref_slice %arg13[%dma_wait3A_87] : memref<4000xi32, #tpu.memory_space<vmem>> -> memref<2000xi32, #tpu.memory_space<vmem>>
      %dma_wait3A_89 = tpu.memref_slice %arg3[%multiple_of3A] : memref<1600000xi32, #tpu.memory_space<hbm>> -> memref<2000xi32, #tpu.memory_space<hbm>>
      %dma_wait3A_90 = arith.constant 0 : i32
      %dma_wait3A_91 = tpu.memref_slice %arg13[%dma_wait3A_90] : memref<4000xi32, #tpu.memory_space<vmem>> -> memref<2000xi32, #tpu.memory_space<vmem>>
      %dma_wait3A_92 = tpu.memref_slice %arg3[%multiple_of3A] : memref<1600000xi32, #tpu.memory_space<hbm>> -> memref<2000xi32, #tpu.memory_space<hbm>>
      tpu.wait_dma2 semaphore(%run_scoped3A : memref<!tpu.dma_semaphore, #tpu.memory_space<semaphore_mem>>) src(%dma_wait3A_92 : memref<2000xi32, #tpu.memory_space<hbm>>) dst(%dma_wait3A_91 : memref<2000xi32, #tpu.memory_space<vmem>>)
      tpu.yield
    }) : () -> ()
    %scan3A_52 = arith.constant 0 : i32
    %scan3A_53 = arith.constant 125 : i32
    %scan3A_54 = arith.addi %scan3A_52, %scan3A_53 : i32
    %scan3A_55 = arith.constant 1 : i32
    scf.for %scan3A_81 = %scan3A_52 to %scan3A_54 step %scan3A_55  : i32 {
      %mul3A_82 = arith.constant 16 : i32
      %mul3A_83 = arith.muli %scan3A_81, %mul3A_82 : i32
      %add3A_84 = vector.broadcast %mul3A_83 : i32 to vector<16xi32>
      %add3A_85 = arith.addi %add3A_84, %iota3A : vector<16xi32>
      %gather3A = arith.constant 0 : i32
      %gather3A_86 = arith.constant 0 : i32
      %gather3A_87 = tpu.memref_slice %arg14[%gather3A, %gather3A_86] : memref<4000x8xf32, #tpu.memory_space<vmem>> -> memref<2000x8xf32, #tpu.memory_space<vmem>>
      %gather3A_88 = tpu.vector_load_idx %gather3A_87[%add3A_85, %broadcast_in_dim3A_5] : memref<2000x8xf32, #tpu.memory_space<vmem>>[vector<16xi32>, vector<16xi32>], vector<16xf32>,
      %gather3A_89 = arith.constant 0 : i32
      %gather3A_90 = arith.constant 0 : i32
      %gather3A_91 = tpu.memref_slice %arg14[%gather3A_89, %gather3A_90] : memref<4000x8xf32, #tpu.memory_space<vmem>> -> memref<2000x8xf32, #tpu.memory_space<vmem>>
      %gather3A_92 = tpu.vector_load_idx %gather3A_91[%add3A_85, %broadcast_in_dim3A_7] : memref<2000x8xf32, #tpu.memory_space<vmem>>[vector<16xi32>, vector<16xi32>], vector<16xf32>,
      %gather3A_93 = arith.constant 0 : i32
      %gather3A_94 = arith.constant 0 : i32
      %gather3A_95 = tpu.memref_slice %arg14[%gather3A_93, %gather3A_94] : memref<4000x8xf32, #tpu.memory_space<vmem>> -> memref<2000x8xf32, #tpu.memory_space<vmem>>
      %gather3A_96 = tpu.vector_load_idx %gather3A_95[%add3A_85, %broadcast_in_dim3A_9] : memref<2000x8xf32, #tpu.memory_space<vmem>>[vector<16xi32>, vector<16xi32>], vector<16xf32>,
      %gather3A_97 = arith.constant 0 : i32
      %gather3A_98 = arith.constant 0 : i32
      %gather3A_99 = tpu.memref_slice %arg15[%gather3A_97, %gather3A_98] : memref<4000x8xf32, #tpu.memory_space<vmem>> -> memref<2000x8xf32, #tpu.memory_space<vmem>>
      %gather3A_100 = tpu.vector_load_idx %gather3A_99[%add3A_85, %broadcast_in_dim3A_5] : memref<2000x8xf32, #tpu.memory_space<vmem>>[vector<16xi32>, vector<16xi32>], vector<16xf32>,
      %gather3A_101 = arith.constant 0 : i32
      %gather3A_102 = arith.constant 0 : i32
      %gather3A_103 = tpu.memref_slice %arg15[%gather3A_101, %gather3A_102] : memref<4000x8xf32, #tpu.memory_space<vmem>> -> memref<2000x8xf32, #tpu.memory_space<vmem>>
      %gather3A_104 = tpu.vector_load_idx %gather3A_103[%add3A_85, %broadcast_in_dim3A_7] : memref<2000x8xf32, #tpu.memory_space<vmem>>[vector<16xi32>, vector<16xi32>], vector<16xf32>,
      %gather3A_105 = arith.constant 0 : i32
      %gather3A_106 = arith.constant 0 : i32
      %gather3A_107 = tpu.memref_slice %arg15[%gather3A_105, %gather3A_106] : memref<4000x8xf32, #tpu.memory_space<vmem>> -> memref<2000x8xf32, #tpu.memory_space<vmem>>
      %gather3A_108 = tpu.vector_load_idx %gather3A_107[%add3A_85, %broadcast_in_dim3A_9] : memref<2000x8xf32, #tpu.memory_space<vmem>>[vector<16xi32>, vector<16xi32>], vector<16xf32>,
      %sub3A = arith.subf %gather3A_88, %gather3A_100 : vector<16xf32>
      %sub3A_109 = arith.subf %gather3A_92, %gather3A_104 : vector<16xf32>
      %sub3A_110 = arith.subf %gather3A_96, %gather3A_108 : vector<16xf32>
      %mul3A_111 = arith.mulf %sub3A, %sub3A : vector<16xf32>
      %mul3A_112 = arith.mulf %sub3A_109, %sub3A_109 : vector<16xf32>
      %add3A_113 = arith.addf %mul3A_111, %mul3A_112 : vector<16xf32>
      %mul3A_114 = arith.mulf %sub3A_110, %sub3A_110 : vector<16xf32>
      %add3A_115 = arith.addf %add3A_113, %mul3A_114 : vector<16xf32>
      %add3A_116 = arith.constant 1.000000e-16 : f32
      %add3A_117 = vector.broadcast %add3A_116 : f32 to vector<16xf32>
      %add3A_118 = arith.addf %add3A_115, %add3A_117 : vector<16xf32>
      %bitcast3A = vector.bitcast %add3A_118 : vector<16xf32> to vector<16xi32>
      %shift_right_arithmetic3A = arith.constant 1 : i32
      %shift_right_arithmetic3A_119 = vector.broadcast %shift_right_arithmetic3A : i32 to vector<16xi32>
      %shift_right_arithmetic3A_120 = arith.shrsi %bitcast3A, %shift_right_arithmetic3A_119 : vector<16xi32>
      %sub3A_121 = arith.constant 1597463007 : i32
      %sub3A_122 = vector.broadcast %sub3A_121 : i32 to vector<16xi32>
      %sub3A_123 = arith.subi %sub3A_122, %shift_right_arithmetic3A_120 : vector<16xi32>
      %bitcast3A_124 = vector.bitcast %sub3A_123 : vector<16xi32> to vector<16xf32>
      %mul3A_125 = arith.constant 5.000000e-01 : f32
      %mul3A_126 = vector.broadcast %mul3A_125 : f32 to vector<16xf32>
      %mul3A_127 = arith.mulf %mul3A_126, %add3A_118 : vector<16xf32>
      %mul3A_128 = arith.mulf %mul3A_127, %bitcast3A_124 : vector<16xf32>
      %mul3A_129 = arith.mulf %mul3A_128, %bitcast3A_124 : vector<16xf32>
      %sub3A_130 = arith.constant 1.500000e+00 : f32
      %sub3A_131 = vector.broadcast %sub3A_130 : f32 to vector<16xf32>
      %sub3A_132 = arith.subf %sub3A_131, %mul3A_129 : vector<16xf32>
      %mul3A_133 = arith.mulf %bitcast3A_124, %sub3A_132 : vector<16xf32>
      %mul3A_134 = arith.constant 5.000000e-01 : f32
      %mul3A_135 = vector.broadcast %mul3A_134 : f32 to vector<16xf32>
      %mul3A_136 = arith.mulf %mul3A_135, %add3A_118 : vector<16xf32>
      %mul3A_137 = arith.mulf %mul3A_136, %mul3A_133 : vector<16xf32>
      %mul3A_138 = arith.mulf %mul3A_137, %mul3A_133 : vector<16xf32>
      %sub3A_139 = arith.constant 1.500000e+00 : f32
      %sub3A_140 = vector.broadcast %sub3A_139 : f32 to vector<16xf32>
      %sub3A_141 = arith.subf %sub3A_140, %mul3A_138 : vector<16xf32>
      %mul3A_142 = arith.mulf %mul3A_133, %sub3A_141 : vector<16xf32>
      %mul3A_143 = arith.constant 5.000000e-01 : f32
      %mul3A_144 = vector.broadcast %mul3A_143 : f32 to vector<16xf32>
      %mul3A_145 = arith.mulf %mul3A_144, %add3A_118 : vector<16xf32>
      %mul3A_146 = arith.mulf %mul3A_145, %mul3A_142 : vector<16xf32>
      %mul3A_147 = arith.mulf %mul3A_146, %mul3A_142 : vector<16xf32>
      %sub3A_148 = arith.constant 1.500000e+00 : f32
      %sub3A_149 = vector.broadcast %sub3A_148 : f32 to vector<16xf32>
      %sub3A_150 = arith.subf %sub3A_149, %mul3A_147 : vector<16xf32>
      %mul3A_151 = arith.mulf %mul3A_142, %sub3A_150 : vector<16xf32>
      %mul3A_152 = arith.mulf %add3A_118, %mul3A_151 : vector<16xf32>
      %sub3A_153 = arith.constant 1.000000e+00 : f32
      %sub3A_154 = vector.broadcast %sub3A_153 : f32 to vector<16xf32>
      %sub3A_155 = arith.subf %sub3A_154, %mul3A_152 : vector<16xf32>
      %max3A = arith.constant 0.000000e+00 : f32
      %max3A_156 = vector.broadcast %max3A : f32 to vector<16xf32>
      %max3A_157 = arith.maximumf %max3A_156, %sub3A_155 : vector<16xf32>
      %sub3A_158 = arith.constant 2.000000e+00 : f32
      %sub3A_159 = vector.broadcast %sub3A_158 : f32 to vector<16xf32>
      %sub3A_160 = arith.subf %sub3A_159, %mul3A_152 : vector<16xf32>
      %max3A_161 = arith.constant 0.000000e+00 : f32
      %max3A_162 = vector.broadcast %max3A_161 : f32 to vector<16xf32>
      %max3A_163 = arith.maximumf %max3A_162, %sub3A_160 : vector<16xf32>
      %sub3A_164 = arith.constant 3.000000e+00 : f32
      %sub3A_165 = vector.broadcast %sub3A_164 : f32 to vector<16xf32>
      %sub3A_166 = arith.subf %sub3A_165, %mul3A_152 : vector<16xf32>
      %max3A_167 = arith.constant 0.000000e+00 : f32
      %max3A_168 = vector.broadcast %max3A_167 : f32 to vector<16xf32>
      %max3A_169 = arith.maximumf %max3A_168, %sub3A_166 : vector<16xf32>
      %mul3A_170 = arith.mulf %max3A_157, %max3A_157 : vector<16xf32>
      %mul3A_171 = arith.mulf %mul3A_170, %mul3A_170 : vector<16xf32>
      %mul3A_172 = arith.mulf %max3A_163, %max3A_163 : vector<16xf32>
      %mul3A_173 = arith.mulf %mul3A_172, %mul3A_172 : vector<16xf32>
      %mul3A_174 = arith.mulf %max3A_169, %max3A_169 : vector<16xf32>
      %mul3A_175 = arith.mulf %mul3A_174, %mul3A_174 : vector<16xf32>
      %mul3A_176 = arith.mulf %mul3A_175, %max3A_169 : vector<16xf32>
      %mul3A_177 = arith.mulf %mul3A_173, %max3A_163 : vector<16xf32>
      %mul3A_178 = arith.constant 6.000000e+00 : f32
      %mul3A_179 = vector.broadcast %mul3A_178 : f32 to vector<16xf32>
      %mul3A_180 = arith.mulf %mul3A_179, %mul3A_177 : vector<16xf32>
      %sub3A_181 = arith.subf %mul3A_176, %mul3A_180 : vector<16xf32>
      %mul3A_182 = arith.mulf %mul3A_171, %max3A_157 : vector<16xf32>
      %mul3A_183 = arith.constant 1.500000e+01 : f32
      %mul3A_184 = vector.broadcast %mul3A_183 : f32 to vector<16xf32>
      %mul3A_185 = arith.mulf %mul3A_184, %mul3A_182 : vector<16xf32>
      %add3A_186 = arith.addf %sub3A_181, %mul3A_185 : vector<16xf32>
      %mul3A_187 = arith.constant 0.00265997113 : f32
      %mul3A_188 = vector.broadcast %mul3A_187 : f32 to vector<16xf32>
      %mul3A_189 = arith.mulf %mul3A_188, %add3A_186 : vector<16xf32>
      %mul3A_190 = arith.constant 6.000000e+00 : f32
      %mul3A_191 = vector.broadcast %mul3A_190 : f32 to vector<16xf32>
      %mul3A_192 = arith.mulf %mul3A_191, %mul3A_173 : vector<16xf32>
      %sub3A_193 = arith.subf %mul3A_175, %mul3A_192 : vector<16xf32>
      %mul3A_194 = arith.constant 1.500000e+01 : f32
      %mul3A_195 = vector.broadcast %mul3A_194 : f32 to vector<16xf32>
      %mul3A_196 = arith.mulf %mul3A_195, %mul3A_171 : vector<16xf32>
      %add3A_197 = arith.addf %sub3A_193, %mul3A_196 : vector<16xf32>
      %mul3A_198 = arith.constant -0.0132998563 : f32
      %mul3A_199 = vector.broadcast %mul3A_198 : f32 to vector<16xf32>
      %mul3A_200 = arith.mulf %mul3A_199, %add3A_197 : vector<16xf32>
      %add3A_201 = arith.constant 9.99999993E-9 : f32
      %add3A_202 = vector.broadcast %add3A_201 : f32 to vector<16xf32>
      %add3A_203 = arith.addf %mul3A_152, %add3A_202 : vector<16xf32>
      %div3A = arith.divf %mul3A_200, %add3A_203 : vector<16xf32>
      %mul3A_204 = arith.constant 16 : i32
      %mul3A_205 = arith.muli %scan3A_81, %mul3A_204 : i32
      %swap3A = arith.constant 0 : i32
      %swap3A_206 = tpu.memref_slice %arg16[%swap3A] : memref<4000xf32, #tpu.memory_space<vmem>> -> memref<2000xf32, #tpu.memory_space<vmem>>
      %swap3A_207 = arith.index_cast %mul3A_205 : i32 to index
      %swap3A_208 = tpu.vector_load %swap3A_206[%swap3A_207] {strides = array<i32>} : memref<2000xf32, #tpu.memory_space<vmem>>, vector<16xf32>,
      tpu.vector_store %swap3A_206[%swap3A_207], %mul3A_189 {strides = array<i32>} : memref<2000xf32, #tpu.memory_space<vmem>>, vector<16xf32>,
      %swap3A_209 = arith.index_cast %mul3A_205 : i32 to index
      %swap3A_210 = tpu.vector_load %arg17[%swap3A_209] {strides = array<i32>} : memref<2000xf32, #tpu.memory_space<vmem>>, vector<16xf32>,
      tpu.vector_store %arg17[%swap3A_209], %sub3A {strides = array<i32>} : memref<2000xf32, #tpu.memory_space<vmem>>, vector<16xf32>,
      %swap3A_211 = arith.index_cast %mul3A_205 : i32 to index
      %swap3A_212 = tpu.vector_load %arg18[%swap3A_211] {strides = array<i32>} : memref<2000xf32, #tpu.memory_space<vmem>>, vector<16xf32>,
      tpu.vector_store %arg18[%swap3A_211], %sub3A_109 {strides = array<i32>} : memref<2000xf32, #tpu.memory_space<vmem>>, vector<16xf32>,
      %swap3A_213 = arith.index_cast %mul3A_205 : i32 to index
      %swap3A_214 = tpu.vector_load %arg19[%swap3A_213] {strides = array<i32>} : memref<2000xf32, #tpu.memory_space<vmem>>, vector<16xf32>,
      tpu.vector_store %arg19[%swap3A_213], %sub3A_110 {strides = array<i32>} : memref<2000xf32, #tpu.memory_space<vmem>>, vector<16xf32>,
      %swap3A_215 = arith.index_cast %mul3A_205 : i32 to index
      %swap3A_216 = tpu.vector_load %arg20[%swap3A_215] {strides = array<i32>} : memref<2000xf32, #tpu.memory_space<vmem>>, vector<16xf32>,
      tpu.vector_store %arg20[%swap3A_215], %div3A {strides = array<i32>} : memref<2000xf32, #tpu.memory_space<vmem>>, vector<16xf32>,
    }
    %scan3A_56 = arith.constant 125 : i32
    %add3A_57 = arith.constant 48000 : i32
    %add3A_58 = arith.addi %mul3A_2, %add3A_57 : i32
    %multiple_of3A_59 = tpu.assume_multiple %add3A_58, 8 : i32
    %dma_start3A_60 = arith.constant 0 : i32
    %dma_start3A_61 = tpu.memref_slice %arg16[%dma_start3A_60] : memref<4000xf32, #tpu.memory_space<vmem>> -> memref<2000xf32, #tpu.memory_space<vmem>>
    %dma_start3A_62 = arith.constant 0 : i32
    %dma_start3A_63 = tpu.memref_slice %arg13[%dma_start3A_62] : memref<4000xi32, #tpu.memory_space<vmem>> -> memref<2000xi32, #tpu.memory_space<vmem>>
    %dma_start3A_64 = arith.constant 0 : i32
    %dma_start3A_65 = tpu.memref_slice %arg21[%dma_start3A_64] : memref<51200xf32, #tpu.memory_space<vmem_shared>> -> memref<51200xf32, #tpu.memory_space<vmem_shared>>
    tpu.enqueue_indirect_dma source(%dma_start3A_61 : memref<2000xf32, #tpu.memory_space<vmem>>) target(%dma_start3A_65 : memref<51200xf32, #tpu.memory_space<vmem_shared>>) offsets(%dma_start3A_63 : memref<2000xi32, #tpu.memory_space<vmem>>) semaphore(%arg26 : memref<!tpu.dma_semaphore, #tpu.memory_space<semaphore_mem>>) {add = true}
    "tpu.region"() ({
      %run_scoped3A = tpu.sem_alloc : memref<!tpu.dma_semaphore, #tpu.memory_space<semaphore_mem>>
      %dma_start3A_81 = tpu.memref_slice %arg7[%multiple_of3A_59] : memref<1600000xf32, #tpu.memory_space<hbm>> -> memref<2000xf32, #tpu.memory_space<hbm>>
      %dma_start3A_82 = tpu.memref_slice %arg7[%multiple_of3A_59] : memref<1600000xf32, #tpu.memory_space<hbm>> -> memref<2000xf32, #tpu.memory_space<hbm>>
      tpu.enqueue_dma source(%arg17 : memref<2000xf32, #tpu.memory_space<vmem>>) target(%dma_start3A_82 : memref<2000xf32, #tpu.memory_space<hbm>>) target_semaphore(%run_scoped3A : memref<!tpu.dma_semaphore, #tpu.memory_space<semaphore_mem>>)
      %dma_wait3A_83 = tpu.memref_slice %arg7[%multiple_of3A_59] : memref<1600000xf32, #tpu.memory_space<hbm>> -> memref<2000xf32, #tpu.memory_space<hbm>>
      %dma_wait3A_84 = tpu.memref_slice %arg7[%multiple_of3A_59] : memref<1600000xf32, #tpu.memory_space<hbm>> -> memref<2000xf32, #tpu.memory_space<hbm>>
      tpu.wait_dma2 semaphore(%run_scoped3A : memref<!tpu.dma_semaphore, #tpu.memory_space<semaphore_mem>>) src(%arg17 : memref<2000xf32, #tpu.memory_space<vmem>>) dst(%dma_wait3A_84 : memref<2000xf32, #tpu.memory_space<hbm>>)
      tpu.yield
    }) : () -> ()
    "tpu.region"() ({
      %run_scoped3A = tpu.sem_alloc : memref<!tpu.dma_semaphore, #tpu.memory_space<semaphore_mem>>
      %dma_start3A_81 = tpu.memref_slice %arg8[%multiple_of3A_59] : memref<1600000xf32, #tpu.memory_space<hbm>> -> memref<2000xf32, #tpu.memory_space<hbm>>
      %dma_start3A_82 = tpu.memref_slice %arg8[%multiple_of3A_59] : memref<1600000xf32, #tpu.memory_space<hbm>> -> memref<2000xf32, #tpu.memory_space<hbm>>
      tpu.enqueue_dma source(%arg18 : memref<2000xf32, #tpu.memory_space<vmem>>) target(%dma_start3A_82 : memref<2000xf32, #tpu.memory_space<hbm>>) target_semaphore(%run_scoped3A : memref<!tpu.dma_semaphore, #tpu.memory_space<semaphore_mem>>)
      %dma_wait3A_83 = tpu.memref_slice %arg8[%multiple_of3A_59] : memref<1600000xf32, #tpu.memory_space<hbm>> -> memref<2000xf32, #tpu.memory_space<hbm>>
      %dma_wait3A_84 = tpu.memref_slice %arg8[%multiple_of3A_59] : memref<1600000xf32, #tpu.memory_space<hbm>> -> memref<2000xf32, #tpu.memory_space<hbm>>
      tpu.wait_dma2 semaphore(%run_scoped3A : memref<!tpu.dma_semaphore, #tpu.memory_space<semaphore_mem>>) src(%arg18 : memref<2000xf32, #tpu.memory_space<vmem>>) dst(%dma_wait3A_84 : memref<2000xf32, #tpu.memory_space<hbm>>)
      tpu.yield
    }) : () -> ()
    "tpu.region"() ({
      %run_scoped3A = tpu.sem_alloc : memref<!tpu.dma_semaphore, #tpu.memory_space<semaphore_mem>>
      %dma_start3A_81 = tpu.memref_slice %arg9[%multiple_of3A_59] : memref<1600000xf32, #tpu.memory_space<hbm>> -> memref<2000xf32, #tpu.memory_space<hbm>>
      %dma_start3A_82 = tpu.memref_slice %arg9[%multiple_of3A_59] : memref<1600000xf32, #tpu.memory_space<hbm>> -> memref<2000xf32, #tpu.memory_space<hbm>>
      tpu.enqueue_dma source(%arg19 : memref<2000xf32, #tpu.memory_space<vmem>>) target(%dma_start3A_82 : memref<2000xf32, #tpu.memory_space<hbm>>) target_semaphore(%run_scoped3A : memref<!tpu.dma_semaphore, #tpu.memory_space<semaphore_mem>>)
      %dma_wait3A_83 = tpu.memref_slice %arg9[%multiple_of3A_59] : memref<1600000xf32, #tpu.memory_space<hbm>> -> memref<2000xf32, #tpu.memory_space<hbm>>
      %dma_wait3A_84 = tpu.memref_slice %arg9[%multiple_of3A_59] : memref<1600000xf32, #tpu.memory_space<hbm>> -> memref<2000xf32, #tpu.memory_space<hbm>>
      tpu.wait_dma2 semaphore(%run_scoped3A : memref<!tpu.dma_semaphore, #tpu.memory_space<semaphore_mem>>) src(%arg19 : memref<2000xf32, #tpu.memory_space<vmem>>) dst(%dma_wait3A_84 : memref<2000xf32, #tpu.memory_space<hbm>>)
      tpu.yield
    }) : () -> ()
    "tpu.region"() ({
      %run_scoped3A = tpu.sem_alloc : memref<!tpu.dma_semaphore, #tpu.memory_space<semaphore_mem>>
      %dma_start3A_81 = tpu.memref_slice %arg10[%multiple_of3A_59] : memref<1600000xf32, #tpu.memory_space<hbm>> -> memref<2000xf32, #tpu.memory_space<hbm>>
      %dma_start3A_82 = tpu.memref_slice %arg10[%multiple_of3A_59] : memref<1600000xf32, #tpu.memory_space<hbm>> -> memref<2000xf32, #tpu.memory_space<hbm>>
      tpu.enqueue_dma source(%arg20 : memref<2000xf32, #tpu.memory_space<vmem>>) target(%dma_start3A_82 : memref<2000xf32, #tpu.memory_space<hbm>>) target_semaphore(%run_scoped3A : memref<!tpu.dma_semaphore, #tpu.memory_space<semaphore_mem>>)
      %dma_wait3A_83 = tpu.memref_slice %arg10[%multiple_of3A_59] : memref<1600000xf32, #tpu.memory_space<hbm>> -> memref<2000xf32, #tpu.memory_space<hbm>>
      %dma_wait3A_84 = tpu.memref_slice %arg10[%multiple_of3A_59] : memref<1600000xf32, #tpu.memory_space<hbm>> -> memref<2000xf32, #tpu.memory_space<hbm>>
      tpu.wait_dma2 semaphore(%run_scoped3A : memref<!tpu.dma_semaphore, #tpu.memory_space<semaphore_mem>>) src(%arg20 : memref<2000xf32, #tpu.memory_space<vmem>>) dst(%dma_wait3A_84 : memref<2000xf32, #tpu.memory_space<hbm>>)
      tpu.yield
    }) : () -> ()
    %dma_wait3A_66 = arith.constant 0 : i32
    %dma_wait3A_67 = tpu.memref_slice %arg16[%dma_wait3A_66] : memref<4000xf32, #tpu.memory_space<vmem>> -> memref<2000xf32, #tpu.memory_space<vmem>>
    %dma_wait3A_68 = arith.constant 0 : i32
    %dma_wait3A_69 = tpu.memref_slice %arg13[%dma_wait3A_68] : memref<4000xi32, #tpu.memory_space<vmem>> -> memref<2000xi32, #tpu.memory_space<vmem>>
    %dma_wait3A_70 = arith.constant 0 : i32
    %dma_wait3A_71 = tpu.memref_slice %arg21[%dma_wait3A_70] : memref<51200xf32, #tpu.memory_space<vmem_shared>> -> memref<51200xf32, #tpu.memory_space<vmem_shared>>
    tpu.wait_indirect_dma semaphore(%arg26 : memref<!tpu.dma_semaphore, #tpu.memory_space<semaphore_mem>>) src(%dma_wait3A_67 : memref<2000xf32, #tpu.memory_space<vmem>>) dst(%dma_wait3A_71 : memref<51200xf32, #tpu.memory_space<vmem_shared>>)
    %dma_wait3A_72 = arith.constant 2000 : i32
    %dma_wait3A_73 = tpu.memref_slice %arg16[%dma_wait3A_72] : memref<4000xf32, #tpu.memory_space<vmem>> -> memref<2000xf32, #tpu.memory_space<vmem>>
    %dma_wait3A_74 = arith.constant 2000 : i32
    %dma_wait3A_75 = tpu.memref_slice %arg13[%dma_wait3A_74] : memref<4000xi32, #tpu.memory_space<vmem>> -> memref<2000xi32, #tpu.memory_space<vmem>>
    %dma_wait3A_76 = arith.constant 0 : i32
    %dma_wait3A_77 = tpu.memref_slice %arg21[%dma_wait3A_76] : memref<51200xf32, #tpu.memory_space<vmem_shared>> -> memref<51200xf32, #tpu.memory_space<vmem_shared>>
    tpu.wait_indirect_dma semaphore(%arg27 : memref<!tpu.dma_semaphore, #tpu.memory_space<semaphore_mem>>) src(%dma_wait3A_73 : memref<2000xf32, #tpu.memory_space<vmem>>) dst(%dma_wait3A_77 : memref<51200xf32, #tpu.memory_space<vmem_shared>>)
    %barrier3A_78 = arith.constant 0 : index
    tpu.barrier barrier_id(%barrier3A_78)
    %mul3A_79 = arith.constant 3200 : i32
    %mul3A_80 = arith.muli %arg1, %mul3A_79 : i32
    "tpu.region"() ({
      %run_scoped3A = tpu.sem_alloc : memref<!tpu.dma_semaphore, #tpu.memory_space<semaphore_mem>>
      %dma_start3A_81 = tpu.memref_slice %arg6[%arg0, %mul3A_80] : memref<2x51200xf32, #tpu.memory_space<hbm>> -> memref<1x3200xf32, #tpu.memory_space<hbm>>
      %dma_start3A_82 = tpu.memref_squeeze %dma_start3A_81 : memref<1x3200xf32, #tpu.memory_space<hbm>> -> memref<3200xf32, #tpu.memory_space<hbm>>
      %dma_start3A_83 = tpu.memref_slice %arg21[%mul3A_80] : memref<51200xf32, #tpu.memory_space<vmem_shared>> -> memref<3200xf32, #tpu.memory_space<vmem_shared>>
      tpu.enqueue_dma source(%dma_start3A_83 : memref<3200xf32, #tpu.memory_space<vmem_shared>>) target(%dma_start3A_82 : memref<3200xf32, #tpu.memory_space<hbm>>) target_semaphore(%run_scoped3A : memref<!tpu.dma_semaphore, #tpu.memory_space<semaphore_mem>>)
      %dma_wait3A_84 = tpu.memref_slice %arg6[%arg0, %mul3A_80] : memref<2x51200xf32, #tpu.memory_space<hbm>> -> memref<1x3200xf32, #tpu.memory_space<hbm>>
      %dma_wait3A_85 = tpu.memref_squeeze %dma_wait3A_84 : memref<1x3200xf32, #tpu.memory_space<hbm>> -> memref<3200xf32, #tpu.memory_space<hbm>>
      %dma_wait3A_86 = tpu.memref_slice %arg21[%mul3A_80] : memref<51200xf32, #tpu.memory_space<vmem_shared>> -> memref<3200xf32, #tpu.memory_space<vmem_shared>>
      tpu.wait_dma2 semaphore(%run_scoped3A : memref<!tpu.dma_semaphore, #tpu.memory_space<semaphore_mem>>) src(%dma_wait3A_86 : memref<3200xf32, #tpu.memory_space<vmem_shared>>) dst(%dma_wait3A_85 : memref<3200xf32, #tpu.memory_space<hbm>>)
      tpu.yield
    }) : () -> ()
    return
  }
}

module attributes {stable_mosaic.version = 14 : i64} {
  func.func @_sum_dudt_body(%arg0: memref<2x1173x128xf32, #tpu.memory_space<vmem>>, %arg1: memref<1173x128xf32, #tpu.memory_space<vmem>>) attributes {dimension_semantics = [], scalar_prefetch = 0 : i64, scratch_operands = 0 : i64, tpu.core_type = #tpu.core_type<tc>} {
    %get3A = arith.constant 0 : index
    %get3A_0 = arith.constant 0 : index
    %get3A_1 = arith.constant 0 : index
    %get3A_2 = vector.load %arg0[%get3A, %get3A_0, %get3A_1] : memref<2x1173x128xf32, #tpu.memory_space<vmem>>, vector<1x1173x128xf32>
    %get3A_3 = vector.shape_cast %get3A_2 : vector<1x1173x128xf32> to vector<1173x128xf32>
    %get3A_4 = arith.constant 1 : index
    %get3A_5 = arith.constant 0 : index
    %get3A_6 = arith.constant 0 : index
    %get3A_7 = vector.load %arg0[%get3A_4, %get3A_5, %get3A_6] : memref<2x1173x128xf32, #tpu.memory_space<vmem>>, vector<1x1173x128xf32>
    %get3A_8 = vector.shape_cast %get3A_7 : vector<1x1173x128xf32> to vector<1173x128xf32>
    %add3A = arith.addf %get3A_3, %get3A_8 : vector<1173x128xf32>
    %swap3A = arith.constant 0 : index
    %swap3A_9 = arith.constant 0 : index
    %swap3A_10 = vector.load %arg1[%swap3A, %swap3A_9] : memref<1173x128xf32, #tpu.memory_space<vmem>>, vector<1173x128xf32>
    tpu.vector_store %arg1[%swap3A, %swap3A_9], %add3A {strides = array<i32>} : memref<1173x128xf32, #tpu.memory_space<vmem>>, vector<1173x128xf32>,
    return
  }
}

</mosaic_0001>

<sc_bundles>
// kernel: kernel.5.cloned.1.call-start
scs
__scs_entry_jumppad:
0x0: {  	(pc) =	sbr.rel $0x88, $3  }
0x1: {  	(tag) =	ssettag $0x0;
	lr =	simm.s32 $0x1  }
0x2: {  	[smem:$0x3F9E] =	sst lr;
	_ =	strace $0xD0000000  }
0x3: {  	_ = 	snop  }
0x4: {  	_ = 	snop  }
0x5: {  	_ = 	snop  }
0x6: {  	_ = 	snop  }
0x7: {  	_ = 	snop  }
__scs_overlays_trampoline_lowered:
0x8: {  	[smem:$0x3FAD] =	sst s0  }
0x9: {  	[smem:$0x3FAE] =	sst s1  }
0xa: {  	[smem:$0x3FAF] =	sst s2  }
0xb: {  	[smem:$0x3FB0] =	sst s3  }
0xc: {  	[smem:$0x3FB1] =	sst s4  }
0xd: {  	[smem:$0x3FB2] =	sst s5  }
0xe: {  	[smem:$0x3FB3] =	sst s6  }
0xf: {  	[smem:$0x3FB4] =	sst s7  }
0x10: {  	[smem:$0x3FB5] =	sst s8  }
0x11: {  	[smem:$0x3FB6] =	sst s9;
	s0 =	simm.s32 @!p0 $0x0  }
0x12: {  	s1 =	sld [smem:$0x3F9C];
	s0 =	simm.s32 @p0 $0x1  }
0x13: {  	[smem:$0x3FB7] =	sst s0;
	s0 =	simm.s32 @!p1 $0x0  }
0x14: {  	s2 =	sld [smem:$0x3F9B];
	s0 =	simm.s32 @p1 $0x1  }
0x15: {  	[smem:$0x3FB8] =	sst s0;
	s0 =	simm.s32 @!p2 $0x0  }
0x16: {  	s3 =	sld [smem:$0x3FDB];
	s0 =	simm.s32 @p2 $0x1  }
0x17: {  	s4 =	simm.s32 $0x1BF5;
	[smem:$0x3FBA] =	sst s0  }
0x18: {  	s0 =	sld [smem:$0x3F9D];
	_ =	swait.ge [sflag:s4], $0x0  }
0x19: {  	s7 =	sld [smem:$0x3F9E]  }
0x1a: {  	s8 =	sadd.s32 $0xFFFFE003, lr  }
0x1b: {  	s9 =	sadd.s32 $0xFFFFFEF7, lr;
	s5 =	simm.s32 $0xFFFFFFFF;
	p2 =	slt.u32 s8, $0xFFFFF086  }
0x1c: {  	p1 =	slt.u32 s9, $0xF7A;
	s5 =	simm.s32 @!p2 $0x0  }
0x1d: {  	s5 =	simm.s32 @p1 $0x1;
	p0 =	seq.s32 s7, s2  }
0x1e: {  	s7 =	smul.u32 @!p0 $0xF7A, s2;
	p2 =	seq.s32 @!p0 s5, $0x0  }
0x1f: {  	s9 =	smul.u32 $0xF7A, s1;
	s8 =	simm.s32 @!p0 $0x1BF5;
	p2 =	por !p2, p0  }
0x20: {  	[sflag:s8] =	ssyncset.s32 @!p0 $0xFFFFF086;
	s6 =	sadd.s32 @!p0 s3, s7;
	s7 =	simm.s32 @!p0 $0x108  }
0x21: {  	s3 =	sadd.s32 s3, s9;
	s6 =	sadd.s32 @!p0 $0x88, s6;
	s7 =	simm.s32 @p2 $0x1082  }
0x22: {  	[simem:s7], [sflag:s8] =	dma.local @!p0 [hbm:s6], $0xF7A  }
0x23: {  	s9 =	sor.u32 $0xD0000000, s2;
	s6 =	simm.s32 $0x108;
	_ =	swait.ge @!p0 [sflag:s8], $0x0  }
0x24: {  	s3 =	sadd.s32 $0x88, s3;
	s6 =	simm.s32 @!p1 $0x1082;
	[sflag:s4] =	ssyncset.s32 $0xFFFFF086  }
0x25: {  	[simem:s6], [sflag:s4] =	dma.local [hbm:s3], $0xF7A  }
0x26: {  	[smem:$0x3F9E] =	sst s1;
	(tag) =	ssettag s2;
	_ =	strace s9  }
0x27: {  	s1 =	sld [smem:$0x3FAE]  }
0x28: {  	s2 =	sld [smem:$0x3FAF]  }
0x29: {  	s4 =	sld [smem:$0x3FB1]  }
0x2a: {  	p0 =	seq.s32 s5, $0x0;
	s5 =	sld [smem:$0x3FB2]  }
0x2b: {  	s6 =	sld [smem:$0x3FB3]  }
0x2c: {  	s7 =	sld [smem:$0x3FB4]  }
0x2d: {  	s3 =	simm.s32 $0x108;
	s8 =	sld [smem:$0x3FB5]  }
0x2e: {  	s3 =	simm.s32 @!p0 $0x1082;
	s9 =	sld [smem:$0x3FB6]  }
0x2f: {  	lr =	sadd.s32 s0, s3;
	s0 =	sld [smem:$0x3FAD]  }
0x30: {  	s3 =	sld [smem:$0x3FB0]  }
0x31: {  	[smem:$0x3FB9] =	sst s10  }
0x32: {  	s10 =	sld [smem:$0x3FB7];
	_ =	sdelay $0x3  }
0x33: {  	p0 =	seq.s32 s10, $0x1;
	s10 =	sld [smem:$0x3FB9];
	_ =	sdelay $0x3  }
0x34: {  	[smem:$0x3FB9] =	sst s10  }
0x35: {  	s10 =	sld [smem:$0x3FB8];
	_ =	sdelay $0x3  }
0x36: {  	p1 =	seq.s32 s10, $0x1;
	s10 =	sld [smem:$0x3FB9];
	_ =	sdelay $0x3  }
0x37: {  	[smem:$0x3FB9] =	sst s10  }
0x38: {  	s10 =	sld [smem:$0x3FBA]  }
0x39: {  	_ = 	snop;
	(pc) =	sbr.ind lr, $3  }
0x3a: {  	_ = 	snop  }
0x3b: {  	_ = 	snop  }
0x3c: {  	p2 =	seq.s32 s10, $0x1;
	s10 =	sld [smem:$0x3FB9]  }
0x3d: {  	_ =	shalt  }
0x3e: {  	_ =	shalt  }
0x3f: {  	_ =	shalt  }
0x40: {  	_ =	shalt  }
0x41: {  	_ =	shalt  }
0x42: {  	_ =	shalt  }
0x43: {  	_ =	shalt  }
0x44: {  	_ =	shalt  }
0x45: {  	_ =	shalt  }
0x46: {  	_ =	shalt  }
0x47: {  	_ =	shalt  }
0x48: {  	_ =	shalt  }
0x49: {  	_ =	shalt  }
0x4a: {  	_ =	shalt  }
0x4b: {  	_ =	shalt  }
0x4c: {  	_ =	shalt  }
0x4d: {  	_ =	shalt  }
0x4e: {  	_ =	shalt  }
0x4f: {  	_ =	shalt  }
0x50: {  	_ =	shalt  }
0x51: {  	_ =	shalt  }
0x52: {  	_ =	shalt  }
0x53: {  	_ =	shalt  }
0x54: {  	_ =	shalt  }
0x55: {  	_ =	shalt  }
0x56: {  	_ =	shalt  }
0x57: {  	_ =	shalt  }
0x58: {  	_ =	shalt  }
0x59: {  	_ =	shalt  }
0x5a: {  	_ =	shalt  }
0x5b: {  	_ =	shalt  }
0x5c: {  	_ =	shalt  }
0x5d: {  	_ =	shalt  }
0x5e: {  	_ =	shalt  }
0x5f: {  	_ =	shalt  }
0x60: {  	_ =	shalt  }
0x61: {  	_ =	shalt  }
0x62: {  	_ =	shalt  }
0x63: {  	_ =	shalt  }
0x64: {  	_ =	shalt  }
0x65: {  	_ =	shalt  }
0x66: {  	_ =	shalt  }
0x67: {  	_ =	shalt  }
0x68: {  	_ =	shalt  }
0x69: {  	_ =	shalt  }
0x6a: {  	_ =	shalt  }
0x6b: {  	_ =	shalt  }
0x6c: {  	_ =	shalt  }
0x6d: {  	_ =	shalt  }
0x6e: {  	_ =	shalt  }
0x6f: {  	_ =	shalt  }
0x70: {  	_ =	shalt  }
0x71: {  	_ =	shalt  }
0x72: {  	_ =	shalt  }
0x73: {  	_ =	shalt  }
0x74: {  	_ =	shalt  }
0x75: {  	_ =	shalt  }
0x76: {  	_ =	shalt  }
0x77: {  	_ =	shalt  }
0x78: {  	_ =	shalt  }
0x79: {  	_ =	shalt  }
0x7a: {  	_ =	shalt  }
0x7b: {  	_ =	shalt  }
0x7c: {  	_ =	shalt  }
0x7d: {  	_ =	shalt  }
0x7e: {  	_ =	shalt  }
0x7f: {  	_ =	shalt  }
0x80: {  	_ =	shalt  }
0x81: {  	_ =	shalt  }
0x82: {  	_ =	shalt  }
0x83: {  	_ =	shalt  }
0x84: {  	_ =	shalt  }
0x85: {  	_ =	shalt  }
0x86: {  	_ =	shalt  }
0x87: {  	_ =	shalt  }
.Lfunc_end0:
.L_simem_size_0:
called_computation_lowered:
.L_overlay_start_0:
0x88: {  	s2 =	sld [smem:$0x3FD9]  }
0x89: {  	s3 =	sld [smem:$0x3FFE];
	_ =	sdelay $0x1  }
0x8a: {  	s1 =	srdreg.scid  }
0x8b: {  	s0 =	sand.u32 $0x1, s1  }
0x8c: {  	s14 =	sshll.u32 s0, $0xA;
	s2 =	sadd.s32 s3, s2  }
0x8d: {  	s2 =	sadd.s32 s2, s14  }
0x8e: {  	[smem:$0x3FC5] =	sst s2  }
0x8f: {  	_ = 	snop  }
0x90: {  	s2 =	sld [smem:$0x3FD0];
	_ =	sdelay $0x2  }
0x91: {  	s15 =	simm.s32 $0xA;
	s4 =	simm.s32 $0x10  }
0x92: {  	[smem:s4], [sflag:s15] =	dma.local [hbm:s2], $0x1  }
0x93: {  	_ =	swait.eq [sflag:s15], $0x1  }
0x94: {  	[sflag:s15] =	ssyncset.done $0x0  }
0x95: {  	s16 =	sld [smem:$0x11];
	[sflag:s15] =	ssyncadd.s32 $0xFFFFFFFF  }
0x96: {  	s17 =	sld [smem:$0x13];
	(tm) =	ssettm $0x1  }
0x97: {  	s18 =	sld [smem:$0x3FFB];
	_ =	sdelay $0x3  }
0x98: {  	_ =	strace s18  }
0x99: {  	s4 =	sld [smem:$0x3FFC];
	_ =	sdelay $0x3  }
0x9a: {  	_ =	strace s4  }
0x9b: {  	s4 =	sld [smem:$0x3FFD];
	_ =	sdelay $0x3  }
0x9c: {  	_ =	strace s4  }
0x9d: {  	_ =	strace $0x8FFFFFFF  }
0x9e: {  	s19 =	sld [smem:$0x3FDB];
	_ =	sdelay $0x1  }
0x9f: {  	s5 =	simm.s32 $_scs_section_size  }
0xa0: {  	s6 =	simm.s32 $_size__tile_overlayer_lowered;
	s7 =	simm.s32 $_tile_overlayer_lowered  }
0xa1: {  	s22 =	simm.s32 $0x1BFF;
	s21 =	sshll.u32 s7, $0x1;
	s4 =	sadd.s32 s5, s19  }
0xa2: {  	s8 =	simm.s32 $0x0;
	s20 =	sshll.u32 s6, $0x1;
	s6 =	sadd.s32 s21, s4  }
0xa3: {  	[timem:s8], [sflag:s22] =	dma.local [hbm:s6], s20  }
0xa4: {  	_ =	swait.ge [sflag:s22], s20  }
0xa5: {  	s5 =	ssub.s32 $0x0, s20;
	[sflag:s22] =	ssyncset.done $0x0  }
0xa6: {  	[sflag:s22] =	ssyncadd.s32 s5;
	_ =	sdelay $0x1  }
0xa7: {  	s23 =	simm.s32 $0x1B8B  }
0xa8: {  	_ =	swait.ge [sflag:s23], $0x1  }
0xa9: {  	[sflag:s23] =	ssyncset.done $0x0  }
0xaa: {  	s25 =	simm.s32 $0x1B8E;
	s24 =	sld [smem:$0x3FFE];
	[sflag:s23] =	ssyncadd.s32 $0xFFFFFFFF  }
0xab: {  	s26 =	simm.s32 $execute0_lowered;
	[smem:$0x3FD2] =	sst s25  }
0xac: {  	s6 =	sshll.u32 s26, $0x1;
	_ =	strace $0x80000046;
	[dreg:$0x1] =	wrdreg $0xFFFFFFFF  }
0xad: {  	s28 =	simm.s32 $_size_execute0_lowered;
	s4 =	sadd.s32 s4, s6;
	[dreg:$0x0] =	wrdreg $0x0  }
0xae: {  	s6 =	sshll.u32 s28, $0x1;
	[dreg:$0x2] =	wrdreg s4  }
0xaf: {  	[dreg:$0x3] =	wrdreg s6  }
0xb0: {  	[dreg:$0x4] =	wrdreg $0xC0  }
0xb1: {  	_ =	task [dreg:s8], $0x5FFFF  }
0xb2: {  	[dreg:$0x1] =	wrdreg $0xFFFFFFFF  }
0xb3: {  	[dreg:$0x0] =	wrdreg $0x60  }
0xb4: {  	[dreg:$0x2] =	wrdreg s24  }
0xb5: {  	[dreg:$0x3] =	wrdreg s17  }
0xb6: {  	[dreg:$0x4] =	wrdreg s16  }
0xb7: {  	[dreg:$0x5] =	wrdreg $0x157C00  }
0xb8: {  	[dreg:$0x6] =	wrdreg $0x9  }
0xb9: {  	_ =	task.clear_ibuf [dreg:s8], $0x7FFFF;
	_ =	strace $0x90000046  }
0xba: {  	s29 =	simm.s32 $0x9;
	_ =	strace $0x80000048  }
0xbb: {  	_ =	swait.ge [sflag:s29], $0x1  }
0xbc: {  	[sflag:s29] =	ssyncadd.s32 $0xFFFFFFFF  }
0xbd: {  	_ =	strace $0x90000048  }
0xbe: {  	_ =	sfence  }
0xbf: {  	s30 =	sld [smem:$0x0];
	_ =	sdelay $0x2  }
0xc0: {  	s31 =	sshll.u32 s1, $0xD;
	s1 =	sshrl.u32 s1, $0x2  }
0xc1: {  	s3 =	sand.u32 $0x4000, s31;
	s1 =	sadd.s32 s1, s30  }
0xc2: {  	s0 =	sor.u32 s3, s0;
	s1 =	sshll.u32 s1, $0x11  }
0xc3: {  	s0 =	sor.u32 s1, s0  }
0xc4: {  	s0 =	sadd.s32 $0x8F2B, s0  }
0xc5: {  	[sflag:s0] =	ssyncadd.remote.s32 $0x1  }
0xc6: {  	_ =	sfence.sel $0xFFFF  }
0xc7: {  	[dreg:$0x0] =	wrdreg $0xFFFFFFFF;
	(pc) =	sbr.abs _section_cstart, $3  }
0xc8: {  	[dreg:$0x1] =	wrdreg $0xFFFFFFFF  }
0xc9: {  	_ =	task.clear_ibuf [dreg:s8], $0x2FFFF;
	_ =	strace $0x9FFFFFFF  }
0xca: {  	(tm) =	ssettm $0x7FFFFFFF  }
0xcb: {  	_ =	shalt  }
tec
execute0_lowered:
.L_overlay_start_1:
0x0: {  	(tag) =	ssettag $0x1  }
0x1: {  	s0 =	rddreg [dreg:$0x0]  }
0x2: {  	s1 =	rddreg [dreg:$0x2]  }
0x3: {  	s24 =	rddreg [dreg:$0x3];
	s4 =	simm.s32 $0x0;
	s2 =	srdreg.scid  }
0x4: {  	s8 =	stileid.u32;
	[smem:$0x7FF] =	sst s4;
	s5 =	sadd.s32 $0x126200, s0  }
0x5: {  	s2 =	sand.u32 $0x1, s2;
	s3 =	sshll.u32 s8, $0x1;
	s6 =	sadd.s32 $0x31E00, s0  }
0x6: {  	s25 =	sadd.s32 $0x1000, s0;
	s28 =	sadd.s32 $0x62C00, s0;
	s11 =	sadd.s32 $0x93A00, s0  }
0x7: {  	s9 =	smul.u32 $0xC80, s8;
	s12 =	sadd.s32 $0xC4800, s0;
	s13 =	sadd.s32 $0x132600, s0  }
0x8: {  	s14 =	sshll.u32 s8, $0x6;
	_ =	strace $0x80000047;
	s3 =	sor.u32 s2, s3  }
0x9: {  	s7 =	ssub.s32 $0x2, s2;
	s8 =	sor.u32 $0x1C07, s14;
	[dreg:$0x6] =	wrdreg s6  }
0xa: {  	[dreg:$0x7] =	wrdreg s13;
	s10 =	smul.u32 $0xC350, s3;
	s26 =	sshrl.u32 s7, $0x1  }
0xb: {  	[dreg:$0x9] =	wrdreg s8;
	s0 =	ssub.s32 s7, s26;
	s7 =	sadd.s32 s9, s24  }
0xc: {  	[dreg:$0x8] =	wrdreg s7  }
0xd: {  	s18 =	sadd.s32 $0x7D0, s10;
	[dreg:$0x5] =	wrdreg s10  }
0xe: {  	s2 =	smul.u32 $0xC800, s2;
	s20 =	sadd.s32 $0xFA0, s10;
	[dreg:$0xc] =	wrdreg s18  }
0xf: {  	s15 =	sshrl.u32 s10, $0x3;
	s0 =	smax.u32 s0, $0x1;
	[dreg:$0xd] =	wrdreg s20  }
0x10: {  	s2 =	sadd.s32 s9, s2;
	s16 =	sadd.s32 s6, s15;
	[dreg:$0x14] =	wrdreg s0  }
0x11: {  	s2 =	sshrl.u32 s2, $0x3;
	s17 =	sadd.s32 s25, s15;
	[dreg:$0xa] =	wrdreg s16  }
0x12: {  	s19 =	sadd.s32 $0x1770, s15;
	s1 =	sadd.s32 s1, s2;
	[dreg:$0xb] =	wrdreg s17  }
0x13: {  	s29 =	simm.s32 $0x7D0;
	s6 =	sadd.s32 s6, s19;
	[dreg:$0x11] =	wrdreg s1  }
0x14: {  	s30 =	simm.s32 $0x2EE0;
	s21 =	sadd.s32 s28, s19;
	[dreg:$0xe] =	wrdreg s6  }
0x15: {  	s31 =	simm.s32 $0xABE0;
	s22 =	sadd.s32 s11, s19;
	[dreg:$0xf] =	wrdreg s21  }
0x16: {  	s3 =	simm.s32 $0x6D60;
	s23 =	sadd.s32 s12, s19;
	[dreg:$0x10] =	wrdreg s22  }
0x17: {  	v0 =	vlaneseq.u32;
	s2 =	simm.s32 $0x0;
	s26 =	sadd.s32 s13, s19;
	[dreg:$0x12] =	wrdreg s23  }
0x18: {  	v0 =	vmul.u32 $0x8, v0;
	s1 =	simm.s32 $0xEA60;
	[dreg:$0x13] =	wrdreg s26;
	s26 =	simm.s32 $0x7  }
.LBB2_1:
0x19: {  	[dreg:$0x15] =	wrdreg s2  }
0x1a: {  	s0 =	rddreg [dreg:$0x8]  }
0x1b: {  	s20 =	rddreg [dreg:$0x1];
	s19 =	sshrl.u32 s0, $0x3  }
0x1c: {  	[dreg:$0x16] =	wrdreg s19  }
0x1d: {  	[spmem:s19], [sflag:s8] =	dma.local [hbm:s20], $0x190  }
0x1e: {  	_ =	swait.ge [sflag:s26], $0x190  }
0x1f: {  	[sflag:s26] =	ssyncset.done $0x0  }
0x20: {  	[sflag:s26] =	ssyncadd.s32 $0xFFFFFE70  }
0x21: {  	[bflag:$0x0] =	sbarrier.arrive $0xFFFF  }
0x22: {  	s21 =	rddreg [dreg:$0xa]  }
0x23: {  	[tilespmem:s4], [sflag:$0x7] =	stream.linear.gather [hbm4b:s21+s4], $0x7D0, $0x38;
	[tilespmem:$0x16440] =	vst v63  }
0x24: {  	_ =	swait.ge [sflag:s26], $0x7D0  }
0x25: {  	[sflag:s26] =	ssyncset.done $0x0  }
0x26: {  	s23 =	simm.s32 $0xFA0;
	s22 =	rddreg [dreg:$0xb];
	[sflag:s26] =	ssyncadd.s32 $0xFFFFF830  }
0x27: {  	[tilespmem:s23], [sflag:$0x7] =	stream.linear.gather [hbm4b:s22+s4], $0x7D0, $0x38;
	[tilespmem:$0x16440] =	vst v63  }
0x28: {  	_ =	swait.ge [sflag:s26], $0x7D0  }
0x29: {  	[sflag:s26] =	ssyncset.done $0x0  }
0x2a: {  	[sflag:s26] =	ssyncadd.s32 $0xFFFFF830  }
0x2b: {  	[tilespmem:s30], [sflag:$0x1] =	stream.indirect.gather [hbm4b:s5+s29], $0x8, s4, s29, $0xb8;
	[tilespmem:$0x16440] =	vst v63  }
0x2c: {  	s19 =	simm.s32 $0x0  }
0x2d: {  	[tilespmem:s31], [sflag:$0x2] =	stream.indirect.gather [hbm4b:s5+s29], $0x8, s23, s29, $0xb8;
	[tilespmem:$0x16440] =	vst v63  }
.LBB2_2:
0x2e: {  	s17 =	smul.u32 $0xFA0, s19  }
0x2f: {  	s0 =	rddreg [dreg:$0xc]  }
0x30: {  	s0 =	sadd.s32 s17, s0  }
0x31: {  	s14 =	rddreg [dreg:$0x6];
	s2 =	sshrl.u32 s0, $0x3  }
0x32: {  	s9 =	sadd.s32 s14, s2  }
0x33: {  	[tilespmem:s29], [sflag:$0x7] =	stream.linear.gather [hbm4b:s9+s4], $0x7D0, $0x38;
	[tilespmem:$0x16440] =	vst v63  }
0x34: {  	_ =	swait.ge [sflag:s26], $0x7D0  }
0x35: {  	[sflag:s26] =	ssyncset.done $0x0  }
0x36: {  	s7 =	simm.s32 $0x1770;
	s0 =	sadd.s32 s25, s2;
	[sflag:s26] =	ssyncadd.s32 $0xFFFFF830  }
0x37: {  	[tilespmem:s7], [sflag:$0x7] =	stream.linear.gather [hbm4b:s0+s4], $0x7D0, $0x38;
	[tilespmem:$0x16440] =	vst v63  }
0x38: {  	_ =	swait.ge [sflag:s26], $0x7D0  }
0x39: {  	[sflag:s26] =	ssyncset.done $0x0  }
0x3a: {  	[sflag:s26] =	ssyncadd.s32 $0xFFFFF830  }
0x3b: {  	[tilespmem:s3], [sflag:$0x3] =	stream.indirect.gather [hbm4b:s5+s29], $0x8, s29, s29, $0xb8;
	[tilespmem:$0x16440] =	vst v63  }
0x3c: {  	s20 =	simm.s32 $0x1  }
0x3d: {  	[tilespmem:s1], [sflag:$0x4] =	stream.indirect.gather [hbm4b:s5+s29], $0x8, s7, s29, $0xb8;
	[tilespmem:$0x16440] =	vst v63  }
0x3e: {  	_ =	swait.ge [sflag:s20], $0x3E80  }
0x3f: {  	[sflag:s20] =	ssyncset.done $0x0  }
0x40: {  	s21 =	simm.s32 $0x2;
	[sflag:s20] =	ssyncadd.s32 $0xFFFFC180  }
0x41: {  	_ =	swait.ge [sflag:s21], $0x3E80  }
0x42: {  	p0 =	seq.s32 s19, $0x0;
	[sflag:s21] =	ssyncset.done $0x0  }
0x43: {  	s0 =	simm.s32 @!p0 $0x5;
	[sflag:s21] =	ssyncadd.s32 $0xFFFFC180  }
0x44: {  	_ =	swait.ge @!p0 [sflag:s0], $0x7D0  }
0x45: {  	s22 =	simm.s32 $0x0;
	s13 =	rddreg [dreg:$0x5]  }
0x46: {  	v1 =	vmov s22;
	s13 =	sadd.s32 s13, s17  }
0x47: {  	s8 =	smov.u32 s24;
	v1 =	vshll.u32 v1, $0x3;
	[sflag:s0] =	ssyncset.done @!p0 $0x0;
	s18 =	sshrl.u32 s13, $0x3  }
0x48: {  	s24 =	simm.s32 $0x1F40;
	v1 =	vor.u32 v0, v1;
	[sflag:s0] =	ssyncadd.s32 @!p0 $0xFFFFF830;
	s23 =	sadd.s32 s14, s18  }
0x49: {  	[tilespmem:s24], [sflag:$0x7] =	stream.linear.gather [hbm4b:s23+s22], $0x7D0, $0x38;
	[tilespmem:$0x16440] =	vst v63  }
0x4a: {  	v2 =	vor.u32 $0x1, v1;
	_ =	swait.ge [sflag:s26], $0x7D0  }
0x4b: {  	[sflag:s26] =	ssyncset.done $0x0  }
0x4c: {  	v3 =	vor.u32 $0x2, v1;
	[sflag:s26] =	ssyncadd.s32 $0xFFFFF830  }
0x4d: {  	v4 =	vld.idx.msk [tilespmem:v1+s30+$0x0], $0xffff  }
0x4e: {  	v1 =	vld.idx.msk [tilespmem:v1+s31+$0x0], $0xffff  }
0x4f: {  	v5 =	vld.idx.msk [tilespmem:v2+s30+$0x0], $0xffff  }
0x50: {  	v2 =	vld.idx.msk [tilespmem:v2+s31+$0x0], $0xffff  }
0x51: {  	v6 =	vld.idx.msk [tilespmem:v3+s31+$0x0], $0xffff  }
0x52: {  	v7 =	vld.idx.msk [tilespmem:v3+s30+$0x0], $0xffff;
	_ =	sdelay $0x2  }
0x53: {  	v3 =	vsub.f32 v4, v1;
	v1 =	vsub.f32 v5, v2;
	_ =	sdelay $0x1  }
0x54: {  	v2 =	vsub.f32 v7, v6;
	v4 =	vmul.f32 v3, v3;
	v5 =	vmul.f32 v1, v1  }
0x55: {  	s6 =	smov.u32 s12  }
0x56: {  	s12 =	smov.u32 s11;
	s10 =	smov.u32 s25;
	s25 =	simm.s32 $0x10;
	v4 =	vadd.f32 v5, v4;
	v5 =	vmul.f32 v2, v2  }
0x57: {  	s11 =	smov.u32 s28;
	s28 =	simm.s32 $0x14820;
	s16 =	simm.s32 $0x14FF0;
	v6 =	vmov s25  }
0x58: {  	s20 =	simm.s32 $0x14060;
	s21 =	simm.s32 $0x14830;
	s0 =	simm.s32 $0x128E0;
	v4 =	vadd.f32 v5, v4;
	v5 =	vshll.u32 v6, $0x3  }
0x59: {  	s13 =	simm.s32 $0x20;
	s14 =	simm.s32 $0x13880;
	s23 =	simm.s32 $0x14050;
	v5 =	vor.u32 v0, v5  }
0x5a: {  	s22 =	simm.s32 $0x15000;
	s24 =	simm.s32 $0x13880;
	s25 =	simm.s32 $0x128E0;
	v7 =	vadd.f32 $1.000000020e-16, v4;
	v6 =	vor.u32 $0x1, v5;
	v4 =	vor.u32 $0x2, v5  }
.LBB2_3:
0x5b: {  	s0 =	sadd.s32 $0x10, s0  }
0x5c: {  	v8 =	vshra.s32 v7, $0x1;
	v9 =	vmul.f32 $5.000000000e-01, v7;
	s14 =	sadd.s32 $0x10, s14;
	s15 =	smov.u32 s13;
	s7 =	sadd.s32 $0x10, s13  }
0x5d: {  	p1 =	sne.s32 s13, $0x7C0;
	v8 =	vsub.s32 $0x5F3759DF, v8  }
0x5e: {  	v10 =	vmul.f32 v8, v9;
	_ =	sdelay $0x1  }
0x5f: {  	v10 =	vmul.f32 v8, v10;
	_ =	sdelay $0x1  }
0x60: {  	v10 =	vsub.f32 $1.500000000e+00, v10;
	_ =	sdelay $0x1  }
0x61: {  	v8 =	vmul.f32 v8, v10;
	_ =	sdelay $0x1  }
0x62: {  	v10 =	vmul.f32 v8, v9;
	_ =	sdelay $0x1  }
0x63: {  	v10 =	vmul.f32 v10, v8;
	_ =	sdelay $0x1  }
0x64: {  	v10 =	vsub.f32 $1.500000000e+00, v10;
	_ =	sdelay $0x1  }
0x65: {  	v8 =	vmul.f32 v10, v8;
	_ =	sdelay $0x1  }
0x66: {  	v9 =	vmul.f32 v8, v9;
	_ =	sdelay $0x1  }
0x67: {  	v9 =	vmul.f32 v9, v8;
	_ =	sdelay $0x1  }
0x68: {  	v9 =	vsub.f32 $1.500000000e+00, v9;
	_ =	sdelay $0x1  }
0x69: {  	v8 =	vmul.f32 v9, v8;
	_ =	sdelay $0x1  }
0x6a: {  	v7 =	vmul.f32 v8, v7;
	_ =	sdelay $0x1  }
0x6b: {  	v8 =	vsub.f32 $1.000000000e+00, v7;
	v9 =	vsub.f32 $2.000000000e+00, v7  }
0x6c: {  	v10 =	vsub.f32 $3.000000000e+00, v7;
	v7 =	vadd.f32 $9.999999930e-09, v7  }
0x6d: {  	v8 =	vmax.f32 v8, $0.0e+00;
	v9 =	vmax.f32 v9, $0.0e+00  }
0x6e: {  	v10 =	vmax.f32 v10, $0.0e+00;
	v11 =	vmul.f32 v8, v8;
	v12 =	vmul.f32 v9, v9  }
0x6f: {  	v13 =	vmul.f32 v10, v10  }
0x70: {  	v11 =	vmul.f32 v11, v11;
	v12 =	vmul.f32 v12, v12  }
0x71: {  	(erf) = vrcp.f32 v7  }
0x72: {  	v7 =	vmul.f32 v13, v13;
	v9 =	vmul.f32 v12, v9  }
0x73: {  	v8 =	vmul.f32 v11, v8;
	v12 =	vmul.f32 $6.000000000e+00, v12  }
0x74: {  	v10 =	vmul.f32 v7, v10;
	v9 =	vmul.f32 $6.000000000e+00, v9  }
0x75: {  	v11 =	vmul.f32 $1.500000000e+01, v11;
	v7 =	vsub.f32 v7, v12  }
0x76: {  	v8 =	vmul.f32 $1.500000000e+01, v8;
	v9 =	vsub.f32 v10, v9  }
0x77: {  	v7 =	vadd.f32 v7, v11  }
0x78: {  	v8 =	vadd.f32 v9, v8  }
0x79: {  	v7 =	vmul.f32 $-1.329985630e-02, v7  }
0x7a: {  	v8 =	vmul.f32 $2.659971130e-03, v8;
	v9 =	vpop (erf);
	_ =	sdelay $0x1  }
0x7b: {  	[tilespmem:s25+$0x0] =	vst v8;
	s25 =	smov.u32 s0  }
0x7c: {  	[tilespmem:s24+$0x0] =	vst v3;
	s24 =	smov.u32 s14  }
0x7d: {  	v3 =	vmul.f32 v7, v9;
	[tilespmem:s23+$0x0] =	vst v1;
	s23 =	smov.u32 s20  }
0x7e: {  	[tilespmem:s28+$0x0] =	vst v2;
	s28 =	smov.u32 s21  }
0x7f: {  	[tilespmem:s16+$0x0] =	vst v3;
	s16 =	smov.u32 s22  }
0x80: {  	v1 =	vld.idx.msk [tilespmem:v5+s30+$0x0], $0xffff  }
0x81: {  	v2 =	vld.idx.msk [tilespmem:v5+s31+$0x0], $0xffff  }
0x82: {  	v5 =	vld.idx.msk [tilespmem:v6+s30+$0x0], $0xffff  }
0x83: {  	v6 =	vld.idx.msk [tilespmem:v6+s31+$0x0], $0xffff  }
0x84: {  	v7 =	vld.idx.msk [tilespmem:v4+s31+$0x0], $0xffff  }
0x85: {  	v4 =	vld.idx.msk [tilespmem:v4+s30+$0x0], $0xffff;
	_ =	sdelay $0x1  }
0x86: {  	v3 =	vsub.f32 v1, v2;
	_ =	sdelay $0x1  }
0x87: {  	v1 =	vsub.f32 v5, v6;
	_ =	sdelay $0x1  }
0x88: {  	v2 =	vsub.f32 v4, v7;
	v4 =	vmul.f32 v3, v3;
	v5 =	vmul.f32 v1, v1;
	_ =	sdelay $0x1  }
0x89: {  	v4 =	vadd.f32 v5, v4;
	v5 =	vmul.f32 v2, v2  }
.Ltmp0:
0x8a: {  	(pc) =	sbr.rel @p1 .LBB2_3-.Ltmp0, $4  }
0x8b: {  	v6 =	vmov s15;
	v4 =	vadd.f32 v5, v4  }
0x8c: {  	v5 =	vshll.u32 v6, $0x3  }
0x8d: {  	s13 =	smov.u32 s7;
	v5 =	vor.u32 v0, v5;
	v7 =	vadd.f32 $1.000000020e-16, v4  }
0x8e: {  	s20 =	sadd.s32 $0x10, s20;
	s21 =	sadd.s32 $0x10, s21;
	s22 =	sadd.s32 $0x10, s22;
	v6 =	vor.u32 $0x1, v5;
	v4 =	vor.u32 $0x2, v5  }
0x8f: {  	v8 =	vshra.s32 v7, $0x1;
	v9 =	vmul.f32 $5.000000000e-01, v7  }
0x90: {  	v8 =	vsub.s32 $0x5F3759DF, v8  }
0x91: {  	v10 =	vmul.f32 v8, v9;
	_ =	sdelay $0x1  }
0x92: {  	v10 =	vmul.f32 v8, v10;
	_ =	sdelay $0x1  }
0x93: {  	v10 =	vsub.f32 $1.500000000e+00, v10;
	_ =	sdelay $0x1  }
0x94: {  	v8 =	vmul.f32 v8, v10;
	_ =	sdelay $0x1  }
0x95: {  	v10 =	vmul.f32 v8, v9;
	_ =	sdelay $0x1  }
0x96: {  	v10 =	vmul.f32 v10, v8;
	_ =	sdelay $0x1  }
0x97: {  	v10 =	vsub.f32 $1.500000000e+00, v10;
	_ =	sdelay $0x1  }
0x98: {  	v8 =	vmul.f32 v10, v8;
	_ =	sdelay $0x1  }
0x99: {  	v9 =	vmul.f32 v8, v9;
	_ =	sdelay $0x1  }
0x9a: {  	v9 =	vmul.f32 v9, v8;
	_ =	sdelay $0x1  }
0x9b: {  	v9 =	vsub.f32 $1.500000000e+00, v9;
	_ =	sdelay $0x1  }
0x9c: {  	v8 =	vmul.f32 v9, v8;
	_ =	sdelay $0x1  }
0x9d: {  	v7 =	vmul.f32 v8, v7;
	_ =	sdelay $0x1  }
0x9e: {  	v8 =	vsub.f32 $2.000000000e+00, v7  }
0x9f: {  	v56 =	vsub.f32 $1.000000000e+00, v7  }
0xa0: {  	v57 =	vsub.f32 $3.000000000e+00, v7;
	v8 =	vmax.f32 v8, $0.0e+00  }
0xa1: {  	v9 =	vmax.f32 v56, $0.0e+00;
	v11 =	vmul.f32 v8, v8  }
0xa2: {  	v10 =	vmax.f32 v57, $0.0e+00;
	v12 =	vmul.f32 v9, v9  }
0xa3: {  	v13 =	vmul.f32 v10, v10;
	v11 =	vmul.f32 v11, v11  }
0xa4: {  	v7 =	vadd.f32 $9.999999930e-09, v7;
	v12 =	vmul.f32 v12, v12  }
0xa5: {  	v13 =	vmul.f32 v13, v13;
	v8 =	vmul.f32 v11, v8  }
0xa6: {  	(erf) = vrcp.f32 v7;
	v7 =	vmul.f32 v12, v9  }
0xa7: {  	v58 =	vmul.f32 v13, v10;
	v8 =	vmul.f32 $6.000000000e+00, v8;
	_ =	sdelay $0x1  }
0xa8: {  	v59 =	vmul.f32 $6.000000000e+00, v11;
	v7 =	vmul.f32 $1.500000000e+01, v7;
	v8 =	vsub.f32 v58, v8;
	_ =	sdelay $0x1  }
0xa9: {  	v61 =	vmul.f32 $1.500000000e+01, v12;
	v60 =	vsub.f32 v13, v59;
	v7 =	vadd.f32 v8, v7;
	_ =	sdelay $0x1  }
0xaa: {  	v8 =	vadd.f32 v60, v61;
	v7 =	vmul.f32 $2.659971130e-03, v7;
	_ =	sdelay $0x1  }
0xab: {  	[tilespmem:s25+$0x0] =	vst v7;
	v7 =	vmul.f32 $-1.329985630e-02, v8  }
0xac: {  	[tilespmem:s24+$0x0] =	vst v3;
	v3 =	vpop (erf)  }
0xad: {  	v3 =	vmul.f32 v7, v3;
	[tilespmem:s23+$0x0] =	vst v1  }
0xae: {  	[tilespmem:s28+$0x0] =	vst v2  }
0xaf: {  	[tilespmem:s16+$0x0] =	vst v3  }
0xb0: {  	v1 =	vld.idx.msk [tilespmem:v5+s30+$0x0], $0xffff  }
0xb1: {  	v2 =	vld.idx.msk [tilespmem:v5+s31+$0x0], $0xffff  }
0xb2: {  	v3 =	vld.idx.msk [tilespmem:v6+s30+$0x0], $0xffff  }
0xb3: {  	v5 =	vld.idx.msk [tilespmem:v6+s31+$0x0], $0xffff  }
0xb4: {  	v6 =	vld.idx.msk [tilespmem:v4+s31+$0x0], $0xffff  }
0xb5: {  	v4 =	vld.idx.msk [tilespmem:v4+s30+$0x0], $0xffff;
	_ =	sdelay $0x2  }
0xb6: {  	v1 =	vsub.f32 v1, v2;
	v2 =	vsub.f32 v3, v5;
	_ =	sdelay $0x1  }
0xb7: {  	v3 =	vsub.f32 v4, v6;
	v4 =	vmul.f32 v1, v1;
	v5 =	vmul.f32 v2, v2;
	_ =	sdelay $0x1  }
0xb8: {  	v4 =	vadd.f32 v5, v4;
	v5 =	vmul.f32 v3, v3;
	_ =	sdelay $0x1  }
0xb9: {  	v4 =	vadd.f32 v5, v4;
	_ =	sdelay $0x1  }
0xba: {  	v4 =	vadd.f32 $1.000000020e-16, v4;
	_ =	sdelay $0x1  }
0xbb: {  	v5 =	vshra.s32 v4, $0x1;
	v6 =	vmul.f32 $5.000000000e-01, v4  }
0xbc: {  	v5 =	vsub.s32 $0x5F3759DF, v5  }
0xbd: {  	v7 =	vmul.f32 v5, v6;
	_ =	sdelay $0x1  }
0xbe: {  	v7 =	vmul.f32 v5, v7;
	_ =	sdelay $0x1  }
0xbf: {  	v7 =	vsub.f32 $1.500000000e+00, v7;
	_ =	sdelay $0x1  }
0xc0: {  	v5 =	vmul.f32 v5, v7;
	_ =	sdelay $0x1  }
0xc1: {  	v7 =	vmul.f32 v5, v6;
	_ =	sdelay $0x1  }
0xc2: {  	v7 =	vmul.f32 v7, v5;
	_ =	sdelay $0x1  }
0xc3: {  	v7 =	vsub.f32 $1.500000000e+00, v7;
	_ =	sdelay $0x1  }
0xc4: {  	v5 =	vmul.f32 v7, v5;
	_ =	sdelay $0x1  }
0xc5: {  	v6 =	vmul.f32 v5, v6;
	_ =	sdelay $0x1  }
0xc6: {  	v6 =	vmul.f32 v6, v5;
	_ =	sdelay $0x1  }
0xc7: {  	v6 =	vsub.f32 $1.500000000e+00, v6;
	_ =	sdelay $0x1  }
0xc8: {  	v5 =	vmul.f32 v6, v5;
	_ =	sdelay $0x1  }
0xc9: {  	v4 =	vmul.f32 v5, v4;
	_ =	sdelay $0x1  }
0xca: {  	v5 =	vsub.f32 $2.000000000e+00, v4  }
0xcb: {  	v6 =	vsub.f32 $1.000000000e+00, v4  }
0xcc: {  	v7 =	vsub.f32 $3.000000000e+00, v4;
	v5 =	vmax.f32 v5, $0.0e+00  }
0xcd: {  	v6 =	vmax.f32 v6, $0.0e+00;
	v8 =	vmul.f32 v5, v5  }
0xce: {  	v7 =	vmax.f32 v7, $0.0e+00;
	v62 =	vmul.f32 v6, v6  }
0xcf: {  	v63 =	vmul.f32 v7, v7;
	v8 =	vmul.f32 v8, v8  }
0xd0: {  	v4 =	vadd.f32 $9.999999930e-09, v4;
	v9 =	vmul.f32 v62, v62  }
0xd1: {  	v10 =	vmul.f32 v63, v63;
	v5 =	vmul.f32 v8, v5  }
0xd2: {  	(erf) = vrcp.f32 v4;
	v4 =	vmul.f32 v9, v6  }
0xd3: {  	v6 =	vmul.f32 v10, v7;
	v5 =	vmul.f32 $6.000000000e+00, v5;
	_ =	sdelay $0x1  }
0xd4: {  	v4 =	vmul.f32 $1.500000000e+01, v4;
	v5 =	vsub.f32 v6, v5  }
0xd5: {  	v7 =	vmul.f32 $6.000000000e+00, v8  }
0xd6: {  	v4 =	vadd.f32 v5, v4  }
0xd7: {  	v6 =	vsub.f32 v10, v7;
	v7 =	vmul.f32 $1.500000000e+01, v9  }
0xd8: {  	v4 =	vmul.f32 $2.659971130e-03, v4  }
0xd9: {  	v5 =	vadd.f32 v6, v7  }
0xda: {  	s0 =	sadd.s32 $0x10, s0  }
0xdb: {  	s7 =	sadd.s32 $0x10, s14;
	v5 =	vmul.f32 $-1.329985630e-02, v5;
	[tilespmem:s0+$0x0] =	vst v4  }
0xdc: {  	[tilespmem:s7+$0x0] =	vst v1;
	v4 =	vpop (erf)  }
0xdd: {  	[tilespmem:s20+$0x0] =	vst v2;
	v1 =	vmul.f32 v5, v4  }
0xde: {  	[tilespmem:s21+$0x0] =	vst v3  }
0xdf: {  	s16 =	simm.s32 $0x1F40;
	s20 =	simm.s32 $0x128E0;
	[tilespmem:s22+$0x0] =	vst v1  }
0xe0: {  	[spmem:s8] =	stream.indirect.scatter.add.f32 [tilespmem:s20], [sflag:$0x5], $0x1, s16, s29, $0xb8;
	[tilespmem:$0x16440] =	vst v63  }
0xe1: {  	s21 =	sadd.s32 s11, s18;
	s22 =	simm.s32 $0x13880  }
0xe2: {  	[hbm4b:s21+s4] =	stream.linear.scatter [tilespmem:s22], [sflag:$0x7], $0x7D0, $0x38;
	[tilespmem:$0x16440] =	vst v63  }
0xe3: {  	_ =	swait.ge [sflag:s26], $0x7D0  }
0xe4: {  	[sflag:s26] =	ssyncset.done $0x0  }
0xe5: {  	s25 =	simm.s32 $0x14050;
	s23 =	sadd.s32 s12, s18;
	[sflag:s26] =	ssyncadd.s32 $0xFFFFF830  }
0xe6: {  	[hbm4b:s23+s4] =	stream.linear.scatter [tilespmem:s25], [sflag:$0x7], $0x7D0, $0x38;
	[tilespmem:$0x16440] =	vst v63  }
0xe7: {  	_ =	swait.ge [sflag:s26], $0x7D0  }
0xe8: {  	s24 =	smov.u32 s8;
	[sflag:s26] =	ssyncset.done $0x0  }
0xe9: {  	s7 =	sadd.s32 s6, s18;
	s8 =	simm.s32 $0x14820;
	[sflag:s26] =	ssyncadd.s32 $0xFFFFF830  }
0xea: {  	[hbm4b:s7+s4] =	stream.linear.scatter [tilespmem:s8], [sflag:$0x7], $0x7D0, $0x38;
	[tilespmem:$0x16440] =	vst v63  }
0xeb: {  	_ =	swait.ge [sflag:s26], $0x7D0  }
0xec: {  	[sflag:s26] =	ssyncset.done $0x0;
	s13 =	rddreg [dreg:$0x7]  }
0xed: {  	s14 =	simm.s32 $0x14FF0;
	[sflag:s26] =	ssyncadd.s32 $0xFFFFF830;
	s0 =	sadd.s32 s13, s18  }
0xee: {  	[hbm4b:s0+s4] =	stream.linear.scatter [tilespmem:s14], [sflag:$0x7], $0x7D0, $0x38;
	[tilespmem:$0x16440] =	vst v63  }
0xef: {  	_ =	swait.ge [sflag:s26], $0x7D0  }
0xf0: {  	s15 =	rddreg [dreg:$0xd]  }
0xf1: {  	s0 =	sadd.s32 s17, s15  }
0xf2: {  	[sflag:s26] =	ssyncset.done $0x0;
	s16 =	rddreg [dreg:$0x6];
	s0 =	sshrl.u32 s0, $0x3  }
0xf3: {  	[sflag:s26] =	ssyncadd.s32 $0xFFFFF830;
	s17 =	sadd.s32 s16, s0  }
0xf4: {  	[tilespmem:s4], [sflag:$0x7] =	stream.linear.gather [hbm4b:s17+s4], $0x7D0, $0x38;
	[tilespmem:$0x16440] =	vst v63  }
0xf5: {  	_ =	swait.ge [sflag:s26], $0x7D0  }
0xf6: {  	[sflag:s26] =	ssyncset.done $0x0  }
0xf7: {  	s18 =	simm.s32 $0xFA0;
	s0 =	sadd.s32 s10, s0;
	[sflag:s26] =	ssyncadd.s32 $0xFFFFF830  }
0xf8: {  	[tilespmem:s18], [sflag:$0x7] =	stream.linear.gather [hbm4b:s0+s4], $0x7D0, $0x38;
	[tilespmem:$0x16440] =	vst v63  }
0xf9: {  	_ =	swait.ge [sflag:s26], $0x7D0  }
0xfa: {  	[sflag:s26] =	ssyncset.done $0x0  }
0xfb: {  	[sflag:s26] =	ssyncadd.s32 $0xFFFFF830  }
0xfc: {  	[tilespmem:s30], [sflag:$0x1] =	stream.indirect.gather [hbm4b:s5+s29], $0x8, s4, s29, $0xb8;
	[tilespmem:$0x16440] =	vst v63  }
0xfd: {  	s20 =	simm.s32 $0x3  }
0xfe: {  	[tilespmem:s31], [sflag:$0x2] =	stream.indirect.gather [hbm4b:s5+s29], $0x8, s18, s29, $0xb8;
	[tilespmem:$0x16440] =	vst v63  }
0xff: {  	_ =	swait.ge [sflag:s20], $0x3E80  }
0x100: {  	[sflag:s20] =	ssyncset.done $0x0  }
0x101: {  	s21 =	simm.s32 $0x4;
	[sflag:s20] =	ssyncadd.s32 $0xFFFFC180  }
0x102: {  	_ =	swait.ge [sflag:s21], $0x3E80  }
0x103: {  	[sflag:s21] =	ssyncset.done $0x0  }
0x104: {  	s22 =	simm.s32 $0x0;
	s0 =	simm.s32 @!p0 $0x6;
	[sflag:s21] =	ssyncadd.s32 $0xFFFFC180  }
0x105: {  	v1 =	vmov s22;
	_ =	swait.ge @!p0 [sflag:s0], $0x7D0  }
0x106: {  	s28 =	smov.u32 s11;
	s11 =	smov.u32 s12;
	v1 =	vshll.u32 v1, $0x3;
	[sflag:s0] =	ssyncset.done @!p0 $0x0  }
0x107: {  	s12 =	smov.u32 s6;
	s6 =	simm.s32 $0x2710;
	v1 =	vor.u32 v0, v1;
	[sflag:s0] =	ssyncadd.s32 @!p0 $0xFFFFF830  }
0x108: {  	[tilespmem:s6], [sflag:$0x7] =	stream.linear.gather [hbm4b:s9+s22], $0x7D0, $0x38;
	[tilespmem:$0x16440] =	vst v63  }
0x109: {  	v2 =	vor.u32 $0x1, v1;
	_ =	swait.ge [sflag:s26], $0x7D0  }
0x10a: {  	[sflag:s26] =	ssyncset.done $0x0  }
0x10b: {  	v3 =	vor.u32 $0x2, v1;
	[sflag:s26] =	ssyncadd.s32 $0xFFFFF830  }
0x10c: {  	v4 =	vld.idx.msk [tilespmem:v1+s3+$0x0], $0xffff  }
0x10d: {  	v1 =	vld.idx.msk [tilespmem:v1+s1+$0x0], $0xffff  }
0x10e: {  	v5 =	vld.idx.msk [tilespmem:v2+s3+$0x0], $0xffff  }
0x10f: {  	v2 =	vld.idx.msk [tilespmem:v2+s1+$0x0], $0xffff  }
0x110: {  	v6 =	vld.idx.msk [tilespmem:v3+s1+$0x0], $0xffff  }
0x111: {  	v7 =	vld.idx.msk [tilespmem:v3+s3+$0x0], $0xffff;
	_ =	sdelay $0x2  }
0x112: {  	v3 =	vsub.f32 v4, v1;
	v2 =	vsub.f32 v5, v2;
	_ =	sdelay $0x1  }
0x113: {  	v1 =	vsub.f32 v7, v6;
	v4 =	vmul.f32 v3, v3;
	v5 =	vmul.f32 v2, v2;
	_ =	sdelay $0x1  }
0x114: {  	s23 =	simm.s32 $0x10;
	v4 =	vadd.f32 v5, v4;
	v5 =	vmul.f32 v1, v1  }
0x115: {  	s25 =	smov.u32 s10;
	s7 =	simm.s32 $0x20;
	s14 =	simm.s32 $0x14830;
	v6 =	vmov s23  }
0x116: {  	s16 =	simm.s32 $0x14820;
	s17 =	simm.s32 $0x14060;
	s18 =	simm.s32 $0x15000;
	v4 =	vadd.f32 v5, v4;
	v5 =	vshll.u32 v6, $0x3  }
0x117: {  	s20 =	simm.s32 $0x14FF0;
	s21 =	simm.s32 $0x14050;
	s0 =	simm.s32 $0x130B0;
	v5 =	vor.u32 v0, v5  }
0x118: {  	s9 =	simm.s32 $0x13880;
	s22 =	simm.s32 $0x13880;
	s23 =	simm.s32 $0x130B0;
	v7 =	vadd.f32 $1.000000020e-16, v4;
	v6 =	vor.u32 $0x1, v5;
	v4 =	vor.u32 $0x2, v5  }
.LBB2_5:
0x119: {  	s0 =	sadd.s32 $0x10, s0  }
0x11a: {  	v8 =	vshra.s32 v7, $0x1;
	v9 =	vmul.f32 $5.000000000e-01, v7;
	s9 =	sadd.s32 $0x10, s9;
	s15 =	smov.u32 s7;
	s13 =	sadd.s32 $0x10, s7  }
0x11b: {  	p0 =	sne.s32 s7, $0x7C0;
	v8 =	vsub.s32 $0x5F3759DF, v8  }
0x11c: {  	v10 =	vmul.f32 v8, v9;
	_ =	sdelay $0x1  }
0x11d: {  	v10 =	vmul.f32 v8, v10;
	_ =	sdelay $0x1  }
0x11e: {  	v10 =	vsub.f32 $1.500000000e+00, v10;
	_ =	sdelay $0x1  }
0x11f: {  	v8 =	vmul.f32 v8, v10;
	_ =	sdelay $0x1  }
0x120: {  	v10 =	vmul.f32 v8, v9;
	_ =	sdelay $0x1  }
0x121: {  	v10 =	vmul.f32 v10, v8;
	_ =	sdelay $0x1  }
0x122: {  	v10 =	vsub.f32 $1.500000000e+00, v10;
	_ =	sdelay $0x1  }
0x123: {  	v8 =	vmul.f32 v10, v8;
	_ =	sdelay $0x1  }
0x124: {  	v9 =	vmul.f32 v8, v9;
	_ =	sdelay $0x1  }
0x125: {  	v9 =	vmul.f32 v9, v8;
	_ =	sdelay $0x1  }
0x126: {  	v9 =	vsub.f32 $1.500000000e+00, v9;
	_ =	sdelay $0x1  }
0x127: {  	v8 =	vmul.f32 v9, v8;
	_ =	sdelay $0x1  }
0x128: {  	v7 =	vmul.f32 v8, v7;
	_ =	sdelay $0x1  }
0x129: {  	v8 =	vsub.f32 $1.000000000e+00, v7;
	v9 =	vsub.f32 $2.000000000e+00, v7  }
0x12a: {  	v10 =	vsub.f32 $3.000000000e+00, v7;
	v7 =	vadd.f32 $9.999999930e-09, v7  }
0x12b: {  	v8 =	vmax.f32 v8, $0.0e+00;
	v9 =	vmax.f32 v9, $0.0e+00  }
0x12c: {  	v10 =	vmax.f32 v10, $0.0e+00;
	v11 =	vmul.f32 v8, v8;
	v12 =	vmul.f32 v9, v9  }
0x12d: {  	v13 =	vmul.f32 v10, v10  }
0x12e: {  	v11 =	vmul.f32 v11, v11;
	v12 =	vmul.f32 v12, v12  }
0x12f: {  	(erf) = vrcp.f32 v7  }
0x130: {  	v7 =	vmul.f32 v13, v13;
	v9 =	vmul.f32 v12, v9  }
0x131: {  	v8 =	vmul.f32 v11, v8;
	v12 =	vmul.f32 $6.000000000e+00, v12  }
0x132: {  	v10 =	vmul.f32 v7, v10;
	v9 =	vmul.f32 $6.000000000e+00, v9  }
0x133: {  	v11 =	vmul.f32 $1.500000000e+01, v11;
	v7 =	vsub.f32 v7, v12  }
0x134: {  	v8 =	vmul.f32 $1.500000000e+01, v8;
	v9 =	vsub.f32 v10, v9  }
0x135: {  	v7 =	vadd.f32 v7, v11  }
0x136: {  	v8 =	vadd.f32 v9, v8  }
0x137: {  	v7 =	vmul.f32 $-1.329985630e-02, v7  }
0x138: {  	v8 =	vmul.f32 $2.659971130e-03, v8;
	v9 =	vpop (erf);
	_ =	sdelay $0x1  }
0x139: {  	[tilespmem:s23+$0x0] =	vst v8;
	s23 =	smov.u32 s0  }
0x13a: {  	[tilespmem:s22+$0x0] =	vst v3;
	s22 =	smov.u32 s9  }
0x13b: {  	v3 =	vmul.f32 v7, v9;
	[tilespmem:s21+$0x0] =	vst v2;
	s21 =	smov.u32 s17  }
0x13c: {  	[tilespmem:s16+$0x0] =	vst v1;
	s16 =	smov.u32 s14  }
0x13d: {  	[tilespmem:s20+$0x0] =	vst v3;
	s20 =	smov.u32 s18  }
0x13e: {  	v1 =	vld.idx.msk [tilespmem:v5+s3+$0x0], $0xffff  }
0x13f: {  	v2 =	vld.idx.msk [tilespmem:v5+s1+$0x0], $0xffff  }
0x140: {  	v5 =	vld.idx.msk [tilespmem:v6+s3+$0x0], $0xffff  }
0x141: {  	v6 =	vld.idx.msk [tilespmem:v6+s1+$0x0], $0xffff  }
0x142: {  	v7 =	vld.idx.msk [tilespmem:v4+s1+$0x0], $0xffff  }
0x143: {  	v4 =	vld.idx.msk [tilespmem:v4+s3+$0x0], $0xffff;
	_ =	sdelay $0x1  }
0x144: {  	v3 =	vsub.f32 v1, v2;
	_ =	sdelay $0x1  }
0x145: {  	v2 =	vsub.f32 v5, v6;
	_ =	sdelay $0x1  }
0x146: {  	v1 =	vsub.f32 v4, v7;
	v4 =	vmul.f32 v3, v3;
	v5 =	vmul.f32 v2, v2;
	_ =	sdelay $0x1  }
0x147: {  	v4 =	vadd.f32 v5, v4;
	v5 =	vmul.f32 v1, v1  }
.Ltmp1:
0x148: {  	(pc) =	sbr.rel @p0 .LBB2_5-.Ltmp1, $4  }
0x149: {  	v6 =	vmov s15;
	v4 =	vadd.f32 v5, v4  }
0x14a: {  	v5 =	vshll.u32 v6, $0x3  }
0x14b: {  	s7 =	smov.u32 s13;
	v5 =	vor.u32 v0, v5;
	v7 =	vadd.f32 $1.000000020e-16, v4  }
0x14c: {  	s17 =	sadd.s32 $0x10, s17;
	s14 =	sadd.s32 $0x10, s14;
	s18 =	sadd.s32 $0x10, s18;
	v6 =	vor.u32 $0x1, v5;
	v4 =	vor.u32 $0x2, v5  }
0x14d: {  	v8 =	vshra.s32 v7, $0x1;
	v9 =	vmul.f32 $5.000000000e-01, v7  }
0x14e: {  	v8 =	vsub.s32 $0x5F3759DF, v8  }
0x14f: {  	v10 =	vmul.f32 v8, v9;
	_ =	sdelay $0x1  }
0x150: {  	v10 =	vmul.f32 v8, v10;
	_ =	sdelay $0x1  }
0x151: {  	v10 =	vsub.f32 $1.500000000e+00, v10;
	_ =	sdelay $0x1  }
0x152: {  	v8 =	vmul.f32 v8, v10;
	_ =	sdelay $0x1  }
0x153: {  	v10 =	vmul.f32 v8, v9;
	_ =	sdelay $0x1  }
0x154: {  	v10 =	vmul.f32 v10, v8;
	_ =	sdelay $0x1  }
0x155: {  	v10 =	vsub.f32 $1.500000000e+00, v10;
	_ =	sdelay $0x1  }
0x156: {  	v8 =	vmul.f32 v10, v8;
	_ =	sdelay $0x1  }
0x157: {  	v9 =	vmul.f32 v8, v9;
	_ =	sdelay $0x1  }
0x158: {  	v9 =	vmul.f32 v9, v8;
	_ =	sdelay $0x1  }
0x159: {  	v9 =	vsub.f32 $1.500000000e+00, v9;
	_ =	sdelay $0x1  }
0x15a: {  	v8 =	vmul.f32 v9, v8;
	_ =	sdelay $0x1  }
0x15b: {  	v34 =	vmul.f32 v8, v7;
	_ =	sdelay $0x1  }
0x15c: {  	v8 =	vsub.f32 $2.000000000e+00, v34  }
0x15d: {  	v35 =	vsub.f32 $1.000000000e+00, v34  }
0x15e: {  	v36 =	vsub.f32 $3.000000000e+00, v34;
	v8 =	vmax.f32 v8, $0.0e+00  }
0x15f: {  	v9 =	vmax.f32 v35, $0.0e+00;
	v11 =	vmul.f32 v8, v8  }
0x160: {  	v10 =	vmax.f32 v36, $0.0e+00;
	v12 =	vmul.f32 v9, v9  }
0x161: {  	v13 =	vmul.f32 v10, v10;
	v11 =	vmul.f32 v11, v11  }
0x162: {  	v7 =	vadd.f32 $9.999999930e-09, v34;
	v12 =	vmul.f32 v12, v12  }
0x163: {  	v13 =	vmul.f32 v13, v13;
	v8 =	vmul.f32 v11, v8  }
0x164: {  	(erf) = vrcp.f32 v7;
	v37 =	vmul.f32 v12, v9  }
0x165: {  	v38 =	vmul.f32 v13, v10;
	v8 =	vmul.f32 $6.000000000e+00, v8;
	_ =	sdelay $0x1  }
0x166: {  	v39 =	vmul.f32 $6.000000000e+00, v11;
	v7 =	vmul.f32 $1.500000000e+01, v37;
	v8 =	vsub.f32 v38, v8;
	_ =	sdelay $0x1  }
0x167: {  	v41 =	vmul.f32 $1.500000000e+01, v12;
	v40 =	vsub.f32 v13, v39;
	v7 =	vadd.f32 v8, v7;
	_ =	sdelay $0x1  }
0x168: {  	v42 =	vadd.f32 v40, v41;
	v7 =	vmul.f32 $2.659971130e-03, v7;
	_ =	sdelay $0x1  }
0x169: {  	v43 =	vmul.f32 $-1.329985630e-02, v42;
	[tilespmem:s23+$0x0] =	vst v7  }
0x16a: {  	[tilespmem:s22+$0x0] =	vst v3;
	v3 =	vpop (erf)  }
0x16b: {  	[tilespmem:s21+$0x0] =	vst v2;
	v2 =	vmul.f32 v43, v3  }
0x16c: {  	[tilespmem:s16+$0x0] =	vst v1  }
0x16d: {  	[tilespmem:s20+$0x0] =	vst v2  }
0x16e: {  	v1 =	vld.idx.msk [tilespmem:v5+s3+$0x0], $0xffff  }
0x16f: {  	v2 =	vld.idx.msk [tilespmem:v5+s1+$0x0], $0xffff  }
0x170: {  	v3 =	vld.idx.msk [tilespmem:v6+s3+$0x0], $0xffff  }
0x171: {  	v44 =	vld.idx.msk [tilespmem:v6+s1+$0x0], $0xffff  }
0x172: {  	v45 =	vld.idx.msk [tilespmem:v4+s1+$0x0], $0xffff  }
0x173: {  	v46 =	vld.idx.msk [tilespmem:v4+s3+$0x0], $0xffff;
	_ =	sdelay $0x2  }
0x174: {  	v1 =	vsub.f32 v1, v2;
	v2 =	vsub.f32 v3, v44;
	_ =	sdelay $0x1  }
0x175: {  	v3 =	vsub.f32 v46, v45;
	v47 =	vmul.f32 v1, v1;
	v5 =	vmul.f32 v2, v2;
	_ =	sdelay $0x1  }
0x176: {  	v48 =	vmul.f32 v3, v3;
	v4 =	vadd.f32 v5, v47;
	_ =	sdelay $0x1  }
0x177: {  	v4 =	vadd.f32 v48, v4;
	_ =	sdelay $0x1  }
0x178: {  	v4 =	vadd.f32 $1.000000020e-16, v4;
	_ =	sdelay $0x1  }
0x179: {  	v49 =	vshra.s32 v4, $0x1;
	v50 =	vmul.f32 $5.000000000e-01, v4  }
0x17a: {  	v5 =	vsub.s32 $0x5F3759DF, v49  }
0x17b: {  	v51 =	vmul.f32 v5, v50;
	_ =	sdelay $0x1  }
0x17c: {  	v7 =	vmul.f32 v5, v51;
	_ =	sdelay $0x1  }
0x17d: {  	v7 =	vsub.f32 $1.500000000e+00, v7;
	_ =	sdelay $0x1  }
0x17e: {  	v5 =	vmul.f32 v5, v7;
	_ =	sdelay $0x1  }
0x17f: {  	v7 =	vmul.f32 v5, v50;
	_ =	sdelay $0x1  }
0x180: {  	v7 =	vmul.f32 v7, v5;
	_ =	sdelay $0x1  }
0x181: {  	v7 =	vsub.f32 $1.500000000e+00, v7;
	_ =	sdelay $0x1  }
0x182: {  	v5 =	vmul.f32 v7, v5;
	_ =	sdelay $0x1  }
0x183: {  	v6 =	vmul.f32 v5, v50;
	_ =	sdelay $0x1  }
0x184: {  	v6 =	vmul.f32 v6, v5;
	_ =	sdelay $0x1  }
0x185: {  	v6 =	vsub.f32 $1.500000000e+00, v6;
	_ =	sdelay $0x1  }
0x186: {  	v5 =	vmul.f32 v6, v5;
	_ =	sdelay $0x1  }
0x187: {  	v4 =	vmul.f32 v5, v4;
	_ =	sdelay $0x1  }
0x188: {  	v5 =	vsub.f32 $2.000000000e+00, v4  }
0x189: {  	v52 =	vsub.f32 $1.000000000e+00, v4  }
0x18a: {  	v53 =	vsub.f32 $3.000000000e+00, v4;
	v5 =	vmax.f32 v5, $0.0e+00  }
0x18b: {  	v6 =	vmax.f32 v52, $0.0e+00;
	v54 =	vmul.f32 v5, v5  }
0x18c: {  	v7 =	vmax.f32 v53, $0.0e+00;
	v55 =	vmul.f32 v6, v6  }
0x18d: {  	v56 =	vmul.f32 v7, v7;
	v8 =	vmul.f32 v54, v54  }
0x18e: {  	v4 =	vadd.f32 $9.999999930e-09, v4;
	v9 =	vmul.f32 v55, v55  }
0x18f: {  	v10 =	vmul.f32 v56, v56;
	v5 =	vmul.f32 v8, v5  }
0x190: {  	(erf) = vrcp.f32 v4;
	v57 =	vmul.f32 v9, v6  }
0x191: {  	v58 =	vmul.f32 v10, v7;
	v5 =	vmul.f32 $6.000000000e+00, v5;
	_ =	sdelay $0x1  }
0x192: {  	v59 =	vmul.f32 $6.000000000e+00, v8;
	v4 =	vmul.f32 $1.500000000e+01, v57;
	v5 =	vsub.f32 v58, v5;
	_ =	sdelay $0x1  }
0x193: {  	v61 =	vmul.f32 $1.500000000e+01, v9;
	v60 =	vsub.f32 v10, v59;
	v4 =	vadd.f32 v5, v4;
	_ =	sdelay $0x1  }
0x194: {  	v62 =	vadd.f32 v60, v61;
	v4 =	vmul.f32 $2.659971130e-03, v4  }
0x195: {  	s0 =	sadd.s32 $0x10, s0  }
0x196: {  	s13 =	sadd.s32 $0x10, s9;
	v63 =	vmul.f32 $-1.329985630e-02, v62;
	[tilespmem:s0+$0x0] =	vst v4  }
0x197: {  	[tilespmem:s13+$0x0] =	vst v1;
	v1 =	vpop (erf)  }
0x198: {  	[tilespmem:s17+$0x0] =	vst v2;
	v1 =	vmul.f32 v63, v1  }
0x199: {  	[tilespmem:s14+$0x0] =	vst v3  }
0x19a: {  	s14 =	simm.s32 $0x130B0;
	[tilespmem:s18+$0x0] =	vst v1  }
0x19b: {  	[spmem:s24] =	stream.indirect.scatter.add.f32 [tilespmem:s14], [sflag:$0x6], $0x1, s6, s29, $0xb8;
	[tilespmem:$0x16440] =	vst v63  }
0x19c: {  	s15 =	sadd.s32 s28, s2;
	s16 =	simm.s32 $0x13880  }
0x19d: {  	[hbm4b:s15+s4] =	stream.linear.scatter [tilespmem:s16], [sflag:$0x7], $0x7D0, $0x38;
	[tilespmem:$0x16440] =	vst v63  }
0x19e: {  	_ =	swait.ge [sflag:s26], $0x7D0  }
0x19f: {  	[sflag:s26] =	ssyncset.done $0x0  }
0x1a0: {  	s17 =	sadd.s32 s11, s2;
	s18 =	simm.s32 $0x14050;
	[sflag:s26] =	ssyncadd.s32 $0xFFFFF830  }
0x1a1: {  	[hbm4b:s17+s4] =	stream.linear.scatter [tilespmem:s18], [sflag:$0x7], $0x7D0, $0x38;
	[tilespmem:$0x16440] =	vst v63  }
0x1a2: {  	_ =	swait.ge [sflag:s26], $0x7D0  }
0x1a3: {  	s19 =	sadd.s32 $0x1, s19;
	[sflag:s26] =	ssyncset.done $0x0  }
0x1a4: {  	s21 =	simm.s32 $0x14820;
	s20 =	sadd.s32 s12, s2;
	[sflag:s26] =	ssyncadd.s32 $0xFFFFF830  }
0x1a5: {  	[hbm4b:s20+s4] =	stream.linear.scatter [tilespmem:s21], [sflag:$0x7], $0x7D0, $0x38;
	[tilespmem:$0x16440] =	vst v63  }
0x1a6: {  	p0 =	sne.s32 s19, $0xC;
	_ =	swait.ge [sflag:s26], $0x7D0  }
0x1a7: {  	s23 =	simm.s32 $0x14FF0;
	[sflag:s26] =	ssyncset.done $0x0;
	s22 =	rddreg [dreg:$0x7]  }
.Ltmp2:
0x1a8: {  	[sflag:s26] =	ssyncadd.s32 $0xFFFFF830;
	s0 =	sadd.s32 s22, s2;
	(pc) =	sbr.rel @p0 .LBB2_2-.Ltmp2, $4  }
0x1a9: {  	[hbm4b:s0+s4] =	stream.linear.scatter [tilespmem:s23], [sflag:$0x7], $0x7D0, $0x38;
	[tilespmem:$0x16440] =	vst v63  }
0x1aa: {  	_ =	swait.ge [sflag:s26], $0x7D0  }
0x1ab: {  	[sflag:s26] =	ssyncset.done $0x0  }
0x1ac: {  	[sflag:s26] =	ssyncadd.s32 $0xFFFFF830  }
0x1ad: {  	s0 =	simm.s32 $0x1  }
0x1ae: {  	_ =	swait.ge [sflag:s0], $0x3E80  }
0x1af: {  	[sflag:s0] =	ssyncset.done $0x0  }
0x1b0: {  	s22 =	simm.s32 $0x2;
	[sflag:s0] =	ssyncadd.s32 $0xFFFFC180  }
0x1b1: {  	_ =	swait.ge [sflag:s22], $0x3E80  }
0x1b2: {  	[sflag:s22] =	ssyncset.done $0x0  }
0x1b3: {  	s23 =	simm.s32 $0x0;
	s8 =	simm.s32 $0x5;
	[sflag:s22] =	ssyncadd.s32 $0xFFFFC180  }
0x1b4: {  	v1 =	vmov s23;
	_ =	swait.ge [sflag:s8], $0x7D0  }
0x1b5: {  	v1 =	vshll.u32 v1, $0x3;
	[sflag:s8] =	ssyncset.done $0x0  }
0x1b6: {  	s6 =	simm.s32 $0x1F40;
	v1 =	vor.u32 v0, v1;
	s2 =	rddreg [dreg:$0xe];
	[sflag:s8] =	ssyncadd.s32 $0xFFFFF830  }
0x1b7: {  	[tilespmem:s6], [sflag:$0x7] =	stream.linear.gather [hbm4b:s2+s23], $0x7D0, $0x38;
	[tilespmem:$0x16440] =	vst v63  }
0x1b8: {  	v2 =	vor.u32 $0x1, v1;
	_ =	swait.ge [sflag:s26], $0x7D0  }
0x1b9: {  	[sflag:s26] =	ssyncset.done $0x0  }
0x1ba: {  	v3 =	vor.u32 $0x2, v1;
	[sflag:s26] =	ssyncadd.s32 $0xFFFFF830  }
0x1bb: {  	v4 =	vld.idx.msk [tilespmem:v1+s30+$0x0], $0xffff  }
0x1bc: {  	v1 =	vld.idx.msk [tilespmem:v1+s31+$0x0], $0xffff  }
0x1bd: {  	v5 =	vld.idx.msk [tilespmem:v2+s30+$0x0], $0xffff  }
0x1be: {  	v2 =	vld.idx.msk [tilespmem:v2+s31+$0x0], $0xffff  }
0x1bf: {  	v6 =	vld.idx.msk [tilespmem:v3+s31+$0x0], $0xffff  }
0x1c0: {  	v7 =	vld.idx.msk [tilespmem:v3+s30+$0x0], $0xffff;
	_ =	sdelay $0x2  }
0x1c1: {  	v3 =	vsub.f32 v4, v1;
	v2 =	vsub.f32 v5, v2;
	_ =	sdelay $0x1  }
0x1c2: {  	v1 =	vsub.f32 v7, v6;
	v4 =	vmul.f32 v3, v3;
	v5 =	vmul.f32 v2, v2;
	_ =	sdelay $0x1  }
0x1c3: {  	s7 =	simm.s32 $0x10;
	v4 =	vadd.f32 v5, v4;
	v5 =	vmul.f32 v1, v1  }
0x1c4: {  	s19 =	simm.s32 $0x14050;
	s16 =	simm.s32 $0x14820;
	v6 =	vmov s7  }
0x1c5: {  	s18 =	simm.s32 $0x14FF0;
	s14 =	simm.s32 $0x14060;
	s9 =	simm.s32 $0x14830;
	v4 =	vadd.f32 v5, v4;
	v5 =	vshll.u32 v6, $0x3  }
0x1c6: {  	s17 =	simm.s32 $0x15000;
	s21 =	simm.s32 $0x128E0;
	s20 =	simm.s32 $0x13880;
	v5 =	vor.u32 v0, v5  }
0x1c7: {  	s0 =	simm.s32 $0x128E0;
	s2 =	simm.s32 $0x13880;
	s7 =	simm.s32 $0x20;
	v7 =	vadd.f32 $1.000000020e-16, v4;
	v6 =	vor.u32 $0x1, v5;
	v4 =	vor.u32 $0x2, v5  }
.LBB2_8:
0x1c8: {  	s0 =	sadd.s32 $0x10, s0  }
0x1c9: {  	v8 =	vshra.s32 v7, $0x1;
	v9 =	vmul.f32 $5.000000000e-01, v7;
	s2 =	sadd.s32 $0x10, s2;
	s15 =	smov.u32 s7;
	s13 =	sadd.s32 $0x10, s7  }
0x1ca: {  	p0 =	sne.s32 s7, $0x7C0;
	v8 =	vsub.s32 $0x5F3759DF, v8  }
0x1cb: {  	v10 =	vmul.f32 v8, v9;
	_ =	sdelay $0x1  }
0x1cc: {  	v10 =	vmul.f32 v8, v10;
	_ =	sdelay $0x1  }
0x1cd: {  	v10 =	vsub.f32 $1.500000000e+00, v10;
	_ =	sdelay $0x1  }
0x1ce: {  	v8 =	vmul.f32 v8, v10;
	_ =	sdelay $0x1  }
0x1cf: {  	v10 =	vmul.f32 v8, v9;
	_ =	sdelay $0x1  }
0x1d0: {  	v10 =	vmul.f32 v10, v8;
	_ =	sdelay $0x1  }
0x1d1: {  	v10 =	vsub.f32 $1.500000000e+00, v10;
	_ =	sdelay $0x1  }
0x1d2: {  	v8 =	vmul.f32 v10, v8;
	_ =	sdelay $0x1  }
0x1d3: {  	v9 =	vmul.f32 v8, v9;
	_ =	sdelay $0x1  }
0x1d4: {  	v9 =	vmul.f32 v9, v8;
	_ =	sdelay $0x1  }
0x1d5: {  	v9 =	vsub.f32 $1.500000000e+00, v9;
	_ =	sdelay $0x1  }
0x1d6: {  	v8 =	vmul.f32 v9, v8;
	_ =	sdelay $0x1  }
0x1d7: {  	v7 =	vmul.f32 v8, v7;
	_ =	sdelay $0x1  }
0x1d8: {  	v8 =	vsub.f32 $1.000000000e+00, v7;
	v9 =	vsub.f32 $2.000000000e+00, v7  }
0x1d9: {  	v10 =	vsub.f32 $3.000000000e+00, v7;
	v7 =	vadd.f32 $9.999999930e-09, v7  }
0x1da: {  	v8 =	vmax.f32 v8, $0.0e+00;
	v9 =	vmax.f32 v9, $0.0e+00  }
0x1db: {  	v10 =	vmax.f32 v10, $0.0e+00;
	v11 =	vmul.f32 v8, v8;
	v12 =	vmul.f32 v9, v9  }
0x1dc: {  	v13 =	vmul.f32 v10, v10  }
0x1dd: {  	v11 =	vmul.f32 v11, v11;
	v12 =	vmul.f32 v12, v12  }
0x1de: {  	(erf) = vrcp.f32 v7  }
0x1df: {  	v7 =	vmul.f32 v13, v13;
	v9 =	vmul.f32 v12, v9  }
0x1e0: {  	v8 =	vmul.f32 v11, v8;
	v12 =	vmul.f32 $6.000000000e+00, v12  }
0x1e1: {  	v10 =	vmul.f32 v7, v10;
	v9 =	vmul.f32 $6.000000000e+00, v9  }
0x1e2: {  	v11 =	vmul.f32 $1.500000000e+01, v11;
	v7 =	vsub.f32 v7, v12  }
0x1e3: {  	v8 =	vmul.f32 $1.500000000e+01, v8;
	v9 =	vsub.f32 v10, v9  }
0x1e4: {  	v7 =	vadd.f32 v7, v11  }
0x1e5: {  	v8 =	vadd.f32 v9, v8  }
0x1e6: {  	v7 =	vmul.f32 $-1.329985630e-02, v7  }
0x1e7: {  	v8 =	vmul.f32 $2.659971130e-03, v8;
	v9 =	vpop (erf);
	_ =	sdelay $0x1  }
0x1e8: {  	[tilespmem:s21+$0x0] =	vst v8;
	s21 =	smov.u32 s0  }
0x1e9: {  	[tilespmem:s20+$0x0] =	vst v3;
	s20 =	smov.u32 s2  }
0x1ea: {  	v3 =	vmul.f32 v7, v9;
	[tilespmem:s19+$0x0] =	vst v2;
	s19 =	smov.u32 s14  }
0x1eb: {  	[tilespmem:s16+$0x0] =	vst v1;
	s16 =	smov.u32 s9  }
0x1ec: {  	[tilespmem:s18+$0x0] =	vst v3;
	s18 =	smov.u32 s17  }
0x1ed: {  	v1 =	vld.idx.msk [tilespmem:v5+s30+$0x0], $0xffff  }
0x1ee: {  	v2 =	vld.idx.msk [tilespmem:v5+s31+$0x0], $0xffff  }
0x1ef: {  	v5 =	vld.idx.msk [tilespmem:v6+s30+$0x0], $0xffff  }
0x1f0: {  	v6 =	vld.idx.msk [tilespmem:v6+s31+$0x0], $0xffff  }
0x1f1: {  	v7 =	vld.idx.msk [tilespmem:v4+s31+$0x0], $0xffff  }
0x1f2: {  	v4 =	vld.idx.msk [tilespmem:v4+s30+$0x0], $0xffff;
	_ =	sdelay $0x1  }
0x1f3: {  	v3 =	vsub.f32 v1, v2;
	_ =	sdelay $0x1  }
0x1f4: {  	v2 =	vsub.f32 v5, v6;
	_ =	sdelay $0x1  }
0x1f5: {  	v1 =	vsub.f32 v4, v7;
	v4 =	vmul.f32 v3, v3;
	v5 =	vmul.f32 v2, v2;
	_ =	sdelay $0x1  }
0x1f6: {  	v4 =	vadd.f32 v5, v4;
	v5 =	vmul.f32 v1, v1  }
.Ltmp3:
0x1f7: {  	(pc) =	sbr.rel @p0 .LBB2_8-.Ltmp3, $4  }
0x1f8: {  	v6 =	vmov s15;
	v4 =	vadd.f32 v5, v4  }
0x1f9: {  	v5 =	vshll.u32 v6, $0x3  }
0x1fa: {  	s7 =	smov.u32 s13;
	v5 =	vor.u32 v0, v5;
	v7 =	vadd.f32 $1.000000020e-16, v4  }
0x1fb: {  	s14 =	sadd.s32 $0x10, s14;
	s9 =	sadd.s32 $0x10, s9;
	s17 =	sadd.s32 $0x10, s17;
	v6 =	vor.u32 $0x1, v5;
	v4 =	vor.u32 $0x2, v5  }
0x1fc: {  	v8 =	vshra.s32 v7, $0x1;
	v9 =	vmul.f32 $5.000000000e-01, v7  }
0x1fd: {  	v8 =	vsub.s32 $0x5F3759DF, v8  }
0x1fe: {  	v10 =	vmul.f32 v8, v9;
	_ =	sdelay $0x1  }
0x1ff: {  	v10 =	vmul.f32 v8, v10;
	_ =	sdelay $0x1  }
0x200: {  	v10 =	vsub.f32 $1.500000000e+00, v10;
	_ =	sdelay $0x1  }
0x201: {  	v8 =	vmul.f32 v8, v10;
	_ =	sdelay $0x1  }
0x202: {  	v10 =	vmul.f32 v8, v9;
	_ =	sdelay $0x1  }
0x203: {  	v10 =	vmul.f32 v10, v8;
	_ =	sdelay $0x1  }
0x204: {  	v10 =	vsub.f32 $1.500000000e+00, v10;
	_ =	sdelay $0x1  }
0x205: {  	v8 =	vmul.f32 v10, v8;
	_ =	sdelay $0x1  }
0x206: {  	v9 =	vmul.f32 v8, v9;
	_ =	sdelay $0x1  }
0x207: {  	v9 =	vmul.f32 v9, v8;
	_ =	sdelay $0x1  }
0x208: {  	v9 =	vsub.f32 $1.500000000e+00, v9;
	_ =	sdelay $0x1  }
0x209: {  	v8 =	vmul.f32 v9, v8;
	_ =	sdelay $0x1  }
0x20a: {  	v34 =	vmul.f32 v8, v7;
	_ =	sdelay $0x1  }
0x20b: {  	v8 =	vsub.f32 $2.000000000e+00, v34  }
0x20c: {  	v35 =	vsub.f32 $1.000000000e+00, v34  }
0x20d: {  	v36 =	vsub.f32 $3.000000000e+00, v34;
	v8 =	vmax.f32 v8, $0.0e+00  }
0x20e: {  	v9 =	vmax.f32 v35, $0.0e+00;
	v11 =	vmul.f32 v8, v8  }
0x20f: {  	v10 =	vmax.f32 v36, $0.0e+00;
	v12 =	vmul.f32 v9, v9  }
0x210: {  	v13 =	vmul.f32 v10, v10;
	v11 =	vmul.f32 v11, v11  }
0x211: {  	v7 =	vadd.f32 $9.999999930e-09, v34;
	v12 =	vmul.f32 v12, v12  }
0x212: {  	v13 =	vmul.f32 v13, v13;
	v8 =	vmul.f32 v11, v8  }
0x213: {  	(erf) = vrcp.f32 v7;
	v37 =	vmul.f32 v12, v9  }
0x214: {  	v38 =	vmul.f32 v13, v10;
	v8 =	vmul.f32 $6.000000000e+00, v8;
	_ =	sdelay $0x1  }
0x215: {  	v39 =	vmul.f32 $6.000000000e+00, v11;
	v7 =	vmul.f32 $1.500000000e+01, v37;
	v8 =	vsub.f32 v38, v8;
	_ =	sdelay $0x1  }
0x216: {  	v41 =	vmul.f32 $1.500000000e+01, v12;
	v40 =	vsub.f32 v13, v39;
	v7 =	vadd.f32 v8, v7;
	_ =	sdelay $0x1  }
0x217: {  	v42 =	vadd.f32 v40, v41;
	v7 =	vmul.f32 $2.659971130e-03, v7;
	_ =	sdelay $0x1  }
0x218: {  	v43 =	vmul.f32 $-1.329985630e-02, v42;
	[tilespmem:s21+$0x0] =	vst v7  }
0x219: {  	[tilespmem:s20+$0x0] =	vst v3;
	v3 =	vpop (erf)  }
0x21a: {  	[tilespmem:s19+$0x0] =	vst v2;
	v2 =	vmul.f32 v43, v3  }
0x21b: {  	[tilespmem:s16+$0x0] =	vst v1  }
0x21c: {  	[tilespmem:s18+$0x0] =	vst v2  }
0x21d: {  	v1 =	vld.idx.msk [tilespmem:v5+s30+$0x0], $0xffff  }
0x21e: {  	v2 =	vld.idx.msk [tilespmem:v5+s31+$0x0], $0xffff  }
0x21f: {  	v3 =	vld.idx.msk [tilespmem:v6+s30+$0x0], $0xffff  }
0x220: {  	v44 =	vld.idx.msk [tilespmem:v6+s31+$0x0], $0xffff  }
0x221: {  	v45 =	vld.idx.msk [tilespmem:v4+s31+$0x0], $0xffff  }
0x222: {  	v46 =	vld.idx.msk [tilespmem:v4+s30+$0x0], $0xffff;
	_ =	sdelay $0x2  }
0x223: {  	v1 =	vsub.f32 v1, v2;
	v2 =	vsub.f32 v3, v44;
	_ =	sdelay $0x1  }
0x224: {  	v3 =	vsub.f32 v46, v45;
	v47 =	vmul.f32 v1, v1;
	v5 =	vmul.f32 v2, v2;
	_ =	sdelay $0x1  }
0x225: {  	v48 =	vmul.f32 v3, v3;
	v4 =	vadd.f32 v5, v47;
	_ =	sdelay $0x1  }
0x226: {  	v4 =	vadd.f32 v48, v4;
	_ =	sdelay $0x1  }
0x227: {  	v4 =	vadd.f32 $1.000000020e-16, v4;
	_ =	sdelay $0x1  }
0x228: {  	v49 =	vshra.s32 v4, $0x1;
	v50 =	vmul.f32 $5.000000000e-01, v4  }
0x229: {  	v5 =	vsub.s32 $0x5F3759DF, v49  }
0x22a: {  	v51 =	vmul.f32 v5, v50;
	_ =	sdelay $0x1  }
0x22b: {  	v7 =	vmul.f32 v5, v51;
	_ =	sdelay $0x1  }
0x22c: {  	v7 =	vsub.f32 $1.500000000e+00, v7;
	_ =	sdelay $0x1  }
0x22d: {  	v5 =	vmul.f32 v5, v7;
	_ =	sdelay $0x1  }
0x22e: {  	v7 =	vmul.f32 v5, v50;
	_ =	sdelay $0x1  }
0x22f: {  	v7 =	vmul.f32 v7, v5;
	_ =	sdelay $0x1  }
0x230: {  	v7 =	vsub.f32 $1.500000000e+00, v7;
	_ =	sdelay $0x1  }
0x231: {  	v5 =	vmul.f32 v7, v5;
	_ =	sdelay $0x1  }
0x232: {  	v6 =	vmul.f32 v5, v50;
	_ =	sdelay $0x1  }
0x233: {  	v6 =	vmul.f32 v6, v5;
	_ =	sdelay $0x1  }
0x234: {  	v6 =	vsub.f32 $1.500000000e+00, v6;
	_ =	sdelay $0x1  }
0x235: {  	v5 =	vmul.f32 v6, v5;
	_ =	sdelay $0x1  }
0x236: {  	v4 =	vmul.f32 v5, v4;
	_ =	sdelay $0x1  }
0x237: {  	v5 =	vsub.f32 $2.000000000e+00, v4  }
0x238: {  	v52 =	vsub.f32 $1.000000000e+00, v4  }
0x239: {  	v53 =	vsub.f32 $3.000000000e+00, v4;
	v5 =	vmax.f32 v5, $0.0e+00  }
0x23a: {  	v6 =	vmax.f32 v52, $0.0e+00;
	v54 =	vmul.f32 v5, v5  }
0x23b: {  	v7 =	vmax.f32 v53, $0.0e+00;
	v55 =	vmul.f32 v6, v6  }
0x23c: {  	v56 =	vmul.f32 v7, v7;
	v8 =	vmul.f32 v54, v54  }
0x23d: {  	v4 =	vadd.f32 $9.999999930e-09, v4;
	v9 =	vmul.f32 v55, v55  }
0x23e: {  	v10 =	vmul.f32 v56, v56;
	v5 =	vmul.f32 v8, v5  }
0x23f: {  	(erf) = vrcp.f32 v4;
	v57 =	vmul.f32 v9, v6  }
0x240: {  	v58 =	vmul.f32 v10, v7;
	v5 =	vmul.f32 $6.000000000e+00, v5;
	_ =	sdelay $0x1  }
0x241: {  	v59 =	vmul.f32 $6.000000000e+00, v8;
	v4 =	vmul.f32 $1.500000000e+01, v57;
	v5 =	vsub.f32 v58, v5;
	_ =	sdelay $0x1  }
0x242: {  	v61 =	vmul.f32 $1.500000000e+01, v9;
	v60 =	vsub.f32 v10, v59;
	v4 =	vadd.f32 v5, v4;
	_ =	sdelay $0x1  }
0x243: {  	v62 =	vadd.f32 v60, v61;
	v4 =	vmul.f32 $2.659971130e-03, v4  }
0x244: {  	s0 =	sadd.s32 $0x10, s0  }
0x245: {  	s2 =	sadd.s32 $0x10, s2;
	v63 =	vmul.f32 $-1.329985630e-02, v62;
	[tilespmem:s0+$0x0] =	vst v4  }
0x246: {  	[tilespmem:s2+$0x0] =	vst v1;
	v1 =	vpop (erf)  }
0x247: {  	[tilespmem:s14+$0x0] =	vst v2;
	v1 =	vmul.f32 v63, v1  }
0x248: {  	[tilespmem:s9+$0x0] =	vst v3  }
0x249: {  	s6 =	simm.s32 $0x1F40;
	s7 =	simm.s32 $0x128E0;
	[tilespmem:s17+$0x0] =	vst v1  }
0x24a: {  	[spmem:s24] =	stream.indirect.scatter.add.f32 [tilespmem:s7], [sflag:$0x5], $0x1, s6, s29, $0xb8;
	[tilespmem:$0x16440] =	vst v63  }
0x24b: {  	s10 =	simm.s32 $0x13880;
	s9 =	rddreg [dreg:$0xf]  }
0x24c: {  	[hbm4b:s9+s4] =	stream.linear.scatter [tilespmem:s10], [sflag:$0x7], $0x7D0, $0x38;
	[tilespmem:$0x16440] =	vst v63  }
0x24d: {  	_ =	swait.ge [sflag:s26], $0x7D0  }
0x24e: {  	[sflag:s26] =	ssyncset.done $0x0  }
0x24f: {  	s14 =	simm.s32 $0x14050;
	s13 =	rddreg [dreg:$0x10];
	[sflag:s26] =	ssyncadd.s32 $0xFFFFF830  }
0x250: {  	[hbm4b:s13+s4] =	stream.linear.scatter [tilespmem:s14], [sflag:$0x7], $0x7D0, $0x38;
	[tilespmem:$0x16440] =	vst v63  }
0x251: {  	_ =	swait.ge [sflag:s26], $0x7D0  }
0x252: {  	[sflag:s26] =	ssyncset.done $0x0  }
0x253: {  	s16 =	simm.s32 $0x14820;
	s15 =	rddreg [dreg:$0x12];
	[sflag:s26] =	ssyncadd.s32 $0xFFFFF830  }
0x254: {  	[hbm4b:s15+s4] =	stream.linear.scatter [tilespmem:s16], [sflag:$0x7], $0x7D0, $0x38;
	[tilespmem:$0x16440] =	vst v63  }
0x255: {  	_ =	swait.ge [sflag:s26], $0x7D0  }
0x256: {  	[sflag:s26] =	ssyncset.done $0x0  }
0x257: {  	s18 =	simm.s32 $0x14FF0;
	s17 =	rddreg [dreg:$0x13];
	[sflag:s26] =	ssyncadd.s32 $0xFFFFF830  }
0x258: {  	[hbm4b:s17+s4] =	stream.linear.scatter [tilespmem:s18], [sflag:$0x7], $0x7D0, $0x38;
	[tilespmem:$0x16440] =	vst v63  }
0x259: {  	_ =	swait.ge [sflag:s26], $0x7D0  }
0x25a: {  	[sflag:s26] =	ssyncset.done $0x0  }
0x25b: {  	[sflag:s26] =	ssyncadd.s32 $0xFFFFF830  }
0x25c: {  	_ =	swait.ge [sflag:s8], $0x7D0  }
0x25d: {  	[sflag:s8] =	ssyncset.done $0x0  }
0x25e: {  	s19 =	simm.s32 $0x6;
	[sflag:s8] =	ssyncadd.s32 $0xFFFFF830  }
0x25f: {  	_ =	swait.ge [sflag:s19], $0x7D0  }
0x260: {  	[sflag:s19] =	ssyncset.done $0x0  }
0x261: {  	[sflag:s19] =	ssyncadd.s32 $0xFFFFF830  }
0x262: {  	[bflag:$0x0] =	sbarrier.arrive $0xFFFF  }
0x263: {  	s8 =	rddreg [dreg:$0x9]  }
0x264: {  	s20 =	rddreg [dreg:$0x11]  }
0x265: {  	s21 =	rddreg [dreg:$0x16]  }
0x266: {  	[hbm:s20], [sflag:s8] =	dma.local [spmem:s21], $0x190  }
0x267: {  	_ =	swait.ge [sflag:s26], $0x190  }
0x268: {  	s22 =	rddreg [dreg:$0x15]  }
0x269: {  	s23 =	rddreg [dreg:$0x14];
	s2 =	sadd.s32 $0x1, s22  }
0x26a: {  	p0 =	sne.s32 s2, s23  }
.Ltmp4:
0x26b: {  	_ = 	snop;
	(pc) =	sbr.rel @p0 .LBB2_1-.Ltmp4, $3  }
0x26c: {  	_ =	sdelay $0x1  }
0x26d: {  	[sflag:s26] =	ssyncset.done $0x0  }
0x26e: {  	[sflag:s26] =	ssyncadd.s32 $0xFFFFFE70  }
0x26f: {  	_ =	sfence.sel $0x180000  }
0x270: {  	[bflag:$0x0] =	sbarrier.arrive $0xFFFF  }
0x271: {  	_ =	strace $0x90000047  }
0x272: {  	s0 =	stileid.u32;
	[bflag:$0x2] =	sbarrier.arrive $0xFFFF  }
0x273: {  	p0 =	sne.s32 s0, $0x0;
	s0 =	rddreg [dreg:$0x4]  }
0x274: {  	s0 =	sadd.s32 @!p0 $0x100000, s0  }
0x275: {  	[sflag:s0] =	ssyncadd.tile.s32 @!p0 $0x1;
	_ =	shalt  }
.Lfunc_end2:
_tile_overlayer_lowered:
.L_overlay_start_2:
0x276: {  	(tag) =	ssettag $0x2  }
0x277: {  	s0 =	rddreg [dreg:$0x0];
	s2 =	stileid.u32  }
0x278: {  	s1 =	rddreg [dreg:$0x1];
	p0 =	sne.s32 s2, $0x0  }
0x279: {  	s3 =	rddreg [dreg:$0x2];
	[bflag:$0x3] =	sbarrier.arrive $0xFFFF;
	s2 =	simm.s32 @!p0 $0x1C07  }
0x27a: {  	[timem:s3], [sflag:s2] =	dma.local @!p0 [hbm:s0], s1  }
0x27b: {  	s0 =	simm.s32 @!p0 $0x7  }
0x27c: {  	_ =	swait.ge @!p0 [sflag:s0], s1  }
0x27d: {  	s1 =	ssub.s32 @!p0 $0x0, s1;
	[sflag:s0] =	ssyncset.done @!p0 $0x0  }
0x27e: {  	[sflag:s0] =	ssyncadd.s32 @!p0 s1  }
0x27f: {  	[bflag:$0x3] =	sbarrier.arrive $0xFFFF  }
0x280: {  	_ =	shalt  }

// kernel: kernel.8.cloned.1.call-start
scs
__scs_entry_jumppad:
0x0: {  	(pc) =	sbr.rel $0x88, $3  }
0x1: {  	(tag) =	ssettag $0x0;
	lr =	simm.s32 $0x1  }
0x2: {  	[smem:$0x3F9E] =	sst lr;
	_ =	strace $0xD0000000  }
0x3: {  	_ = 	snop  }
0x4: {  	_ = 	snop  }
0x5: {  	_ = 	snop  }
0x6: {  	_ = 	snop  }
0x7: {  	_ = 	snop  }
__scs_overlays_trampoline_lowered:
0x8: {  	[smem:$0x3FAD] =	sst s0  }
0x9: {  	[smem:$0x3FAE] =	sst s1  }
0xa: {  	[smem:$0x3FAF] =	sst s2  }
0xb: {  	[smem:$0x3FB0] =	sst s3  }
0xc: {  	[smem:$0x3FB1] =	sst s4  }
0xd: {  	[smem:$0x3FB2] =	sst s5  }
0xe: {  	[smem:$0x3FB3] =	sst s6  }
0xf: {  	[smem:$0x3FB4] =	sst s7  }
0x10: {  	[smem:$0x3FB5] =	sst s8  }
0x11: {  	[smem:$0x3FB6] =	sst s9;
	s0 =	simm.s32 @!p0 $0x0  }
0x12: {  	s1 =	sld [smem:$0x3F9C];
	s0 =	simm.s32 @p0 $0x1  }
0x13: {  	[smem:$0x3FB7] =	sst s0;
	s0 =	simm.s32 @!p1 $0x0  }
0x14: {  	s2 =	sld [smem:$0x3F9B];
	s0 =	simm.s32 @p1 $0x1  }
0x15: {  	[smem:$0x3FB8] =	sst s0;
	s0 =	simm.s32 @!p2 $0x0  }
0x16: {  	s3 =	sld [smem:$0x3FDB];
	s0 =	simm.s32 @p2 $0x1  }
0x17: {  	s4 =	simm.s32 $0x1BF5;
	[smem:$0x3FBA] =	sst s0  }
0x18: {  	s0 =	sld [smem:$0x3F9D];
	_ =	swait.ge [sflag:s4], $0x0  }
0x19: {  	s7 =	sld [smem:$0x3F9E]  }
0x1a: {  	s8 =	sadd.s32 $0xFFFFE003, lr  }
0x1b: {  	s9 =	sadd.s32 $0xFFFFFEF7, lr;
	s5 =	simm.s32 $0xFFFFFFFF;
	p2 =	slt.u32 s8, $0xFFFFF086  }
0x1c: {  	p1 =	slt.u32 s9, $0xF7A;
	s5 =	simm.s32 @!p2 $0x0  }
0x1d: {  	s5 =	simm.s32 @p1 $0x1;
	p0 =	seq.s32 s7, s2  }
0x1e: {  	s7 =	smul.u32 @!p0 $0xF7A, s2;
	p2 =	seq.s32 @!p0 s5, $0x0  }
0x1f: {  	s9 =	smul.u32 $0xF7A, s1;
	s8 =	simm.s32 @!p0 $0x1BF5;
	p2 =	por !p2, p0  }
0x20: {  	[sflag:s8] =	ssyncset.s32 @!p0 $0xFFFFF086;
	s6 =	sadd.s32 @!p0 s3, s7;
	s7 =	simm.s32 @!p0 $0x108  }
0x21: {  	s3 =	sadd.s32 s3, s9;
	s6 =	sadd.s32 @!p0 $0x88, s6;
	s7 =	simm.s32 @p2 $0x1082  }
0x22: {  	[simem:s7], [sflag:s8] =	dma.local @!p0 [hbm:s6], $0xF7A  }
0x23: {  	s9 =	sor.u32 $0xD0000000, s2;
	s6 =	simm.s32 $0x108;
	_ =	swait.ge @!p0 [sflag:s8], $0x0  }
0x24: {  	s3 =	sadd.s32 $0x88, s3;
	s6 =	simm.s32 @!p1 $0x1082;
	[sflag:s4] =	ssyncset.s32 $0xFFFFF086  }
0x25: {  	[simem:s6], [sflag:s4] =	dma.local [hbm:s3], $0xF7A  }
0x26: {  	[smem:$0x3F9E] =	sst s1;
	(tag) =	ssettag s2;
	_ =	strace s9  }
0x27: {  	s1 =	sld [smem:$0x3FAE]  }
0x28: {  	s2 =	sld [smem:$0x3FAF]  }
0x29: {  	s4 =	sld [smem:$0x3FB1]  }
0x2a: {  	p0 =	seq.s32 s5, $0x0;
	s5 =	sld [smem:$0x3FB2]  }
0x2b: {  	s6 =	sld [smem:$0x3FB3]  }
0x2c: {  	s7 =	sld [smem:$0x3FB4]  }
0x2d: {  	s3 =	simm.s32 $0x108;
	s8 =	sld [smem:$0x3FB5]  }
0x2e: {  	s3 =	simm.s32 @!p0 $0x1082;
	s9 =	sld [smem:$0x3FB6]  }
0x2f: {  	lr =	sadd.s32 s0, s3;
	s0 =	sld [smem:$0x3FAD]  }
0x30: {  	s3 =	sld [smem:$0x3FB0]  }
0x31: {  	[smem:$0x3FB9] =	sst s10  }
0x32: {  	s10 =	sld [smem:$0x3FB7];
	_ =	sdelay $0x3  }
0x33: {  	p0 =	seq.s32 s10, $0x1;
	s10 =	sld [smem:$0x3FB9];
	_ =	sdelay $0x3  }
0x34: {  	[smem:$0x3FB9] =	sst s10  }
0x35: {  	s10 =	sld [smem:$0x3FB8];
	_ =	sdelay $0x3  }
0x36: {  	p1 =	seq.s32 s10, $0x1;
	s10 =	sld [smem:$0x3FB9];
	_ =	sdelay $0x3  }
0x37: {  	[smem:$0x3FB9] =	sst s10  }
0x38: {  	s10 =	sld [smem:$0x3FBA]  }
0x39: {  	_ = 	snop;
	(pc) =	sbr.ind lr, $3  }
0x3a: {  	_ = 	snop  }
0x3b: {  	_ = 	snop  }
0x3c: {  	p2 =	seq.s32 s10, $0x1;
	s10 =	sld [smem:$0x3FB9]  }
0x3d: {  	_ =	shalt  }
0x3e: {  	_ =	shalt  }
0x3f: {  	_ =	shalt  }
0x40: {  	_ =	shalt  }
0x41: {  	_ =	shalt  }
0x42: {  	_ =	shalt  }
0x43: {  	_ =	shalt  }
0x44: {  	_ =	shalt  }
0x45: {  	_ =	shalt  }
0x46: {  	_ =	shalt  }
0x47: {  	_ =	shalt  }
0x48: {  	_ =	shalt  }
0x49: {  	_ =	shalt  }
0x4a: {  	_ =	shalt  }
0x4b: {  	_ =	shalt  }
0x4c: {  	_ =	shalt  }
0x4d: {  	_ =	shalt  }
0x4e: {  	_ =	shalt  }
0x4f: {  	_ =	shalt  }
0x50: {  	_ =	shalt  }
0x51: {  	_ =	shalt  }
0x52: {  	_ =	shalt  }
0x53: {  	_ =	shalt  }
0x54: {  	_ =	shalt  }
0x55: {  	_ =	shalt  }
0x56: {  	_ =	shalt  }
0x57: {  	_ =	shalt  }
0x58: {  	_ =	shalt  }
0x59: {  	_ =	shalt  }
0x5a: {  	_ =	shalt  }
0x5b: {  	_ =	shalt  }
0x5c: {  	_ =	shalt  }
0x5d: {  	_ =	shalt  }
0x5e: {  	_ =	shalt  }
0x5f: {  	_ =	shalt  }
0x60: {  	_ =	shalt  }
0x61: {  	_ =	shalt  }
0x62: {  	_ =	shalt  }
0x63: {  	_ =	shalt  }
0x64: {  	_ =	shalt  }
0x65: {  	_ =	shalt  }
0x66: {  	_ =	shalt  }
0x67: {  	_ =	shalt  }
0x68: {  	_ =	shalt  }
0x69: {  	_ =	shalt  }
0x6a: {  	_ =	shalt  }
0x6b: {  	_ =	shalt  }
0x6c: {  	_ =	shalt  }
0x6d: {  	_ =	shalt  }
0x6e: {  	_ =	shalt  }
0x6f: {  	_ =	shalt  }
0x70: {  	_ =	shalt  }
0x71: {  	_ =	shalt  }
0x72: {  	_ =	shalt  }
0x73: {  	_ =	shalt  }
0x74: {  	_ =	shalt  }
0x75: {  	_ =	shalt  }
0x76: {  	_ =	shalt  }
0x77: {  	_ =	shalt  }
0x78: {  	_ =	shalt  }
0x79: {  	_ =	shalt  }
0x7a: {  	_ =	shalt  }
0x7b: {  	_ =	shalt  }
0x7c: {  	_ =	shalt  }
0x7d: {  	_ =	shalt  }
0x7e: {  	_ =	shalt  }
0x7f: {  	_ =	shalt  }
0x80: {  	_ =	shalt  }
0x81: {  	_ =	shalt  }
0x82: {  	_ =	shalt  }
0x83: {  	_ =	shalt  }
0x84: {  	_ =	shalt  }
0x85: {  	_ =	shalt  }
0x86: {  	_ =	shalt  }
0x87: {  	_ =	shalt  }
.Lfunc_end0:
.L_simem_size_0:
called_computation.1_lowered:
.L_overlay_start_0:
0x88: {  	s2 =	sld [smem:$0x3FD9]  }
0x89: {  	s3 =	sld [smem:$0x3FFE];
	_ =	sdelay $0x1  }
0x8a: {  	s1 =	srdreg.scid  }
0x8b: {  	s0 =	sand.u32 $0x1, s1  }
0x8c: {  	s14 =	sshll.u32 s0, $0xA;
	s2 =	sadd.s32 s3, s2  }
0x8d: {  	s2 =	sadd.s32 s2, s14  }
0x8e: {  	[smem:$0x3FC5] =	sst s2  }
0x8f: {  	_ = 	snop  }
0x90: {  	s2 =	sld [smem:$0x3FD0];
	_ =	sdelay $0x2  }
0x91: {  	s15 =	simm.s32 $0xA;
	s4 =	simm.s32 $0x10  }
0x92: {  	[smem:s4], [sflag:s15] =	dma.local [hbm:s2], $0x1  }
0x93: {  	_ =	swait.eq [sflag:s15], $0x1  }
0x94: {  	[sflag:s15] =	ssyncset.done $0x0  }
0x95: {  	s16 =	sld [smem:$0x11];
	[sflag:s15] =	ssyncadd.s32 $0xFFFFFFFF  }
0x96: {  	s17 =	sld [smem:$0x13];
	(tm) =	ssettm $0x1  }
0x97: {  	s18 =	sld [smem:$0x3FFB];
	_ =	sdelay $0x3  }
0x98: {  	_ =	strace s18  }
0x99: {  	s4 =	sld [smem:$0x3FFC];
	_ =	sdelay $0x3  }
0x9a: {  	_ =	strace s4  }
0x9b: {  	s4 =	sld [smem:$0x3FFD];
	_ =	sdelay $0x3  }
0x9c: {  	_ =	strace s4  }
0x9d: {  	_ =	strace $0x8FFFFFFF  }
0x9e: {  	s19 =	sld [smem:$0x3FDB];
	_ =	sdelay $0x1  }
0x9f: {  	s5 =	simm.s32 $_scs_section_size  }
0xa0: {  	s6 =	simm.s32 $_size__tile_overlayer_lowered;
	s7 =	simm.s32 $_tile_overlayer_lowered  }
0xa1: {  	s22 =	simm.s32 $0x1BFF;
	s21 =	sshll.u32 s7, $0x1;
	s4 =	sadd.s32 s5, s19  }
0xa2: {  	s8 =	simm.s32 $0x0;
	s20 =	sshll.u32 s6, $0x1;
	s6 =	sadd.s32 s21, s4  }
0xa3: {  	[timem:s8], [sflag:s22] =	dma.local [hbm:s6], s20  }
0xa4: {  	_ =	swait.ge [sflag:s22], s20  }
0xa5: {  	s5 =	ssub.s32 $0x0, s20;
	[sflag:s22] =	ssyncset.done $0x0  }
0xa6: {  	[sflag:s22] =	ssyncadd.s32 s5;
	_ =	sdelay $0x1  }
0xa7: {  	s23 =	simm.s32 $0x1B8B  }
0xa8: {  	_ =	swait.ge [sflag:s23], $0x1  }
0xa9: {  	[sflag:s23] =	ssyncset.done $0x0  }
0xaa: {  	s25 =	simm.s32 $0x1B8E;
	s24 =	sld [smem:$0x3FFE];
	[sflag:s23] =	ssyncadd.s32 $0xFFFFFFFF  }
0xab: {  	s26 =	simm.s32 $execute0_lowered;
	[smem:$0x3FD2] =	sst s25  }
0xac: {  	s6 =	sshll.u32 s26, $0x1;
	_ =	strace $0x80000049;
	[dreg:$0x1] =	wrdreg $0xFFFFFFFF  }
0xad: {  	s28 =	simm.s32 $_size_execute0_lowered;
	s4 =	sadd.s32 s4, s6;
	[dreg:$0x0] =	wrdreg $0x0  }
0xae: {  	s6 =	sshll.u32 s28, $0x1;
	[dreg:$0x2] =	wrdreg s4  }
0xaf: {  	[dreg:$0x3] =	wrdreg s6  }
0xb0: {  	[dreg:$0x4] =	wrdreg $0xC0  }
0xb1: {  	_ =	task [dreg:s8], $0x5FFFF  }
0xb2: {  	[dreg:$0x1] =	wrdreg $0xFFFFFFFF  }
0xb3: {  	[dreg:$0x0] =	wrdreg $0x60  }
0xb4: {  	[dreg:$0x2] =	wrdreg s24  }
0xb5: {  	[dreg:$0x3] =	wrdreg s16  }
0xb6: {  	[dreg:$0x4] =	wrdreg s17  }
0xb7: {  	[dreg:$0x5] =	wrdreg $0x1DB000  }
0xb8: {  	[dreg:$0x6] =	wrdreg $0x1E7380  }
0xb9: {  	[dreg:$0x7] =	wrdreg $0x1F3700  }
0xba: {  	[dreg:$0x8] =	wrdreg $0x9  }
0xbb: {  	_ =	task.clear_ibuf [dreg:s8], $0x9FFFF;
	_ =	strace $0x90000049  }
0xbc: {  	s29 =	simm.s32 $0x9;
	_ =	strace $0x8000004B  }
0xbd: {  	_ =	swait.ge [sflag:s29], $0x1  }
0xbe: {  	[sflag:s29] =	ssyncadd.s32 $0xFFFFFFFF  }
0xbf: {  	_ =	strace $0x9000004B  }
0xc0: {  	_ =	sfence  }
0xc1: {  	s30 =	sld [smem:$0x0];
	_ =	sdelay $0x2  }
0xc2: {  	s31 =	sshll.u32 s1, $0xD;
	s1 =	sshrl.u32 s1, $0x2  }
0xc3: {  	s3 =	sand.u32 $0x4000, s31;
	s1 =	sadd.s32 s1, s30  }
0xc4: {  	s0 =	sor.u32 s3, s0;
	s1 =	sshll.u32 s1, $0x11  }
0xc5: {  	s0 =	sor.u32 s1, s0  }
0xc6: {  	s0 =	sadd.s32 $0x8F2B, s0  }
0xc7: {  	[sflag:s0] =	ssyncadd.remote.s32 $0x1  }
0xc8: {  	_ =	sfence.sel $0xFFFF  }
0xc9: {  	[dreg:$0x0] =	wrdreg $0xFFFFFFFF;
	(pc) =	sbr.abs _section_cstart, $3  }
0xca: {  	[dreg:$0x1] =	wrdreg $0xFFFFFFFF  }
0xcb: {  	_ =	task.clear_ibuf [dreg:s8], $0x2FFFF;
	_ =	strace $0x9FFFFFFF  }
0xcc: {  	(tm) =	ssettm $0x7FFFFFFF  }
0xcd: {  	_ =	shalt  }
tec
execute0_lowered:
.L_overlay_start_1:
0x0: {  	(tag) =	ssettag $0x1  }
0x1: {  	s0 =	rddreg [dreg:$0x0]  }
0x2: {  	s1 =	rddreg [dreg:$0x1]  }
0x3: {  	s23 =	rddreg [dreg:$0x3]  }
0x4: {  	s24 =	rddreg [dreg:$0x4];
	s16 =	stileid.u32  }
0x5: {  	s17 =	rddreg [dreg:$0x5];
	s3 =	smul.u32 $0xC38, s16  }
0x6: {  	s25 =	simm.s32 $0x0;
	s2 =	srdreg.scid;
	s8 =	smul.u32 $0xC80, s16  }
0x7: {  	[smem:$0x7FF] =	sst s25;
	s10 =	smul.u32 $0x6400, s16  }
0x8: {  	s2 =	sand.u32 $0x1, s2;
	s11 =	sadd.s32 $0x124200, s0;
	s14 =	sadd.s32 $0x125C00, s0  }
0x9: {  	s5 =	sadd.s32 $0xF5600, s0;
	_ =	strace $0x8000004A;
	s4 =	smul.u32 $0x24A80, s2  }
0xa: {  	s9 =	ssub.s32 $0x2, s2;
	s13 =	smul.u32 $0x64000, s2;
	s21 =	sshrl.u32 s8, $0x3  }
0xb: {  	p0 =	sne.s32 s2, $0x0;
	s6 =	sadd.s32 s1, s21;
	s7 =	sadd.s32 s11, s21  }
0xc: {  	s15 =	sadd.s32 s10, s13;
	s22 =	sadd.s32 s14, s21;
	[dreg:$0x8] =	wrdreg s7  }
0xd: {  	s21 =	sshrl.u32 s13, $0x3;
	s13 =	sadd.s32 $0x132600, s0;
	[dreg:$0x9] =	wrdreg s22  }
0xe: {  	s12 =	sshrl.u32 s9, $0x1;
	s10 =	sshrl.u32 s10, $0x3;
	[dreg:$0x15] =	wrdreg s13  }
0xf: {  	s8 =	sadd.s32 $0x640, s8;
	s19 =	sadd.s32 s5, s10;
	[dreg:$0x7] =	wrdreg s6  }
0x10: {  	s9 =	ssub.s32 s9, s12;
	s5 =	sadd.s32 s5, s8;
	[dreg:$0xd] =	wrdreg s19  }
0x11: {  	s18 =	sshrl.u32 s15, $0x3;
	s15 =	sadd.s32 s3, s24;
	[dreg:$0xf] =	wrdreg s5  }
0x12: {  	s7 =	sshrl.u32 s8, $0x3;
	s10 =	sadd.s32 $0xC4800, s0;
	[dreg:$0x18] =	wrdreg s15  }
0x13: {  	s4 =	sadd.s32 s3, s4;
	s1 =	sadd.s32 s1, s7;
	[dreg:$0x14] =	wrdreg s10  }
0x14: {  	s4 =	sshrl.u32 s4, $0x3;
	s11 =	sadd.s32 s11, s7;
	[dreg:$0xa] =	wrdreg s1  }
0x15: {  	s12 =	sadd.s32 s14, s7;
	s14 =	sadd.s32 $0x101E00, s0;
	[dreg:$0xb] =	wrdreg s11  }
0x16: {  	s5 =	sshll.u32 s16, $0x1;
	s7 =	sadd.s32 $0x62C00, s0;
	[dreg:$0xc] =	wrdreg s12  }
0x17: {  	s20 =	sadd.s32 s14, s18;
	s8 =	sadd.s32 s14, s8;
	[dreg:$0x11] =	wrdreg s7  }
0x18: {  	s19 =	sadd.s32 s14, s21;
	s14 =	sadd.s32 s3, s23;
	[dreg:$0xe] =	wrdreg s20  }
0x19: {  	s12 =	sshll.u32 s16, $0x6;
	s16 =	sadd.s32 s3, s17;
	[dreg:$0x17] =	wrdreg s14  }
0x1a: {  	s1 =	sor.u32 s2, s5;
	s22 =	sadd.s32 s21, s8;
	[dreg:$0x19] =	wrdreg s16  }
0x1b: {  	s2 =	sadd.s32 s4, s0;
	s8 =	sadd.s32 $0x93A00, s0;
	[dreg:$0x10] =	wrdreg s22  }
0x1c: {  	s14 =	sadd.s32 $0x11C670, s2;
	[dreg:$0x13] =	wrdreg s8  }
0x1d: {  	s15 =	sadd.s32 $0x11DEE0, s2;
	[smem:$0x7F7] =	sst s14  }
0x1e: {  	s4 =	smul.u32 $0xC350, s1;
	s16 =	smax.u32 s9, $0x1;
	[smem:$0x7F8] =	sst s15  }
0x1f: {  	s1 =	sor.u32 $0x1C07, s12;
	[smem:$0x7F9] =	sst s16  }
0x20: {  	s28 =	sadd.s32 $0x31E00, s0;
	[dreg:$0x16] =	wrdreg s1;
	s18 =	sshrl.u32 s4, $0x3  }
0x21: {  	s26 =	sadd.s32 $0x1000, s0;
	[dreg:$0x12] =	wrdreg s4;
	s20 =	sadd.s32 s28, s18  }
0x22: {  	s21 =	sadd.s32 s26, s18;
	[dreg:$0x1a] =	wrdreg s20  }
0x23: {  	s0 =	sadd.s32 $0x1770, s18;
	s18 =	sadd.s32 $0x1900, s6;
	[dreg:$0x1b] =	wrdreg s21  }
0x24: {  	s22 =	sadd.s32 s28, s0;
	[smem:$0x7FA] =	sst s18  }
0x25: {  	s29 =	simm.s32 $0x7;
	s5 =	sadd.s32 s7, s0;
	[dreg:$0x1c] =	wrdreg s22  }
0x26: {  	s30 =	simm.s32 $0x17700;
	s11 =	sadd.s32 s8, s0;
	[dreg:$0x1d] =	wrdreg s5  }
0x27: {  	s31 =	simm.s32 $0x1A900;
	s12 =	sadd.s32 s10, s0;
	[dreg:$0x1e] =	wrdreg s11  }
0x28: {  	s15 =	simm.s32 $0x7D0;
	s0 =	sadd.s32 s13, s0;
	[dreg:$0x1f] =	wrdreg s12  }
0x29: {  	s14 =	simm.s32 $0xEA60;
	s13 =	sadd.s32 $0x11AE00, s2;
	[smem:$0x7F5] =	sst s0  }
0x2a: {  	s16 =	simm.s32 $0x1F40;
	s20 =	sadd.s32 $0x19C8, s6;
	[smem:$0x7F6] =	sst s13  }
0x2b: {  	s21 =	sadd.s32 $0x7D0, s4;
	s10 =	simm.s32 $0x2EE0;
	[smem:$0x7FB] =	sst s20  }
0x2c: {  	v0 =	vlaneseq.u32;
	s2 =	simm.s32 $0x0;
	[smem:$0x7FC] =	sst s21;
	s22 =	sadd.s32 $0xFA0, s4  }
0x2d: {  	v0 =	vmul.u32 $0x8, v0;
	s11 =	simm.s32 $0xABE0;
	s13 =	simm.s32 $0x6D60;
	[smem:$0x7FD] =	sst s22  }
.LBB2_1:
0x2e: {  	[smem:$0x7F1] =	sst s2  }
0x2f: {  	s0 =	rddreg [dreg:$0x17]  }
0x30: {  	s5 =	rddreg [dreg:$0x2];
	s4 =	sshrl.u32 s0, $0x3  }
0x31: {  	[smem:$0x7F2] =	sst s4  }
0x32: {  	[spmem:s4], [sflag:s1] =	dma.local [hbm:s5], $0x187  }
0x33: {  	_ =	swait.ge [sflag:s29], $0x187  }
0x34: {  	s6 =	rddreg [dreg:$0x18]  }
0x35: {  	[sflag:s29] =	ssyncset.done $0x0;
	s2 =	sshrl.u32 s6, $0x3  }
0x36: {  	[sflag:s29] =	ssyncadd.s32 $0xFFFFFE79;
	[smem:$0x7F3] =	sst s2  }
0x37: {  	[spmem:s2], [sflag:s1] =	dma.local [hbm:s5], $0x187  }
0x38: {  	_ =	swait.ge [sflag:s29], $0x187  }
0x39: {  	s7 =	rddreg [dreg:$0x19]  }
0x3a: {  	[sflag:s29] =	ssyncset.done $0x0;
	s2 =	sshrl.u32 s7, $0x3  }
0x3b: {  	[sflag:s29] =	ssyncadd.s32 $0xFFFFFE79;
	[smem:$0x7F4] =	sst s2  }
0x3c: {  	[spmem:s2], [sflag:s1] =	dma.local [hbm:s5], $0x187  }
0x3d: {  	_ =	swait.ge [sflag:s29], $0x187  }
0x3e: {  	[sflag:s29] =	ssyncset.done $0x0  }
0x3f: {  	s8 =	rddreg [dreg:$0xd];
	[sflag:s29] =	ssyncadd.s32 $0xFFFFFE79  }
0x40: {  	[tilespmem:s30], [sflag:$0x7] =	stream.linear.gather [hbm4b:s8+s25], $0x3200, $0x38;
	[tilespmem:$0x1FFA8] =	vst v63  }
0x41: {  	_ =	swait.ge [sflag:s29], $0x3200  }
0x42: {  	[sflag:s29] =	ssyncset.done $0x0  }
0x43: {  	s12 =	simm.s32 $0x128E0;
	s9 =	rddreg [dreg:$0x7];
	[sflag:s29] =	ssyncadd.s32 $0xFFFFCE00  }
0x44: {  	[tilespmem:s12], [sflag:$0x7] =	stream.linear.gather [hbm4b:s9+s25], $0x640, $0x38;
	[tilespmem:$0x1FFA8] =	vst v63  }
0x45: {  	_ =	swait.ge [sflag:s29], $0x640  }
0x46: {  	s18 =	sld [smem:$0x7FA]  }
0x47: {  	[sflag:s29] =	ssyncset.done $0x0  }
0x48: {  	s20 =	simm.s32 $0x130B0;
	[sflag:s29] =	ssyncadd.s32 $0xFFFFF9C0  }
0x49: {  	[tilespmem:s20], [sflag:$0x7] =	stream.linear.gather [hbm4b:s18+s25], $0x640, $0x38;
	[tilespmem:$0x1FFA8] =	vst v63  }
0x4a: {  	_ =	swait.ge [sflag:s29], $0x640  }
0x4b: {  	[sflag:s29] =	ssyncset.done $0x0  }
0x4c: {  	[sflag:s29] =	ssyncadd.s32 $0xFFFFF9C0  }
0x4d: {  	v1 =	vld [tilespmem:s12+$0x0]  }
0x4e: {  	v2 =	vld [tilespmem:s20+$0x0];
	_ =	sdelay $0x4  }
0x4f: {  	v3 =	vmov s25;
	v1 =	vadd.f32 v2, v1  }
0x50: {  	v2 =	vshll.u32 v3, $0x3  }
0x51: {  	v2 =	vor.u32 v0, v2;
	v3 =	vadd.f32 $-1.000000000e+00, v1  }
0x52: {  	v4 =	vor.u32 $0x1, v2  }
0x53: {  	s21 =	simm.s32 $0x14050;
	v5 =	vor.u32 $0x2, v2;
	v3 =	vmul.f32 $1.000000000e+02, v3  }
0x54: {  	s22 =	simm.s32 $0x13880;
	[tilespmem:s21+$0x0] =	vst v1  }
0x55: {  	[tilespmem:s22+$0x0] =	vst v3  }
0x56: {  	v3 =	vld.idx.msk [tilespmem:v2+s30+$0x0], $0xffff  }
0x57: {  	v6 =	vld.idx.msk [tilespmem:v4+s30+$0x0], $0xffff  }
0x58: {  	v7 =	vld.idx.msk [tilespmem:v5+s30+$0x0], $0xffff  }
0x59: {  	v8 =	vor.u32 $0x3, v2;
	_ =	sdelay $0x1  }
0x5a: {  	[tilespmem:v2+s31+$0x0] =	vst.idx.msk $0xffff, v3  }
0x5b: {  	[tilespmem:v4+s31+$0x0] =	vst.idx.msk $0xffff, v6  }
0x5c: {  	[tilespmem:v5+s31+$0x0] =	vst.idx.msk $0xffff, v7  }
0x5d: {  	s2 =	simm.s32 $0x128F0;
	[tilespmem:v8+s31+$0x0] =	vst.idx.msk $0xffff, v1  }
0x5e: {  	s5 =	simm.s32 $0x130C0;
	v1 =	vld [tilespmem:s2+$0x0]  }
0x5f: {  	v2 =	vld [tilespmem:s5+$0x0];
	_ =	sdelay $0x1  }
0x60: {  	s3 =	simm.s32 $0x10  }
0x61: {  	s0 =	simm.s32 $0x13880;
	s1 =	simm.s32 $0x14050;
	s8 =	simm.s32 $0x20  }
.LBB2_2:
0x62: {  	p1 =	sne.s32 s8, $0x630  }
0x63: {  	v3 =	vmov s3;
	s3 =	smov.u32 s8;
	v1 =	vadd.f32 v2, v1  }
0x64: {  	s1 =	sadd.s32 $0x10, s1;
	v2 =	vshll.u32 v3, $0x3  }
0x65: {  	v2 =	vor.u32 v0, v2;
	[tilespmem:s1+$0x0] =	vst v1;
	v3 =	vadd.f32 $-1.000000000e+00, v1  }
0x66: {  	v4 =	vor.u32 $0x1, v2  }
0x67: {  	v5 =	vor.u32 $0x2, v2;
	v3 =	vmul.f32 $1.000000000e+02, v3  }
0x68: {  	s0 =	sadd.s32 $0x10, s0  }
0x69: {  	[tilespmem:s0+$0x0] =	vst v3  }
0x6a: {  	v3 =	vld.idx.msk [tilespmem:v2+s30+$0x0], $0xffff  }
0x6b: {  	v6 =	vld.idx.msk [tilespmem:v4+s30+$0x0], $0xffff  }
0x6c: {  	v7 =	vld.idx.msk [tilespmem:v5+s30+$0x0], $0xffff;
	_ =	sdelay $0x1  }
0x6d: {  	v8 =	vor.u32 $0x3, v2;
	_ =	sdelay $0x1  }
0x6e: {  	[tilespmem:v2+s31+$0x0] =	vst.idx.msk $0xffff, v3  }
0x6f: {  	[tilespmem:v4+s31+$0x0] =	vst.idx.msk $0xffff, v6  }
0x70: {  	[tilespmem:v5+s31+$0x0] =	vst.idx.msk $0xffff, v7  }
0x71: {  	s2 =	sadd.s32 $0x10, s2;
	[tilespmem:v8+s31+$0x0] =	vst.idx.msk $0xffff, v1  }
.Ltmp0:
0x72: {  	s5 =	sadd.s32 $0x10, s5;
	v1 =	vld [tilespmem:s2+$0x0];
	(pc) =	sbr.rel @p1 .LBB2_2-.Ltmp0, $2  }
0x73: {  	v2 =	vld [tilespmem:s5+$0x0];
	_ =	sdelay $0x2  }
0x74: {  	s8 =	sadd.s32 $0x10, s8  }
0x75: {  	_ = 	snop  }
0x76: {  	v3 =	vmov s3;
	v1 =	vadd.f32 v2, v1  }
0x77: {  	v2 =	vshll.u32 v3, $0x3  }
0x78: {  	v2 =	vor.u32 v0, v2;
	v3 =	vadd.f32 $-1.000000000e+00, v1  }
0x79: {  	v4 =	vor.u32 $0x1, v2  }
0x7a: {  	s1 =	sadd.s32 $0x10, s1;
	v5 =	vor.u32 $0x2, v2;
	v3 =	vmul.f32 $1.000000000e+02, v3  }
0x7b: {  	s0 =	sadd.s32 $0x10, s0;
	[tilespmem:s1+$0x0] =	vst v1  }
0x7c: {  	[tilespmem:s0+$0x0] =	vst v3  }
0x7d: {  	v3 =	vld.idx.msk [tilespmem:v2+s30+$0x0], $0xffff  }
0x7e: {  	v6 =	vld.idx.msk [tilespmem:v4+s30+$0x0], $0xffff  }
0x7f: {  	v7 =	vld.idx.msk [tilespmem:v5+s30+$0x0], $0xffff  }
0x80: {  	v8 =	vor.u32 $0x3, v2;
	_ =	sdelay $0x1  }
0x81: {  	[tilespmem:v2+s31+$0x0] =	vst.idx.msk $0xffff, v3  }
0x82: {  	[tilespmem:v4+s31+$0x0] =	vst.idx.msk $0xffff, v6  }
0x83: {  	[tilespmem:v5+s31+$0x0] =	vst.idx.msk $0xffff, v7  }
0x84: {  	s8 =	rddreg [dreg:$0xe];
	[tilespmem:v8+s31+$0x0] =	vst.idx.msk $0xffff, v1  }
0x85: {  	[hbm4b:s8+s25] =	stream.linear.scatter [tilespmem:s31], [sflag:$0x7], $0x3200, $0x38;
	[tilespmem:$0x1FFA8] =	vst v63  }
0x86: {  	_ =	swait.ge [sflag:s29], $0x3200  }
0x87: {  	s1 =	simm.s32 @!p0 $0x14050;
	[sflag:s29] =	ssyncset.done $0x0  }
0x88: {  	s0 =	simm.s32 @!p0 $0x0;
	s2 =	rddreg [dreg:$0x8];
	[sflag:s29] =	ssyncadd.s32 $0xFFFFCE00  }
0x89: {  	[hbm4b:s2+s0] =	stream.linear.scatter @!p0 [tilespmem:s1], [sflag:$0x7], $0x640, $0x38;
	[tilespmem:$0x1FFA8] =	vst v63  }
0x8a: {  	s1 =	simm.s32 @!p0 $0x7  }
0x8b: {  	_ =	swait.ge @!p0 [sflag:s1], $0x640  }
0x8c: {  	[sflag:s1] =	ssyncset.done @!p0 $0x0  }
0x8d: {  	s2 =	simm.s32 @!p0 $0x13880;
	s3 =	rddreg [dreg:$0x9];
	[sflag:s1] =	ssyncadd.s32 @!p0 $0xFFFFF9C0  }
0x8e: {  	[hbm4b:s3+s0] =	stream.linear.scatter @!p0 [tilespmem:s2], [sflag:$0x7], $0x640, $0x38;
	[tilespmem:$0x1FFA8] =	vst v63  }
0x8f: {  	_ =	swait.ge @!p0 [sflag:s1], $0x640  }
0x90: {  	[sflag:s1] =	ssyncset.done @!p0 $0x0  }
0x91: {  	s9 =	simm.s32 $0x0;
	s12 =	rddreg [dreg:$0xf];
	[sflag:s1] =	ssyncadd.s32 @!p0 $0xFFFFF9C0  }
0x92: {  	[tilespmem:s30], [sflag:$0x7] =	stream.linear.gather [hbm4b:s12+s9], $0x3200, $0x38;
	[tilespmem:$0x1FFA8] =	vst v63  }
0x93: {  	_ =	swait.ge [sflag:s29], $0x3200  }
0x94: {  	[sflag:s29] =	ssyncset.done $0x0  }
0x95: {  	s18 =	simm.s32 $0x128E0;
	s20 =	rddreg [dreg:$0xa];
	[sflag:s29] =	ssyncadd.s32 $0xFFFFCE00  }
0x96: {  	[tilespmem:s18], [sflag:$0x7] =	stream.linear.gather [hbm4b:s20+s9], $0x640, $0x38;
	[tilespmem:$0x1FFA8] =	vst v63  }
0x97: {  	_ =	swait.ge [sflag:s29], $0x640  }
0x98: {  	s22 =	sld [smem:$0x7FB]  }
0x99: {  	[sflag:s29] =	ssyncset.done $0x0  }
0x9a: {  	s21 =	simm.s32 $0x130B0;
	[sflag:s29] =	ssyncadd.s32 $0xFFFFF9C0  }
0x9b: {  	[tilespmem:s21], [sflag:$0x7] =	stream.linear.gather [hbm4b:s22+s9], $0x640, $0x38;
	[tilespmem:$0x1FFA8] =	vst v63  }
0x9c: {  	_ =	swait.ge [sflag:s29], $0x640  }
0x9d: {  	[sflag:s29] =	ssyncset.done $0x0  }
0x9e: {  	[sflag:s29] =	ssyncadd.s32 $0xFFFFF9C0  }
0x9f: {  	v1 =	vld [tilespmem:s18+$0x0]  }
0xa0: {  	v2 =	vld [tilespmem:s21+$0x0];
	_ =	sdelay $0x4  }
0xa1: {  	v3 =	vmov s9;
	v1 =	vadd.f32 v2, v1  }
0xa2: {  	v2 =	vshll.u32 v3, $0x3  }
0xa3: {  	v2 =	vor.u32 v0, v2;
	v3 =	vadd.f32 $-1.000000000e+00, v1  }
0xa4: {  	v59 =	vor.u32 $0x1, v2  }
0xa5: {  	s1 =	simm.s32 $0x14050;
	v60 =	vor.u32 $0x2, v2;
	v3 =	vmul.f32 $1.000000000e+02, v3  }
0xa6: {  	s0 =	simm.s32 $0x13880;
	[tilespmem:s1+$0x0] =	vst v1  }
0xa7: {  	[tilespmem:s0+$0x0] =	vst v3  }
0xa8: {  	v3 =	vld.idx.msk [tilespmem:v2+s30+$0x0], $0xffff  }
0xa9: {  	v61 =	vld.idx.msk [tilespmem:v59+s30+$0x0], $0xffff  }
0xaa: {  	v62 =	vld.idx.msk [tilespmem:v60+s30+$0x0], $0xffff  }
0xab: {  	v63 =	vor.u32 $0x3, v2;
	_ =	sdelay $0x1  }
0xac: {  	[tilespmem:v2+s31+$0x0] =	vst.idx.msk $0xffff, v3  }
0xad: {  	[tilespmem:v59+s31+$0x0] =	vst.idx.msk $0xffff, v61  }
0xae: {  	[tilespmem:v60+s31+$0x0] =	vst.idx.msk $0xffff, v62  }
0xaf: {  	s2 =	simm.s32 $0x128F0;
	[tilespmem:v63+s31+$0x0] =	vst.idx.msk $0xffff, v1  }
0xb0: {  	s3 =	simm.s32 $0x130C0;
	v1 =	vld [tilespmem:s2+$0x0]  }
0xb1: {  	v2 =	vld [tilespmem:s3+$0x0];
	_ =	sdelay $0x2  }
0xb2: {  	s5 =	simm.s32 $0x10;
	s8 =	simm.s32 $0x20  }
.LBB2_4:
0xb3: {  	p1 =	sne.s32 s8, $0x630  }
0xb4: {  	v3 =	vmov s5;
	s5 =	smov.u32 s8;
	v1 =	vadd.f32 v2, v1  }
0xb5: {  	s1 =	sadd.s32 $0x10, s1;
	v2 =	vshll.u32 v3, $0x3  }
0xb6: {  	v2 =	vor.u32 v0, v2;
	[tilespmem:s1+$0x0] =	vst v1;
	v3 =	vadd.f32 $-1.000000000e+00, v1  }
0xb7: {  	v4 =	vor.u32 $0x1, v2  }
0xb8: {  	v5 =	vor.u32 $0x2, v2;
	v3 =	vmul.f32 $1.000000000e+02, v3  }
0xb9: {  	s0 =	sadd.s32 $0x10, s0  }
0xba: {  	[tilespmem:s0+$0x0] =	vst v3  }
0xbb: {  	v3 =	vld.idx.msk [tilespmem:v2+s30+$0x0], $0xffff  }
0xbc: {  	v6 =	vld.idx.msk [tilespmem:v4+s30+$0x0], $0xffff  }
0xbd: {  	v7 =	vld.idx.msk [tilespmem:v5+s30+$0x0], $0xffff;
	_ =	sdelay $0x1  }
0xbe: {  	v8 =	vor.u32 $0x3, v2;
	_ =	sdelay $0x1  }
0xbf: {  	[tilespmem:v2+s31+$0x0] =	vst.idx.msk $0xffff, v3  }
0xc0: {  	[tilespmem:v4+s31+$0x0] =	vst.idx.msk $0xffff, v6  }
0xc1: {  	[tilespmem:v5+s31+$0x0] =	vst.idx.msk $0xffff, v7  }
0xc2: {  	s2 =	sadd.s32 $0x10, s2;
	[tilespmem:v8+s31+$0x0] =	vst.idx.msk $0xffff, v1  }
.Ltmp1:
0xc3: {  	s3 =	sadd.s32 $0x10, s3;
	v1 =	vld [tilespmem:s2+$0x0];
	(pc) =	sbr.rel @p1 .LBB2_4-.Ltmp1, $2  }
0xc4: {  	v2 =	vld [tilespmem:s3+$0x0];
	_ =	sdelay $0x2  }
0xc5: {  	s8 =	sadd.s32 $0x10, s8  }
0xc6: {  	_ = 	snop  }
0xc7: {  	v3 =	vmov s5;
	v1 =	vadd.f32 v2, v1  }
0xc8: {  	v2 =	vshll.u32 v3, $0x3  }
0xc9: {  	v2 =	vor.u32 v0, v2;
	v3 =	vadd.f32 $-1.000000000e+00, v1  }
0xca: {  	v4 =	vor.u32 $0x1, v2  }
0xcb: {  	s1 =	sadd.s32 $0x10, s1;
	v5 =	vor.u32 $0x2, v2;
	v3 =	vmul.f32 $1.000000000e+02, v3  }
0xcc: {  	s0 =	sadd.s32 $0x10, s0;
	[tilespmem:s1+$0x0] =	vst v1  }
0xcd: {  	[tilespmem:s0+$0x0] =	vst v3  }
0xce: {  	v3 =	vld.idx.msk [tilespmem:v2+s30+$0x0], $0xffff  }
0xcf: {  	v6 =	vld.idx.msk [tilespmem:v4+s30+$0x0], $0xffff  }
0xd0: {  	v7 =	vld.idx.msk [tilespmem:v5+s30+$0x0], $0xffff  }
0xd1: {  	v8 =	vor.u32 $0x3, v2;
	_ =	sdelay $0x1  }
0xd2: {  	[tilespmem:v2+s31+$0x0] =	vst.idx.msk $0xffff, v3  }
0xd3: {  	[tilespmem:v4+s31+$0x0] =	vst.idx.msk $0xffff, v6  }
0xd4: {  	[tilespmem:v5+s31+$0x0] =	vst.idx.msk $0xffff, v7  }
0xd5: {  	s18 =	rddreg [dreg:$0x10];
	[tilespmem:v8+s31+$0x0] =	vst.idx.msk $0xffff, v1  }
0xd6: {  	[hbm4b:s18+s25] =	stream.linear.scatter [tilespmem:s31], [sflag:$0x7], $0x3200, $0x38;
	[tilespmem:$0x1FFA8] =	vst v63  }
0xd7: {  	_ =	swait.ge [sflag:s29], $0x3200  }
0xd8: {  	s1 =	simm.s32 @!p0 $0x14050;
	[sflag:s29] =	ssyncset.done $0x0  }
0xd9: {  	s0 =	simm.s32 @!p0 $0x0;
	s2 =	rddreg [dreg:$0xb];
	[sflag:s29] =	ssyncadd.s32 $0xFFFFCE00  }
0xda: {  	[hbm4b:s2+s0] =	stream.linear.scatter @!p0 [tilespmem:s1], [sflag:$0x7], $0x640, $0x38;
	[tilespmem:$0x1FFA8] =	vst v63  }
0xdb: {  	s1 =	simm.s32 @!p0 $0x7  }
0xdc: {  	_ =	swait.ge @!p0 [sflag:s1], $0x640  }
0xdd: {  	[sflag:s1] =	ssyncset.done @!p0 $0x0  }
0xde: {  	s2 =	simm.s32 @!p0 $0x13880;
	s3 =	rddreg [dreg:$0xc];
	[sflag:s1] =	ssyncadd.s32 @!p0 $0xFFFFF9C0  }
0xdf: {  	[hbm4b:s3+s0] =	stream.linear.scatter @!p0 [tilespmem:s2], [sflag:$0x7], $0x640, $0x38;
	[tilespmem:$0x1FFA8] =	vst v63  }
0xe0: {  	_ =	swait.ge @!p0 [sflag:s1], $0x640  }
0xe1: {  	[sflag:s1] =	ssyncset.done @!p0 $0x0  }
0xe2: {  	[sflag:s1] =	ssyncadd.s32 @!p0 $0xFFFFF9C0  }
0xe3: {  	[bflag:$0x0] =	sbarrier.arrive $0xFFFF  }
0xe4: {  	s1 =	simm.s32 $0x0;
	s20 =	rddreg [dreg:$0x1a]  }
0xe5: {  	[tilespmem:s1], [sflag:$0x7] =	stream.linear.gather [hbm4b:s20+s1], $0x7D0, $0x38;
	[tilespmem:$0x1FFA8] =	vst v63  }
0xe6: {  	_ =	swait.ge [sflag:s29], $0x7D0  }
0xe7: {  	[sflag:s29] =	ssyncset.done $0x0  }
0xe8: {  	s22 =	simm.s32 $0xFA0;
	s21 =	rddreg [dreg:$0x1b];
	[sflag:s29] =	ssyncadd.s32 $0xFFFFF830  }
0xe9: {  	[tilespmem:s22], [sflag:$0x7] =	stream.linear.gather [hbm4b:s21+s1], $0x7D0, $0x38;
	[tilespmem:$0x1FFA8] =	vst v63  }
0xea: {  	_ =	swait.ge [sflag:s29], $0x7D0  }
0xeb: {  	[sflag:s29] =	ssyncset.done $0x0  }
0xec: {  	[sflag:s29] =	ssyncadd.s32 $0xFFFFF830  }
0xed: {  	[tilespmem:s10], [sflag:$0x1] =	stream.indirect.gather [hbm4b:s19+s15], $0x8, s1, s15, $0xb8;
	[tilespmem:$0x1FFA8] =	vst v63  }
0xee: {  	s2 =	simm.s32 $0x0  }
0xef: {  	[tilespmem:s11], [sflag:$0x2] =	stream.indirect.gather [hbm4b:s19+s15], $0x8, s22, s15, $0xb8;
	[tilespmem:$0x1FFA8] =	vst v63  }
.LBB2_6:
0xf0: {  	s0 =	sld [smem:$0x7FC]  }
0xf1: {  	s21 =	smul.u32 $0xFA0, s2;
	_ =	sdelay $0x1  }
0xf2: {  	s0 =	sadd.s32 s21, s0  }
0xf3: {  	s3 =	sshrl.u32 s0, $0x3  }
0xf4: {  	s5 =	sadd.s32 s28, s3  }
0xf5: {  	[tilespmem:s15], [sflag:$0x7] =	stream.linear.gather [hbm4b:s5+s25], $0x7D0, $0x38;
	[tilespmem:$0x1FFA8] =	vst v63  }
0xf6: {  	_ =	swait.ge [sflag:s29], $0x7D0  }
0xf7: {  	[sflag:s29] =	ssyncset.done $0x0  }
0xf8: {  	s8 =	simm.s32 $0x1770;
	s0 =	sadd.s32 s26, s3;
	[sflag:s29] =	ssyncadd.s32 $0xFFFFF830  }
0xf9: {  	[tilespmem:s8], [sflag:$0x7] =	stream.linear.gather [hbm4b:s0+s25], $0x7D0, $0x38;
	[tilespmem:$0x1FFA8] =	vst v63  }
0xfa: {  	_ =	swait.ge [sflag:s29], $0x7D0  }
0xfb: {  	[sflag:s29] =	ssyncset.done $0x0  }
0xfc: {  	[sflag:s29] =	ssyncadd.s32 $0xFFFFF830  }
0xfd: {  	[tilespmem:s13], [sflag:$0x3] =	stream.indirect.gather [hbm4b:s19+s15], $0x8, s15, s15, $0xb8;
	[tilespmem:$0x1FFA8] =	vst v63  }
0xfe: {  	s7 =	smov.u32 s26;
	s26 =	simm.s32 $0x1  }
0xff: {  	[tilespmem:s14], [sflag:$0x4] =	stream.indirect.gather [hbm4b:s19+s15], $0x8, s8, s15, $0xb8;
	[tilespmem:$0x1FFA8] =	vst v63  }
0x100: {  	_ =	swait.ge [sflag:s26], $0x3E80  }
0x101: {  	[sflag:s26] =	ssyncset.done $0x0  }
0x102: {  	s8 =	simm.s32 $0x2;
	[sflag:s26] =	ssyncadd.s32 $0xFFFFC180  }
0x103: {  	_ =	swait.ge [sflag:s8], $0x3E80  }
0x104: {  	p1 =	seq.s32 s2, $0x0;
	[sflag:s8] =	ssyncset.done $0x0  }
0x105: {  	s0 =	simm.s32 @!p1 $0x5;
	[sflag:s8] =	ssyncadd.s32 $0xFFFFC180  }
0x106: {  	_ =	swait.ge @!p1 [sflag:s0], $0x7D0  }
0x107: {  	[sflag:s0] =	ssyncset.done @!p1 $0x0  }
0x108: {  	[sflag:s0] =	ssyncadd.s32 @!p1 $0xFFFFF830  }
0x109: {  	_ =	swait.ge @!p1 [sflag:s0], $0x7D0  }
0x10a: {  	[sflag:s0] =	ssyncset.done @!p1 $0x0  }
0x10b: {  	[sflag:s0] =	ssyncadd.s32 @!p1 $0xFFFFF830  }
0x10c: {  	_ =	swait.ge @!p1 [sflag:s0], $0x7D0  }
0x10d: {  	s12 =	rddreg [dreg:$0x12]  }
0x10e: {  	s8 =	sadd.s32 s12, s21  }
0x10f: {  	[sflag:s0] =	ssyncset.done @!p1 $0x0;
	s8 =	sshrl.u32 s8, $0x3  }
0x110: {  	[sflag:s0] =	ssyncadd.s32 @!p1 $0xFFFFF830;
	s15 =	sadd.s32 s28, s8  }
0x111: {  	[tilespmem:s16], [sflag:$0x7] =	stream.linear.gather [hbm4b:s15+s1], $0x7D0, $0x38;
	[tilespmem:$0x1FFA8] =	vst v63  }
0x112: {  	s4 =	smov.u32 s19;
	_ =	swait.ge [sflag:s29], $0x7D0  }
0x113: {  	s19 =	smov.u32 s28;
	[sflag:s29] =	ssyncset.done $0x0;
	s18 =	rddreg [dreg:$0x11]  }
0x114: {  	s28 =	simm.s32 $0x128E0;
	[sflag:s29] =	ssyncadd.s32 $0xFFFFF830;
	s0 =	sadd.s32 s18, s8  }
0x115: {  	[tilespmem:s28], [sflag:$0x7] =	stream.linear.gather [hbm4b:s0+s1], $0x7D0, $0x38;
	[tilespmem:$0x1FFA8] =	vst v63  }
0x116: {  	_ =	swait.ge [sflag:s29], $0x7D0  }
0x117: {  	[sflag:s29] =	ssyncset.done $0x0;
	s20 =	rddreg [dreg:$0x13]  }
0x118: {  	s26 =	simm.s32 $0x130B0;
	[sflag:s29] =	ssyncadd.s32 $0xFFFFF830;
	s0 =	sadd.s32 s20, s8  }
0x119: {  	[tilespmem:s26], [sflag:$0x7] =	stream.linear.gather [hbm4b:s0+s1], $0x7D0, $0x38;
	[tilespmem:$0x1FFA8] =	vst v63  }
0x11a: {  	_ =	swait.ge [sflag:s29], $0x7D0  }
0x11b: {  	[sflag:s29] =	ssyncset.done $0x0;
	s22 =	rddreg [dreg:$0x14]  }
0x11c: {  	s12 =	simm.s32 $0x13880;
	[sflag:s29] =	ssyncadd.s32 $0xFFFFF830;
	s0 =	sadd.s32 s22, s8  }
0x11d: {  	v1 =	vmov s1;
	[tilespmem:s12], [sflag:$0x7] =	stream.linear.gather [hbm4b:s0+s1], $0x7D0, $0x38;
	[tilespmem:$0x1FFA8] =	vst v63  }
0x11e: {  	s6 =	smov.u32 s17;
	s17 =	smov.u32 s24;
	v1 =	vshll.u32 v1, $0x3;
	_ =	swait.ge [sflag:s29], $0x7D0  }
0x11f: {  	s9 =	smov.u32 s23;
	v1 =	vor.u32 v0, v1;
	[sflag:s29] =	ssyncset.done $0x0;
	s23 =	rddreg [dreg:$0x15]  }
0x120: {  	s24 =	simm.s32 $0x14050;
	v2 =	vor.u32 $0x3, v1;
	[sflag:s29] =	ssyncadd.s32 $0xFFFFF830;
	s0 =	sadd.s32 s23, s8  }
0x121: {  	[tilespmem:s24], [sflag:$0x7] =	stream.linear.gather [hbm4b:s0+s1], $0x7D0, $0x38;
	[tilespmem:$0x1FFA8] =	vst v63  }
0x122: {  	_ =	swait.ge [sflag:s29], $0x7D0  }
0x123: {  	[sflag:s29] =	ssyncset.done $0x0  }
0x124: {  	[sflag:s29] =	ssyncadd.s32 $0xFFFFF830  }
0x125: {  	v3 =	vld.idx.msk [tilespmem:v2+s10+$0x0], $0xffff  }
0x126: {  	v2 =	vld.idx.msk [tilespmem:v2+s11+$0x0], $0xffff;
	_ =	sdelay $0x3  }
0x127: {  	v5 =	vor.u32 $0x1, v1  }
0x128: {  	v4 =	vor.u32 $0x2, v1;
	(erf) = vrcp.f32 v3;
	v6 =	vadd.f32 v2, v3  }
0x129: {  	(erf) = vrcp.f32 v2  }
0x12a: {  	v7 =	vadd.f32 v3, v3;
	(erf) = vrcp.f32 v6;
	_ =	sdelay $0x1  }
0x12b: {  	v8 =	vld.idx.msk [tilespmem:v5+s11+$0x0], $0xffff;
	v6 =	vmul.f32 v2, v7  }
0x12c: {  	v7 =	vld.idx.msk [tilespmem:v4+s11+$0x0], $0xffff  }
0x12d: {  	v4 =	vld.idx.msk [tilespmem:v4+s10+$0x0], $0xffff;
	v3 =	vsub.f32 v6, v3  }
0x12e: {  	v6 =	vld.idx.msk [tilespmem:v1+s11+$0x0], $0xffff  }
0x12f: {  	v1 =	vld.idx.msk [tilespmem:v1+s10+$0x0], $0xffff;
	v2 =	vsub.f32 v3, v2  }
0x130: {  	v3 =	vld.idx.msk [tilespmem:v5+s10+$0x0], $0xffff;
	v5 =	vpop (erf)  }
0x131: {  	v10 =	vld [tilespmem:s26+$0x0];
	v2 =	vmul.f32 $-1.000000000e+02, v2;
	v9 =	vpop (erf)  }
0x132: {  	v11 =	vld [tilespmem:s28+$0x0];
	v12 =	vpop (erf)  }
0x133: {  	v13 =	vld [tilespmem:s12+$0x0];
	v2 =	vmul.f32 v2, v12  }
0x134: {  	v62 =	vld [tilespmem:s24+$0x0];
	v4 =	vsub.f32 v4, v7;
	v1 =	vsub.f32 v1, v6;
	v5 =	vmul.f32 v5, v5  }
0x135: {  	v3 =	vsub.f32 v3, v8;
	v6 =	vmul.f32 v9, v9;
	v2 =	vadd.f32 $0.0e+00, v2  }
0x136: {  	v4 =	vmul.f32 $9.999995110e-03, v4;
	v1 =	vmul.f32 $9.999995110e-03, v1  }
0x137: {  	s25 =	simm.s32 $0x10;
	v3 =	vmul.f32 $9.999995110e-03, v3;
	v5 =	vadd.f32 v6, v5;
	v6 =	vmul.f32 v2, v11  }
0x138: {  	v8 =	vmov s25;
	v7 =	vmul.f32 v2, v10;
	v63 =	vmul.f32 v2, v13  }
0x139: {  	v5 =	vmul.f32 v62, v5;
	v2 =	vshll.u32 v8, $0x3;
	v6 =	vadd.f32 v6, v1  }
0x13a: {  	s15 =	simm.s32 $0x157C0;
	s16 =	simm.s32 $0x16760;
	s18 =	simm.s32 $0x13890;
	v2 =	vor.u32 v0, v2;
	v8 =	vadd.f32 v7, v3;
	v9 =	vadd.f32 v63, v4  }
0x13b: {  	s20 =	simm.s32 $0x14060;
	s22 =	simm.s32 $0x20;
	s8 =	simm.s32 $0x14820;
	v1 =	vor.u32 $0x2, v2;
	v4 =	vor.u32 $0x3, v2;
	v7 =	vmul.f32 v6, v5  }
0x13c: {  	s0 =	simm.s32 $0x16770;
	s12 =	simm.s32 $0x157D0;
	s25 =	simm.s32 $0x14830;
	v3 =	vor.u32 $0x1, v2;
	v6 =	vmul.f32 v8, v5;
	v5 =	vmul.f32 v9, v5  }
.LBB2_7:
0x13d: {  	s28 =	sadd.s32 $0x10, s28;
	s26 =	sadd.s32 $0x10, s26  }
0x13e: {  	[tilespmem:s8+$0x0] =	vst v7;
	s23 =	smov.u32 s22;
	s24 =	sadd.s32 $0x10, s22;
	s8 =	smov.u32 s25  }
0x13f: {  	p2 =	sne.s32 s22, $0x7C0;
	[tilespmem:s15+$0x0] =	vst v6;
	s15 =	smov.u32 s12  }
0x140: {  	[tilespmem:s16+$0x0] =	vst v5;
	s16 =	smov.u32 s0  }
0x141: {  	v5 =	vld.idx.msk [tilespmem:v4+s10+$0x0], $0xffff  }
0x142: {  	v4 =	vld.idx.msk [tilespmem:v4+s11+$0x0], $0xffff;
	_ =	sdelay $0x4  }
0x143: {  	v6 =	vadd.f32 v5, v5;
	(erf) = vrcp.f32 v5  }
0x144: {  	v7 =	vadd.f32 v4, v5;
	(erf) = vrcp.f32 v4  }
0x145: {  	v6 =	vmul.f32 v4, v6  }
0x146: {  	(erf) = vrcp.f32 v7  }
0x147: {  	v5 =	vsub.f32 v6, v5;
	v7 =	vld.idx.msk [tilespmem:v1+s11+$0x0], $0xffff  }
0x148: {  	v6 =	vld.idx.msk [tilespmem:v3+s11+$0x0], $0xffff  }
0x149: {  	v4 =	vsub.f32 v5, v4;
	v8 =	vld.idx.msk [tilespmem:v2+s11+$0x0], $0xffff  }
0x14a: {  	v2 =	vld.idx.msk [tilespmem:v2+s10+$0x0], $0xffff  }
0x14b: {  	v3 =	vld.idx.msk [tilespmem:v3+s10+$0x0], $0xffff  }
0x14c: {  	v1 =	vld.idx.msk [tilespmem:v1+s10+$0x0], $0xffff;
	v5 =	vpop (erf)  }
0x14d: {  	v9 =	vld [tilespmem:s20+$0x0];
	v5 =	vmul.f32 v5, v5;
	v10 =	vpop (erf)  }
0x14e: {  	v4 =	vmul.f32 $-1.000000000e+02, v4;
	v11 =	vld [tilespmem:s26+$0x0];
	v10 =	vmul.f32 v10, v10  }
0x14f: {  	v12 =	vld [tilespmem:s28+$0x0];
	v13 =	vpop (erf)  }
0x150: {  	v2 =	vsub.f32 v2, v8;
	v14 =	vld [tilespmem:s18+$0x0];
	v5 =	vadd.f32 v10, v5;
	v4 =	vmul.f32 v4, v13  }
0x151: {  	v3 =	vsub.f32 v3, v6  }
0x152: {  	v1 =	vsub.f32 v1, v7;
	v5 =	vmul.f32 v9, v5;
	v4 =	vadd.f32 $0.0e+00, v4  }
0x153: {  	v6 =	vmul.f32 $9.999995110e-03, v2;
	v3 =	vmul.f32 $9.999995110e-03, v3  }
0x154: {  	v2 =	vmov s23;
	v7 =	vmul.f32 v4, v12;
	v8 =	vmul.f32 v4, v11  }
.Ltmp2:
0x155: {  	v2 =	vshll.u32 v2, $0x3;
	v10 =	vmul.f32 $9.999995110e-03, v1;
	v9 =	vmul.f32 v4, v14;
	(pc) =	sbr.rel @p2 .LBB2_7-.Ltmp2, $4  }
0x156: {  	v2 =	vor.u32 v0, v2;
	v6 =	vadd.f32 v7, v6;
	v8 =	vadd.f32 v8, v3  }
0x157: {  	v1 =	vor.u32 $0x2, v2;
	v4 =	vor.u32 $0x3, v2;
	v9 =	vadd.f32 v9, v10  }
0x158: {  	s25 =	sadd.s32 $0x10, s25;
	s12 =	sadd.s32 $0x10, s12;
	s0 =	sadd.s32 $0x10, s0;
	v3 =	vor.u32 $0x1, v2;
	v7 =	vmul.f32 v6, v5  }
0x159: {  	s22 =	smov.u32 s24;
	s20 =	sadd.s32 $0x10, s20;
	s18 =	sadd.s32 $0x10, s18;
	v6 =	vmul.f32 v8, v5;
	v5 =	vmul.f32 v9, v5  }
0x15a: {  	_ = 	snop  }
0x15b: {  	[tilespmem:s8+$0x0] =	vst v7  }
0x15c: {  	[tilespmem:s15+$0x0] =	vst v6  }
0x15d: {  	[tilespmem:s16+$0x0] =	vst v5  }
0x15e: {  	v5 =	vld.idx.msk [tilespmem:v4+s10+$0x0], $0xffff  }
0x15f: {  	v4 =	vld.idx.msk [tilespmem:v4+s11+$0x0], $0xffff;
	_ =	sdelay $0x4  }
0x160: {  	(erf) = vrcp.f32 v5;
	v6 =	vadd.f32 v4, v5  }
0x161: {  	v7 =	vadd.f32 v5, v5;
	(erf) = vrcp.f32 v4  }
0x162: {  	(erf) = vrcp.f32 v6  }
0x163: {  	s15 =	sadd.s32 $0x10, s28;
	v7 =	vmul.f32 v4, v7  }
0x164: {  	v8 =	vld [tilespmem:s15+$0x0]  }
0x165: {  	v9 =	vld.idx.msk [tilespmem:v1+s11+$0x0], $0xffff;
	v5 =	vsub.f32 v7, v5  }
0x166: {  	v10 =	vld.idx.msk [tilespmem:v2+s11+$0x0], $0xffff  }
0x167: {  	v2 =	vld.idx.msk [tilespmem:v2+s10+$0x0], $0xffff  }
0x168: {  	v1 =	vld.idx.msk [tilespmem:v1+s10+$0x0], $0xffff;
	v4 =	vsub.f32 v5, v4  }
0x169: {  	v7 =	vld.idx.msk [tilespmem:v3+s11+$0x0], $0xffff;
	v5 =	vpop (erf)  }
0x16a: {  	v3 =	vld.idx.msk [tilespmem:v3+s10+$0x0], $0xffff;
	v4 =	vmul.f32 $-1.000000000e+02, v4;
	v11 =	vpop (erf)  }
0x16b: {  	s16 =	sadd.s32 $0x10, s26;
	v6 =	vld [tilespmem:s20+$0x0];
	v5 =	vmul.f32 v5, v5;
	v12 =	vpop (erf)  }
0x16c: {  	v13 =	vld [tilespmem:s16+$0x0];
	v11 =	vmul.f32 v11, v11;
	v4 =	vmul.f32 v4, v12  }
0x16d: {  	v2 =	vsub.f32 v2, v10;
	v12 =	vld [tilespmem:s18+$0x0]  }
0x16e: {  	v5 =	vadd.f32 v11, v5;
	v4 =	vadd.f32 $0.0e+00, v4  }
0x16f: {  	v2 =	vmul.f32 $9.999995110e-03, v2;
	v3 =	vsub.f32 v3, v7  }
0x170: {  	v1 =	vsub.f32 v1, v9;
	v5 =	vmul.f32 v6, v5;
	v6 =	vmul.f32 v4, v8  }
0x171: {  	v3 =	vmul.f32 $9.999995110e-03, v3;
	v7 =	vmul.f32 v4, v13  }
0x172: {  	v1 =	vmul.f32 $9.999995110e-03, v1;
	v4 =	vmul.f32 v4, v12;
	v2 =	vadd.f32 v6, v2  }
0x173: {  	v3 =	vadd.f32 v7, v3  }
0x174: {  	v1 =	vadd.f32 v4, v1;
	v2 =	vmul.f32 v2, v5  }
0x175: {  	v3 =	vmul.f32 v3, v5  }
0x176: {  	v1 =	vmul.f32 v1, v5;
	[tilespmem:s25+$0x0] =	vst v2  }
0x177: {  	s26 =	sld [smem:$0x7FD];
	[tilespmem:s12+$0x0] =	vst v3  }
0x178: {  	s15 =	simm.s32 $0x7D0;
	s16 =	simm.s32 $0x1F40;
	s20 =	simm.s32 $0x14820;
	[tilespmem:s0+$0x0] =	vst v1  }
0x179: {  	[spmem:s9] =	stream.indirect.scatter.add.f32 [tilespmem:s20], [sflag:$0x5], $0x1, s16, s15, $0xb8;
	[tilespmem:$0x1FFA8] =	vst v63  }
0x17a: {  	s22 =	simm.s32 $0x157C0;
	s0 =	sadd.s32 s21, s26  }
0x17b: {  	[spmem:s17] =	stream.indirect.scatter.add.f32 [tilespmem:s22], [sflag:$0x5], $0x1, s16, s15, $0xb8;
	[tilespmem:$0x1FFA8] =	vst v63  }
0x17c: {  	s24 =	smov.u32 s17;
	s25 =	simm.s32 $0x16760;
	s0 =	sshrl.u32 s0, $0x3  }
0x17d: {  	[spmem:s6] =	stream.indirect.scatter.add.f32 [tilespmem:s25], [sflag:$0x5], $0x1, s16, s15, $0xb8;
	[tilespmem:$0x1FFA8] =	vst v63  }
0x17e: {  	s17 =	smov.u32 s6;
	s6 =	sadd.s32 s19, s0;
	s25 =	simm.s32 $0x0  }
0x17f: {  	[tilespmem:s25], [sflag:$0x7] =	stream.linear.gather [hbm4b:s6+s25], $0x7D0, $0x38;
	[tilespmem:$0x1FFA8] =	vst v63  }
0x180: {  	_ =	swait.ge [sflag:s29], $0x7D0  }
0x181: {  	s23 =	smov.u32 s9;
	[sflag:s29] =	ssyncset.done $0x0  }
0x182: {  	s9 =	simm.s32 $0xFA0;
	s0 =	sadd.s32 s7, s0;
	[sflag:s29] =	ssyncadd.s32 $0xFFFFF830  }
0x183: {  	[tilespmem:s9], [sflag:$0x7] =	stream.linear.gather [hbm4b:s0+s25], $0x7D0, $0x38;
	[tilespmem:$0x1FFA8] =	vst v63  }
0x184: {  	_ =	swait.ge [sflag:s29], $0x7D0  }
0x185: {  	[sflag:s29] =	ssyncset.done $0x0  }
0x186: {  	[sflag:s29] =	ssyncadd.s32 $0xFFFFF830  }
0x187: {  	[tilespmem:s10], [sflag:$0x1] =	stream.indirect.gather [hbm4b:s4+s15], $0x8, s25, s15, $0xb8;
	[tilespmem:$0x1FFA8] =	vst v63  }
0x188: {  	s12 =	simm.s32 $0x3  }
0x189: {  	[tilespmem:s11], [sflag:$0x2] =	stream.indirect.gather [hbm4b:s4+s15], $0x8, s9, s15, $0xb8;
	[tilespmem:$0x1FFA8] =	vst v63  }
0x18a: {  	_ =	swait.ge [sflag:s12], $0x3E80  }
0x18b: {  	[sflag:s12] =	ssyncset.done $0x0  }
0x18c: {  	s18 =	simm.s32 $0x4;
	[sflag:s12] =	ssyncadd.s32 $0xFFFFC180  }
0x18d: {  	_ =	swait.ge [sflag:s18], $0x3E80  }
0x18e: {  	[sflag:s18] =	ssyncset.done $0x0  }
0x18f: {  	s0 =	simm.s32 @!p1 $0x6;
	[sflag:s18] =	ssyncadd.s32 $0xFFFFC180  }
0x190: {  	_ =	swait.ge @!p1 [sflag:s0], $0x7D0  }
0x191: {  	[sflag:s0] =	ssyncset.done @!p1 $0x0  }
0x192: {  	[sflag:s0] =	ssyncadd.s32 @!p1 $0xFFFFF830  }
0x193: {  	_ =	swait.ge @!p1 [sflag:s0], $0x7D0  }
0x194: {  	[sflag:s0] =	ssyncset.done @!p1 $0x0  }
0x195: {  	[sflag:s0] =	ssyncadd.s32 @!p1 $0xFFFFF830  }
0x196: {  	_ =	swait.ge @!p1 [sflag:s0], $0x7D0  }
0x197: {  	[sflag:s0] =	ssyncset.done @!p1 $0x0  }
0x198: {  	s6 =	simm.s32 $0x2710;
	[sflag:s0] =	ssyncadd.s32 @!p1 $0xFFFFF830;
	s0 =	simm.s32 $0x0  }
0x199: {  	[tilespmem:s6], [sflag:$0x7] =	stream.linear.gather [hbm4b:s5+s0], $0x7D0, $0x38;
	[tilespmem:$0x1FFA8] =	vst v63  }
0x19a: {  	_ =	swait.ge [sflag:s29], $0x7D0  }
0x19b: {  	[sflag:s29] =	ssyncset.done $0x0;
	s20 =	rddreg [dreg:$0x11]  }
0x19c: {  	s22 =	simm.s32 $0x128E0;
	[sflag:s29] =	ssyncadd.s32 $0xFFFFF830;
	s21 =	sadd.s32 s20, s3  }
0x19d: {  	[tilespmem:s22], [sflag:$0x7] =	stream.linear.gather [hbm4b:s21+s0], $0x7D0, $0x38;
	[tilespmem:$0x1FFA8] =	vst v63  }
0x19e: {  	_ =	swait.ge [sflag:s29], $0x7D0  }
0x19f: {  	s8 =	simm.s32 $0x130B0;
	[sflag:s29] =	ssyncset.done $0x0;
	s5 =	rddreg [dreg:$0x13]  }
0x1a0: {  	s26 =	smov.u32 s7;
	[sflag:s29] =	ssyncadd.s32 $0xFFFFF830;
	s7 =	sadd.s32 s5, s3  }
0x1a1: {  	[tilespmem:s8], [sflag:$0x7] =	stream.linear.gather [hbm4b:s7+s0], $0x7D0, $0x38;
	[tilespmem:$0x1FFA8] =	vst v63  }
0x1a2: {  	_ =	swait.ge [sflag:s29], $0x7D0  }
0x1a3: {  	[sflag:s29] =	ssyncset.done $0x0;
	s9 =	rddreg [dreg:$0x14]  }
0x1a4: {  	s18 =	simm.s32 $0x13880;
	[sflag:s29] =	ssyncadd.s32 $0xFFFFF830;
	s12 =	sadd.s32 s9, s3  }
0x1a5: {  	v1 =	vmov s0;
	[tilespmem:s18], [sflag:$0x7] =	stream.linear.gather [hbm4b:s12+s0], $0x7D0, $0x38;
	[tilespmem:$0x1FFA8] =	vst v63  }
0x1a6: {  	v1 =	vshll.u32 v1, $0x3;
	_ =	swait.ge [sflag:s29], $0x7D0  }
0x1a7: {  	v1 =	vor.u32 v0, v1;
	[sflag:s29] =	ssyncset.done $0x0;
	s20 =	rddreg [dreg:$0x15]  }
0x1a8: {  	v2 =	vor.u32 $0x3, v1;
	s22 =	simm.s32 $0x14050;
	[sflag:s29] =	ssyncadd.s32 $0xFFFFF830;
	s21 =	sadd.s32 s20, s3  }
0x1a9: {  	[tilespmem:s22], [sflag:$0x7] =	stream.linear.gather [hbm4b:s21+s0], $0x7D0, $0x38;
	[tilespmem:$0x1FFA8] =	vst v63  }
0x1aa: {  	_ =	swait.ge [sflag:s29], $0x7D0  }
0x1ab: {  	[sflag:s29] =	ssyncset.done $0x0  }
0x1ac: {  	[sflag:s29] =	ssyncadd.s32 $0xFFFFF830  }
0x1ad: {  	v3 =	vld.idx.msk [tilespmem:v2+s13+$0x0], $0xffff  }
0x1ae: {  	v2 =	vld.idx.msk [tilespmem:v2+s14+$0x0], $0xffff;
	_ =	sdelay $0x3  }
0x1af: {  	v7 =	vor.u32 $0x2, v1  }
0x1b0: {  	v4 =	vor.u32 $0x1, v1;
	(erf) = vrcp.f32 v3;
	v5 =	vadd.f32 v2, v3  }
0x1b1: {  	(erf) = vrcp.f32 v2  }
0x1b2: {  	v8 =	vld.idx.msk [tilespmem:v1+s14+$0x0], $0xffff;
	v6 =	vadd.f32 v3, v3;
	(erf) = vrcp.f32 v5  }
0x1b3: {  	v1 =	vld.idx.msk [tilespmem:v1+s13+$0x0], $0xffff  }
0x1b4: {  	v10 =	vld.idx.msk [tilespmem:v7+s14+$0x0], $0xffff;
	v6 =	vmul.f32 v2, v6  }
0x1b5: {  	v5 =	vld.idx.msk [tilespmem:v4+s14+$0x0], $0xffff  }
0x1b6: {  	v4 =	vld.idx.msk [tilespmem:v4+s13+$0x0], $0xffff;
	v3 =	vsub.f32 v6, v3  }
0x1b7: {  	v11 =	vld.idx.msk [tilespmem:v7+s13+$0x0], $0xffff  }
0x1b8: {  	v2 =	vsub.f32 v3, v2  }
0x1b9: {  	s8 =	simm.s32 $0x0;
	v12 =	vpop (erf)  }
0x1ba: {  	s3 =	simm.s32 $0x10;
	v6 =	vsub.f32 v1, v8;
	v8 =	vld [tilespmem:s8+$0x128E0];
	v2 =	vmul.f32 $-1.000000000e+02, v2;
	v7 =	vpop (erf)  }
0x1bb: {  	v1 =	vmov s3;
	v3 =	vsub.f32 v4, v5;
	v5 =	vld [tilespmem:s8+$0x13880];
	v4 =	vpop (erf)  }
0x1bc: {  	v9 =	vld [tilespmem:s8+$0x130B0];
	v11 =	vsub.f32 v11, v10;
	v1 =	vshll.u32 v1, $0x3;
	v13 =	vmul.f32 v2, v4  }
0x1bd: {  	s28 =	smov.u32 s19;
	v10 =	vld [tilespmem:s8+$0x14050];
	v1 =	vor.u32 v0, v1;
	v12 =	vmul.f32 v12, v12;
	v7 =	vmul.f32 v7, v7  }
0x1be: {  	s19 =	smov.u32 s4;
	s5 =	simm.s32 $0x80;
	s0 =	simm.s32 $0x40;
	v2 =	vor.u32 $0x1, v1;
	v4 =	vor.u32 $0x3, v1;
	v13 =	vadd.f32 $0.0e+00, v13  }
.LBB2_9:
0x1bf: {  	p1 =	sne.s32 s5, $0x1F00;
	v6 =	vmul.f32 $9.999995110e-03, v6;
	v11 =	vmul.f32 $9.999995110e-03, v11;
	s12 =	smov.u32 s5;
	s5 =	sadd.s32 $0x40, s5  }
0x1c0: {  	v7 =	vadd.f32 v7, v12;
	v8 =	vmul.f32 v13, v8;
	v5 =	vmul.f32 v13, v5  }
0x1c1: {  	v3 =	vmul.f32 $9.999995110e-03, v3;
	v9 =	vmul.f32 v13, v9  }
0x1c2: {  	v7 =	vmul.f32 v10, v7;
	v6 =	vadd.f32 v8, v6;
	v5 =	vadd.f32 v5, v11  }
0x1c3: {  	v3 =	vadd.f32 v9, v3  }
0x1c4: {  	v6 =	vmul.f32 v6, v7;
	v5 =	vmul.f32 v5, v7  }
0x1c5: {  	v3 =	vmul.f32 v3, v7  }
0x1c6: {  	[tilespmem:s8+$0x14FF0] =	vst v6  }
0x1c7: {  	[tilespmem:s8+$0x15F90] =	vst v3  }
0x1c8: {  	[tilespmem:s8+$0x16F30] =	vst v5  }
0x1c9: {  	v3 =	vld.idx.msk [tilespmem:v4+s13+$0x0], $0xffff  }
0x1ca: {  	v4 =	vld.idx.msk [tilespmem:v4+s14+$0x0], $0xffff;
	_ =	sdelay $0x4  }
0x1cb: {  	v5 =	vadd.f32 v3, v3;
	(erf) = vrcp.f32 v3  }
0x1cc: {  	v6 =	vor.u32 $0x2, v1;
	v8 =	vadd.f32 v4, v3;
	v7 =	vld.idx.msk [tilespmem:v2+s14+$0x0], $0xffff;
	(erf) = vrcp.f32 v4  }
0x1cd: {  	v5 =	vmul.f32 v4, v5;
	v9 =	vld.idx.msk [tilespmem:v1+s14+$0x0], $0xffff  }
0x1ce: {  	v2 =	vld.idx.msk [tilespmem:v2+s13+$0x0], $0xffff;
	(erf) = vrcp.f32 v8  }
0x1cf: {  	v3 =	vsub.f32 v5, v3;
	v1 =	vld.idx.msk [tilespmem:v1+s13+$0x0], $0xffff;
	_ =	sdelay $0x1  }
0x1d0: {  	v4 =	vsub.f32 v3, v4;
	v10 =	vld.idx.msk [tilespmem:v6+s14+$0x0], $0xffff  }
0x1d1: {  	v11 =	vld.idx.msk [tilespmem:v6+s13+$0x0], $0xffff;
	_ =	sdelay $0x1  }
0x1d2: {  	v3 =	vsub.f32 v2, v7;
	v2 =	vpop (erf)  }
0x1d3: {  	s8 =	sshra.s32 s0, $0x2;
	s0 =	smov.u32 s12;
	v6 =	vsub.f32 v1, v9;
	v1 =	vpop (erf)  }
.Ltmp3:
0x1d4: {  	s3 =	sadd.s32 $0x10, s3;
	v5 =	vld [tilespmem:s8+$0x13880];
	v7 =	vmul.f32 v1, v1;
	v1 =	vmul.f32 $-1.000000000e+02, v4;
	(pc) =	sbr.rel @p1 .LBB2_9-.Ltmp3, $4  }
0x1d5: {  	v4 =	vmov s3;
	v8 =	vld [tilespmem:s8+$0x128E0];
	v12 =	vpop (erf)  }
0x1d6: {  	v4 =	vshll.u32 v4, $0x3;
	v11 =	vsub.f32 v11, v10;
	v9 =	vld [tilespmem:s8+$0x130B0];
	v13 =	vmul.f32 v1, v12  }
0x1d7: {  	v1 =	vor.u32 v0, v4;
	v12 =	vmul.f32 v2, v2;
	v10 =	vld [tilespmem:s8+$0x14050]  }
0x1d8: {  	v2 =	vor.u32 $0x1, v1;
	v4 =	vor.u32 $0x3, v1;
	v13 =	vadd.f32 $0.0e+00, v13  }
0x1d9: {  	v6 =	vmul.f32 $9.999995110e-03, v6  }
0x1da: {  	v11 =	vmul.f32 $9.999995110e-03, v11;
	v7 =	vadd.f32 v7, v12;
	v8 =	vmul.f32 v13, v8  }
0x1db: {  	v3 =	vmul.f32 $9.999995110e-03, v3;
	v5 =	vmul.f32 v13, v5  }
0x1dc: {  	v9 =	vmul.f32 v13, v9;
	v7 =	vmul.f32 v10, v7;
	v6 =	vadd.f32 v8, v6  }
0x1dd: {  	v5 =	vadd.f32 v5, v11  }
0x1de: {  	v3 =	vadd.f32 v9, v3;
	v6 =	vmul.f32 v6, v7  }
0x1df: {  	v5 =	vmul.f32 v5, v7  }
0x1e0: {  	v3 =	vmul.f32 v3, v7;
	[tilespmem:s8+$0x14FF0] =	vst v6  }
0x1e1: {  	[tilespmem:s8+$0x16F30] =	vst v5  }
0x1e2: {  	[tilespmem:s8+$0x15F90] =	vst v3  }
0x1e3: {  	v3 =	vld.idx.msk [tilespmem:v4+s13+$0x0], $0xffff  }
0x1e4: {  	v46 =	vld.idx.msk [tilespmem:v4+s14+$0x0], $0xffff;
	_ =	sdelay $0x4  }
0x1e5: {  	(erf) = vrcp.f32 v3;
	v47 =	vadd.f32 v46, v3  }
0x1e6: {  	(erf) = vrcp.f32 v46  }
0x1e7: {  	v49 =	vor.u32 $0x2, v1;
	v48 =	vadd.f32 v3, v3;
	(erf) = vrcp.f32 v47;
	_ =	sdelay $0x1  }
0x1e8: {  	v50 =	vld.idx.msk [tilespmem:v2+s14+$0x0], $0xffff;
	v6 =	vmul.f32 v46, v48  }
0x1e9: {  	v51 =	vld.idx.msk [tilespmem:v1+s14+$0x0], $0xffff  }
0x1ea: {  	v1 =	vld.idx.msk [tilespmem:v1+s13+$0x0], $0xffff;
	v3 =	vsub.f32 v6, v3  }
0x1eb: {  	v52 =	vld.idx.msk [tilespmem:v49+s14+$0x0], $0xffff  }
0x1ec: {  	v53 =	vld.idx.msk [tilespmem:v49+s13+$0x0], $0xffff;
	v3 =	vsub.f32 v3, v46  }
0x1ed: {  	s0 =	sshra.s32 s0, $0x2;
	v2 =	vld.idx.msk [tilespmem:v2+s13+$0x0], $0xffff;
	v54 =	vpop (erf)  }
0x1ee: {  	v56 =	vld [tilespmem:s0+$0x13880];
	v3 =	vmul.f32 $-1.000000000e+02, v3;
	v55 =	vpop (erf)  }
0x1ef: {  	v57 =	vld [tilespmem:s0+$0x128E0];
	v58 =	vpop (erf)  }
0x1f0: {  	v59 =	vld [tilespmem:s0+$0x130B0];
	v3 =	vmul.f32 v3, v58  }
0x1f1: {  	v61 =	vld [tilespmem:s0+$0x14050];
	v1 =	vsub.f32 v1, v51;
	v4 =	vsub.f32 v53, v52  }
0x1f2: {  	v5 =	vmul.f32 v54, v54;
	v60 =	vmul.f32 v55, v55;
	v3 =	vadd.f32 $0.0e+00, v3  }
0x1f3: {  	v2 =	vsub.f32 v2, v50;
	v1 =	vmul.f32 $9.999995110e-03, v1  }
0x1f4: {  	v4 =	vmul.f32 $9.999995110e-03, v4;
	v5 =	vadd.f32 v60, v5;
	v62 =	vmul.f32 v3, v57  }
0x1f5: {  	v2 =	vmul.f32 $9.999995110e-03, v2;
	v63 =	vmul.f32 v3, v59  }
0x1f6: {  	v5 =	vmul.f32 v61, v5;
	v3 =	vmul.f32 v3, v56;
	v1 =	vadd.f32 v62, v1  }
0x1f7: {  	v2 =	vadd.f32 v63, v2  }
0x1f8: {  	v3 =	vadd.f32 v3, v4;
	v1 =	vmul.f32 v1, v5  }
0x1f9: {  	v2 =	vmul.f32 v2, v5  }
0x1fa: {  	v3 =	vmul.f32 v3, v5;
	[tilespmem:s0+$0x14FF0] =	vst v1  }
0x1fb: {  	s2 =	sadd.s32 $0x1, s2;
	[tilespmem:s0+$0x15F90] =	vst v2  }
0x1fc: {  	s20 =	simm.s32 $0x14FF0;
	p1 =	sne.s32 s2, $0xC;
	[tilespmem:s0+$0x16F30] =	vst v3  }
0x1fd: {  	[spmem:s23] =	stream.indirect.scatter.add.f32 [tilespmem:s20], [sflag:$0x6], $0x1, s6, s15, $0xb8;
	[tilespmem:$0x1FFA8] =	vst v63  }
.Ltmp4:
0x1fe: {  	_ = 	snop;
	(pc) =	sbr.rel @p1 .LBB2_6-.Ltmp4, $4  }
0x1ff: {  	s21 =	simm.s32 $0x15F90  }
0x200: {  	[spmem:s24] =	stream.indirect.scatter.add.f32 [tilespmem:s21], [sflag:$0x6], $0x1, s6, s15, $0xb8;
	[tilespmem:$0x1FFA8] =	vst v63  }
0x201: {  	s22 =	simm.s32 $0x16F30  }
0x202: {  	[spmem:s17] =	stream.indirect.scatter.add.f32 [tilespmem:s22], [sflag:$0x6], $0x1, s6, s15, $0xb8;
	[tilespmem:$0x1FFA8] =	vst v63  }
0x203: {  	s0 =	simm.s32 $0x1  }
0x204: {  	_ =	swait.ge [sflag:s0], $0x3E80  }
0x205: {  	[sflag:s0] =	ssyncset.done $0x0  }
0x206: {  	s12 =	simm.s32 $0x2;
	[sflag:s0] =	ssyncadd.s32 $0xFFFFC180  }
0x207: {  	_ =	swait.ge [sflag:s12], $0x3E80  }
0x208: {  	[sflag:s12] =	ssyncset.done $0x0  }
0x209: {  	s6 =	simm.s32 $0x5;
	[sflag:s12] =	ssyncadd.s32 $0xFFFFC180  }
0x20a: {  	_ =	swait.ge [sflag:s6], $0x7D0  }
0x20b: {  	[sflag:s6] =	ssyncset.done $0x0  }
0x20c: {  	[sflag:s6] =	ssyncadd.s32 $0xFFFFF830  }
0x20d: {  	_ =	swait.ge [sflag:s6], $0x7D0  }
0x20e: {  	[sflag:s6] =	ssyncset.done $0x0  }
0x20f: {  	[sflag:s6] =	ssyncadd.s32 $0xFFFFF830  }
0x210: {  	_ =	swait.ge [sflag:s6], $0x7D0  }
0x211: {  	[sflag:s6] =	ssyncset.done $0x0  }
0x212: {  	s15 =	simm.s32 $0x0;
	s1 =	rddreg [dreg:$0x1c];
	[sflag:s6] =	ssyncadd.s32 $0xFFFFF830  }
0x213: {  	[tilespmem:s16], [sflag:$0x7] =	stream.linear.gather [hbm4b:s1+s15], $0x7D0, $0x38;
	[tilespmem:$0x1FFA8] =	vst v63  }
0x214: {  	_ =	swait.ge [sflag:s29], $0x7D0  }
0x215: {  	[sflag:s29] =	ssyncset.done $0x0  }
0x216: {  	s2 =	simm.s32 $0x128E0;
	s18 =	rddreg [dreg:$0x1d];
	[sflag:s29] =	ssyncadd.s32 $0xFFFFF830  }
0x217: {  	[tilespmem:s2], [sflag:$0x7] =	stream.linear.gather [hbm4b:s18+s15], $0x7D0, $0x38;
	[tilespmem:$0x1FFA8] =	vst v63  }
0x218: {  	_ =	swait.ge [sflag:s29], $0x7D0  }
0x219: {  	[sflag:s29] =	ssyncset.done $0x0  }
0x21a: {  	s1 =	simm.s32 $0x130B0;
	s3 =	rddreg [dreg:$0x1e];
	[sflag:s29] =	ssyncadd.s32 $0xFFFFF830  }
0x21b: {  	[tilespmem:s1], [sflag:$0x7] =	stream.linear.gather [hbm4b:s3+s15], $0x7D0, $0x38;
	[tilespmem:$0x1FFA8] =	vst v63  }
0x21c: {  	_ =	swait.ge [sflag:s29], $0x7D0  }
0x21d: {  	[sflag:s29] =	ssyncset.done $0x0  }
0x21e: {  	s20 =	simm.s32 $0x13880;
	s4 =	rddreg [dreg:$0x1f];
	[sflag:s29] =	ssyncadd.s32 $0xFFFFF830  }
0x21f: {  	[tilespmem:s20], [sflag:$0x7] =	stream.linear.gather [hbm4b:s4+s15], $0x7D0, $0x38;
	[tilespmem:$0x1FFA8] =	vst v63  }
0x220: {  	v1 =	vmov s15;
	_ =	swait.ge [sflag:s29], $0x7D0  }
0x221: {  	v1 =	vshll.u32 v1, $0x3;
	s21 =	sld [smem:$0x7F5]  }
0x222: {  	v1 =	vor.u32 v0, v1;
	[sflag:s29] =	ssyncset.done $0x0  }
0x223: {  	s5 =	simm.s32 $0x14050;
	v2 =	vor.u32 $0x3, v1;
	[sflag:s29] =	ssyncadd.s32 $0xFFFFF830  }
0x224: {  	[tilespmem:s5], [sflag:$0x7] =	stream.linear.gather [hbm4b:s21+s15], $0x7D0, $0x38;
	[tilespmem:$0x1FFA8] =	vst v63  }
0x225: {  	_ =	swait.ge [sflag:s29], $0x7D0  }
0x226: {  	[sflag:s29] =	ssyncset.done $0x0  }
0x227: {  	[sflag:s29] =	ssyncadd.s32 $0xFFFFF830  }
0x228: {  	v3 =	vld.idx.msk [tilespmem:v2+s10+$0x0], $0xffff  }
0x229: {  	v2 =	vld.idx.msk [tilespmem:v2+s11+$0x0], $0xffff;
	_ =	sdelay $0x3  }
0x22a: {  	v5 =	vor.u32 $0x1, v1  }
0x22b: {  	v4 =	vor.u32 $0x2, v1;
	(erf) = vrcp.f32 v3;
	v6 =	vadd.f32 v2, v3  }
0x22c: {  	(erf) = vrcp.f32 v2  }
0x22d: {  	v7 =	vadd.f32 v3, v3;
	(erf) = vrcp.f32 v6;
	_ =	sdelay $0x1  }
0x22e: {  	v8 =	vld.idx.msk [tilespmem:v5+s11+$0x0], $0xffff;
	v6 =	vmul.f32 v2, v7  }
0x22f: {  	v7 =	vld.idx.msk [tilespmem:v4+s11+$0x0], $0xffff  }
0x230: {  	v4 =	vld.idx.msk [tilespmem:v4+s10+$0x0], $0xffff;
	v3 =	vsub.f32 v6, v3  }
0x231: {  	v6 =	vld.idx.msk [tilespmem:v1+s11+$0x0], $0xffff  }
0x232: {  	v1 =	vld.idx.msk [tilespmem:v1+s10+$0x0], $0xffff;
	v2 =	vsub.f32 v3, v2  }
0x233: {  	v3 =	vld.idx.msk [tilespmem:v5+s10+$0x0], $0xffff;
	v5 =	vpop (erf)  }
0x234: {  	v10 =	vld [tilespmem:s1+$0x0];
	v2 =	vmul.f32 $-1.000000000e+02, v2;
	v9 =	vpop (erf)  }
0x235: {  	v11 =	vld [tilespmem:s2+$0x0];
	v12 =	vpop (erf)  }
0x236: {  	v13 =	vld [tilespmem:s20+$0x0];
	v2 =	vmul.f32 v2, v12  }
0x237: {  	v62 =	vld [tilespmem:s5+$0x0];
	v4 =	vsub.f32 v4, v7;
	v1 =	vsub.f32 v1, v6;
	v5 =	vmul.f32 v5, v5  }
0x238: {  	v3 =	vsub.f32 v3, v8;
	v6 =	vmul.f32 v9, v9;
	v2 =	vadd.f32 $0.0e+00, v2  }
0x239: {  	v4 =	vmul.f32 $9.999995110e-03, v4;
	v1 =	vmul.f32 $9.999995110e-03, v1  }
0x23a: {  	s22 =	simm.s32 $0x10;
	v3 =	vmul.f32 $9.999995110e-03, v3;
	v5 =	vadd.f32 v6, v5;
	v6 =	vmul.f32 v2, v11  }
0x23b: {  	v8 =	vmov s22;
	v7 =	vmul.f32 v2, v10;
	v63 =	vmul.f32 v2, v13  }
0x23c: {  	v5 =	vmul.f32 v62, v5;
	v2 =	vshll.u32 v8, $0x3;
	v6 =	vadd.f32 v6, v1  }
0x23d: {  	s8 =	simm.s32 $0x14820;
	s0 =	simm.s32 $0x157D0;
	s12 =	simm.s32 $0x13890;
	v2 =	vor.u32 v0, v2;
	v8 =	vadd.f32 v7, v3;
	v9 =	vadd.f32 v63, v4  }
0x23e: {  	s16 =	simm.s32 $0x16760;
	s18 =	simm.s32 $0x14060;
	s3 =	simm.s32 $0x16770;
	v1 =	vor.u32 $0x2, v2;
	v4 =	vor.u32 $0x3, v2;
	v7 =	vmul.f32 v6, v5  }
0x23f: {  	s15 =	simm.s32 $0x157C0;
	s5 =	simm.s32 $0x14830;
	s22 =	simm.s32 $0x20;
	v3 =	vor.u32 $0x1, v2;
	v6 =	vmul.f32 v8, v5;
	v5 =	vmul.f32 v9, v5  }
.LBB2_12:
0x240: {  	s2 =	sadd.s32 $0x10, s2;
	s1 =	sadd.s32 $0x10, s1  }
0x241: {  	[tilespmem:s8+$0x0] =	vst v7;
	s21 =	smov.u32 s22;
	s20 =	sadd.s32 $0x10, s22;
	s8 =	smov.u32 s5  }
0x242: {  	p1 =	sne.s32 s22, $0x7C0;
	[tilespmem:s15+$0x0] =	vst v6;
	s15 =	smov.u32 s0  }
0x243: {  	[tilespmem:s16+$0x0] =	vst v5;
	s16 =	smov.u32 s3  }
0x244: {  	v5 =	vld.idx.msk [tilespmem:v4+s10+$0x0], $0xffff  }
0x245: {  	v4 =	vld.idx.msk [tilespmem:v4+s11+$0x0], $0xffff;
	_ =	sdelay $0x4  }
0x246: {  	v6 =	vadd.f32 v5, v5;
	(erf) = vrcp.f32 v5  }
0x247: {  	v7 =	vadd.f32 v4, v5;
	(erf) = vrcp.f32 v4  }
0x248: {  	v6 =	vmul.f32 v4, v6  }
0x249: {  	(erf) = vrcp.f32 v7  }
0x24a: {  	v5 =	vsub.f32 v6, v5;
	v7 =	vld.idx.msk [tilespmem:v1+s11+$0x0], $0xffff  }
0x24b: {  	v6 =	vld.idx.msk [tilespmem:v3+s11+$0x0], $0xffff  }
0x24c: {  	v4 =	vsub.f32 v5, v4;
	v8 =	vld.idx.msk [tilespmem:v2+s11+$0x0], $0xffff  }
0x24d: {  	v2 =	vld.idx.msk [tilespmem:v2+s10+$0x0], $0xffff  }
0x24e: {  	v3 =	vld.idx.msk [tilespmem:v3+s10+$0x0], $0xffff  }
0x24f: {  	v1 =	vld.idx.msk [tilespmem:v1+s10+$0x0], $0xffff;
	v5 =	vpop (erf)  }
0x250: {  	v9 =	vld [tilespmem:s18+$0x0];
	v5 =	vmul.f32 v5, v5;
	v10 =	vpop (erf)  }
0x251: {  	v4 =	vmul.f32 $-1.000000000e+02, v4;
	v11 =	vld [tilespmem:s1+$0x0];
	v10 =	vmul.f32 v10, v10  }
0x252: {  	v12 =	vld [tilespmem:s2+$0x0];
	v13 =	vpop (erf)  }
0x253: {  	v2 =	vsub.f32 v2, v8;
	v14 =	vld [tilespmem:s12+$0x0];
	v5 =	vadd.f32 v10, v5;
	v4 =	vmul.f32 v4, v13  }
0x254: {  	v3 =	vsub.f32 v3, v6  }
0x255: {  	v1 =	vsub.f32 v1, v7;
	v5 =	vmul.f32 v9, v5;
	v4 =	vadd.f32 $0.0e+00, v4  }
0x256: {  	v6 =	vmul.f32 $9.999995110e-03, v2;
	v3 =	vmul.f32 $9.999995110e-03, v3  }
0x257: {  	v2 =	vmov s21;
	v7 =	vmul.f32 v4, v12;
	v8 =	vmul.f32 v4, v11  }
.Ltmp5:
0x258: {  	v2 =	vshll.u32 v2, $0x3;
	v10 =	vmul.f32 $9.999995110e-03, v1;
	v9 =	vmul.f32 v4, v14;
	(pc) =	sbr.rel @p1 .LBB2_12-.Ltmp5, $4  }
0x259: {  	v2 =	vor.u32 v0, v2;
	v6 =	vadd.f32 v7, v6;
	v8 =	vadd.f32 v8, v3  }
0x25a: {  	v1 =	vor.u32 $0x2, v2;
	v4 =	vor.u32 $0x3, v2;
	v9 =	vadd.f32 v9, v10  }
0x25b: {  	s5 =	sadd.s32 $0x10, s5;
	s0 =	sadd.s32 $0x10, s0;
	s3 =	sadd.s32 $0x10, s3;
	v3 =	vor.u32 $0x1, v2;
	v7 =	vmul.f32 v6, v5  }
0x25c: {  	s22 =	smov.u32 s20;
	s18 =	sadd.s32 $0x10, s18;
	s12 =	sadd.s32 $0x10, s12;
	v6 =	vmul.f32 v8, v5;
	v5 =	vmul.f32 v9, v5  }
0x25d: {  	_ = 	snop  }
0x25e: {  	[tilespmem:s8+$0x0] =	vst v7  }
0x25f: {  	[tilespmem:s15+$0x0] =	vst v6  }
0x260: {  	[tilespmem:s16+$0x0] =	vst v5  }
0x261: {  	v5 =	vld.idx.msk [tilespmem:v4+s10+$0x0], $0xffff  }
0x262: {  	v55 =	vld.idx.msk [tilespmem:v4+s11+$0x0], $0xffff;
	_ =	sdelay $0x4  }
0x263: {  	(erf) = vrcp.f32 v5;
	v56 =	vadd.f32 v55, v5  }
0x264: {  	(erf) = vrcp.f32 v55  }
0x265: {  	v57 =	vadd.f32 v5, v5;
	(erf) = vrcp.f32 v56;
	_ =	sdelay $0x1  }
0x266: {  	v58 =	vld [tilespmem:s18+$0x0];
	v7 =	vmul.f32 v55, v57  }
0x267: {  	v59 =	vld.idx.msk [tilespmem:v3+s11+$0x0], $0xffff  }
0x268: {  	v10 =	vld.idx.msk [tilespmem:v2+s11+$0x0], $0xffff;
	v5 =	vsub.f32 v7, v5  }
0x269: {  	v2 =	vld.idx.msk [tilespmem:v2+s10+$0x0], $0xffff  }
0x26a: {  	v3 =	vld.idx.msk [tilespmem:v3+s10+$0x0], $0xffff;
	v4 =	vsub.f32 v5, v55  }
0x26b: {  	v9 =	vld.idx.msk [tilespmem:v1+s11+$0x0], $0xffff;
	v60 =	vpop (erf)  }
0x26c: {  	s2 =	sadd.s32 $0x10, s2;
	v1 =	vld.idx.msk [tilespmem:v1+s10+$0x0], $0xffff;
	v4 =	vmul.f32 $-1.000000000e+02, v4;
	v11 =	vpop (erf)  }
0x26d: {  	s1 =	sadd.s32 $0x10, s1;
	v8 =	vld [tilespmem:s2+$0x0];
	v12 =	vpop (erf)  }
0x26e: {  	v13 =	vld [tilespmem:s1+$0x0];
	v4 =	vmul.f32 v4, v12  }
0x26f: {  	v61 =	vld [tilespmem:s12+$0x0];
	v2 =	vsub.f32 v2, v10;
	v3 =	vsub.f32 v3, v59  }
0x270: {  	v5 =	vmul.f32 v60, v60;
	v11 =	vmul.f32 v11, v11;
	v4 =	vadd.f32 $0.0e+00, v4  }
0x271: {  	v1 =	vsub.f32 v1, v9;
	v2 =	vmul.f32 $9.999995110e-03, v2  }
0x272: {  	v3 =	vmul.f32 $9.999995110e-03, v3;
	v5 =	vadd.f32 v11, v5;
	v62 =	vmul.f32 v4, v8  }
0x273: {  	v1 =	vmul.f32 $9.999995110e-03, v1;
	v63 =	vmul.f32 v4, v13  }
0x274: {  	v5 =	vmul.f32 v58, v5;
	v4 =	vmul.f32 v4, v61;
	v2 =	vadd.f32 v62, v2  }
0x275: {  	v3 =	vadd.f32 v63, v3  }
0x276: {  	v1 =	vadd.f32 v4, v1;
	v2 =	vmul.f32 v2, v5  }
0x277: {  	v3 =	vmul.f32 v3, v5  }
0x278: {  	v1 =	vmul.f32 v1, v5;
	[tilespmem:s5+$0x0] =	vst v2  }
0x279: {  	[tilespmem:s0+$0x0] =	vst v3  }
0x27a: {  	s15 =	simm.s32 $0x7D0;
	s16 =	simm.s32 $0x1F40;
	[tilespmem:s3+$0x0] =	vst v1;
	s3 =	simm.s32 $0x14820  }
0x27b: {  	[spmem:s23] =	stream.indirect.scatter.add.f32 [tilespmem:s3], [sflag:$0x5], $0x1, s16, s15, $0xb8;
	[tilespmem:$0x1FFA8] =	vst v63  }
0x27c: {  	s4 =	simm.s32 $0x157C0  }
0x27d: {  	[spmem:s24] =	stream.indirect.scatter.add.f32 [tilespmem:s4], [sflag:$0x5], $0x1, s16, s15, $0xb8;
	[tilespmem:$0x1FFA8] =	vst v63  }
0x27e: {  	s5 =	simm.s32 $0x16760  }
0x27f: {  	[spmem:s17] =	stream.indirect.scatter.add.f32 [tilespmem:s5], [sflag:$0x5], $0x1, s16, s15, $0xb8;
	[tilespmem:$0x1FFA8] =	vst v63  }
0x280: {  	_ =	swait.ge [sflag:s6], $0x7D0  }
0x281: {  	[sflag:s6] =	ssyncset.done $0x0  }
0x282: {  	[sflag:s6] =	ssyncadd.s32 $0xFFFFF830  }
0x283: {  	_ =	swait.ge [sflag:s6], $0x7D0  }
0x284: {  	[sflag:s6] =	ssyncset.done $0x0  }
0x285: {  	[sflag:s6] =	ssyncadd.s32 $0xFFFFF830  }
0x286: {  	_ =	swait.ge [sflag:s6], $0x7D0  }
0x287: {  	[sflag:s6] =	ssyncset.done $0x0  }
0x288: {  	[sflag:s6] =	ssyncadd.s32 $0xFFFFF830;
	s6 =	simm.s32 $0x6  }
0x289: {  	_ =	swait.ge [sflag:s6], $0x7D0  }
0x28a: {  	[sflag:s6] =	ssyncset.done $0x0  }
0x28b: {  	[sflag:s6] =	ssyncadd.s32 $0xFFFFF830  }
0x28c: {  	_ =	swait.ge [sflag:s6], $0x7D0  }
0x28d: {  	[sflag:s6] =	ssyncset.done $0x0  }
0x28e: {  	[sflag:s6] =	ssyncadd.s32 $0xFFFFF830  }
0x28f: {  	_ =	swait.ge [sflag:s6], $0x7D0  }
0x290: {  	[sflag:s6] =	ssyncset.done $0x0  }
0x291: {  	[sflag:s6] =	ssyncadd.s32 $0xFFFFF830  }
0x292: {  	[bflag:$0x0] =	sbarrier.arrive $0xFFFF  }
0x293: {  	s7 =	sld [smem:$0x7F6]  }
0x294: {  	s8 =	sld [smem:$0x7F2];
	_ =	sdelay $0x1  }
0x295: {  	s1 =	rddreg [dreg:$0x16]  }
0x296: {  	[hbm:s7], [sflag:s1] =	dma.local [spmem:s8], $0x187  }
0x297: {  	_ =	swait.ge [sflag:s29], $0x187  }
0x298: {  	s9 =	sld [smem:$0x7F7]  }
0x299: {  	s12 =	sld [smem:$0x7F3]  }
0x29a: {  	[sflag:s29] =	ssyncset.done $0x0  }
0x29b: {  	[sflag:s29] =	ssyncadd.s32 $0xFFFFFE79  }
0x29c: {  	[hbm:s9], [sflag:s1] =	dma.local [spmem:s12], $0x187  }
0x29d: {  	_ =	swait.ge [sflag:s29], $0x187  }
0x29e: {  	s18 =	sld [smem:$0x7F8]  }
0x29f: {  	s20 =	sld [smem:$0x7F4]  }
0x2a0: {  	[sflag:s29] =	ssyncset.done $0x0  }
0x2a1: {  	[sflag:s29] =	ssyncadd.s32 $0xFFFFFE79  }
0x2a2: {  	[hbm:s18], [sflag:s1] =	dma.local [spmem:s20], $0x187  }
0x2a3: {  	_ =	swait.ge [sflag:s29], $0x187  }
0x2a4: {  	s21 =	sld [smem:$0x7F1]  }
0x2a5: {  	s22 =	sld [smem:$0x7F9];
	_ =	sdelay $0x1  }
0x2a6: {  	s2 =	sadd.s32 $0x1, s21  }
0x2a7: {  	p1 =	sne.s32 s2, s22  }
.Ltmp6:
0x2a8: {  	_ = 	snop;
	(pc) =	sbr.rel @p1 .LBB2_1-.Ltmp6, $3  }
0x2a9: {  	_ =	sdelay $0x1  }
0x2aa: {  	[sflag:s29] =	ssyncset.done $0x0  }
0x2ab: {  	[sflag:s29] =	ssyncadd.s32 $0xFFFFFE79  }
0x2ac: {  	_ =	sfence.sel $0x180000  }
0x2ad: {  	[bflag:$0x0] =	sbarrier.arrive $0xFFFF  }
0x2ae: {  	_ =	strace $0x9000004A  }
0x2af: {  	s0 =	stileid.u32;
	[bflag:$0x2] =	sbarrier.arrive $0xFFFF  }
0x2b0: {  	p0 =	sne.s32 s0, $0x0;
	s0 =	rddreg [dreg:$0x6]  }
0x2b1: {  	s0 =	sadd.s32 @!p0 $0x100000, s0  }
0x2b2: {  	[sflag:s0] =	ssyncadd.tile.s32 @!p0 $0x1;
	_ =	shalt  }
.Lfunc_end2:
_tile_overlayer_lowered:
.L_overlay_start_2:
0x2b3: {  	(tag) =	ssettag $0x2  }
0x2b4: {  	s0 =	rddreg [dreg:$0x0];
	s2 =	stileid.u32  }
0x2b5: {  	s1 =	rddreg [dreg:$0x1];
	p0 =	sne.s32 s2, $0x0  }
0x2b6: {  	s3 =	rddreg [dreg:$0x2];
	[bflag:$0x3] =	sbarrier.arrive $0xFFFF;
	s2 =	simm.s32 @!p0 $0x1C07  }
0x2b7: {  	[timem:s3], [sflag:s2] =	dma.local @!p0 [hbm:s0], s1  }
0x2b8: {  	s0 =	simm.s32 @!p0 $0x7  }
0x2b9: {  	_ =	swait.ge @!p0 [sflag:s0], s1  }
0x2ba: {  	s1 =	ssub.s32 @!p0 $0x0, s1;
	[sflag:s0] =	ssyncset.done @!p0 $0x0  }
0x2bb: {  	[sflag:s0] =	ssyncadd.s32 @!p0 s1  }
0x2bc: {  	[bflag:$0x3] =	sbarrier.arrive $0xFFFF  }
0x2bd: {  	_ =	shalt  }

</sc_bundles>
